<compile_context>
chip_gen: v7x
topology: tpu7x:2x2x1
jax: 0.10.2.dev20260603
libtpu: 0.0.44.dev20260713+nightly
codegen_flags: <defaults>
</compile_context>

<pallas_src>
import functools

import jax
import jax.numpy as jnp
from jax import lax
from jax.experimental import pallas as pl
from jax.experimental.pallas import tpu as pltpu
from jax.experimental.pallas import tpu_sc as plsc

N = 10000
E = 320000
D = 128
H = 16
C = 7
CP = 8

NC, NS = 2, 16
NW = NC * NS
LANE = 128
WR = (120, 40)
ROWS = NS * (WR[0] + WR[1])
WROWS = max(WR)
EPAD = ROWS * LANE
CORE1_BASE = NS * WR[0]
NBUF = 10
LOOKAHEAD = 5
DEPTH = 8
NPAD = 10008
NPS = 624
NTAIL = NPAD - NS * NPS

_MESH = plsc.VectorSubcoreMesh(core_axis_name="c", subcore_axis_name="s")


def _zero_acc(zeros_hbm, acc, s):
  pltpu.sync_copy(zeros_hbm.at[pl.ds(s * NPS, NPS)], acc.at[pl.ds(s * NPS, NPS)])

  @pl.when(s == NS - 1)
  def _():
    pltpu.sync_copy(zeros_hbm.at[pl.ds(NS * NPS, NTAIL)],
                    acc.at[pl.ds(NS * NPS, NTAIL)])


def _copy_out(acc, out_hbm, c, s):
  pltpu.sync_copy(acc.at[pl.ds(s * NPS, NPS)], out_hbm.at[c, pl.ds(s * NPS, NPS)])

  @pl.when(s == NS - 1)
  def _():
    pltpu.sync_copy(acc.at[pl.ds(NS * NPS, NTAIL)],
                    out_hbm.at[c, pl.ds(NS * NPS, NTAIL)])


def _make_deg_kernel():

  @functools.partial(
      pl.kernel,
      out_type=jax.ShapeDtypeStruct((NC, NPAD, CP), jnp.float32),
      mesh=_MESH,
      compiler_params=pltpu.CompilerParams(use_tc_tiling_on_sc=False),
      scratch_types=[
          pltpu.VMEM((WROWS, LANE), jnp.int32),
          pltpu.VMEM((LANE, CP), jnp.float32),
          pltpu.VMEM_SHARED((NPAD, CP), jnp.float32),
          pltpu.SemaphoreType.DMA,
      ],
  )
  def deg_kernel(dst_hbm, ones_hbm, zeros_hbm, out_hbm, dst_v, ones_v, acc, sem):
    c = lax.axis_index("c")
    s = lax.axis_index("s")
    base = lax.select(c == 0, s * WR[0], CORE1_BASE + s * WR[1])
    nr = lax.select(c == 0, WR[0], WR[1])
    _zero_acc(zeros_hbm, acc, s)
    pltpu.sync_copy(ones_hbm, ones_v)
    pltpu.sync_copy(dst_hbm.at[pl.ds(base, WROWS)], dst_v)
    plsc.subcore_barrier()

    def body(j, carry):
      pltpu.async_copy(ones_v, acc.at[dst_v.at[j]], sem, add=True)

      @pl.when(j >= DEPTH)
      def _():
        pltpu.make_async_copy(ones_v, acc.at[dst_v.at[0]], sem).wait()

      return carry

    lax.fori_loop(0, nr, body, 0)
    for _ in range(DEPTH):
      pltpu.make_async_copy(ones_v, acc.at[dst_v.at[0]], sem).wait()

    plsc.subcore_barrier()
    _copy_out(acc, out_hbm, c, s)

  return deg_kernel


def _make_agg_kernel(W):

  @functools.partial(
      pl.kernel,
      out_type=jax.ShapeDtypeStruct((NC, NPAD, W), jnp.float32),
      mesh=_MESH,
      compiler_params=pltpu.CompilerParams(use_tc_tiling_on_sc=False),
      scratch_types=(
          [pltpu.VMEM((WROWS, LANE), jnp.int32)] * 2
          + [pltpu.VMEM((LANE, W), jnp.float32)] * NBUF
          + [pltpu.VMEM_SHARED((NPAD, W), jnp.float32)]
          + [pltpu.SemaphoreType.DMA] * (2 * NBUF)
      ),
  )
  def agg_kernel(src_hbm, dst_hbm, feat_hbm, zeros_hbm, out_hbm, *scr):
    src_v, dst_v = scr[0], scr[1]
    bufs = scr[2:2 + NBUF]
    acc = scr[2 + NBUF]
    gsem = scr[3 + NBUF:3 + 2 * NBUF]
    ssem = scr[3 + 2 * NBUF:3 + 3 * NBUF]
    c = lax.axis_index("c")
    s = lax.axis_index("s")
    base = lax.select(c == 0, s * WR[0], CORE1_BASE + s * WR[1])
    nr = lax.select(c == 0, WR[0], WR[1])
    _zero_acc(zeros_hbm, acc, s)
    pltpu.sync_copy(src_hbm.at[pl.ds(base, WROWS)], src_v)
    pltpu.sync_copy(dst_hbm.at[pl.ds(base, WROWS)], dst_v)
    plsc.subcore_barrier()

    for b in range(LOOKAHEAD):
      pltpu.async_copy(feat_hbm.at[src_v.at[b]], bufs[b], gsem[b])

    def group(g, carry):
      for b in range(NBUF):
        j = g * NBUF + b
        bn = (b + LOOKAHEAD) % NBUF
        pltpu.make_async_copy(feat_hbm.at[src_v.at[j]], bufs[b], gsem[b]).wait()
        pltpu.async_copy(bufs[b], acc.at[dst_v.at[j]], ssem[b], add=True)

        @pl.when((j >= LOOKAHEAD) & (j + LOOKAHEAD < nr))
        def _():
          pltpu.make_async_copy(bufs[bn], acc.at[dst_v.at[0]], ssem[bn]).wait()

        @pl.when(j + LOOKAHEAD < nr)
        def _():
          pltpu.async_copy(feat_hbm.at[src_v.at[j + LOOKAHEAD]], bufs[bn],
                           gsem[bn])

      return carry

    lax.fori_loop(0, nr // NBUF, group, 0)
    for b in range(NBUF):
      pltpu.make_async_copy(bufs[b], acc.at[dst_v.at[0]], ssem[b]).wait()

    plsc.subcore_barrier()
    _copy_out(acc, out_hbm, c, s)

  return agg_kernel


_deg_kernel = _make_deg_kernel()
_agg16 = _make_agg_kernel(H)
_agg8 = _make_agg_kernel(CP)


def _dinv_of(degp_ref):
  deg = degp_ref[0, :, 0:1] + degp_ref[1, :, 0:1] + 1.0
  return lax.rsqrt(deg)


def _tc1_body(degp_ref, x_ref, w1_ref, ht_ref):
  dinv = _dinv_of(degp_ref)
  h = jnp.dot(x_ref[...], w1_ref[...], preferred_element_type=jnp.float32)
  ht_ref[pl.ds(0, N), :] = h * dinv[:N]


def _tc2_body(degp_ref, aggp_ref, ht_ref, b1_ref, w2_ref, h2t_ref):
  dinv = _dinv_of(degp_ref)
  acc = aggp_ref[0] + aggp_ref[1] + ht_ref[...]
  h1 = jnp.maximum(acc * dinv + b1_ref[...], 0.0)
  h2t_ref[...] = jnp.dot(h1, w2_ref[...], preferred_element_type=jnp.float32) * dinv


def _tc3_body(degp_ref, aggp_ref, h2t_ref, b2_ref, out_ref):
  dinv = _dinv_of(degp_ref)[:N]
  logits = (aggp_ref[0, :N] + aggp_ref[1, :N] + h2t_ref[pl.ds(0, N), :]) * dinv
  logits = logits + b2_ref[...]
  m = jnp.max(logits, axis=1, keepdims=True)
  z = logits - m
  lse = jnp.log(jnp.sum(jnp.exp(z), axis=1, keepdims=True))
  out_ref[...] = (z - lse)[:, :C]


def _pad_idx(idx1d):
  return jnp.concatenate(
      [idx1d, jnp.full((EPAD - E,), N, jnp.int32)]).reshape(ROWS, LANE)


def _full(shape):
  nd = len(shape)
  return pl.BlockSpec(shape, lambda: (0,) * nd)


def kernel(x, edge_index, W1, b1, W2, b2):
  ei = edge_index.astype(jnp.int32)
  src2d = _pad_idx(ei[0])
  dst2d = _pad_idx(ei[1])

  ones8 = jnp.ones((LANE, CP), jnp.float32)
  z8 = jnp.zeros((NPAD, CP), jnp.float32)
  z16 = jnp.zeros((NPAD, H), jnp.float32)

  degp = _deg_kernel(dst2d, ones8, z8)

  ht = pl.pallas_call(
      _tc1_body,
      in_specs=[_full((2, NPAD, CP)), _full((N, D)), _full((D, H))],
      out_specs=_full((NPAD, H)),
      out_shape=jax.ShapeDtypeStruct((NPAD, H), jnp.float32),
  )(degp, x, W1)

  aggp1 = _agg16(src2d, dst2d, ht, z16)

  W2p = jnp.pad(W2, ((0, 0), (0, CP - C)))
  b1r = b1.reshape(1, H)
  h2t = pl.pallas_call(
      _tc2_body,
      in_specs=[_full((2, NPAD, CP)), _full((2, NPAD, H)), _full((NPAD, H)),
                _full((1, H)), _full((H, CP))],
      out_specs=_full((NPAD, CP)),
      out_shape=jax.ShapeDtypeStruct((NPAD, CP), jnp.float32),
  )(degp, aggp1, ht, b1r, W2p)

  aggp2 = _agg8(src2d, dst2d, h2t, z8)

  b2p = jnp.concatenate([b2, jnp.full((CP - C,), -1e30, jnp.float32)]).reshape(1, CP)
  out8 = pl.pallas_call(
      _tc3_body,
      in_specs=[_full((2, NPAD, CP)), _full((2, NPAD, CP)), _full((NPAD, CP)),
                _full((1, CP))],
      out_specs=_full((N, C)),
      out_shape=jax.ShapeDtypeStruct((N, C), jnp.float32),
  )(degp, aggp2, h2t, b2p)

  return out8

# --- scband reference (transcript-rebuilt; emitter-appended) ---
"""Pipeline reference for scband-gcn-47098611367945 (READ-ONLY COPY).

The authoritative reference and input builder live on the scoring server;
editing this copy changes nothing except your own understanding.
"""

import jax, jax.numpy as jnp
import numpy as np

NUM_NODES = 10000
NUM_EDGES = 320000
D_FEAT = 128
HIDDEN = 16
NUM_CLASSES = 7


def setup_inputs(seed: int = 0) -> dict:
    key = jax.random.key(seed)
    k1, k2, k3, k4 = jax.random.split(key, 4)
    x = jax.random.normal(k1, (NUM_NODES, D_FEAT), dtype=jnp.float32)
    edge_index = jax.random.randint(k2, (2, NUM_EDGES), 0, NUM_NODES)
    W1 = jax.random.normal(k3, (D_FEAT, HIDDEN), dtype=jnp.float32) * (1.0 / np.sqrt(D_FEAT))
    b1 = jnp.zeros((HIDDEN,), dtype=jnp.float32)
    W2 = jax.random.normal(k4, (HIDDEN, NUM_CLASSES), dtype=jnp.float32) * (1.0 / np.sqrt(HIDDEN))
    b2 = jnp.zeros((NUM_CLASSES,), dtype=jnp.float32)
    return {"x": x, "edge_index": edge_index, "W1": W1, "b1": b1, "W2": W2, "b2": b2}


def _gcn_conv(x, edge_index, W, b, num_nodes):
    # GCNConv: add self-loops, symmetric normalization, linear transform, aggregate
    loop = jnp.arange(num_nodes, dtype=edge_index.dtype)
    src = jnp.concatenate([edge_index[0], loop])
    dst = jnp.concatenate([edge_index[1], loop])
    deg = jax.ops.segment_sum(jnp.ones(src.shape[0], dtype=x.dtype), dst, num_segments=num_nodes)
    dinv = jnp.where(deg > 0, 1.0 / jnp.sqrt(deg), 0.0)
    norm = dinv[src] * dinv[dst]
    h = x @ W
    msgs = h[src] * norm[:, None]
    out = jax.ops.segment_sum(msgs, dst, num_segments=num_nodes)
    return out + b


def reference(x, edge_index, W1, b1, W2, b2):
    h = _gcn_conv(x, edge_index, W1, b1, NUM_NODES)
    h = jax.nn.relu(h)
    # dropout is identity in eval / deterministic reference
    out = _gcn_conv(h, edge_index, W2, b2, NUM_NODES)
    return jax.nn.log_softmax(out, axis=1)

if __name__ == "__main__":
    import jax
    _d = setup_inputs()
    print(jax.jit(kernel)(*tuple(_d.values())))

</pallas_src>

<mosaic_0001>
#map = affine_map<(d0, d1) -> (0, 0)>
#map1 = affine_map<(d0, d1) -> (0, 0, 0)>
module attributes {stable_mosaic.version = 14 : i64} {
  func.func @deg_kernel(%arg0: i32, %arg1: i32, %arg2: memref<2560x128xi32, #tpu.memory_space<hbm>>, %arg3: memref<128x8xf32, #tpu.memory_space<hbm>>, %arg4: memref<10008x8xf32, #tpu.memory_space<hbm>>, %arg5: memref<2x10008x8xf32, #tpu.memory_space<hbm>>, %arg6: memref<120x128xi32, #tpu.memory_space<vmem>>, %arg7: memref<128x8xf32, #tpu.memory_space<vmem>>, %arg8: memref<10008x8xf32, #tpu.memory_space<vmem_shared>>, %arg9: memref<!tpu.dma_semaphore, #tpu.memory_space<semaphore_mem>>) attributes {dimension_semantics = [#tpu.dimension_semantics<core_parallel>, #tpu.dimension_semantics<subcore_parallel>], iteration_bounds = array<i64: 2, 16>, scalar_prefetch = 0 : i64, scratch_operands = 4 : i64, tpu.core_type = #tpu.core_type<sc_vector_subcore>, window_params = [{transform_indices = #map}, {transform_indices = #map}, {transform_indices = #map}, {transform_indices = #map1}]} {
    %eq3A = arith.constant 0 : i32
    %eq3A_0 = arith.cmpi eq, %arg0, %eq3A : i32
    %mul3A = arith.constant 120 : i32
    %mul3A_1 = arith.muli %arg1, %mul3A : i32
    %mul3A_2 = arith.constant 40 : i32
    %mul3A_3 = arith.muli %arg1, %mul3A_2 : i32
    %add3A = arith.constant 1920 : i32
    %add3A_4 = arith.addi %add3A, %mul3A_3 : i32
    %select_n3A = arith.select %eq3A_0, %mul3A_1, %add3A_4 : i32
    %eq3A_5 = arith.constant 0 : i32
    %eq3A_6 = arith.cmpi eq, %arg0, %eq3A_5 : i32
    %select_n3A_7 = arith.constant 40 : i32
    %select_n3A_8 = arith.constant 120 : i32
    %select_n3A_9 = arith.select %eq3A_6, %select_n3A_8, %select_n3A_7 : i32
    %mul3A_10 = arith.constant 624 : i32
    %mul3A_11 = arith.muli %arg1, %mul3A_10 : i32
    %mul3A_12 = arith.constant 624 : i32
    %mul3A_13 = arith.muli %arg1, %mul3A_12 : i32
    "tpu.region"() ({
      %run_scoped3A = tpu.sem_alloc : memref<!tpu.dma_semaphore, #tpu.memory_space<semaphore_mem>>
      %dma_start3A = arith.constant 0 : i32
      %dma_start3A_91 = tpu.memref_slice %arg8[%mul3A_13, %dma_start3A] : memref<10008x8xf32, #tpu.memory_space<vmem_shared>> -> memref<624x8xf32, #tpu.memory_space<vmem_shared>>
      %dma_start3A_92 = arith.constant 0 : i32
      %dma_start3A_93 = tpu.memref_slice %arg4[%mul3A_11, %dma_start3A_92] : memref<10008x8xf32, #tpu.memory_space<hbm>> -> memref<624x8xf32, #tpu.memory_space<hbm>>
      tpu.enqueue_dma source(%dma_start3A_93 : memref<624x8xf32, #tpu.memory_space<hbm>>) target(%dma_start3A_91 : memref<624x8xf32, #tpu.memory_space<vmem_shared>>) target_semaphore(%run_scoped3A : memref<!tpu.dma_semaphore, #tpu.memory_space<semaphore_mem>>)
      %dma_wait3A_94 = arith.constant 0 : i32
      %dma_wait3A_95 = tpu.memref_slice %arg8[%mul3A_13, %dma_wait3A_94] : memref<10008x8xf32, #tpu.memory_space<vmem_shared>> -> memref<624x8xf32, #tpu.memory_space<vmem_shared>>
      %dma_wait3A_96 = arith.constant 0 : i32
      %dma_wait3A_97 = tpu.memref_slice %arg4[%mul3A_11, %dma_wait3A_96] : memref<10008x8xf32, #tpu.memory_space<hbm>> -> memref<624x8xf32, #tpu.memory_space<hbm>>
      tpu.wait_dma2 semaphore(%run_scoped3A : memref<!tpu.dma_semaphore, #tpu.memory_space<semaphore_mem>>) src(%dma_wait3A_97 : memref<624x8xf32, #tpu.memory_space<hbm>>) dst(%dma_wait3A_95 : memref<624x8xf32, #tpu.memory_space<vmem_shared>>)
      tpu.yield
    }) : () -> ()
    %eq3A_14 = arith.constant 15 : i32
    %eq3A_15 = arith.cmpi eq, %arg1, %eq3A_14 : i32
    %convert_element_type3A = arith.extui %eq3A_15 : i1 to i32
    %cond3A = arith.constant 0 : i32
    %cond3A_16 = arith.cmpi ne, %convert_element_type3A, %cond3A : i32
    scf.if %cond3A_16 {
      "tpu.region"() ({
        %run_scoped3A = tpu.sem_alloc : memref<!tpu.dma_semaphore, #tpu.memory_space<semaphore_mem>>
        %dma_start3A = arith.constant 9984 : i32
        %dma_start3A_91 = arith.constant 0 : i32
        %dma_start3A_92 = tpu.memref_slice %arg8[%dma_start3A, %dma_start3A_91] : memref<10008x8xf32, #tpu.memory_space<vmem_shared>> -> memref<24x8xf32, #tpu.memory_space<vmem_shared>>
        %dma_start3A_93 = arith.constant 9984 : i32
        %dma_start3A_94 = arith.constant 0 : i32
        %dma_start3A_95 = tpu.memref_slice %arg4[%dma_start3A_93, %dma_start3A_94] : memref<10008x8xf32, #tpu.memory_space<hbm>> -> memref<24x8xf32, #tpu.memory_space<hbm>>
        tpu.enqueue_dma source(%dma_start3A_95 : memref<24x8xf32, #tpu.memory_space<hbm>>) target(%dma_start3A_92 : memref<24x8xf32, #tpu.memory_space<vmem_shared>>) target_semaphore(%run_scoped3A : memref<!tpu.dma_semaphore, #tpu.memory_space<semaphore_mem>>)
        %dma_wait3A_96 = arith.constant 9984 : i32
        %dma_wait3A_97 = arith.constant 0 : i32
        %dma_wait3A_98 = tpu.memref_slice %arg8[%dma_wait3A_96, %dma_wait3A_97] : memref<10008x8xf32, #tpu.memory_space<vmem_shared>> -> memref<24x8xf32, #tpu.memory_space<vmem_shared>>
        %dma_wait3A_99 = arith.constant 9984 : i32
        %dma_wait3A_100 = arith.constant 0 : i32
        %dma_wait3A_101 = tpu.memref_slice %arg4[%dma_wait3A_99, %dma_wait3A_100] : memref<10008x8xf32, #tpu.memory_space<hbm>> -> memref<24x8xf32, #tpu.memory_space<hbm>>
        tpu.wait_dma2 semaphore(%run_scoped3A : memref<!tpu.dma_semaphore, #tpu.memory_space<semaphore_mem>>) src(%dma_wait3A_101 : memref<24x8xf32, #tpu.memory_space<hbm>>) dst(%dma_wait3A_98 : memref<24x8xf32, #tpu.memory_space<vmem_shared>>)
        tpu.yield
      }) : () -> ()
    } else {
    }
    "tpu.region"() ({
      %run_scoped3A = tpu.sem_alloc : memref<!tpu.dma_semaphore, #tpu.memory_space<semaphore_mem>>
      tpu.enqueue_dma source(%arg3 : memref<128x8xf32, #tpu.memory_space<hbm>>) target(%arg7 : memref<128x8xf32, #tpu.memory_space<vmem>>) target_semaphore(%run_scoped3A : memref<!tpu.dma_semaphore, #tpu.memory_space<semaphore_mem>>)
      tpu.wait_dma2 semaphore(%run_scoped3A : memref<!tpu.dma_semaphore, #tpu.memory_space<semaphore_mem>>) src(%arg3 : memref<128x8xf32, #tpu.memory_space<hbm>>) dst(%arg7 : memref<128x8xf32, #tpu.memory_space<vmem>>)
      tpu.yield
    }) : () -> ()
    "tpu.region"() ({
      %run_scoped3A = tpu.sem_alloc : memref<!tpu.dma_semaphore, #tpu.memory_space<semaphore_mem>>
      %dma_start3A = arith.constant 0 : i32
      %dma_start3A_91 = tpu.memref_slice %arg2[%select_n3A, %dma_start3A] : memref<2560x128xi32, #tpu.memory_space<hbm>> -> memref<120x128xi32, #tpu.memory_space<hbm>>
      %dma_start3A_92 = arith.constant 0 : i32
      %dma_start3A_93 = tpu.memref_slice %arg2[%select_n3A, %dma_start3A_92] : memref<2560x128xi32, #tpu.memory_space<hbm>> -> memref<120x128xi32, #tpu.memory_space<hbm>>
      tpu.enqueue_dma source(%dma_start3A_93 : memref<120x128xi32, #tpu.memory_space<hbm>>) target(%arg6 : memref<120x128xi32, #tpu.memory_space<vmem>>) target_semaphore(%run_scoped3A : memref<!tpu.dma_semaphore, #tpu.memory_space<semaphore_mem>>)
      %dma_wait3A_94 = arith.constant 0 : i32
      %dma_wait3A_95 = tpu.memref_slice %arg2[%select_n3A, %dma_wait3A_94] : memref<2560x128xi32, #tpu.memory_space<hbm>> -> memref<120x128xi32, #tpu.memory_space<hbm>>
      %dma_wait3A_96 = arith.constant 0 : i32
      %dma_wait3A_97 = tpu.memref_slice %arg2[%select_n3A, %dma_wait3A_96] : memref<2560x128xi32, #tpu.memory_space<hbm>> -> memref<120x128xi32, #tpu.memory_space<hbm>>
      tpu.wait_dma2 semaphore(%run_scoped3A : memref<!tpu.dma_semaphore, #tpu.memory_space<semaphore_mem>>) src(%dma_wait3A_97 : memref<120x128xi32, #tpu.memory_space<hbm>>) dst(%arg6 : memref<120x128xi32, #tpu.memory_space<vmem>>)
      tpu.yield
    }) : () -> ()
    %barrier3A = arith.constant 0 : index
    tpu.barrier barrier_id(%barrier3A)
    %while3A = arith.constant 0 : i32
    %while3A_17 = arith.constant 0 : i32
    %while3A_18 = arith.subi %select_n3A_9, %while3A_17 : i32
    %while3A_19 = arith.addi %while3A_17, %while3A_18 : i32
    %while3A_20 = arith.constant 1 : i32
    %while3A_21 = arith.divsi %while3A_18, %while3A_20 : i32
    %while3A_22 = arith.muli %while3A_21, %while3A_20 : i32
    %while3A_23 = arith.addi %while3A_17, %while3A_22 : i32
    %while3A_24 = arith.constant 1 : i32
    scf.for %while3A_91 = %while3A_17 to %while3A_23 step %while3A_24  : i32 {
      %dma_start3A = arith.constant 0 : i32
      %dma_start3A_92 = tpu.memref_slice %arg6[%while3A_91, %dma_start3A] : memref<120x128xi32, #tpu.memory_space<vmem>> -> memref<1x128xi32, #tpu.memory_space<vmem>>
      %dma_start3A_93 = tpu.memref_squeeze %dma_start3A_92 : memref<1x128xi32, #tpu.memory_space<vmem>> -> memref<128xi32, #tpu.memory_space<vmem>>
      %dma_start3A_94 = arith.constant 0 : i32
      %dma_start3A_95 = arith.constant 0 : i32
      %dma_start3A_96 = tpu.memref_slice %arg8[%dma_start3A_94, %dma_start3A_95] : memref<10008x8xf32, #tpu.memory_space<vmem_shared>> -> memref<10008x8xf32, #tpu.memory_space<vmem_shared>>
      tpu.enqueue_indirect_dma source(%arg7 : memref<128x8xf32, #tpu.memory_space<vmem>>) target(%dma_start3A_96 : memref<10008x8xf32, #tpu.memory_space<vmem_shared>>) offsets(%dma_start3A_93 : memref<128xi32, #tpu.memory_space<vmem>>) semaphore(%arg9 : memref<!tpu.dma_semaphore, #tpu.memory_space<semaphore_mem>>) {add = true}
      %ge3A = arith.constant 8 : i32
      %ge3A_97 = arith.cmpi sge, %while3A_91, %ge3A : i32
      %convert_element_type3A_98 = arith.extui %ge3A_97 : i1 to i32
      %cond3A_99 = arith.constant 0 : i32
      %cond3A_100 = arith.cmpi ne, %convert_element_type3A_98, %cond3A_99 : i32
      scf.if %cond3A_100 {
        %dma_wait3A_101 = arith.constant 0 : i32
        %dma_wait3A_102 = arith.constant 0 : i32
        %dma_wait3A_103 = tpu.memref_slice %arg6[%dma_wait3A_101, %dma_wait3A_102] : memref<120x128xi32, #tpu.memory_space<vmem>> -> memref<1x128xi32, #tpu.memory_space<vmem>>
        %dma_wait3A_104 = tpu.memref_squeeze %dma_wait3A_103 : memref<1x128xi32, #tpu.memory_space<vmem>> -> memref<128xi32, #tpu.memory_space<vmem>>
        %dma_wait3A_105 = arith.constant 0 : i32
        %dma_wait3A_106 = arith.constant 0 : i32
        %dma_wait3A_107 = tpu.memref_slice %arg8[%dma_wait3A_105, %dma_wait3A_106] : memref<10008x8xf32, #tpu.memory_space<vmem_shared>> -> memref<10008x8xf32, #tpu.memory_space<vmem_shared>>
        tpu.wait_indirect_dma semaphore(%arg9 : memref<!tpu.dma_semaphore, #tpu.memory_space<semaphore_mem>>) src(%arg7 : memref<128x8xf32, #tpu.memory_space<vmem>>) dst(%dma_wait3A_107 : memref<10008x8xf32, #tpu.memory_space<vmem_shared>>)
      } else {
      }
    }
    %while3A_25 = arith.constant 1 : i32
    scf.for %while3A_91 = %while3A_23 to %while3A_19 step %while3A_25  : i32 {
      %dma_start3A = arith.constant 0 : i32
      %dma_start3A_92 = tpu.memref_slice %arg6[%while3A_91, %dma_start3A] : memref<120x128xi32, #tpu.memory_space<vmem>> -> memref<1x128xi32, #tpu.memory_space<vmem>>
      %dma_start3A_93 = tpu.memref_squeeze %dma_start3A_92 : memref<1x128xi32, #tpu.memory_space<vmem>> -> memref<128xi32, #tpu.memory_space<vmem>>
      %dma_start3A_94 = arith.constant 0 : i32
      %dma_start3A_95 = arith.constant 0 : i32
      %dma_start3A_96 = tpu.memref_slice %arg8[%dma_start3A_94, %dma_start3A_95] : memref<10008x8xf32, #tpu.memory_space<vmem_shared>> -> memref<10008x8xf32, #tpu.memory_space<vmem_shared>>
      tpu.enqueue_indirect_dma source(%arg7 : memref<128x8xf32, #tpu.memory_space<vmem>>) target(%dma_start3A_96 : memref<10008x8xf32, #tpu.memory_space<vmem_shared>>) offsets(%dma_start3A_93 : memref<128xi32, #tpu.memory_space<vmem>>) semaphore(%arg9 : memref<!tpu.dma_semaphore, #tpu.memory_space<semaphore_mem>>) {add = true}
      %ge3A = arith.constant 8 : i32
      %ge3A_97 = arith.cmpi sge, %while3A_91, %ge3A : i32
      %convert_element_type3A_98 = arith.extui %ge3A_97 : i1 to i32
      %cond3A_99 = arith.constant 0 : i32
      %cond3A_100 = arith.cmpi ne, %convert_element_type3A_98, %cond3A_99 : i32
      scf.if %cond3A_100 {
        %dma_wait3A_101 = arith.constant 0 : i32
        %dma_wait3A_102 = arith.constant 0 : i32
        %dma_wait3A_103 = tpu.memref_slice %arg6[%dma_wait3A_101, %dma_wait3A_102] : memref<120x128xi32, #tpu.memory_space<vmem>> -> memref<1x128xi32, #tpu.memory_space<vmem>>
        %dma_wait3A_104 = tpu.memref_squeeze %dma_wait3A_103 : memref<1x128xi32, #tpu.memory_space<vmem>> -> memref<128xi32, #tpu.memory_space<vmem>>
        %dma_wait3A_105 = arith.constant 0 : i32
        %dma_wait3A_106 = arith.constant 0 : i32
        %dma_wait3A_107 = tpu.memref_slice %arg8[%dma_wait3A_105, %dma_wait3A_106] : memref<10008x8xf32, #tpu.memory_space<vmem_shared>> -> memref<10008x8xf32, #tpu.memory_space<vmem_shared>>
        tpu.wait_indirect_dma semaphore(%arg9 : memref<!tpu.dma_semaphore, #tpu.memory_space<semaphore_mem>>) src(%arg7 : memref<128x8xf32, #tpu.memory_space<vmem>>) dst(%dma_wait3A_107 : memref<10008x8xf32, #tpu.memory_space<vmem_shared>>)
      } else {
      }
    }
    %dma_wait3A = arith.constant 0 : i32
    %dma_wait3A_26 = arith.constant 0 : i32
    %dma_wait3A_27 = tpu.memref_slice %arg6[%dma_wait3A, %dma_wait3A_26] : memref<120x128xi32, #tpu.memory_space<vmem>> -> memref<1x128xi32, #tpu.memory_space<vmem>>
    %dma_wait3A_28 = tpu.memref_squeeze %dma_wait3A_27 : memref<1x128xi32, #tpu.memory_space<vmem>> -> memref<128xi32, #tpu.memory_space<vmem>>
    %dma_wait3A_29 = arith.constant 0 : i32
    %dma_wait3A_30 = arith.constant 0 : i32
    %dma_wait3A_31 = tpu.memref_slice %arg8[%dma_wait3A_29, %dma_wait3A_30] : memref<10008x8xf32, #tpu.memory_space<vmem_shared>> -> memref<10008x8xf32, #tpu.memory_space<vmem_shared>>
    tpu.wait_indirect_dma semaphore(%arg9 : memref<!tpu.dma_semaphore, #tpu.memory_space<semaphore_mem>>) src(%arg7 : memref<128x8xf32, #tpu.memory_space<vmem>>) dst(%dma_wait3A_31 : memref<10008x8xf32, #tpu.memory_space<vmem_shared>>)
    %dma_wait3A_32 = arith.constant 0 : i32
    %dma_wait3A_33 = arith.constant 0 : i32
    %dma_wait3A_34 = tpu.memref_slice %arg6[%dma_wait3A_32, %dma_wait3A_33] : memref<120x128xi32, #tpu.memory_space<vmem>> -> memref<1x128xi32, #tpu.memory_space<vmem>>
    %dma_wait3A_35 = tpu.memref_squeeze %dma_wait3A_34 : memref<1x128xi32, #tpu.memory_space<vmem>> -> memref<128xi32, #tpu.memory_space<vmem>>
    %dma_wait3A_36 = arith.constant 0 : i32
    %dma_wait3A_37 = arith.constant 0 : i32
    %dma_wait3A_38 = tpu.memref_slice %arg8[%dma_wait3A_36, %dma_wait3A_37] : memref<10008x8xf32, #tpu.memory_space<vmem_shared>> -> memref<10008x8xf32, #tpu.memory_space<vmem_shared>>
    tpu.wait_indirect_dma semaphore(%arg9 : memref<!tpu.dma_semaphore, #tpu.memory_space<semaphore_mem>>) src(%arg7 : memref<128x8xf32, #tpu.memory_space<vmem>>) dst(%dma_wait3A_38 : memref<10008x8xf32, #tpu.memory_space<vmem_shared>>)
    %dma_wait3A_39 = arith.constant 0 : i32
    %dma_wait3A_40 = arith.constant 0 : i32
    %dma_wait3A_41 = tpu.memref_slice %arg6[%dma_wait3A_39, %dma_wait3A_40] : memref<120x128xi32, #tpu.memory_space<vmem>> -> memref<1x128xi32, #tpu.memory_space<vmem>>
    %dma_wait3A_42 = tpu.memref_squeeze %dma_wait3A_41 : memref<1x128xi32, #tpu.memory_space<vmem>> -> memref<128xi32, #tpu.memory_space<vmem>>
    %dma_wait3A_43 = arith.constant 0 : i32
    %dma_wait3A_44 = arith.constant 0 : i32
    %dma_wait3A_45 = tpu.memref_slice %arg8[%dma_wait3A_43, %dma_wait3A_44] : memref<10008x8xf32, #tpu.memory_space<vmem_shared>> -> memref<10008x8xf32, #tpu.memory_space<vmem_shared>>
    tpu.wait_indirect_dma semaphore(%arg9 : memref<!tpu.dma_semaphore, #tpu.memory_space<semaphore_mem>>) src(%arg7 : memref<128x8xf32, #tpu.memory_space<vmem>>) dst(%dma_wait3A_45 : memref<10008x8xf32, #tpu.memory_space<vmem_shared>>)
    %dma_wait3A_46 = arith.constant 0 : i32
    %dma_wait3A_47 = arith.constant 0 : i32
    %dma_wait3A_48 = tpu.memref_slice %arg6[%dma_wait3A_46, %dma_wait3A_47] : memref<120x128xi32, #tpu.memory_space<vmem>> -> memref<1x128xi32, #tpu.memory_space<vmem>>
    %dma_wait3A_49 = tpu.memref_squeeze %dma_wait3A_48 : memref<1x128xi32, #tpu.memory_space<vmem>> -> memref<128xi32, #tpu.memory_space<vmem>>
    %dma_wait3A_50 = arith.constant 0 : i32
    %dma_wait3A_51 = arith.constant 0 : i32
    %dma_wait3A_52 = tpu.memref_slice %arg8[%dma_wait3A_50, %dma_wait3A_51] : memref<10008x8xf32, #tpu.memory_space<vmem_shared>> -> memref<10008x8xf32, #tpu.memory_space<vmem_shared>>
    tpu.wait_indirect_dma semaphore(%arg9 : memref<!tpu.dma_semaphore, #tpu.memory_space<semaphore_mem>>) src(%arg7 : memref<128x8xf32, #tpu.memory_space<vmem>>) dst(%dma_wait3A_52 : memref<10008x8xf32, #tpu.memory_space<vmem_shared>>)
    %dma_wait3A_53 = arith.constant 0 : i32
    %dma_wait3A_54 = arith.constant 0 : i32
    %dma_wait3A_55 = tpu.memref_slice %arg6[%dma_wait3A_53, %dma_wait3A_54] : memref<120x128xi32, #tpu.memory_space<vmem>> -> memref<1x128xi32, #tpu.memory_space<vmem>>
    %dma_wait3A_56 = tpu.memref_squeeze %dma_wait3A_55 : memref<1x128xi32, #tpu.memory_space<vmem>> -> memref<128xi32, #tpu.memory_space<vmem>>
    %dma_wait3A_57 = arith.constant 0 : i32
    %dma_wait3A_58 = arith.constant 0 : i32
    %dma_wait3A_59 = tpu.memref_slice %arg8[%dma_wait3A_57, %dma_wait3A_58] : memref<10008x8xf32, #tpu.memory_space<vmem_shared>> -> memref<10008x8xf32, #tpu.memory_space<vmem_shared>>
    tpu.wait_indirect_dma semaphore(%arg9 : memref<!tpu.dma_semaphore, #tpu.memory_space<semaphore_mem>>) src(%arg7 : memref<128x8xf32, #tpu.memory_space<vmem>>) dst(%dma_wait3A_59 : memref<10008x8xf32, #tpu.memory_space<vmem_shared>>)
    %dma_wait3A_60 = arith.constant 0 : i32
    %dma_wait3A_61 = arith.constant 0 : i32
    %dma_wait3A_62 = tpu.memref_slice %arg6[%dma_wait3A_60, %dma_wait3A_61] : memref<120x128xi32, #tpu.memory_space<vmem>> -> memref<1x128xi32, #tpu.memory_space<vmem>>
    %dma_wait3A_63 = tpu.memref_squeeze %dma_wait3A_62 : memref<1x128xi32, #tpu.memory_space<vmem>> -> memref<128xi32, #tpu.memory_space<vmem>>
    %dma_wait3A_64 = arith.constant 0 : i32
    %dma_wait3A_65 = arith.constant 0 : i32
    %dma_wait3A_66 = tpu.memref_slice %arg8[%dma_wait3A_64, %dma_wait3A_65] : memref<10008x8xf32, #tpu.memory_space<vmem_shared>> -> memref<10008x8xf32, #tpu.memory_space<vmem_shared>>
    tpu.wait_indirect_dma semaphore(%arg9 : memref<!tpu.dma_semaphore, #tpu.memory_space<semaphore_mem>>) src(%arg7 : memref<128x8xf32, #tpu.memory_space<vmem>>) dst(%dma_wait3A_66 : memref<10008x8xf32, #tpu.memory_space<vmem_shared>>)
    %dma_wait3A_67 = arith.constant 0 : i32
    %dma_wait3A_68 = arith.constant 0 : i32
    %dma_wait3A_69 = tpu.memref_slice %arg6[%dma_wait3A_67, %dma_wait3A_68] : memref<120x128xi32, #tpu.memory_space<vmem>> -> memref<1x128xi32, #tpu.memory_space<vmem>>
    %dma_wait3A_70 = tpu.memref_squeeze %dma_wait3A_69 : memref<1x128xi32, #tpu.memory_space<vmem>> -> memref<128xi32, #tpu.memory_space<vmem>>
    %dma_wait3A_71 = arith.constant 0 : i32
    %dma_wait3A_72 = arith.constant 0 : i32
    %dma_wait3A_73 = tpu.memref_slice %arg8[%dma_wait3A_71, %dma_wait3A_72] : memref<10008x8xf32, #tpu.memory_space<vmem_shared>> -> memref<10008x8xf32, #tpu.memory_space<vmem_shared>>
    tpu.wait_indirect_dma semaphore(%arg9 : memref<!tpu.dma_semaphore, #tpu.memory_space<semaphore_mem>>) src(%arg7 : memref<128x8xf32, #tpu.memory_space<vmem>>) dst(%dma_wait3A_73 : memref<10008x8xf32, #tpu.memory_space<vmem_shared>>)
    %dma_wait3A_74 = arith.constant 0 : i32
    %dma_wait3A_75 = arith.constant 0 : i32
    %dma_wait3A_76 = tpu.memref_slice %arg6[%dma_wait3A_74, %dma_wait3A_75] : memref<120x128xi32, #tpu.memory_space<vmem>> -> memref<1x128xi32, #tpu.memory_space<vmem>>
    %dma_wait3A_77 = tpu.memref_squeeze %dma_wait3A_76 : memref<1x128xi32, #tpu.memory_space<vmem>> -> memref<128xi32, #tpu.memory_space<vmem>>
    %dma_wait3A_78 = arith.constant 0 : i32
    %dma_wait3A_79 = arith.constant 0 : i32
    %dma_wait3A_80 = tpu.memref_slice %arg8[%dma_wait3A_78, %dma_wait3A_79] : memref<10008x8xf32, #tpu.memory_space<vmem_shared>> -> memref<10008x8xf32, #tpu.memory_space<vmem_shared>>
    tpu.wait_indirect_dma semaphore(%arg9 : memref<!tpu.dma_semaphore, #tpu.memory_space<semaphore_mem>>) src(%arg7 : memref<128x8xf32, #tpu.memory_space<vmem>>) dst(%dma_wait3A_80 : memref<10008x8xf32, #tpu.memory_space<vmem_shared>>)
    %barrier3A_81 = arith.constant 0 : index
    tpu.barrier barrier_id(%barrier3A_81)
    %mul3A_82 = arith.constant 624 : i32
    %mul3A_83 = arith.muli %arg1, %mul3A_82 : i32
    %mul3A_84 = arith.constant 624 : i32
    %mul3A_85 = arith.muli %arg1, %mul3A_84 : i32
    "tpu.region"() ({
      %run_scoped3A = tpu.sem_alloc : memref<!tpu.dma_semaphore, #tpu.memory_space<semaphore_mem>>
      %dma_start3A = arith.constant 0 : i32
      %dma_start3A_91 = tpu.memref_slice %arg5[%arg0, %mul3A_85, %dma_start3A] : memref<2x10008x8xf32, #tpu.memory_space<hbm>> -> memref<1x624x8xf32, #tpu.memory_space<hbm>>
      %dma_start3A_92 = tpu.memref_squeeze %dma_start3A_91 : memref<1x624x8xf32, #tpu.memory_space<hbm>> -> memref<624x8xf32, #tpu.memory_space<hbm>>
      %dma_start3A_93 = arith.constant 0 : i32
      %dma_start3A_94 = tpu.memref_slice %arg8[%mul3A_83, %dma_start3A_93] : memref<10008x8xf32, #tpu.memory_space<vmem_shared>> -> memref<624x8xf32, #tpu.memory_space<vmem_shared>>
      tpu.enqueue_dma source(%dma_start3A_94 : memref<624x8xf32, #tpu.memory_space<vmem_shared>>) target(%dma_start3A_92 : memref<624x8xf32, #tpu.memory_space<hbm>>) target_semaphore(%run_scoped3A : memref<!tpu.dma_semaphore, #tpu.memory_space<semaphore_mem>>)
      %dma_wait3A_95 = arith.constant 0 : i32
      %dma_wait3A_96 = tpu.memref_slice %arg5[%arg0, %mul3A_85, %dma_wait3A_95] : memref<2x10008x8xf32, #tpu.memory_space<hbm>> -> memref<1x624x8xf32, #tpu.memory_space<hbm>>
      %dma_wait3A_97 = tpu.memref_squeeze %dma_wait3A_96 : memref<1x624x8xf32, #tpu.memory_space<hbm>> -> memref<624x8xf32, #tpu.memory_space<hbm>>
      %dma_wait3A_98 = arith.constant 0 : i32
      %dma_wait3A_99 = tpu.memref_slice %arg8[%mul3A_83, %dma_wait3A_98] : memref<10008x8xf32, #tpu.memory_space<vmem_shared>> -> memref<624x8xf32, #tpu.memory_space<vmem_shared>>
      tpu.wait_dma2 semaphore(%run_scoped3A : memref<!tpu.dma_semaphore, #tpu.memory_space<semaphore_mem>>) src(%dma_wait3A_99 : memref<624x8xf32, #tpu.memory_space<vmem_shared>>) dst(%dma_wait3A_97 : memref<624x8xf32, #tpu.memory_space<hbm>>)
      tpu.yield
    }) : () -> ()
    %eq3A_86 = arith.constant 15 : i32
    %eq3A_87 = arith.cmpi eq, %arg1, %eq3A_86 : i32
    %convert_element_type3A_88 = arith.extui %eq3A_87 : i1 to i32
    %cond3A_89 = arith.constant 0 : i32
    %cond3A_90 = arith.cmpi ne, %convert_element_type3A_88, %cond3A_89 : i32
    scf.if %cond3A_90 {
      "tpu.region"() ({
        %run_scoped3A = tpu.sem_alloc : memref<!tpu.dma_semaphore, #tpu.memory_space<semaphore_mem>>
        %dma_start3A = arith.constant 9984 : i32
        %dma_start3A_91 = arith.constant 0 : i32
        %dma_start3A_92 = tpu.memref_slice %arg5[%arg0, %dma_start3A, %dma_start3A_91] : memref<2x10008x8xf32, #tpu.memory_space<hbm>> -> memref<1x24x8xf32, #tpu.memory_space<hbm>>
        %dma_start3A_93 = tpu.memref_squeeze %dma_start3A_92 : memref<1x24x8xf32, #tpu.memory_space<hbm>> -> memref<24x8xf32, #tpu.memory_space<hbm>>
        %dma_start3A_94 = arith.constant 9984 : i32
        %dma_start3A_95 = arith.constant 0 : i32
        %dma_start3A_96 = tpu.memref_slice %arg8[%dma_start3A_94, %dma_start3A_95] : memref<10008x8xf32, #tpu.memory_space<vmem_shared>> -> memref<24x8xf32, #tpu.memory_space<vmem_shared>>
        tpu.enqueue_dma source(%dma_start3A_96 : memref<24x8xf32, #tpu.memory_space<vmem_shared>>) target(%dma_start3A_93 : memref<24x8xf32, #tpu.memory_space<hbm>>) target_semaphore(%run_scoped3A : memref<!tpu.dma_semaphore, #tpu.memory_space<semaphore_mem>>)
        %dma_wait3A_97 = arith.constant 9984 : i32
        %dma_wait3A_98 = arith.constant 0 : i32
        %dma_wait3A_99 = tpu.memref_slice %arg5[%arg0, %dma_wait3A_97, %dma_wait3A_98] : memref<2x10008x8xf32, #tpu.memory_space<hbm>> -> memref<1x24x8xf32, #tpu.memory_space<hbm>>
        %dma_wait3A_100 = tpu.memref_squeeze %dma_wait3A_99 : memref<1x24x8xf32, #tpu.memory_space<hbm>> -> memref<24x8xf32, #tpu.memory_space<hbm>>
        %dma_wait3A_101 = arith.constant 9984 : i32
        %dma_wait3A_102 = arith.constant 0 : i32
        %dma_wait3A_103 = tpu.memref_slice %arg8[%dma_wait3A_101, %dma_wait3A_102] : memref<10008x8xf32, #tpu.memory_space<vmem_shared>> -> memref<24x8xf32, #tpu.memory_space<vmem_shared>>
        tpu.wait_dma2 semaphore(%run_scoped3A : memref<!tpu.dma_semaphore, #tpu.memory_space<semaphore_mem>>) src(%dma_wait3A_103 : memref<24x8xf32, #tpu.memory_space<vmem_shared>>) dst(%dma_wait3A_100 : memref<24x8xf32, #tpu.memory_space<hbm>>)
        tpu.yield
      }) : () -> ()
    } else {
    }
    return
  }
}

#map = affine_map<(d0, d1) -> (0, 0)>
#map1 = affine_map<(d0, d1) -> (0, 0, 0)>
module attributes {stable_mosaic.version = 14 : i64} {
  func.func @agg_kernel(%arg0: i32, %arg1: i32, %arg2: memref<2560x128xi32, #tpu.memory_space<hbm>>, %arg3: memref<2560x128xi32, #tpu.memory_space<hbm>>, %arg4: memref<10008x16xf32, #tpu.memory_space<hbm>>, %arg5: memref<10008x16xf32, #tpu.memory_space<hbm>>, %arg6: memref<2x10008x16xf32, #tpu.memory_space<hbm>>, %arg7: memref<120x128xi32, #tpu.memory_space<vmem>>, %arg8: memref<120x128xi32, #tpu.memory_space<vmem>>, %arg9: memref<128x16xf32, #tpu.memory_space<vmem>>, %arg10: memref<128x16xf32, #tpu.memory_space<vmem>>, %arg11: memref<128x16xf32, #tpu.memory_space<vmem>>, %arg12: memref<128x16xf32, #tpu.memory_space<vmem>>, %arg13: memref<128x16xf32, #tpu.memory_space<vmem>>, %arg14: memref<128x16xf32, #tpu.memory_space<vmem>>, %arg15: memref<128x16xf32, #tpu.memory_space<vmem>>, %arg16: memref<128x16xf32, #tpu.memory_space<vmem>>, %arg17: memref<128x16xf32, #tpu.memory_space<vmem>>, %arg18: memref<128x16xf32, #tpu.memory_space<vmem>>, %arg19: memref<10008x16xf32, #tpu.memory_space<vmem_shared>>, %arg20: memref<!tpu.dma_semaphore, #tpu.memory_space<semaphore_mem>>, %arg21: memref<!tpu.dma_semaphore, #tpu.memory_space<semaphore_mem>>, %arg22: memref<!tpu.dma_semaphore, #tpu.memory_space<semaphore_mem>>, %arg23: memref<!tpu.dma_semaphore, #tpu.memory_space<semaphore_mem>>, %arg24: memref<!tpu.dma_semaphore, #tpu.memory_space<semaphore_mem>>, %arg25: memref<!tpu.dma_semaphore, #tpu.memory_space<semaphore_mem>>, %arg26: memref<!tpu.dma_semaphore, #tpu.memory_space<semaphore_mem>>, %arg27: memref<!tpu.dma_semaphore, #tpu.memory_space<semaphore_mem>>, %arg28: memref<!tpu.dma_semaphore, #tpu.memory_space<semaphore_mem>>, %arg29: memref<!tpu.dma_semaphore, #tpu.memory_space<semaphore_mem>>, %arg30: memref<!tpu.dma_semaphore, #tpu.memory_space<semaphore_mem>>, %arg31: memref<!tpu.dma_semaphore, #tpu.memory_space<semaphore_mem>>, %arg32: memref<!tpu.dma_semaphore, #tpu.memory_space<semaphore_mem>>, %arg33: memref<!tpu.dma_semaphore, #tpu.memory_space<semaphore_mem>>, %arg34: memref<!tpu.dma_semaphore, #tpu.memory_space<semaphore_mem>>, %arg35: memref<!tpu.dma_semaphore, #tpu.memory_space<semaphore_mem>>, %arg36: memref<!tpu.dma_semaphore, #tpu.memory_space<semaphore_mem>>, %arg37: memref<!tpu.dma_semaphore, #tpu.memory_space<semaphore_mem>>, %arg38: memref<!tpu.dma_semaphore, #tpu.memory_space<semaphore_mem>>, %arg39: memref<!tpu.dma_semaphore, #tpu.memory_space<semaphore_mem>>) attributes {dimension_semantics = [#tpu.dimension_semantics<core_parallel>, #tpu.dimension_semantics<subcore_parallel>], iteration_bounds = array<i64: 2, 16>, scalar_prefetch = 0 : i64, scratch_operands = 33 : i64, tpu.core_type = #tpu.core_type<sc_vector_subcore>, window_params = [{transform_indices = #map}, {transform_indices = #map}, {transform_indices = #map}, {transform_indices = #map}, {transform_indices = #map1}]} {
    %eq3A = arith.constant 0 : i32
    %eq3A_0 = arith.cmpi eq, %arg0, %eq3A : i32
    %mul3A = arith.constant 120 : i32
    %mul3A_1 = arith.muli %arg1, %mul3A : i32
    %mul3A_2 = arith.constant 40 : i32
    %mul3A_3 = arith.muli %arg1, %mul3A_2 : i32
    %add3A = arith.constant 1920 : i32
    %add3A_4 = arith.addi %add3A, %mul3A_3 : i32
    %select_n3A = arith.select %eq3A_0, %mul3A_1, %add3A_4 : i32
    %eq3A_5 = arith.constant 0 : i32
    %eq3A_6 = arith.cmpi eq, %arg0, %eq3A_5 : i32
    %select_n3A_7 = arith.constant 40 : i32
    %select_n3A_8 = arith.constant 120 : i32
    %select_n3A_9 = arith.select %eq3A_6, %select_n3A_8, %select_n3A_7 : i32
    %mul3A_10 = arith.constant 624 : i32
    %mul3A_11 = arith.muli %arg1, %mul3A_10 : i32
    %mul3A_12 = arith.constant 624 : i32
    %mul3A_13 = arith.muli %arg1, %mul3A_12 : i32
    "tpu.region"() ({
      %run_scoped3A = tpu.sem_alloc : memref<!tpu.dma_semaphore, #tpu.memory_space<semaphore_mem>>
      %dma_start3A_156 = arith.constant 0 : i32
      %dma_start3A_157 = tpu.memref_slice %arg19[%mul3A_13, %dma_start3A_156] : memref<10008x16xf32, #tpu.memory_space<vmem_shared>> -> memref<624x16xf32, #tpu.memory_space<vmem_shared>>
      %dma_start3A_158 = arith.constant 0 : i32
      %dma_start3A_159 = tpu.memref_slice %arg5[%mul3A_11, %dma_start3A_158] : memref<10008x16xf32, #tpu.memory_space<hbm>> -> memref<624x16xf32, #tpu.memory_space<hbm>>
      tpu.enqueue_dma source(%dma_start3A_159 : memref<624x16xf32, #tpu.memory_space<hbm>>) target(%dma_start3A_157 : memref<624x16xf32, #tpu.memory_space<vmem_shared>>) target_semaphore(%run_scoped3A : memref<!tpu.dma_semaphore, #tpu.memory_space<semaphore_mem>>)
      %dma_wait3A_160 = arith.constant 0 : i32
      %dma_wait3A_161 = tpu.memref_slice %arg19[%mul3A_13, %dma_wait3A_160] : memref<10008x16xf32, #tpu.memory_space<vmem_shared>> -> memref<624x16xf32, #tpu.memory_space<vmem_shared>>
      %dma_wait3A_162 = arith.constant 0 : i32
      %dma_wait3A_163 = tpu.memref_slice %arg5[%mul3A_11, %dma_wait3A_162] : memref<10008x16xf32, #tpu.memory_space<hbm>> -> memref<624x16xf32, #tpu.memory_space<hbm>>
      tpu.wait_dma2 semaphore(%run_scoped3A : memref<!tpu.dma_semaphore, #tpu.memory_space<semaphore_mem>>) src(%dma_wait3A_163 : memref<624x16xf32, #tpu.memory_space<hbm>>) dst(%dma_wait3A_161 : memref<624x16xf32, #tpu.memory_space<vmem_shared>>)
      tpu.yield
    }) : () -> ()
    %eq3A_14 = arith.constant 15 : i32
    %eq3A_15 = arith.cmpi eq, %arg1, %eq3A_14 : i32
    %convert_element_type3A = arith.extui %eq3A_15 : i1 to i32
    %cond3A = arith.constant 0 : i32
    %cond3A_16 = arith.cmpi ne, %convert_element_type3A, %cond3A : i32
    scf.if %cond3A_16 {
      "tpu.region"() ({
        %run_scoped3A = tpu.sem_alloc : memref<!tpu.dma_semaphore, #tpu.memory_space<semaphore_mem>>
        %dma_start3A_156 = arith.constant 9984 : i32
        %dma_start3A_157 = arith.constant 0 : i32
        %dma_start3A_158 = tpu.memref_slice %arg19[%dma_start3A_156, %dma_start3A_157] : memref<10008x16xf32, #tpu.memory_space<vmem_shared>> -> memref<24x16xf32, #tpu.memory_space<vmem_shared>>
        %dma_start3A_159 = arith.constant 9984 : i32
        %dma_start3A_160 = arith.constant 0 : i32
        %dma_start3A_161 = tpu.memref_slice %arg5[%dma_start3A_159, %dma_start3A_160] : memref<10008x16xf32, #tpu.memory_space<hbm>> -> memref<24x16xf32, #tpu.memory_space<hbm>>
        tpu.enqueue_dma source(%dma_start3A_161 : memref<24x16xf32, #tpu.memory_space<hbm>>) target(%dma_start3A_158 : memref<24x16xf32, #tpu.memory_space<vmem_shared>>) target_semaphore(%run_scoped3A : memref<!tpu.dma_semaphore, #tpu.memory_space<semaphore_mem>>)
        %dma_wait3A_162 = arith.constant 9984 : i32
        %dma_wait3A_163 = arith.constant 0 : i32
        %dma_wait3A_164 = tpu.memref_slice %arg19[%dma_wait3A_162, %dma_wait3A_163] : memref<10008x16xf32, #tpu.memory_space<vmem_shared>> -> memref<24x16xf32, #tpu.memory_space<vmem_shared>>
        %dma_wait3A_165 = arith.constant 9984 : i32
        %dma_wait3A_166 = arith.constant 0 : i32
        %dma_wait3A_167 = tpu.memref_slice %arg5[%dma_wait3A_165, %dma_wait3A_166] : memref<10008x16xf32, #tpu.memory_space<hbm>> -> memref<24x16xf32, #tpu.memory_space<hbm>>
        tpu.wait_dma2 semaphore(%run_scoped3A : memref<!tpu.dma_semaphore, #tpu.memory_space<semaphore_mem>>) src(%dma_wait3A_167 : memref<24x16xf32, #tpu.memory_space<hbm>>) dst(%dma_wait3A_164 : memref<24x16xf32, #tpu.memory_space<vmem_shared>>)
        tpu.yield
      }) : () -> ()
    } else {
    }
    "tpu.region"() ({
      %run_scoped3A = tpu.sem_alloc : memref<!tpu.dma_semaphore, #tpu.memory_space<semaphore_mem>>
      %dma_start3A_156 = arith.constant 0 : i32
      %dma_start3A_157 = tpu.memref_slice %arg2[%select_n3A, %dma_start3A_156] : memref<2560x128xi32, #tpu.memory_space<hbm>> -> memref<120x128xi32, #tpu.memory_space<hbm>>
      %dma_start3A_158 = arith.constant 0 : i32
      %dma_start3A_159 = tpu.memref_slice %arg2[%select_n3A, %dma_start3A_158] : memref<2560x128xi32, #tpu.memory_space<hbm>> -> memref<120x128xi32, #tpu.memory_space<hbm>>
      tpu.enqueue_dma source(%dma_start3A_159 : memref<120x128xi32, #tpu.memory_space<hbm>>) target(%arg7 : memref<120x128xi32, #tpu.memory_space<vmem>>) target_semaphore(%run_scoped3A : memref<!tpu.dma_semaphore, #tpu.memory_space<semaphore_mem>>)
      %dma_wait3A_160 = arith.constant 0 : i32
      %dma_wait3A_161 = tpu.memref_slice %arg2[%select_n3A, %dma_wait3A_160] : memref<2560x128xi32, #tpu.memory_space<hbm>> -> memref<120x128xi32, #tpu.memory_space<hbm>>
      %dma_wait3A_162 = arith.constant 0 : i32
      %dma_wait3A_163 = tpu.memref_slice %arg2[%select_n3A, %dma_wait3A_162] : memref<2560x128xi32, #tpu.memory_space<hbm>> -> memref<120x128xi32, #tpu.memory_space<hbm>>
      tpu.wait_dma2 semaphore(%run_scoped3A : memref<!tpu.dma_semaphore, #tpu.memory_space<semaphore_mem>>) src(%dma_wait3A_163 : memref<120x128xi32, #tpu.memory_space<hbm>>) dst(%arg7 : memref<120x128xi32, #tpu.memory_space<vmem>>)
      tpu.yield
    }) : () -> ()
    "tpu.region"() ({
      %run_scoped3A = tpu.sem_alloc : memref<!tpu.dma_semaphore, #tpu.memory_space<semaphore_mem>>
      %dma_start3A_156 = arith.constant 0 : i32
      %dma_start3A_157 = tpu.memref_slice %arg3[%select_n3A, %dma_start3A_156] : memref<2560x128xi32, #tpu.memory_space<hbm>> -> memref<120x128xi32, #tpu.memory_space<hbm>>
      %dma_start3A_158 = arith.constant 0 : i32
      %dma_start3A_159 = tpu.memref_slice %arg3[%select_n3A, %dma_start3A_158] : memref<2560x128xi32, #tpu.memory_space<hbm>> -> memref<120x128xi32, #tpu.memory_space<hbm>>
      tpu.enqueue_dma source(%dma_start3A_159 : memref<120x128xi32, #tpu.memory_space<hbm>>) target(%arg8 : memref<120x128xi32, #tpu.memory_space<vmem>>) target_semaphore(%run_scoped3A : memref<!tpu.dma_semaphore, #tpu.memory_space<semaphore_mem>>)
      %dma_wait3A_160 = arith.constant 0 : i32
      %dma_wait3A_161 = tpu.memref_slice %arg3[%select_n3A, %dma_wait3A_160] : memref<2560x128xi32, #tpu.memory_space<hbm>> -> memref<120x128xi32, #tpu.memory_space<hbm>>
      %dma_wait3A_162 = arith.constant 0 : i32
      %dma_wait3A_163 = tpu.memref_slice %arg3[%select_n3A, %dma_wait3A_162] : memref<2560x128xi32, #tpu.memory_space<hbm>> -> memref<120x128xi32, #tpu.memory_space<hbm>>
      tpu.wait_dma2 semaphore(%run_scoped3A : memref<!tpu.dma_semaphore, #tpu.memory_space<semaphore_mem>>) src(%dma_wait3A_163 : memref<120x128xi32, #tpu.memory_space<hbm>>) dst(%arg8 : memref<120x128xi32, #tpu.memory_space<vmem>>)
      tpu.yield
    }) : () -> ()
    %barrier3A = arith.constant 0 : index
    tpu.barrier barrier_id(%barrier3A)
    %dma_start3A = arith.constant 0 : i32
    %dma_start3A_17 = arith.constant 0 : i32
    %dma_start3A_18 = tpu.memref_slice %arg7[%dma_start3A, %dma_start3A_17] : memref<120x128xi32, #tpu.memory_space<vmem>> -> memref<1x128xi32, #tpu.memory_space<vmem>>
    %dma_start3A_19 = tpu.memref_squeeze %dma_start3A_18 : memref<1x128xi32, #tpu.memory_space<vmem>> -> memref<128xi32, #tpu.memory_space<vmem>>
    %dma_start3A_20 = arith.constant 0 : i32
    %dma_start3A_21 = arith.constant 0 : i32
    %dma_start3A_22 = tpu.memref_slice %arg4[%dma_start3A_20, %dma_start3A_21] : memref<10008x16xf32, #tpu.memory_space<hbm>> -> memref<10008x16xf32, #tpu.memory_space<hbm>>
    tpu.enqueue_indirect_dma source(%dma_start3A_22 : memref<10008x16xf32, #tpu.memory_space<hbm>>) target(%arg9 : memref<128x16xf32, #tpu.memory_space<vmem>>) offsets(%dma_start3A_19 : memref<128xi32, #tpu.memory_space<vmem>>) semaphore(%arg20 : memref<!tpu.dma_semaphore, #tpu.memory_space<semaphore_mem>>)
    %dma_start3A_23 = arith.constant 1 : i32
    %dma_start3A_24 = arith.constant 0 : i32
    %dma_start3A_25 = tpu.memref_slice %arg7[%dma_start3A_23, %dma_start3A_24] : memref<120x128xi32, #tpu.memory_space<vmem>> -> memref<1x128xi32, #tpu.memory_space<vmem>>
    %dma_start3A_26 = tpu.memref_squeeze %dma_start3A_25 : memref<1x128xi32, #tpu.memory_space<vmem>> -> memref<128xi32, #tpu.memory_space<vmem>>
    %dma_start3A_27 = arith.constant 0 : i32
    %dma_start3A_28 = arith.constant 0 : i32
    %dma_start3A_29 = tpu.memref_slice %arg4[%dma_start3A_27, %dma_start3A_28] : memref<10008x16xf32, #tpu.memory_space<hbm>> -> memref<10008x16xf32, #tpu.memory_space<hbm>>
    tpu.enqueue_indirect_dma source(%dma_start3A_29 : memref<10008x16xf32, #tpu.memory_space<hbm>>) target(%arg10 : memref<128x16xf32, #tpu.memory_space<vmem>>) offsets(%dma_start3A_26 : memref<128xi32, #tpu.memory_space<vmem>>) semaphore(%arg21 : memref<!tpu.dma_semaphore, #tpu.memory_space<semaphore_mem>>)
    %dma_start3A_30 = arith.constant 2 : i32
    %dma_start3A_31 = arith.constant 0 : i32
    %dma_start3A_32 = tpu.memref_slice %arg7[%dma_start3A_30, %dma_start3A_31] : memref<120x128xi32, #tpu.memory_space<vmem>> -> memref<1x128xi32, #tpu.memory_space<vmem>>
    %dma_start3A_33 = tpu.memref_squeeze %dma_start3A_32 : memref<1x128xi32, #tpu.memory_space<vmem>> -> memref<128xi32, #tpu.memory_space<vmem>>
    %dma_start3A_34 = arith.constant 0 : i32
    %dma_start3A_35 = arith.constant 0 : i32
    %dma_start3A_36 = tpu.memref_slice %arg4[%dma_start3A_34, %dma_start3A_35] : memref<10008x16xf32, #tpu.memory_space<hbm>> -> memref<10008x16xf32, #tpu.memory_space<hbm>>
    tpu.enqueue_indirect_dma source(%dma_start3A_36 : memref<10008x16xf32, #tpu.memory_space<hbm>>) target(%arg11 : memref<128x16xf32, #tpu.memory_space<vmem>>) offsets(%dma_start3A_33 : memref<128xi32, #tpu.memory_space<vmem>>) semaphore(%arg22 : memref<!tpu.dma_semaphore, #tpu.memory_space<semaphore_mem>>)
    %dma_start3A_37 = arith.constant 3 : i32
    %dma_start3A_38 = arith.constant 0 : i32
    %dma_start3A_39 = tpu.memref_slice %arg7[%dma_start3A_37, %dma_start3A_38] : memref<120x128xi32, #tpu.memory_space<vmem>> -> memref<1x128xi32, #tpu.memory_space<vmem>>
    %dma_start3A_40 = tpu.memref_squeeze %dma_start3A_39 : memref<1x128xi32, #tpu.memory_space<vmem>> -> memref<128xi32, #tpu.memory_space<vmem>>
    %dma_start3A_41 = arith.constant 0 : i32
    %dma_start3A_42 = arith.constant 0 : i32
    %dma_start3A_43 = tpu.memref_slice %arg4[%dma_start3A_41, %dma_start3A_42] : memref<10008x16xf32, #tpu.memory_space<hbm>> -> memref<10008x16xf32, #tpu.memory_space<hbm>>
    tpu.enqueue_indirect_dma source(%dma_start3A_43 : memref<10008x16xf32, #tpu.memory_space<hbm>>) target(%arg12 : memref<128x16xf32, #tpu.memory_space<vmem>>) offsets(%dma_start3A_40 : memref<128xi32, #tpu.memory_space<vmem>>) semaphore(%arg23 : memref<!tpu.dma_semaphore, #tpu.memory_space<semaphore_mem>>)
    %dma_start3A_44 = arith.constant 4 : i32
    %dma_start3A_45 = arith.constant 0 : i32
    %dma_start3A_46 = tpu.memref_slice %arg7[%dma_start3A_44, %dma_start3A_45] : memref<120x128xi32, #tpu.memory_space<vmem>> -> memref<1x128xi32, #tpu.memory_space<vmem>>
    %dma_start3A_47 = tpu.memref_squeeze %dma_start3A_46 : memref<1x128xi32, #tpu.memory_space<vmem>> -> memref<128xi32, #tpu.memory_space<vmem>>
    %dma_start3A_48 = arith.constant 0 : i32
    %dma_start3A_49 = arith.constant 0 : i32
    %dma_start3A_50 = tpu.memref_slice %arg4[%dma_start3A_48, %dma_start3A_49] : memref<10008x16xf32, #tpu.memory_space<hbm>> -> memref<10008x16xf32, #tpu.memory_space<hbm>>
    tpu.enqueue_indirect_dma source(%dma_start3A_50 : memref<10008x16xf32, #tpu.memory_space<hbm>>) target(%arg13 : memref<128x16xf32, #tpu.memory_space<vmem>>) offsets(%dma_start3A_47 : memref<128xi32, #tpu.memory_space<vmem>>) semaphore(%arg24 : memref<!tpu.dma_semaphore, #tpu.memory_space<semaphore_mem>>)
    %jit3A = arith.constant 10 : i32
    %div3A = arith.divsi %select_n3A_9, %jit3A : i32
    %sign3A = arith.constant 0 : i32
    %sign3A_51 = arith.cmpi sgt, %select_n3A_9, %sign3A : i32
    %sign3A_52 = arith.extui %sign3A_51 : i1 to i32
    %sign3A_53 = arith.constant 0 : i32
    %sign3A_54 = arith.cmpi slt, %select_n3A_9, %sign3A_53 : i32
    %sign3A_55 = arith.extui %sign3A_54 : i1 to i32
    %sign3A_56 = arith.subi %sign3A_52, %sign3A_55 : i32
    %sign3A_57 = arith.constant 0 : i32
    %sign3A_58 = arith.cmpi sgt, %jit3A, %sign3A_57 : i32
    %sign3A_59 = arith.extui %sign3A_58 : i1 to i32
    %sign3A_60 = arith.constant 0 : i32
    %sign3A_61 = arith.cmpi slt, %jit3A, %sign3A_60 : i32
    %sign3A_62 = arith.extui %sign3A_61 : i1 to i32
    %sign3A_63 = arith.subi %sign3A_59, %sign3A_62 : i32
    %ne3A = arith.cmpi ne, %sign3A_56, %sign3A_63 : i32
    %rem3A = arith.remsi %select_n3A_9, %jit3A : i32
    %ne3A_64 = arith.constant 0 : i32
    %ne3A_65 = arith.cmpi ne, %rem3A, %ne3A_64 : i32
    %and3A = arith.andi %ne3A, %ne3A_65 : i1
    %sub3A = arith.constant 1 : i32
    %sub3A_66 = arith.subi %div3A, %sub3A : i32
    %select_n3A_67 = arith.select %and3A, %sub3A_66, %div3A : i32
    %while3A = arith.constant 0 : i32
    %while3A_68 = arith.constant 0 : i32
    %while3A_69 = arith.subi %select_n3A_67, %while3A_68 : i32
    %while3A_70 = arith.addi %while3A_68, %while3A_69 : i32
    %while3A_71 = arith.constant 1 : i32
    %while3A_72 = arith.divsi %while3A_69, %while3A_71 : i32
    %while3A_73 = arith.muli %while3A_72, %while3A_71 : i32
    %while3A_74 = arith.addi %while3A_68, %while3A_73 : i32
    %while3A_75 = arith.constant 1 : i32
    scf.for %while3A_156 = %while3A_68 to %while3A_74 step %while3A_75  : i32 {
      %mul3A_157 = arith.constant 10 : i32
      %mul3A_158 = arith.muli %while3A_156, %mul3A_157 : i32
      %add3A_159 = arith.constant 0 : i32
      %add3A_160 = arith.addi %mul3A_158, %add3A_159 : i32
      %dma_wait3A_161 = arith.constant 0 : i32
      %dma_wait3A_162 = tpu.memref_slice %arg7[%add3A_160, %dma_wait3A_161] : memref<120x128xi32, #tpu.memory_space<vmem>> -> memref<1x128xi32, #tpu.memory_space<vmem>>
      %dma_wait3A_163 = tpu.memref_squeeze %dma_wait3A_162 : memref<1x128xi32, #tpu.memory_space<vmem>> -> memref<128xi32, #tpu.memory_space<vmem>>
      %dma_wait3A_164 = arith.constant 0 : i32
      %dma_wait3A_165 = arith.constant 0 : i32
      %dma_wait3A_166 = tpu.memref_slice %arg4[%dma_wait3A_164, %dma_wait3A_165] : memref<10008x16xf32, #tpu.memory_space<hbm>> -> memref<10008x16xf32, #tpu.memory_space<hbm>>
      tpu.wait_indirect_dma semaphore(%arg20 : memref<!tpu.dma_semaphore, #tpu.memory_space<semaphore_mem>>) src(%dma_wait3A_166 : memref<10008x16xf32, #tpu.memory_space<hbm>>) dst(%arg9 : memref<128x16xf32, #tpu.memory_space<vmem>>)
      %dma_start3A_167 = arith.constant 0 : i32
      %dma_start3A_168 = tpu.memref_slice %arg8[%add3A_160, %dma_start3A_167] : memref<120x128xi32, #tpu.memory_space<vmem>> -> memref<1x128xi32, #tpu.memory_space<vmem>>
      %dma_start3A_169 = tpu.memref_squeeze %dma_start3A_168 : memref<1x128xi32, #tpu.memory_space<vmem>> -> memref<128xi32, #tpu.memory_space<vmem>>
      %dma_start3A_170 = arith.constant 0 : i32
      %dma_start3A_171 = arith.constant 0 : i32
      %dma_start3A_172 = tpu.memref_slice %arg19[%dma_start3A_170, %dma_start3A_171] : memref<10008x16xf32, #tpu.memory_space<vmem_shared>> -> memref<10008x16xf32, #tpu.memory_space<vmem_shared>>
      tpu.enqueue_indirect_dma source(%arg9 : memref<128x16xf32, #tpu.memory_space<vmem>>) target(%dma_start3A_172 : memref<10008x16xf32, #tpu.memory_space<vmem_shared>>) offsets(%dma_start3A_169 : memref<128xi32, #tpu.memory_space<vmem>>) semaphore(%arg30 : memref<!tpu.dma_semaphore, #tpu.memory_space<semaphore_mem>>) {add = true}
      %ge3A = arith.constant 5 : i32
      %ge3A_173 = arith.cmpi sge, %add3A_160, %ge3A : i32
      %add3A_174 = arith.constant 5 : i32
      %add3A_175 = arith.addi %add3A_160, %add3A_174 : i32
      %lt3A = arith.cmpi slt, %add3A_175, %select_n3A_9 : i32
      %and3A_176 = arith.andi %ge3A_173, %lt3A : i1
      %convert_element_type3A_177 = arith.extui %and3A_176 : i1 to i32
      %cond3A_178 = arith.constant 0 : i32
      %cond3A_179 = arith.cmpi ne, %convert_element_type3A_177, %cond3A_178 : i32
      scf.if %cond3A_179 {
        %dma_wait3A_465 = arith.constant 0 : i32
        %dma_wait3A_466 = arith.constant 0 : i32
        %dma_wait3A_467 = tpu.memref_slice %arg8[%dma_wait3A_465, %dma_wait3A_466] : memref<120x128xi32, #tpu.memory_space<vmem>> -> memref<1x128xi32, #tpu.memory_space<vmem>>
        %dma_wait3A_468 = tpu.memref_squeeze %dma_wait3A_467 : memref<1x128xi32, #tpu.memory_space<vmem>> -> memref<128xi32, #tpu.memory_space<vmem>>
        %dma_wait3A_469 = arith.constant 0 : i32
        %dma_wait3A_470 = arith.constant 0 : i32
        %dma_wait3A_471 = tpu.memref_slice %arg19[%dma_wait3A_469, %dma_wait3A_470] : memref<10008x16xf32, #tpu.memory_space<vmem_shared>> -> memref<10008x16xf32, #tpu.memory_space<vmem_shared>>
        tpu.wait_indirect_dma semaphore(%arg35 : memref<!tpu.dma_semaphore, #tpu.memory_space<semaphore_mem>>) src(%arg14 : memref<128x16xf32, #tpu.memory_space<vmem>>) dst(%dma_wait3A_471 : memref<10008x16xf32, #tpu.memory_space<vmem_shared>>)
      } else {
      }
      %add3A_180 = arith.constant 5 : i32
      %add3A_181 = arith.addi %add3A_160, %add3A_180 : i32
      %lt3A_182 = arith.cmpi slt, %add3A_181, %select_n3A_9 : i32
      %convert_element_type3A_183 = arith.extui %lt3A_182 : i1 to i32
      %cond3A_184 = arith.constant 0 : i32
      %cond3A_185 = arith.cmpi ne, %convert_element_type3A_183, %cond3A_184 : i32
      scf.if %cond3A_185 {
        %add3A_465 = arith.constant 5 : i32
        %add3A_466 = arith.addi %add3A_160, %add3A_465 : i32
        %dma_start3A_467 = arith.constant 0 : i32
        %dma_start3A_468 = tpu.memref_slice %arg7[%add3A_466, %dma_start3A_467] : memref<120x128xi32, #tpu.memory_space<vmem>> -> memref<1x128xi32, #tpu.memory_space<vmem>>
        %dma_start3A_469 = tpu.memref_squeeze %dma_start3A_468 : memref<1x128xi32, #tpu.memory_space<vmem>> -> memref<128xi32, #tpu.memory_space<vmem>>
        %dma_start3A_470 = arith.constant 0 : i32
        %dma_start3A_471 = arith.constant 0 : i32
        %dma_start3A_472 = tpu.memref_slice %arg4[%dma_start3A_470, %dma_start3A_471] : memref<10008x16xf32, #tpu.memory_space<hbm>> -> memref<10008x16xf32, #tpu.memory_space<hbm>>
        tpu.enqueue_indirect_dma source(%dma_start3A_472 : memref<10008x16xf32, #tpu.memory_space<hbm>>) target(%arg14 : memref<128x16xf32, #tpu.memory_space<vmem>>) offsets(%dma_start3A_469 : memref<128xi32, #tpu.memory_space<vmem>>) semaphore(%arg25 : memref<!tpu.dma_semaphore, #tpu.memory_space<semaphore_mem>>)
      } else {
      }
      %mul3A_186 = arith.constant 10 : i32
      %mul3A_187 = arith.muli %while3A_156, %mul3A_186 : i32
      %add3A_188 = arith.constant 1 : i32
      %add3A_189 = arith.addi %mul3A_187, %add3A_188 : i32
      %dma_wait3A_190 = arith.constant 0 : i32
      %dma_wait3A_191 = tpu.memref_slice %arg7[%add3A_189, %dma_wait3A_190] : memref<120x128xi32, #tpu.memory_space<vmem>> -> memref<1x128xi32, #tpu.memory_space<vmem>>
      %dma_wait3A_192 = tpu.memref_squeeze %dma_wait3A_191 : memref<1x128xi32, #tpu.memory_space<vmem>> -> memref<128xi32, #tpu.memory_space<vmem>>
      %dma_wait3A_193 = arith.constant 0 : i32
      %dma_wait3A_194 = arith.constant 0 : i32
      %dma_wait3A_195 = tpu.memref_slice %arg4[%dma_wait3A_193, %dma_wait3A_194] : memref<10008x16xf32, #tpu.memory_space<hbm>> -> memref<10008x16xf32, #tpu.memory_space<hbm>>
      tpu.wait_indirect_dma semaphore(%arg21 : memref<!tpu.dma_semaphore, #tpu.memory_space<semaphore_mem>>) src(%dma_wait3A_195 : memref<10008x16xf32, #tpu.memory_space<hbm>>) dst(%arg10 : memref<128x16xf32, #tpu.memory_space<vmem>>)
      %dma_start3A_196 = arith.constant 0 : i32
      %dma_start3A_197 = tpu.memref_slice %arg8[%add3A_189, %dma_start3A_196] : memref<120x128xi32, #tpu.memory_space<vmem>> -> memref<1x128xi32, #tpu.memory_space<vmem>>
      %dma_start3A_198 = tpu.memref_squeeze %dma_start3A_197 : memref<1x128xi32, #tpu.memory_space<vmem>> -> memref<128xi32, #tpu.memory_space<vmem>>
      %dma_start3A_199 = arith.constant 0 : i32
      %dma_start3A_200 = arith.constant 0 : i32
      %dma_start3A_201 = tpu.memref_slice %arg19[%dma_start3A_199, %dma_start3A_200] : memref<10008x16xf32, #tpu.memory_space<vmem_shared>> -> memref<10008x16xf32, #tpu.memory_space<vmem_shared>>
      tpu.enqueue_indirect_dma source(%arg10 : memref<128x16xf32, #tpu.memory_space<vmem>>) target(%dma_start3A_201 : memref<10008x16xf32, #tpu.memory_space<vmem_shared>>) offsets(%dma_start3A_198 : memref<128xi32, #tpu.memory_space<vmem>>) semaphore(%arg31 : memref<!tpu.dma_semaphore, #tpu.memory_space<semaphore_mem>>) {add = true}
      %ge3A_202 = arith.constant 5 : i32
      %ge3A_203 = arith.cmpi sge, %add3A_189, %ge3A_202 : i32
      %add3A_204 = arith.constant 5 : i32
      %add3A_205 = arith.addi %add3A_189, %add3A_204 : i32
      %lt3A_206 = arith.cmpi slt, %add3A_205, %select_n3A_9 : i32
      %and3A_207 = arith.andi %ge3A_203, %lt3A_206 : i1
      %convert_element_type3A_208 = arith.extui %and3A_207 : i1 to i32
      %cond3A_209 = arith.constant 0 : i32
      %cond3A_210 = arith.cmpi ne, %convert_element_type3A_208, %cond3A_209 : i32
      scf.if %cond3A_210 {
        %dma_wait3A_465 = arith.constant 0 : i32
        %dma_wait3A_466 = arith.constant 0 : i32
        %dma_wait3A_467 = tpu.memref_slice %arg8[%dma_wait3A_465, %dma_wait3A_466] : memref<120x128xi32, #tpu.memory_space<vmem>> -> memref<1x128xi32, #tpu.memory_space<vmem>>
        %dma_wait3A_468 = tpu.memref_squeeze %dma_wait3A_467 : memref<1x128xi32, #tpu.memory_space<vmem>> -> memref<128xi32, #tpu.memory_space<vmem>>
        %dma_wait3A_469 = arith.constant 0 : i32
        %dma_wait3A_470 = arith.constant 0 : i32
        %dma_wait3A_471 = tpu.memref_slice %arg19[%dma_wait3A_469, %dma_wait3A_470] : memref<10008x16xf32, #tpu.memory_space<vmem_shared>> -> memref<10008x16xf32, #tpu.memory_space<vmem_shared>>
        tpu.wait_indirect_dma semaphore(%arg36 : memref<!tpu.dma_semaphore, #tpu.memory_space<semaphore_mem>>) src(%arg15 : memref<128x16xf32, #tpu.memory_space<vmem>>) dst(%dma_wait3A_471 : memref<10008x16xf32, #tpu.memory_space<vmem_shared>>)
      } else {
      }
      %add3A_211 = arith.constant 5 : i32
      %add3A_212 = arith.addi %add3A_189, %add3A_211 : i32
      %lt3A_213 = arith.cmpi slt, %add3A_212, %select_n3A_9 : i32
      %convert_element_type3A_214 = arith.extui %lt3A_213 : i1 to i32
      %cond3A_215 = arith.constant 0 : i32
      %cond3A_216 = arith.cmpi ne, %convert_element_type3A_214, %cond3A_215 : i32
      scf.if %cond3A_216 {
        %add3A_465 = arith.constant 5 : i32
        %add3A_466 = arith.addi %add3A_189, %add3A_465 : i32
        %dma_start3A_467 = arith.constant 0 : i32
        %dma_start3A_468 = tpu.memref_slice %arg7[%add3A_466, %dma_start3A_467] : memref<120x128xi32, #tpu.memory_space<vmem>> -> memref<1x128xi32, #tpu.memory_space<vmem>>
        %dma_start3A_469 = tpu.memref_squeeze %dma_start3A_468 : memref<1x128xi32, #tpu.memory_space<vmem>> -> memref<128xi32, #tpu.memory_space<vmem>>
        %dma_start3A_470 = arith.constant 0 : i32
        %dma_start3A_471 = arith.constant 0 : i32
        %dma_start3A_472 = tpu.memref_slice %arg4[%dma_start3A_470, %dma_start3A_471] : memref<10008x16xf32, #tpu.memory_space<hbm>> -> memref<10008x16xf32, #tpu.memory_space<hbm>>
        tpu.enqueue_indirect_dma source(%dma_start3A_472 : memref<10008x16xf32, #tpu.memory_space<hbm>>) target(%arg15 : memref<128x16xf32, #tpu.memory_space<vmem>>) offsets(%dma_start3A_469 : memref<128xi32, #tpu.memory_space<vmem>>) semaphore(%arg26 : memref<!tpu.dma_semaphore, #tpu.memory_space<semaphore_mem>>)
      } else {
      }
      %mul3A_217 = arith.constant 10 : i32
      %mul3A_218 = arith.muli %while3A_156, %mul3A_217 : i32
      %add3A_219 = arith.constant 2 : i32
      %add3A_220 = arith.addi %mul3A_218, %add3A_219 : i32
      %dma_wait3A_221 = arith.constant 0 : i32
      %dma_wait3A_222 = tpu.memref_slice %arg7[%add3A_220, %dma_wait3A_221] : memref<120x128xi32, #tpu.memory_space<vmem>> -> memref<1x128xi32, #tpu.memory_space<vmem>>
      %dma_wait3A_223 = tpu.memref_squeeze %dma_wait3A_222 : memref<1x128xi32, #tpu.memory_space<vmem>> -> memref<128xi32, #tpu.memory_space<vmem>>
      %dma_wait3A_224 = arith.constant 0 : i32
      %dma_wait3A_225 = arith.constant 0 : i32
      %dma_wait3A_226 = tpu.memref_slice %arg4[%dma_wait3A_224, %dma_wait3A_225] : memref<10008x16xf32, #tpu.memory_space<hbm>> -> memref<10008x16xf32, #tpu.memory_space<hbm>>
      tpu.wait_indirect_dma semaphore(%arg22 : memref<!tpu.dma_semaphore, #tpu.memory_space<semaphore_mem>>) src(%dma_wait3A_226 : memref<10008x16xf32, #tpu.memory_space<hbm>>) dst(%arg11 : memref<128x16xf32, #tpu.memory_space<vmem>>)
      %dma_start3A_227 = arith.constant 0 : i32
      %dma_start3A_228 = tpu.memref_slice %arg8[%add3A_220, %dma_start3A_227] : memref<120x128xi32, #tpu.memory_space<vmem>> -> memref<1x128xi32, #tpu.memory_space<vmem>>
      %dma_start3A_229 = tpu.memref_squeeze %dma_start3A_228 : memref<1x128xi32, #tpu.memory_space<vmem>> -> memref<128xi32, #tpu.memory_space<vmem>>
      %dma_start3A_230 = arith.constant 0 : i32
      %dma_start3A_231 = arith.constant 0 : i32
      %dma_start3A_232 = tpu.memref_slice %arg19[%dma_start3A_230, %dma_start3A_231] : memref<10008x16xf32, #tpu.memory_space<vmem_shared>> -> memref<10008x16xf32, #tpu.memory_space<vmem_shared>>
      tpu.enqueue_indirect_dma source(%arg11 : memref<128x16xf32, #tpu.memory_space<vmem>>) target(%dma_start3A_232 : memref<10008x16xf32, #tpu.memory_space<vmem_shared>>) offsets(%dma_start3A_229 : memref<128xi32, #tpu.memory_space<vmem>>) semaphore(%arg32 : memref<!tpu.dma_semaphore, #tpu.memory_space<semaphore_mem>>) {add = true}
      %ge3A_233 = arith.constant 5 : i32
      %ge3A_234 = arith.cmpi sge, %add3A_220, %ge3A_233 : i32
      %add3A_235 = arith.constant 5 : i32
      %add3A_236 = arith.addi %add3A_220, %add3A_235 : i32
      %lt3A_237 = arith.cmpi slt, %add3A_236, %select_n3A_9 : i32
      %and3A_238 = arith.andi %ge3A_234, %lt3A_237 : i1
      %convert_element_type3A_239 = arith.extui %and3A_238 : i1 to i32
      %cond3A_240 = arith.constant 0 : i32
      %cond3A_241 = arith.cmpi ne, %convert_element_type3A_239, %cond3A_240 : i32
      scf.if %cond3A_241 {
        %dma_wait3A_465 = arith.constant 0 : i32
        %dma_wait3A_466 = arith.constant 0 : i32
        %dma_wait3A_467 = tpu.memref_slice %arg8[%dma_wait3A_465, %dma_wait3A_466] : memref<120x128xi32, #tpu.memory_space<vmem>> -> memref<1x128xi32, #tpu.memory_space<vmem>>
        %dma_wait3A_468 = tpu.memref_squeeze %dma_wait3A_467 : memref<1x128xi32, #tpu.memory_space<vmem>> -> memref<128xi32, #tpu.memory_space<vmem>>
        %dma_wait3A_469 = arith.constant 0 : i32
        %dma_wait3A_470 = arith.constant 0 : i32
        %dma_wait3A_471 = tpu.memref_slice %arg19[%dma_wait3A_469, %dma_wait3A_470] : memref<10008x16xf32, #tpu.memory_space<vmem_shared>> -> memref<10008x16xf32, #tpu.memory_space<vmem_shared>>
        tpu.wait_indirect_dma semaphore(%arg37 : memref<!tpu.dma_semaphore, #tpu.memory_space<semaphore_mem>>) src(%arg16 : memref<128x16xf32, #tpu.memory_space<vmem>>) dst(%dma_wait3A_471 : memref<10008x16xf32, #tpu.memory_space<vmem_shared>>)
      } else {
      }
      %add3A_242 = arith.constant 5 : i32
      %add3A_243 = arith.addi %add3A_220, %add3A_242 : i32
      %lt3A_244 = arith.cmpi slt, %add3A_243, %select_n3A_9 : i32
      %convert_element_type3A_245 = arith.extui %lt3A_244 : i1 to i32
      %cond3A_246 = arith.constant 0 : i32
      %cond3A_247 = arith.cmpi ne, %convert_element_type3A_245, %cond3A_246 : i32
      scf.if %cond3A_247 {
        %add3A_465 = arith.constant 5 : i32
        %add3A_466 = arith.addi %add3A_220, %add3A_465 : i32
        %dma_start3A_467 = arith.constant 0 : i32
        %dma_start3A_468 = tpu.memref_slice %arg7[%add3A_466, %dma_start3A_467] : memref<120x128xi32, #tpu.memory_space<vmem>> -> memref<1x128xi32, #tpu.memory_space<vmem>>
        %dma_start3A_469 = tpu.memref_squeeze %dma_start3A_468 : memref<1x128xi32, #tpu.memory_space<vmem>> -> memref<128xi32, #tpu.memory_space<vmem>>
        %dma_start3A_470 = arith.constant 0 : i32
        %dma_start3A_471 = arith.constant 0 : i32
        %dma_start3A_472 = tpu.memref_slice %arg4[%dma_start3A_470, %dma_start3A_471] : memref<10008x16xf32, #tpu.memory_space<hbm>> -> memref<10008x16xf32, #tpu.memory_space<hbm>>
        tpu.enqueue_indirect_dma source(%dma_start3A_472 : memref<10008x16xf32, #tpu.memory_space<hbm>>) target(%arg16 : memref<128x16xf32, #tpu.memory_space<vmem>>) offsets(%dma_start3A_469 : memref<128xi32, #tpu.memory_space<vmem>>) semaphore(%arg27 : memref<!tpu.dma_semaphore, #tpu.memory_space<semaphore_mem>>)
      } else {
      }
      %mul3A_248 = arith.constant 10 : i32
      %mul3A_249 = arith.muli %while3A_156, %mul3A_248 : i32
      %add3A_250 = arith.constant 3 : i32
      %add3A_251 = arith.addi %mul3A_249, %add3A_250 : i32
      %dma_wait3A_252 = arith.constant 0 : i32
      %dma_wait3A_253 = tpu.memref_slice %arg7[%add3A_251, %dma_wait3A_252] : memref<120x128xi32, #tpu.memory_space<vmem>> -> memref<1x128xi32, #tpu.memory_space<vmem>>
      %dma_wait3A_254 = tpu.memref_squeeze %dma_wait3A_253 : memref<1x128xi32, #tpu.memory_space<vmem>> -> memref<128xi32, #tpu.memory_space<vmem>>
      %dma_wait3A_255 = arith.constant 0 : i32
      %dma_wait3A_256 = arith.constant 0 : i32
      %dma_wait3A_257 = tpu.memref_slice %arg4[%dma_wait3A_255, %dma_wait3A_256] : memref<10008x16xf32, #tpu.memory_space<hbm>> -> memref<10008x16xf32, #tpu.memory_space<hbm>>
      tpu.wait_indirect_dma semaphore(%arg23 : memref<!tpu.dma_semaphore, #tpu.memory_space<semaphore_mem>>) src(%dma_wait3A_257 : memref<10008x16xf32, #tpu.memory_space<hbm>>) dst(%arg12 : memref<128x16xf32, #tpu.memory_space<vmem>>)
      %dma_start3A_258 = arith.constant 0 : i32
      %dma_start3A_259 = tpu.memref_slice %arg8[%add3A_251, %dma_start3A_258] : memref<120x128xi32, #tpu.memory_space<vmem>> -> memref<1x128xi32, #tpu.memory_space<vmem>>
      %dma_start3A_260 = tpu.memref_squeeze %dma_start3A_259 : memref<1x128xi32, #tpu.memory_space<vmem>> -> memref<128xi32, #tpu.memory_space<vmem>>
      %dma_start3A_261 = arith.constant 0 : i32
      %dma_start3A_262 = arith.constant 0 : i32
      %dma_start3A_263 = tpu.memref_slice %arg19[%dma_start3A_261, %dma_start3A_262] : memref<10008x16xf32, #tpu.memory_space<vmem_shared>> -> memref<10008x16xf32, #tpu.memory_space<vmem_shared>>
      tpu.enqueue_indirect_dma source(%arg12 : memref<128x16xf32, #tpu.memory_space<vmem>>) target(%dma_start3A_263 : memref<10008x16xf32, #tpu.memory_space<vmem_shared>>) offsets(%dma_start3A_260 : memref<128xi32, #tpu.memory_space<vmem>>) semaphore(%arg33 : memref<!tpu.dma_semaphore, #tpu.memory_space<semaphore_mem>>) {add = true}
      %ge3A_264 = arith.constant 5 : i32
      %ge3A_265 = arith.cmpi sge, %add3A_251, %ge3A_264 : i32
      %add3A_266 = arith.constant 5 : i32
      %add3A_267 = arith.addi %add3A_251, %add3A_266 : i32
      %lt3A_268 = arith.cmpi slt, %add3A_267, %select_n3A_9 : i32
      %and3A_269 = arith.andi %ge3A_265, %lt3A_268 : i1
      %convert_element_type3A_270 = arith.extui %and3A_269 : i1 to i32
      %cond3A_271 = arith.constant 0 : i32
      %cond3A_272 = arith.cmpi ne, %convert_element_type3A_270, %cond3A_271 : i32
      scf.if %cond3A_272 {
        %dma_wait3A_465 = arith.constant 0 : i32
        %dma_wait3A_466 = arith.constant 0 : i32
        %dma_wait3A_467 = tpu.memref_slice %arg8[%dma_wait3A_465, %dma_wait3A_466] : memref<120x128xi32, #tpu.memory_space<vmem>> -> memref<1x128xi32, #tpu.memory_space<vmem>>
        %dma_wait3A_468 = tpu.memref_squeeze %dma_wait3A_467 : memref<1x128xi32, #tpu.memory_space<vmem>> -> memref<128xi32, #tpu.memory_space<vmem>>
        %dma_wait3A_469 = arith.constant 0 : i32
        %dma_wait3A_470 = arith.constant 0 : i32
        %dma_wait3A_471 = tpu.memref_slice %arg19[%dma_wait3A_469, %dma_wait3A_470] : memref<10008x16xf32, #tpu.memory_space<vmem_shared>> -> memref<10008x16xf32, #tpu.memory_space<vmem_shared>>
        tpu.wait_indirect_dma semaphore(%arg38 : memref<!tpu.dma_semaphore, #tpu.memory_space<semaphore_mem>>) src(%arg17 : memref<128x16xf32, #tpu.memory_space<vmem>>) dst(%dma_wait3A_471 : memref<10008x16xf32, #tpu.memory_space<vmem_shared>>)
      } else {
      }
      %add3A_273 = arith.constant 5 : i32
      %add3A_274 = arith.addi %add3A_251, %add3A_273 : i32
      %lt3A_275 = arith.cmpi slt, %add3A_274, %select_n3A_9 : i32
      %convert_element_type3A_276 = arith.extui %lt3A_275 : i1 to i32
      %cond3A_277 = arith.constant 0 : i32
      %cond3A_278 = arith.cmpi ne, %convert_element_type3A_276, %cond3A_277 : i32
      scf.if %cond3A_278 {
        %add3A_465 = arith.constant 5 : i32
        %add3A_466 = arith.addi %add3A_251, %add3A_465 : i32
        %dma_start3A_467 = arith.constant 0 : i32
        %dma_start3A_468 = tpu.memref_slice %arg7[%add3A_466, %dma_start3A_467] : memref<120x128xi32, #tpu.memory_space<vmem>> -> memref<1x128xi32, #tpu.memory_space<vmem>>
        %dma_start3A_469 = tpu.memref_squeeze %dma_start3A_468 : memref<1x128xi32, #tpu.memory_space<vmem>> -> memref<128xi32, #tpu.memory_space<vmem>>
        %dma_start3A_470 = arith.constant 0 : i32
        %dma_start3A_471 = arith.constant 0 : i32
        %dma_start3A_472 = tpu.memref_slice %arg4[%dma_start3A_470, %dma_start3A_471] : memref<10008x16xf32, #tpu.memory_space<hbm>> -> memref<10008x16xf32, #tpu.memory_space<hbm>>
        tpu.enqueue_indirect_dma source(%dma_start3A_472 : memref<10008x16xf32, #tpu.memory_space<hbm>>) target(%arg17 : memref<128x16xf32, #tpu.memory_space<vmem>>) offsets(%dma_start3A_469 : memref<128xi32, #tpu.memory_space<vmem>>) semaphore(%arg28 : memref<!tpu.dma_semaphore, #tpu.memory_space<semaphore_mem>>)
      } else {
      }
      %mul3A_279 = arith.constant 10 : i32
      %mul3A_280 = arith.muli %while3A_156, %mul3A_279 : i32
      %add3A_281 = arith.constant 4 : i32
      %add3A_282 = arith.addi %mul3A_280, %add3A_281 : i32
      %dma_wait3A_283 = arith.constant 0 : i32
      %dma_wait3A_284 = tpu.memref_slice %arg7[%add3A_282, %dma_wait3A_283] : memref<120x128xi32, #tpu.memory_space<vmem>> -> memref<1x128xi32, #tpu.memory_space<vmem>>
      %dma_wait3A_285 = tpu.memref_squeeze %dma_wait3A_284 : memref<1x128xi32, #tpu.memory_space<vmem>> -> memref<128xi32, #tpu.memory_space<vmem>>
      %dma_wait3A_286 = arith.constant 0 : i32
      %dma_wait3A_287 = arith.constant 0 : i32
      %dma_wait3A_288 = tpu.memref_slice %arg4[%dma_wait3A_286, %dma_wait3A_287] : memref<10008x16xf32, #tpu.memory_space<hbm>> -> memref<10008x16xf32, #tpu.memory_space<hbm>>
      tpu.wait_indirect_dma semaphore(%arg24 : memref<!tpu.dma_semaphore, #tpu.memory_space<semaphore_mem>>) src(%dma_wait3A_288 : memref<10008x16xf32, #tpu.memory_space<hbm>>) dst(%arg13 : memref<128x16xf32, #tpu.memory_space<vmem>>)
      %dma_start3A_289 = arith.constant 0 : i32
      %dma_start3A_290 = tpu.memref_slice %arg8[%add3A_282, %dma_start3A_289] : memref<120x128xi32, #tpu.memory_space<vmem>> -> memref<1x128xi32, #tpu.memory_space<vmem>>
      %dma_start3A_291 = tpu.memref_squeeze %dma_start3A_290 : memref<1x128xi32, #tpu.memory_space<vmem>> -> memref<128xi32, #tpu.memory_space<vmem>>
      %dma_start3A_292 = arith.constant 0 : i32
      %dma_start3A_293 = arith.constant 0 : i32
      %dma_start3A_294 = tpu.memref_slice %arg19[%dma_start3A_292, %dma_start3A_293] : memref<10008x16xf32, #tpu.memory_space<vmem_shared>> -> memref<10008x16xf32, #tpu.memory_space<vmem_shared>>
      tpu.enqueue_indirect_dma source(%arg13 : memref<128x16xf32, #tpu.memory_space<vmem>>) target(%dma_start3A_294 : memref<10008x16xf32, #tpu.memory_space<vmem_shared>>) offsets(%dma_start3A_291 : memref<128xi32, #tpu.memory_space<vmem>>) semaphore(%arg34 : memref<!tpu.dma_semaphore, #tpu.memory_space<semaphore_mem>>) {add = true}
      %ge3A_295 = arith.constant 5 : i32
      %ge3A_296 = arith.cmpi sge, %add3A_282, %ge3A_295 : i32
      %add3A_297 = arith.constant 5 : i32
      %add3A_298 = arith.addi %add3A_282, %add3A_297 : i32
      %lt3A_299 = arith.cmpi slt, %add3A_298, %select_n3A_9 : i32
      %and3A_300 = arith.andi %ge3A_296, %lt3A_299 : i1
      %convert_element_type3A_301 = arith.extui %and3A_300 : i1 to i32
      %cond3A_302 = arith.constant 0 : i32
      %cond3A_303 = arith.cmpi ne, %convert_element_type3A_301, %cond3A_302 : i32
      scf.if %cond3A_303 {
        %dma_wait3A_465 = arith.constant 0 : i32
        %dma_wait3A_466 = arith.constant 0 : i32
        %dma_wait3A_467 = tpu.memref_slice %arg8[%dma_wait3A_465, %dma_wait3A_466] : memref<120x128xi32, #tpu.memory_space<vmem>> -> memref<1x128xi32, #tpu.memory_space<vmem>>
        %dma_wait3A_468 = tpu.memref_squeeze %dma_wait3A_467 : memref<1x128xi32, #tpu.memory_space<vmem>> -> memref<128xi32, #tpu.memory_space<vmem>>
        %dma_wait3A_469 = arith.constant 0 : i32
        %dma_wait3A_470 = arith.constant 0 : i32
        %dma_wait3A_471 = tpu.memref_slice %arg19[%dma_wait3A_469, %dma_wait3A_470] : memref<10008x16xf32, #tpu.memory_space<vmem_shared>> -> memref<10008x16xf32, #tpu.memory_space<vmem_shared>>
        tpu.wait_indirect_dma semaphore(%arg39 : memref<!tpu.dma_semaphore, #tpu.memory_space<semaphore_mem>>) src(%arg18 : memref<128x16xf32, #tpu.memory_space<vmem>>) dst(%dma_wait3A_471 : memref<10008x16xf32, #tpu.memory_space<vmem_shared>>)
      } else {
      }
      %add3A_304 = arith.constant 5 : i32
      %add3A_305 = arith.addi %add3A_282, %add3A_304 : i32
      %lt3A_306 = arith.cmpi slt, %add3A_305, %select_n3A_9 : i32
      %convert_element_type3A_307 = arith.extui %lt3A_306 : i1 to i32
      %cond3A_308 = arith.constant 0 : i32
      %cond3A_309 = arith.cmpi ne, %convert_element_type3A_307, %cond3A_308 : i32
      scf.if %cond3A_309 {
        %add3A_465 = arith.constant 5 : i32
        %add3A_466 = arith.addi %add3A_282, %add3A_465 : i32
        %dma_start3A_467 = arith.constant 0 : i32
        %dma_start3A_468 = tpu.memref_slice %arg7[%add3A_466, %dma_start3A_467] : memref<120x128xi32, #tpu.memory_space<vmem>> -> memref<1x128xi32, #tpu.memory_space<vmem>>
        %dma_start3A_469 = tpu.memref_squeeze %dma_start3A_468 : memref<1x128xi32, #tpu.memory_space<vmem>> -> memref<128xi32, #tpu.memory_space<vmem>>
        %dma_start3A_470 = arith.constant 0 : i32
        %dma_start3A_471 = arith.constant 0 : i32
        %dma_start3A_472 = tpu.memref_slice %arg4[%dma_start3A_470, %dma_start3A_471] : memref<10008x16xf32, #tpu.memory_space<hbm>> -> memref<10008x16xf32, #tpu.memory_space<hbm>>
        tpu.enqueue_indirect_dma source(%dma_start3A_472 : memref<10008x16xf32, #tpu.memory_space<hbm>>) target(%arg18 : memref<128x16xf32, #tpu.memory_space<vmem>>) offsets(%dma_start3A_469 : memref<128xi32, #tpu.memory_space<vmem>>) semaphore(%arg29 : memref<!tpu.dma_semaphore, #tpu.memory_space<semaphore_mem>>)
      } else {
      }
      %mul3A_310 = arith.constant 10 : i32
      %mul3A_311 = arith.muli %while3A_156, %mul3A_310 : i32
      %add3A_312 = arith.constant 5 : i32
      %add3A_313 = arith.addi %mul3A_311, %add3A_312 : i32
      %dma_wait3A_314 = arith.constant 0 : i32
      %dma_wait3A_315 = tpu.memref_slice %arg7[%add3A_313, %dma_wait3A_314] : memref<120x128xi32, #tpu.memory_space<vmem>> -> memref<1x128xi32, #tpu.memory_space<vmem>>
      %dma_wait3A_316 = tpu.memref_squeeze %dma_wait3A_315 : memref<1x128xi32, #tpu.memory_space<vmem>> -> memref<128xi32, #tpu.memory_space<vmem>>
      %dma_wait3A_317 = arith.constant 0 : i32
      %dma_wait3A_318 = arith.constant 0 : i32
      %dma_wait3A_319 = tpu.memref_slice %arg4[%dma_wait3A_317, %dma_wait3A_318] : memref<10008x16xf32, #tpu.memory_space<hbm>> -> memref<10008x16xf32, #tpu.memory_space<hbm>>
      tpu.wait_indirect_dma semaphore(%arg25 : memref<!tpu.dma_semaphore, #tpu.memory_space<semaphore_mem>>) src(%dma_wait3A_319 : memref<10008x16xf32, #tpu.memory_space<hbm>>) dst(%arg14 : memref<128x16xf32, #tpu.memory_space<vmem>>)
      %dma_start3A_320 = arith.constant 0 : i32
      %dma_start3A_321 = tpu.memref_slice %arg8[%add3A_313, %dma_start3A_320] : memref<120x128xi32, #tpu.memory_space<vmem>> -> memref<1x128xi32, #tpu.memory_space<vmem>>
      %dma_start3A_322 = tpu.memref_squeeze %dma_start3A_321 : memref<1x128xi32, #tpu.memory_space<vmem>> -> memref<128xi32, #tpu.memory_space<vmem>>
      %dma_start3A_323 = arith.constant 0 : i32
      %dma_start3A_324 = arith.constant 0 : i32
      %dma_start3A_325 = tpu.memref_slice %arg19[%dma_start3A_323, %dma_start3A_324] : memref<10008x16xf32, #tpu.memory_space<vmem_shared>> -> memref<10008x16xf32, #tpu.memory_space<vmem_shared>>
      tpu.enqueue_indirect_dma source(%arg14 : memref<128x16xf32, #tpu.memory_space<vmem>>) target(%dma_start3A_325 : memref<10008x16xf32, #tpu.memory_space<vmem_shared>>) offsets(%dma_start3A_322 : memref<128xi32, #tpu.memory_space<vmem>>) semaphore(%arg35 : memref<!tpu.dma_semaphore, #tpu.memory_space<semaphore_mem>>) {add = true}
      %ge3A_326 = arith.constant 5 : i32
      %ge3A_327 = arith.cmpi sge, %add3A_313, %ge3A_326 : i32
      %add3A_328 = arith.constant 5 : i32
      %add3A_329 = arith.addi %add3A_313, %add3A_328 : i32
      %lt3A_330 = arith.cmpi slt, %add3A_329, %select_n3A_9 : i32
      %and3A_331 = arith.andi %ge3A_327, %lt3A_330 : i1
      %convert_element_type3A_332 = arith.extui %and3A_331 : i1 to i32
      %cond3A_333 = arith.constant 0 : i32
      %cond3A_334 = arith.cmpi ne, %convert_element_type3A_332, %cond3A_333 : i32
      scf.if %cond3A_334 {
        %dma_wait3A_465 = arith.constant 0 : i32
        %dma_wait3A_466 = arith.constant 0 : i32
        %dma_wait3A_467 = tpu.memref_slice %arg8[%dma_wait3A_465, %dma_wait3A_466] : memref<120x128xi32, #tpu.memory_space<vmem>> -> memref<1x128xi32, #tpu.memory_space<vmem>>
        %dma_wait3A_468 = tpu.memref_squeeze %dma_wait3A_467 : memref<1x128xi32, #tpu.memory_space<vmem>> -> memref<128xi32, #tpu.memory_space<vmem>>
        %dma_wait3A_469 = arith.constant 0 : i32
        %dma_wait3A_470 = arith.constant 0 : i32
        %dma_wait3A_471 = tpu.memref_slice %arg19[%dma_wait3A_469, %dma_wait3A_470] : memref<10008x16xf32, #tpu.memory_space<vmem_shared>> -> memref<10008x16xf32, #tpu.memory_space<vmem_shared>>
        tpu.wait_indirect_dma semaphore(%arg30 : memref<!tpu.dma_semaphore, #tpu.memory_space<semaphore_mem>>) src(%arg9 : memref<128x16xf32, #tpu.memory_space<vmem>>) dst(%dma_wait3A_471 : memref<10008x16xf32, #tpu.memory_space<vmem_shared>>)
      } else {
      }
      %add3A_335 = arith.constant 5 : i32
      %add3A_336 = arith.addi %add3A_313, %add3A_335 : i32
      %lt3A_337 = arith.cmpi slt, %add3A_336, %select_n3A_9 : i32
      %convert_element_type3A_338 = arith.extui %lt3A_337 : i1 to i32
      %cond3A_339 = arith.constant 0 : i32
      %cond3A_340 = arith.cmpi ne, %convert_element_type3A_338, %cond3A_339 : i32
      scf.if %cond3A_340 {
        %add3A_465 = arith.constant 5 : i32
        %add3A_466 = arith.addi %add3A_313, %add3A_465 : i32
        %dma_start3A_467 = arith.constant 0 : i32
        %dma_start3A_468 = tpu.memref_slice %arg7[%add3A_466, %dma_start3A_467] : memref<120x128xi32, #tpu.memory_space<vmem>> -> memref<1x128xi32, #tpu.memory_space<vmem>>
        %dma_start3A_469 = tpu.memref_squeeze %dma_start3A_468 : memref<1x128xi32, #tpu.memory_space<vmem>> -> memref<128xi32, #tpu.memory_space<vmem>>
        %dma_start3A_470 = arith.constant 0 : i32
        %dma_start3A_471 = arith.constant 0 : i32
        %dma_start3A_472 = tpu.memref_slice %arg4[%dma_start3A_470, %dma_start3A_471] : memref<10008x16xf32, #tpu.memory_space<hbm>> -> memref<10008x16xf32, #tpu.memory_space<hbm>>
        tpu.enqueue_indirect_dma source(%dma_start3A_472 : memref<10008x16xf32, #tpu.memory_space<hbm>>) target(%arg9 : memref<128x16xf32, #tpu.memory_space<vmem>>) offsets(%dma_start3A_469 : memref<128xi32, #tpu.memory_space<vmem>>) semaphore(%arg20 : memref<!tpu.dma_semaphore, #tpu.memory_space<semaphore_mem>>)
      } else {
      }
      %mul3A_341 = arith.constant 10 : i32
      %mul3A_342 = arith.muli %while3A_156, %mul3A_341 : i32
      %add3A_343 = arith.constant 6 : i32
      %add3A_344 = arith.addi %mul3A_342, %add3A_343 : i32
      %dma_wait3A_345 = arith.constant 0 : i32
      %dma_wait3A_346 = tpu.memref_slice %arg7[%add3A_344, %dma_wait3A_345] : memref<120x128xi32, #tpu.memory_space<vmem>> -> memref<1x128xi32, #tpu.memory_space<vmem>>
      %dma_wait3A_347 = tpu.memref_squeeze %dma_wait3A_346 : memref<1x128xi32, #tpu.memory_space<vmem>> -> memref<128xi32, #tpu.memory_space<vmem>>
      %dma_wait3A_348 = arith.constant 0 : i32
      %dma_wait3A_349 = arith.constant 0 : i32
      %dma_wait3A_350 = tpu.memref_slice %arg4[%dma_wait3A_348, %dma_wait3A_349] : memref<10008x16xf32, #tpu.memory_space<hbm>> -> memref<10008x16xf32, #tpu.memory_space<hbm>>
      tpu.wait_indirect_dma semaphore(%arg26 : memref<!tpu.dma_semaphore, #tpu.memory_space<semaphore_mem>>) src(%dma_wait3A_350 : memref<10008x16xf32, #tpu.memory_space<hbm>>) dst(%arg15 : memref<128x16xf32, #tpu.memory_space<vmem>>)
      %dma_start3A_351 = arith.constant 0 : i32
      %dma_start3A_352 = tpu.memref_slice %arg8[%add3A_344, %dma_start3A_351] : memref<120x128xi32, #tpu.memory_space<vmem>> -> memref<1x128xi32, #tpu.memory_space<vmem>>
      %dma_start3A_353 = tpu.memref_squeeze %dma_start3A_352 : memref<1x128xi32, #tpu.memory_space<vmem>> -> memref<128xi32, #tpu.memory_space<vmem>>
      %dma_start3A_354 = arith.constant 0 : i32
      %dma_start3A_355 = arith.constant 0 : i32
      %dma_start3A_356 = tpu.memref_slice %arg19[%dma_start3A_354, %dma_start3A_355] : memref<10008x16xf32, #tpu.memory_space<vmem_shared>> -> memref<10008x16xf32, #tpu.memory_space<vmem_shared>>
      tpu.enqueue_indirect_dma source(%arg15 : memref<128x16xf32, #tpu.memory_space<vmem>>) target(%dma_start3A_356 : memref<10008x16xf32, #tpu.memory_space<vmem_shared>>) offsets(%dma_start3A_353 : memref<128xi32, #tpu.memory_space<vmem>>) semaphore(%arg36 : memref<!tpu.dma_semaphore, #tpu.memory_space<semaphore_mem>>) {add = true}
      %ge3A_357 = arith.constant 5 : i32
      %ge3A_358 = arith.cmpi sge, %add3A_344, %ge3A_357 : i32
      %add3A_359 = arith.constant 5 : i32
      %add3A_360 = arith.addi %add3A_344, %add3A_359 : i32
      %lt3A_361 = arith.cmpi slt, %add3A_360, %select_n3A_9 : i32
      %and3A_362 = arith.andi %ge3A_358, %lt3A_361 : i1
      %convert_element_type3A_363 = arith.extui %and3A_362 : i1 to i32
      %cond3A_364 = arith.constant 0 : i32
      %cond3A_365 = arith.cmpi ne, %convert_element_type3A_363, %cond3A_364 : i32
      scf.if %cond3A_365 {
        %dma_wait3A_465 = arith.constant 0 : i32
        %dma_wait3A_466 = arith.constant 0 : i32
        %dma_wait3A_467 = tpu.memref_slice %arg8[%dma_wait3A_465, %dma_wait3A_466] : memref<120x128xi32, #tpu.memory_space<vmem>> -> memref<1x128xi32, #tpu.memory_space<vmem>>
        %dma_wait3A_468 = tpu.memref_squeeze %dma_wait3A_467 : memref<1x128xi32, #tpu.memory_space<vmem>> -> memref<128xi32, #tpu.memory_space<vmem>>
        %dma_wait3A_469 = arith.constant 0 : i32
        %dma_wait3A_470 = arith.constant 0 : i32
        %dma_wait3A_471 = tpu.memref_slice %arg19[%dma_wait3A_469, %dma_wait3A_470] : memref<10008x16xf32, #tpu.memory_space<vmem_shared>> -> memref<10008x16xf32, #tpu.memory_space<vmem_shared>>
        tpu.wait_indirect_dma semaphore(%arg31 : memref<!tpu.dma_semaphore, #tpu.memory_space<semaphore_mem>>) src(%arg10 : memref<128x16xf32, #tpu.memory_space<vmem>>) dst(%dma_wait3A_471 : memref<10008x16xf32, #tpu.memory_space<vmem_shared>>)
      } else {
      }
      %add3A_366 = arith.constant 5 : i32
      %add3A_367 = arith.addi %add3A_344, %add3A_366 : i32
      %lt3A_368 = arith.cmpi slt, %add3A_367, %select_n3A_9 : i32
      %convert_element_type3A_369 = arith.extui %lt3A_368 : i1 to i32
      %cond3A_370 = arith.constant 0 : i32
      %cond3A_371 = arith.cmpi ne, %convert_element_type3A_369, %cond3A_370 : i32
      scf.if %cond3A_371 {
        %add3A_465 = arith.constant 5 : i32
        %add3A_466 = arith.addi %add3A_344, %add3A_465 : i32
        %dma_start3A_467 = arith.constant 0 : i32
        %dma_start3A_468 = tpu.memref_slice %arg7[%add3A_466, %dma_start3A_467] : memref<120x128xi32, #tpu.memory_space<vmem>> -> memref<1x128xi32, #tpu.memory_space<vmem>>
        %dma_start3A_469 = tpu.memref_squeeze %dma_start3A_468 : memref<1x128xi32, #tpu.memory_space<vmem>> -> memref<128xi32, #tpu.memory_space<vmem>>
        %dma_start3A_470 = arith.constant 0 : i32
        %dma_start3A_471 = arith.constant 0 : i32
        %dma_start3A_472 = tpu.memref_slice %arg4[%dma_start3A_470, %dma_start3A_471] : memref<10008x16xf32, #tpu.memory_space<hbm>> -> memref<10008x16xf32, #tpu.memory_space<hbm>>
        tpu.enqueue_indirect_dma source(%dma_start3A_472 : memref<10008x16xf32, #tpu.memory_space<hbm>>) target(%arg10 : memref<128x16xf32, #tpu.memory_space<vmem>>) offsets(%dma_start3A_469 : memref<128xi32, #tpu.memory_space<vmem>>) semaphore(%arg21 : memref<!tpu.dma_semaphore, #tpu.memory_space<semaphore_mem>>)
      } else {
      }
      %mul3A_372 = arith.constant 10 : i32
      %mul3A_373 = arith.muli %while3A_156, %mul3A_372 : i32
      %add3A_374 = arith.constant 7 : i32
      %add3A_375 = arith.addi %mul3A_373, %add3A_374 : i32
      %dma_wait3A_376 = arith.constant 0 : i32
      %dma_wait3A_377 = tpu.memref_slice %arg7[%add3A_375, %dma_wait3A_376] : memref<120x128xi32, #tpu.memory_space<vmem>> -> memref<1x128xi32, #tpu.memory_space<vmem>>
      %dma_wait3A_378 = tpu.memref_squeeze %dma_wait3A_377 : memref<1x128xi32, #tpu.memory_space<vmem>> -> memref<128xi32, #tpu.memory_space<vmem>>
      %dma_wait3A_379 = arith.constant 0 : i32
      %dma_wait3A_380 = arith.constant 0 : i32
      %dma_wait3A_381 = tpu.memref_slice %arg4[%dma_wait3A_379, %dma_wait3A_380] : memref<10008x16xf32, #tpu.memory_space<hbm>> -> memref<10008x16xf32, #tpu.memory_space<hbm>>
      tpu.wait_indirect_dma semaphore(%arg27 : memref<!tpu.dma_semaphore, #tpu.memory_space<semaphore_mem>>) src(%dma_wait3A_381 : memref<10008x16xf32, #tpu.memory_space<hbm>>) dst(%arg16 : memref<128x16xf32, #tpu.memory_space<vmem>>)
      %dma_start3A_382 = arith.constant 0 : i32
      %dma_start3A_383 = tpu.memref_slice %arg8[%add3A_375, %dma_start3A_382] : memref<120x128xi32, #tpu.memory_space<vmem>> -> memref<1x128xi32, #tpu.memory_space<vmem>>
      %dma_start3A_384 = tpu.memref_squeeze %dma_start3A_383 : memref<1x128xi32, #tpu.memory_space<vmem>> -> memref<128xi32, #tpu.memory_space<vmem>>
      %dma_start3A_385 = arith.constant 0 : i32
      %dma_start3A_386 = arith.constant 0 : i32
      %dma_start3A_387 = tpu.memref_slice %arg19[%dma_start3A_385, %dma_start3A_386] : memref<10008x16xf32, #tpu.memory_space<vmem_shared>> -> memref<10008x16xf32, #tpu.memory_space<vmem_shared>>
      tpu.enqueue_indirect_dma source(%arg16 : memref<128x16xf32, #tpu.memory_space<vmem>>) target(%dma_start3A_387 : memref<10008x16xf32, #tpu.memory_space<vmem_shared>>) offsets(%dma_start3A_384 : memref<128xi32, #tpu.memory_space<vmem>>) semaphore(%arg37 : memref<!tpu.dma_semaphore, #tpu.memory_space<semaphore_mem>>) {add = true}
      %ge3A_388 = arith.constant 5 : i32
      %ge3A_389 = arith.cmpi sge, %add3A_375, %ge3A_388 : i32
      %add3A_390 = arith.constant 5 : i32
      %add3A_391 = arith.addi %add3A_375, %add3A_390 : i32
      %lt3A_392 = arith.cmpi slt, %add3A_391, %select_n3A_9 : i32
      %and3A_393 = arith.andi %ge3A_389, %lt3A_392 : i1
      %convert_element_type3A_394 = arith.extui %and3A_393 : i1 to i32
      %cond3A_395 = arith.constant 0 : i32
      %cond3A_396 = arith.cmpi ne, %convert_element_type3A_394, %cond3A_395 : i32
      scf.if %cond3A_396 {
        %dma_wait3A_465 = arith.constant 0 : i32
        %dma_wait3A_466 = arith.constant 0 : i32
        %dma_wait3A_467 = tpu.memref_slice %arg8[%dma_wait3A_465, %dma_wait3A_466] : memref<120x128xi32, #tpu.memory_space<vmem>> -> memref<1x128xi32, #tpu.memory_space<vmem>>
        %dma_wait3A_468 = tpu.memref_squeeze %dma_wait3A_467 : memref<1x128xi32, #tpu.memory_space<vmem>> -> memref<128xi32, #tpu.memory_space<vmem>>
        %dma_wait3A_469 = arith.constant 0 : i32
        %dma_wait3A_470 = arith.constant 0 : i32
        %dma_wait3A_471 = tpu.memref_slice %arg19[%dma_wait3A_469, %dma_wait3A_470] : memref<10008x16xf32, #tpu.memory_space<vmem_shared>> -> memref<10008x16xf32, #tpu.memory_space<vmem_shared>>
        tpu.wait_indirect_dma semaphore(%arg32 : memref<!tpu.dma_semaphore, #tpu.memory_space<semaphore_mem>>) src(%arg11 : memref<128x16xf32, #tpu.memory_space<vmem>>) dst(%dma_wait3A_471 : memref<10008x16xf32, #tpu.memory_space<vmem_shared>>)
      } else {
      }
      %add3A_397 = arith.constant 5 : i32
      %add3A_398 = arith.addi %add3A_375, %add3A_397 : i32
      %lt3A_399 = arith.cmpi slt, %add3A_398, %select_n3A_9 : i32
      %convert_element_type3A_400 = arith.extui %lt3A_399 : i1 to i32
      %cond3A_401 = arith.constant 0 : i32
      %cond3A_402 = arith.cmpi ne, %convert_element_type3A_400, %cond3A_401 : i32
      scf.if %cond3A_402 {
        %add3A_465 = arith.constant 5 : i32
        %add3A_466 = arith.addi %add3A_375, %add3A_465 : i32
        %dma_start3A_467 = arith.constant 0 : i32
        %dma_start3A_468 = tpu.memref_slice %arg7[%add3A_466, %dma_start3A_467] : memref<120x128xi32, #tpu.memory_space<vmem>> -> memref<1x128xi32, #tpu.memory_space<vmem>>
        %dma_start3A_469 = tpu.memref_squeeze %dma_start3A_468 : memref<1x128xi32, #tpu.memory_space<vmem>> -> memref<128xi32, #tpu.memory_space<vmem>>
        %dma_start3A_470 = arith.constant 0 : i32
        %dma_start3A_471 = arith.constant 0 : i32
        %dma_start3A_472 = tpu.memref_slice %arg4[%dma_start3A_470, %dma_start3A_471] : memref<10008x16xf32, #tpu.memory_space<hbm>> -> memref<10008x16xf32, #tpu.memory_space<hbm>>
        tpu.enqueue_indirect_dma source(%dma_start3A_472 : memref<10008x16xf32, #tpu.memory_space<hbm>>) target(%arg11 : memref<128x16xf32, #tpu.memory_space<vmem>>) offsets(%dma_start3A_469 : memref<128xi32, #tpu.memory_space<vmem>>) semaphore(%arg22 : memref<!tpu.dma_semaphore, #tpu.memory_space<semaphore_mem>>)
      } else {
      }
      %mul3A_403 = arith.constant 10 : i32
      %mul3A_404 = arith.muli %while3A_156, %mul3A_403 : i32
      %add3A_405 = arith.constant 8 : i32
      %add3A_406 = arith.addi %mul3A_404, %add3A_405 : i32
      %dma_wait3A_407 = arith.constant 0 : i32
      %dma_wait3A_408 = tpu.memref_slice %arg7[%add3A_406, %dma_wait3A_407] : memref<120x128xi32, #tpu.memory_space<vmem>> -> memref<1x128xi32, #tpu.memory_space<vmem>>
      %dma_wait3A_409 = tpu.memref_squeeze %dma_wait3A_408 : memref<1x128xi32, #tpu.memory_space<vmem>> -> memref<128xi32, #tpu.memory_space<vmem>>
      %dma_wait3A_410 = arith.constant 0 : i32
      %dma_wait3A_411 = arith.constant 0 : i32
      %dma_wait3A_412 = tpu.memref_slice %arg4[%dma_wait3A_410, %dma_wait3A_411] : memref<10008x16xf32, #tpu.memory_space<hbm>> -> memref<10008x16xf32, #tpu.memory_space<hbm>>
      tpu.wait_indirect_dma semaphore(%arg28 : memref<!tpu.dma_semaphore, #tpu.memory_space<semaphore_mem>>) src(%dma_wait3A_412 : memref<10008x16xf32, #tpu.memory_space<hbm>>) dst(%arg17 : memref<128x16xf32, #tpu.memory_space<vmem>>)
      %dma_start3A_413 = arith.constant 0 : i32
      %dma_start3A_414 = tpu.memref_slice %arg8[%add3A_406, %dma_start3A_413] : memref<120x128xi32, #tpu.memory_space<vmem>> -> memref<1x128xi32, #tpu.memory_space<vmem>>
      %dma_start3A_415 = tpu.memref_squeeze %dma_start3A_414 : memref<1x128xi32, #tpu.memory_space<vmem>> -> memref<128xi32, #tpu.memory_space<vmem>>
      %dma_start3A_416 = arith.constant 0 : i32
      %dma_start3A_417 = arith.constant 0 : i32
      %dma_start3A_418 = tpu.memref_slice %arg19[%dma_start3A_416, %dma_start3A_417] : memref<10008x16xf32, #tpu.memory_space<vmem_shared>> -> memref<10008x16xf32, #tpu.memory_space<vmem_shared>>
      tpu.enqueue_indirect_dma source(%arg17 : memref<128x16xf32, #tpu.memory_space<vmem>>) target(%dma_start3A_418 : memref<10008x16xf32, #tpu.memory_space<vmem_shared>>) offsets(%dma_start3A_415 : memref<128xi32, #tpu.memory_space<vmem>>) semaphore(%arg38 : memref<!tpu.dma_semaphore, #tpu.memory_space<semaphore_mem>>) {add = true}
      %ge3A_419 = arith.constant 5 : i32
      %ge3A_420 = arith.cmpi sge, %add3A_406, %ge3A_419 : i32
      %add3A_421 = arith.constant 5 : i32
      %add3A_422 = arith.addi %add3A_406, %add3A_421 : i32
      %lt3A_423 = arith.cmpi slt, %add3A_422, %select_n3A_9 : i32
      %and3A_424 = arith.andi %ge3A_420, %lt3A_423 : i1
      %convert_element_type3A_425 = arith.extui %and3A_424 : i1 to i32
      %cond3A_426 = arith.constant 0 : i32
      %cond3A_427 = arith.cmpi ne, %convert_element_type3A_425, %cond3A_426 : i32
      scf.if %cond3A_427 {
        %dma_wait3A_465 = arith.constant 0 : i32
        %dma_wait3A_466 = arith.constant 0 : i32
        %dma_wait3A_467 = tpu.memref_slice %arg8[%dma_wait3A_465, %dma_wait3A_466] : memref<120x128xi32, #tpu.memory_space<vmem>> -> memref<1x128xi32, #tpu.memory_space<vmem>>
        %dma_wait3A_468 = tpu.memref_squeeze %dma_wait3A_467 : memref<1x128xi32, #tpu.memory_space<vmem>> -> memref<128xi32, #tpu.memory_space<vmem>>
        %dma_wait3A_469 = arith.constant 0 : i32
        %dma_wait3A_470 = arith.constant 0 : i32
        %dma_wait3A_471 = tpu.memref_slice %arg19[%dma_wait3A_469, %dma_wait3A_470] : memref<10008x16xf32, #tpu.memory_space<vmem_shared>> -> memref<10008x16xf32, #tpu.memory_space<vmem_shared>>
        tpu.wait_indirect_dma semaphore(%arg33 : memref<!tpu.dma_semaphore, #tpu.memory_space<semaphore_mem>>) src(%arg12 : memref<128x16xf32, #tpu.memory_space<vmem>>) dst(%dma_wait3A_471 : memref<10008x16xf32, #tpu.memory_space<vmem_shared>>)
      } else {
      }
      %add3A_428 = arith.constant 5 : i32
      %add3A_429 = arith.addi %add3A_406, %add3A_428 : i32
      %lt3A_430 = arith.cmpi slt, %add3A_429, %select_n3A_9 : i32
      %convert_element_type3A_431 = arith.extui %lt3A_430 : i1 to i32
      %cond3A_432 = arith.constant 0 : i32
      %cond3A_433 = arith.cmpi ne, %convert_element_type3A_431, %cond3A_432 : i32
      scf.if %cond3A_433 {
        %add3A_465 = arith.constant 5 : i32
        %add3A_466 = arith.addi %add3A_406, %add3A_465 : i32
        %dma_start3A_467 = arith.constant 0 : i32
        %dma_start3A_468 = tpu.memref_slice %arg7[%add3A_466, %dma_start3A_467] : memref<120x128xi32, #tpu.memory_space<vmem>> -> memref<1x128xi32, #tpu.memory_space<vmem>>
        %dma_start3A_469 = tpu.memref_squeeze %dma_start3A_468 : memref<1x128xi32, #tpu.memory_space<vmem>> -> memref<128xi32, #tpu.memory_space<vmem>>
        %dma_start3A_470 = arith.constant 0 : i32
        %dma_start3A_471 = arith.constant 0 : i32
        %dma_start3A_472 = tpu.memref_slice %arg4[%dma_start3A_470, %dma_start3A_471] : memref<10008x16xf32, #tpu.memory_space<hbm>> -> memref<10008x16xf32, #tpu.memory_space<hbm>>
        tpu.enqueue_indirect_dma source(%dma_start3A_472 : memref<10008x16xf32, #tpu.memory_space<hbm>>) target(%arg12 : memref<128x16xf32, #tpu.memory_space<vmem>>) offsets(%dma_start3A_469 : memref<128xi32, #tpu.memory_space<vmem>>) semaphore(%arg23 : memref<!tpu.dma_semaphore, #tpu.memory_space<semaphore_mem>>)
      } else {
      }
      %mul3A_434 = arith.constant 10 : i32
      %mul3A_435 = arith.muli %while3A_156, %mul3A_434 : i32
      %add3A_436 = arith.constant 9 : i32
      %add3A_437 = arith.addi %mul3A_435, %add3A_436 : i32
      %dma_wait3A_438 = arith.constant 0 : i32
      %dma_wait3A_439 = tpu.memref_slice %arg7[%add3A_437, %dma_wait3A_438] : memref<120x128xi32, #tpu.memory_space<vmem>> -> memref<1x128xi32, #tpu.memory_space<vmem>>
      %dma_wait3A_440 = tpu.memref_squeeze %dma_wait3A_439 : memref<1x128xi32, #tpu.memory_space<vmem>> -> memref<128xi32, #tpu.memory_space<vmem>>
      %dma_wait3A_441 = arith.constant 0 : i32
      %dma_wait3A_442 = arith.constant 0 : i32
      %dma_wait3A_443 = tpu.memref_slice %arg4[%dma_wait3A_441, %dma_wait3A_442] : memref<10008x16xf32, #tpu.memory_space<hbm>> -> memref<10008x16xf32, #tpu.memory_space<hbm>>
      tpu.wait_indirect_dma semaphore(%arg29 : memref<!tpu.dma_semaphore, #tpu.memory_space<semaphore_mem>>) src(%dma_wait3A_443 : memref<10008x16xf32, #tpu.memory_space<hbm>>) dst(%arg18 : memref<128x16xf32, #tpu.memory_space<vmem>>)
      %dma_start3A_444 = arith.constant 0 : i32
      %dma_start3A_445 = tpu.memref_slice %arg8[%add3A_437, %dma_start3A_444] : memref<120x128xi32, #tpu.memory_space<vmem>> -> memref<1x128xi32, #tpu.memory_space<vmem>>
      %dma_start3A_446 = tpu.memref_squeeze %dma_start3A_445 : memref<1x128xi32, #tpu.memory_space<vmem>> -> memref<128xi32, #tpu.memory_space<vmem>>
      %dma_start3A_447 = arith.constant 0 : i32
      %dma_start3A_448 = arith.constant 0 : i32
      %dma_start3A_449 = tpu.memref_slice %arg19[%dma_start3A_447, %dma_start3A_448] : memref<10008x16xf32, #tpu.memory_space<vmem_shared>> -> memref<10008x16xf32, #tpu.memory_space<vmem_shared>>
      tpu.enqueue_indirect_dma source(%arg18 : memref<128x16xf32, #tpu.memory_space<vmem>>) target(%dma_start3A_449 : memref<10008x16xf32, #tpu.memory_space<vmem_shared>>) offsets(%dma_start3A_446 : memref<128xi32, #tpu.memory_space<vmem>>) semaphore(%arg39 : memref<!tpu.dma_semaphore, #tpu.memory_space<semaphore_mem>>) {add = true}
      %ge3A_450 = arith.constant 5 : i32
      %ge3A_451 = arith.cmpi sge, %add3A_437, %ge3A_450 : i32
      %add3A_452 = arith.constant 5 : i32
      %add3A_453 = arith.addi %add3A_437, %add3A_452 : i32
      %lt3A_454 = arith.cmpi slt, %add3A_453, %select_n3A_9 : i32
      %and3A_455 = arith.andi %ge3A_451, %lt3A_454 : i1
      %convert_element_type3A_456 = arith.extui %and3A_455 : i1 to i32
      %cond3A_457 = arith.constant 0 : i32
      %cond3A_458 = arith.cmpi ne, %convert_element_type3A_456, %cond3A_457 : i32
      scf.if %cond3A_458 {
        %dma_wait3A_465 = arith.constant 0 : i32
        %dma_wait3A_466 = arith.constant 0 : i32
        %dma_wait3A_467 = tpu.memref_slice %arg8[%dma_wait3A_465, %dma_wait3A_466] : memref<120x128xi32, #tpu.memory_space<vmem>> -> memref<1x128xi32, #tpu.memory_space<vmem>>
        %dma_wait3A_468 = tpu.memref_squeeze %dma_wait3A_467 : memref<1x128xi32, #tpu.memory_space<vmem>> -> memref<128xi32, #tpu.memory_space<vmem>>
        %dma_wait3A_469 = arith.constant 0 : i32
        %dma_wait3A_470 = arith.constant 0 : i32
        %dma_wait3A_471 = tpu.memref_slice %arg19[%dma_wait3A_469, %dma_wait3A_470] : memref<10008x16xf32, #tpu.memory_space<vmem_shared>> -> memref<10008x16xf32, #tpu.memory_space<vmem_shared>>
        tpu.wait_indirect_dma semaphore(%arg34 : memref<!tpu.dma_semaphore, #tpu.memory_space<semaphore_mem>>) src(%arg13 : memref<128x16xf32, #tpu.memory_space<vmem>>) dst(%dma_wait3A_471 : memref<10008x16xf32, #tpu.memory_space<vmem_shared>>)
      } else {
      }
      %add3A_459 = arith.constant 5 : i32
      %add3A_460 = arith.addi %add3A_437, %add3A_459 : i32
      %lt3A_461 = arith.cmpi slt, %add3A_460, %select_n3A_9 : i32
      %convert_element_type3A_462 = arith.extui %lt3A_461 : i1 to i32
      %cond3A_463 = arith.constant 0 : i32
      %cond3A_464 = arith.cmpi ne, %convert_element_type3A_462, %cond3A_463 : i32
      scf.if %cond3A_464 {
        %add3A_465 = arith.constant 5 : i32
        %add3A_466 = arith.addi %add3A_437, %add3A_465 : i32
        %dma_start3A_467 = arith.constant 0 : i32
        %dma_start3A_468 = tpu.memref_slice %arg7[%add3A_466, %dma_start3A_467] : memref<120x128xi32, #tpu.memory_space<vmem>> -> memref<1x128xi32, #tpu.memory_space<vmem>>
        %dma_start3A_469 = tpu.memref_squeeze %dma_start3A_468 : memref<1x128xi32, #tpu.memory_space<vmem>> -> memref<128xi32, #tpu.memory_space<vmem>>
        %dma_start3A_470 = arith.constant 0 : i32
        %dma_start3A_471 = arith.constant 0 : i32
        %dma_start3A_472 = tpu.memref_slice %arg4[%dma_start3A_470, %dma_start3A_471] : memref<10008x16xf32, #tpu.memory_space<hbm>> -> memref<10008x16xf32, #tpu.memory_space<hbm>>
        tpu.enqueue_indirect_dma source(%dma_start3A_472 : memref<10008x16xf32, #tpu.memory_space<hbm>>) target(%arg13 : memref<128x16xf32, #tpu.memory_space<vmem>>) offsets(%dma_start3A_469 : memref<128xi32, #tpu.memory_space<vmem>>) semaphore(%arg24 : memref<!tpu.dma_semaphore, #tpu.memory_space<semaphore_mem>>)
      } else {
      }
    }
    %while3A_76 = arith.constant 1 : i32
    scf.for %while3A_156 = %while3A_74 to %while3A_70 step %while3A_76  : i32 {
      %mul3A_157 = arith.constant 10 : i32
      %mul3A_158 = arith.muli %while3A_156, %mul3A_157 : i32
      %add3A_159 = arith.constant 0 : i32
      %add3A_160 = arith.addi %mul3A_158, %add3A_159 : i32
      %dma_wait3A_161 = arith.constant 0 : i32
      %dma_wait3A_162 = tpu.memref_slice %arg7[%add3A_160, %dma_wait3A_161] : memref<120x128xi32, #tpu.memory_space<vmem>> -> memref<1x128xi32, #tpu.memory_space<vmem>>
      %dma_wait3A_163 = tpu.memref_squeeze %dma_wait3A_162 : memref<1x128xi32, #tpu.memory_space<vmem>> -> memref<128xi32, #tpu.memory_space<vmem>>
      %dma_wait3A_164 = arith.constant 0 : i32
      %dma_wait3A_165 = arith.constant 0 : i32
      %dma_wait3A_166 = tpu.memref_slice %arg4[%dma_wait3A_164, %dma_wait3A_165] : memref<10008x16xf32, #tpu.memory_space<hbm>> -> memref<10008x16xf32, #tpu.memory_space<hbm>>
      tpu.wait_indirect_dma semaphore(%arg20 : memref<!tpu.dma_semaphore, #tpu.memory_space<semaphore_mem>>) src(%dma_wait3A_166 : memref<10008x16xf32, #tpu.memory_space<hbm>>) dst(%arg9 : memref<128x16xf32, #tpu.memory_space<vmem>>)
      %dma_start3A_167 = arith.constant 0 : i32
      %dma_start3A_168 = tpu.memref_slice %arg8[%add3A_160, %dma_start3A_167] : memref<120x128xi32, #tpu.memory_space<vmem>> -> memref<1x128xi32, #tpu.memory_space<vmem>>
      %dma_start3A_169 = tpu.memref_squeeze %dma_start3A_168 : memref<1x128xi32, #tpu.memory_space<vmem>> -> memref<128xi32, #tpu.memory_space<vmem>>
      %dma_start3A_170 = arith.constant 0 : i32
      %dma_start3A_171 = arith.constant 0 : i32
      %dma_start3A_172 = tpu.memref_slice %arg19[%dma_start3A_170, %dma_start3A_171] : memref<10008x16xf32, #tpu.memory_space<vmem_shared>> -> memref<10008x16xf32, #tpu.memory_space<vmem_shared>>
      tpu.enqueue_indirect_dma source(%arg9 : memref<128x16xf32, #tpu.memory_space<vmem>>) target(%dma_start3A_172 : memref<10008x16xf32, #tpu.memory_space<vmem_shared>>) offsets(%dma_start3A_169 : memref<128xi32, #tpu.memory_space<vmem>>) semaphore(%arg30 : memref<!tpu.dma_semaphore, #tpu.memory_space<semaphore_mem>>) {add = true}
      %ge3A = arith.constant 5 : i32
      %ge3A_173 = arith.cmpi sge, %add3A_160, %ge3A : i32
      %add3A_174 = arith.constant 5 : i32
      %add3A_175 = arith.addi %add3A_160, %add3A_174 : i32
      %lt3A = arith.cmpi slt, %add3A_175, %select_n3A_9 : i32
      %and3A_176 = arith.andi %ge3A_173, %lt3A : i1
      %convert_element_type3A_177 = arith.extui %and3A_176 : i1 to i32
      %cond3A_178 = arith.constant 0 : i32
      %cond3A_179 = arith.cmpi ne, %convert_element_type3A_177, %cond3A_178 : i32
      scf.if %cond3A_179 {
        %dma_wait3A_465 = arith.constant 0 : i32
        %dma_wait3A_466 = arith.constant 0 : i32
        %dma_wait3A_467 = tpu.memref_slice %arg8[%dma_wait3A_465, %dma_wait3A_466] : memref<120x128xi32, #tpu.memory_space<vmem>> -> memref<1x128xi32, #tpu.memory_space<vmem>>
        %dma_wait3A_468 = tpu.memref_squeeze %dma_wait3A_467 : memref<1x128xi32, #tpu.memory_space<vmem>> -> memref<128xi32, #tpu.memory_space<vmem>>
        %dma_wait3A_469 = arith.constant 0 : i32
        %dma_wait3A_470 = arith.constant 0 : i32
        %dma_wait3A_471 = tpu.memref_slice %arg19[%dma_wait3A_469, %dma_wait3A_470] : memref<10008x16xf32, #tpu.memory_space<vmem_shared>> -> memref<10008x16xf32, #tpu.memory_space<vmem_shared>>
        tpu.wait_indirect_dma semaphore(%arg35 : memref<!tpu.dma_semaphore, #tpu.memory_space<semaphore_mem>>) src(%arg14 : memref<128x16xf32, #tpu.memory_space<vmem>>) dst(%dma_wait3A_471 : memref<10008x16xf32, #tpu.memory_space<vmem_shared>>)
      } else {
      }
      %add3A_180 = arith.constant 5 : i32
      %add3A_181 = arith.addi %add3A_160, %add3A_180 : i32
      %lt3A_182 = arith.cmpi slt, %add3A_181, %select_n3A_9 : i32
      %convert_element_type3A_183 = arith.extui %lt3A_182 : i1 to i32
      %cond3A_184 = arith.constant 0 : i32
      %cond3A_185 = arith.cmpi ne, %convert_element_type3A_183, %cond3A_184 : i32
      scf.if %cond3A_185 {
        %add3A_465 = arith.constant 5 : i32
        %add3A_466 = arith.addi %add3A_160, %add3A_465 : i32
        %dma_start3A_467 = arith.constant 0 : i32
        %dma_start3A_468 = tpu.memref_slice %arg7[%add3A_466, %dma_start3A_467] : memref<120x128xi32, #tpu.memory_space<vmem>> -> memref<1x128xi32, #tpu.memory_space<vmem>>
        %dma_start3A_469 = tpu.memref_squeeze %dma_start3A_468 : memref<1x128xi32, #tpu.memory_space<vmem>> -> memref<128xi32, #tpu.memory_space<vmem>>
        %dma_start3A_470 = arith.constant 0 : i32
        %dma_start3A_471 = arith.constant 0 : i32
        %dma_start3A_472 = tpu.memref_slice %arg4[%dma_start3A_470, %dma_start3A_471] : memref<10008x16xf32, #tpu.memory_space<hbm>> -> memref<10008x16xf32, #tpu.memory_space<hbm>>
        tpu.enqueue_indirect_dma source(%dma_start3A_472 : memref<10008x16xf32, #tpu.memory_space<hbm>>) target(%arg14 : memref<128x16xf32, #tpu.memory_space<vmem>>) offsets(%dma_start3A_469 : memref<128xi32, #tpu.memory_space<vmem>>) semaphore(%arg25 : memref<!tpu.dma_semaphore, #tpu.memory_space<semaphore_mem>>)
      } else {
      }
      %mul3A_186 = arith.constant 10 : i32
      %mul3A_187 = arith.muli %while3A_156, %mul3A_186 : i32
      %add3A_188 = arith.constant 1 : i32
      %add3A_189 = arith.addi %mul3A_187, %add3A_188 : i32
      %dma_wait3A_190 = arith.constant 0 : i32
      %dma_wait3A_191 = tpu.memref_slice %arg7[%add3A_189, %dma_wait3A_190] : memref<120x128xi32, #tpu.memory_space<vmem>> -> memref<1x128xi32, #tpu.memory_space<vmem>>
      %dma_wait3A_192 = tpu.memref_squeeze %dma_wait3A_191 : memref<1x128xi32, #tpu.memory_space<vmem>> -> memref<128xi32, #tpu.memory_space<vmem>>
      %dma_wait3A_193 = arith.constant 0 : i32
      %dma_wait3A_194 = arith.constant 0 : i32
      %dma_wait3A_195 = tpu.memref_slice %arg4[%dma_wait3A_193, %dma_wait3A_194] : memref<10008x16xf32, #tpu.memory_space<hbm>> -> memref<10008x16xf32, #tpu.memory_space<hbm>>
      tpu.wait_indirect_dma semaphore(%arg21 : memref<!tpu.dma_semaphore, #tpu.memory_space<semaphore_mem>>) src(%dma_wait3A_195 : memref<10008x16xf32, #tpu.memory_space<hbm>>) dst(%arg10 : memref<128x16xf32, #tpu.memory_space<vmem>>)
      %dma_start3A_196 = arith.constant 0 : i32
      %dma_start3A_197 = tpu.memref_slice %arg8[%add3A_189, %dma_start3A_196] : memref<120x128xi32, #tpu.memory_space<vmem>> -> memref<1x128xi32, #tpu.memory_space<vmem>>
      %dma_start3A_198 = tpu.memref_squeeze %dma_start3A_197 : memref<1x128xi32, #tpu.memory_space<vmem>> -> memref<128xi32, #tpu.memory_space<vmem>>
      %dma_start3A_199 = arith.constant 0 : i32
      %dma_start3A_200 = arith.constant 0 : i32
      %dma_start3A_201 = tpu.memref_slice %arg19[%dma_start3A_199, %dma_start3A_200] : memref<10008x16xf32, #tpu.memory_space<vmem_shared>> -> memref<10008x16xf32, #tpu.memory_space<vmem_shared>>
      tpu.enqueue_indirect_dma source(%arg10 : memref<128x16xf32, #tpu.memory_space<vmem>>) target(%dma_start3A_201 : memref<10008x16xf32, #tpu.memory_space<vmem_shared>>) offsets(%dma_start3A_198 : memref<128xi32, #tpu.memory_space<vmem>>) semaphore(%arg31 : memref<!tpu.dma_semaphore, #tpu.memory_space<semaphore_mem>>) {add = true}
      %ge3A_202 = arith.constant 5 : i32
      %ge3A_203 = arith.cmpi sge, %add3A_189, %ge3A_202 : i32
      %add3A_204 = arith.constant 5 : i32
      %add3A_205 = arith.addi %add3A_189, %add3A_204 : i32
      %lt3A_206 = arith.cmpi slt, %add3A_205, %select_n3A_9 : i32
      %and3A_207 = arith.andi %ge3A_203, %lt3A_206 : i1
      %convert_element_type3A_208 = arith.extui %and3A_207 : i1 to i32
      %cond3A_209 = arith.constant 0 : i32
      %cond3A_210 = arith.cmpi ne, %convert_element_type3A_208, %cond3A_209 : i32
      scf.if %cond3A_210 {
        %dma_wait3A_465 = arith.constant 0 : i32
        %dma_wait3A_466 = arith.constant 0 : i32
        %dma_wait3A_467 = tpu.memref_slice %arg8[%dma_wait3A_465, %dma_wait3A_466] : memref<120x128xi32, #tpu.memory_space<vmem>> -> memref<1x128xi32, #tpu.memory_space<vmem>>
        %dma_wait3A_468 = tpu.memref_squeeze %dma_wait3A_467 : memref<1x128xi32, #tpu.memory_space<vmem>> -> memref<128xi32, #tpu.memory_space<vmem>>
        %dma_wait3A_469 = arith.constant 0 : i32
        %dma_wait3A_470 = arith.constant 0 : i32
        %dma_wait3A_471 = tpu.memref_slice %arg19[%dma_wait3A_469, %dma_wait3A_470] : memref<10008x16xf32, #tpu.memory_space<vmem_shared>> -> memref<10008x16xf32, #tpu.memory_space<vmem_shared>>
        tpu.wait_indirect_dma semaphore(%arg36 : memref<!tpu.dma_semaphore, #tpu.memory_space<semaphore_mem>>) src(%arg15 : memref<128x16xf32, #tpu.memory_space<vmem>>) dst(%dma_wait3A_471 : memref<10008x16xf32, #tpu.memory_space<vmem_shared>>)
      } else {
      }
      %add3A_211 = arith.constant 5 : i32
      %add3A_212 = arith.addi %add3A_189, %add3A_211 : i32
      %lt3A_213 = arith.cmpi slt, %add3A_212, %select_n3A_9 : i32
      %convert_element_type3A_214 = arith.extui %lt3A_213 : i1 to i32
      %cond3A_215 = arith.constant 0 : i32
      %cond3A_216 = arith.cmpi ne, %convert_element_type3A_214, %cond3A_215 : i32
      scf.if %cond3A_216 {
        %add3A_465 = arith.constant 5 : i32
        %add3A_466 = arith.addi %add3A_189, %add3A_465 : i32
        %dma_start3A_467 = arith.constant 0 : i32
        %dma_start3A_468 = tpu.memref_slice %arg7[%add3A_466, %dma_start3A_467] : memref<120x128xi32, #tpu.memory_space<vmem>> -> memref<1x128xi32, #tpu.memory_space<vmem>>
        %dma_start3A_469 = tpu.memref_squeeze %dma_start3A_468 : memref<1x128xi32, #tpu.memory_space<vmem>> -> memref<128xi32, #tpu.memory_space<vmem>>
        %dma_start3A_470 = arith.constant 0 : i32
        %dma_start3A_471 = arith.constant 0 : i32
        %dma_start3A_472 = tpu.memref_slice %arg4[%dma_start3A_470, %dma_start3A_471] : memref<10008x16xf32, #tpu.memory_space<hbm>> -> memref<10008x16xf32, #tpu.memory_space<hbm>>
        tpu.enqueue_indirect_dma source(%dma_start3A_472 : memref<10008x16xf32, #tpu.memory_space<hbm>>) target(%arg15 : memref<128x16xf32, #tpu.memory_space<vmem>>) offsets(%dma_start3A_469 : memref<128xi32, #tpu.memory_space<vmem>>) semaphore(%arg26 : memref<!tpu.dma_semaphore, #tpu.memory_space<semaphore_mem>>)
      } else {
      }
      %mul3A_217 = arith.constant 10 : i32
      %mul3A_218 = arith.muli %while3A_156, %mul3A_217 : i32
      %add3A_219 = arith.constant 2 : i32
      %add3A_220 = arith.addi %mul3A_218, %add3A_219 : i32
      %dma_wait3A_221 = arith.constant 0 : i32
      %dma_wait3A_222 = tpu.memref_slice %arg7[%add3A_220, %dma_wait3A_221] : memref<120x128xi32, #tpu.memory_space<vmem>> -> memref<1x128xi32, #tpu.memory_space<vmem>>
      %dma_wait3A_223 = tpu.memref_squeeze %dma_wait3A_222 : memref<1x128xi32, #tpu.memory_space<vmem>> -> memref<128xi32, #tpu.memory_space<vmem>>
      %dma_wait3A_224 = arith.constant 0 : i32
      %dma_wait3A_225 = arith.constant 0 : i32
      %dma_wait3A_226 = tpu.memref_slice %arg4[%dma_wait3A_224, %dma_wait3A_225] : memref<10008x16xf32, #tpu.memory_space<hbm>> -> memref<10008x16xf32, #tpu.memory_space<hbm>>
      tpu.wait_indirect_dma semaphore(%arg22 : memref<!tpu.dma_semaphore, #tpu.memory_space<semaphore_mem>>) src(%dma_wait3A_226 : memref<10008x16xf32, #tpu.memory_space<hbm>>) dst(%arg11 : memref<128x16xf32, #tpu.memory_space<vmem>>)
      %dma_start3A_227 = arith.constant 0 : i32
      %dma_start3A_228 = tpu.memref_slice %arg8[%add3A_220, %dma_start3A_227] : memref<120x128xi32, #tpu.memory_space<vmem>> -> memref<1x128xi32, #tpu.memory_space<vmem>>
      %dma_start3A_229 = tpu.memref_squeeze %dma_start3A_228 : memref<1x128xi32, #tpu.memory_space<vmem>> -> memref<128xi32, #tpu.memory_space<vmem>>
      %dma_start3A_230 = arith.constant 0 : i32
      %dma_start3A_231 = arith.constant 0 : i32
      %dma_start3A_232 = tpu.memref_slice %arg19[%dma_start3A_230, %dma_start3A_231] : memref<10008x16xf32, #tpu.memory_space<vmem_shared>> -> memref<10008x16xf32, #tpu.memory_space<vmem_shared>>
      tpu.enqueue_indirect_dma source(%arg11 : memref<128x16xf32, #tpu.memory_space<vmem>>) target(%dma_start3A_232 : memref<10008x16xf32, #tpu.memory_space<vmem_shared>>) offsets(%dma_start3A_229 : memref<128xi32, #tpu.memory_space<vmem>>) semaphore(%arg32 : memref<!tpu.dma_semaphore, #tpu.memory_space<semaphore_mem>>) {add = true}
      %ge3A_233 = arith.constant 5 : i32
      %ge3A_234 = arith.cmpi sge, %add3A_220, %ge3A_233 : i32
      %add3A_235 = arith.constant 5 : i32
      %add3A_236 = arith.addi %add3A_220, %add3A_235 : i32
      %lt3A_237 = arith.cmpi slt, %add3A_236, %select_n3A_9 : i32
      %and3A_238 = arith.andi %ge3A_234, %lt3A_237 : i1
      %convert_element_type3A_239 = arith.extui %and3A_238 : i1 to i32
      %cond3A_240 = arith.constant 0 : i32
      %cond3A_241 = arith.cmpi ne, %convert_element_type3A_239, %cond3A_240 : i32
      scf.if %cond3A_241 {
        %dma_wait3A_465 = arith.constant 0 : i32
        %dma_wait3A_466 = arith.constant 0 : i32
        %dma_wait3A_467 = tpu.memref_slice %arg8[%dma_wait3A_465, %dma_wait3A_466] : memref<120x128xi32, #tpu.memory_space<vmem>> -> memref<1x128xi32, #tpu.memory_space<vmem>>
        %dma_wait3A_468 = tpu.memref_squeeze %dma_wait3A_467 : memref<1x128xi32, #tpu.memory_space<vmem>> -> memref<128xi32, #tpu.memory_space<vmem>>
        %dma_wait3A_469 = arith.constant 0 : i32
        %dma_wait3A_470 = arith.constant 0 : i32
        %dma_wait3A_471 = tpu.memref_slice %arg19[%dma_wait3A_469, %dma_wait3A_470] : memref<10008x16xf32, #tpu.memory_space<vmem_shared>> -> memref<10008x16xf32, #tpu.memory_space<vmem_shared>>
        tpu.wait_indirect_dma semaphore(%arg37 : memref<!tpu.dma_semaphore, #tpu.memory_space<semaphore_mem>>) src(%arg16 : memref<128x16xf32, #tpu.memory_space<vmem>>) dst(%dma_wait3A_471 : memref<10008x16xf32, #tpu.memory_space<vmem_shared>>)
      } else {
      }
      %add3A_242 = arith.constant 5 : i32
      %add3A_243 = arith.addi %add3A_220, %add3A_242 : i32
      %lt3A_244 = arith.cmpi slt, %add3A_243, %select_n3A_9 : i32
      %convert_element_type3A_245 = arith.extui %lt3A_244 : i1 to i32
      %cond3A_246 = arith.constant 0 : i32
      %cond3A_247 = arith.cmpi ne, %convert_element_type3A_245, %cond3A_246 : i32
      scf.if %cond3A_247 {
        %add3A_465 = arith.constant 5 : i32
        %add3A_466 = arith.addi %add3A_220, %add3A_465 : i32
        %dma_start3A_467 = arith.constant 0 : i32
        %dma_start3A_468 = tpu.memref_slice %arg7[%add3A_466, %dma_start3A_467] : memref<120x128xi32, #tpu.memory_space<vmem>> -> memref<1x128xi32, #tpu.memory_space<vmem>>
        %dma_start3A_469 = tpu.memref_squeeze %dma_start3A_468 : memref<1x128xi32, #tpu.memory_space<vmem>> -> memref<128xi32, #tpu.memory_space<vmem>>
        %dma_start3A_470 = arith.constant 0 : i32
        %dma_start3A_471 = arith.constant 0 : i32
        %dma_start3A_472 = tpu.memref_slice %arg4[%dma_start3A_470, %dma_start3A_471] : memref<10008x16xf32, #tpu.memory_space<hbm>> -> memref<10008x16xf32, #tpu.memory_space<hbm>>
        tpu.enqueue_indirect_dma source(%dma_start3A_472 : memref<10008x16xf32, #tpu.memory_space<hbm>>) target(%arg16 : memref<128x16xf32, #tpu.memory_space<vmem>>) offsets(%dma_start3A_469 : memref<128xi32, #tpu.memory_space<vmem>>) semaphore(%arg27 : memref<!tpu.dma_semaphore, #tpu.memory_space<semaphore_mem>>)
      } else {
      }
      %mul3A_248 = arith.constant 10 : i32
      %mul3A_249 = arith.muli %while3A_156, %mul3A_248 : i32
      %add3A_250 = arith.constant 3 : i32
      %add3A_251 = arith.addi %mul3A_249, %add3A_250 : i32
      %dma_wait3A_252 = arith.constant 0 : i32
      %dma_wait3A_253 = tpu.memref_slice %arg7[%add3A_251, %dma_wait3A_252] : memref<120x128xi32, #tpu.memory_space<vmem>> -> memref<1x128xi32, #tpu.memory_space<vmem>>
      %dma_wait3A_254 = tpu.memref_squeeze %dma_wait3A_253 : memref<1x128xi32, #tpu.memory_space<vmem>> -> memref<128xi32, #tpu.memory_space<vmem>>
      %dma_wait3A_255 = arith.constant 0 : i32
      %dma_wait3A_256 = arith.constant 0 : i32
      %dma_wait3A_257 = tpu.memref_slice %arg4[%dma_wait3A_255, %dma_wait3A_256] : memref<10008x16xf32, #tpu.memory_space<hbm>> -> memref<10008x16xf32, #tpu.memory_space<hbm>>
      tpu.wait_indirect_dma semaphore(%arg23 : memref<!tpu.dma_semaphore, #tpu.memory_space<semaphore_mem>>) src(%dma_wait3A_257 : memref<10008x16xf32, #tpu.memory_space<hbm>>) dst(%arg12 : memref<128x16xf32, #tpu.memory_space<vmem>>)
      %dma_start3A_258 = arith.constant 0 : i32
      %dma_start3A_259 = tpu.memref_slice %arg8[%add3A_251, %dma_start3A_258] : memref<120x128xi32, #tpu.memory_space<vmem>> -> memref<1x128xi32, #tpu.memory_space<vmem>>
      %dma_start3A_260 = tpu.memref_squeeze %dma_start3A_259 : memref<1x128xi32, #tpu.memory_space<vmem>> -> memref<128xi32, #tpu.memory_space<vmem>>
      %dma_start3A_261 = arith.constant 0 : i32
      %dma_start3A_262 = arith.constant 0 : i32
      %dma_start3A_263 = tpu.memref_slice %arg19[%dma_start3A_261, %dma_start3A_262] : memref<10008x16xf32, #tpu.memory_space<vmem_shared>> -> memref<10008x16xf32, #tpu.memory_space<vmem_shared>>
      tpu.enqueue_indirect_dma source(%arg12 : memref<128x16xf32, #tpu.memory_space<vmem>>) target(%dma_start3A_263 : memref<10008x16xf32, #tpu.memory_space<vmem_shared>>) offsets(%dma_start3A_260 : memref<128xi32, #tpu.memory_space<vmem>>) semaphore(%arg33 : memref<!tpu.dma_semaphore, #tpu.memory_space<semaphore_mem>>) {add = true}
      %ge3A_264 = arith.constant 5 : i32
      %ge3A_265 = arith.cmpi sge, %add3A_251, %ge3A_264 : i32
      %add3A_266 = arith.constant 5 : i32
      %add3A_267 = arith.addi %add3A_251, %add3A_266 : i32
      %lt3A_268 = arith.cmpi slt, %add3A_267, %select_n3A_9 : i32
      %and3A_269 = arith.andi %ge3A_265, %lt3A_268 : i1
      %convert_element_type3A_270 = arith.extui %and3A_269 : i1 to i32
      %cond3A_271 = arith.constant 0 : i32
      %cond3A_272 = arith.cmpi ne, %convert_element_type3A_270, %cond3A_271 : i32
      scf.if %cond3A_272 {
        %dma_wait3A_465 = arith.constant 0 : i32
        %dma_wait3A_466 = arith.constant 0 : i32
        %dma_wait3A_467 = tpu.memref_slice %arg8[%dma_wait3A_465, %dma_wait3A_466] : memref<120x128xi32, #tpu.memory_space<vmem>> -> memref<1x128xi32, #tpu.memory_space<vmem>>
        %dma_wait3A_468 = tpu.memref_squeeze %dma_wait3A_467 : memref<1x128xi32, #tpu.memory_space<vmem>> -> memref<128xi32, #tpu.memory_space<vmem>>
        %dma_wait3A_469 = arith.constant 0 : i32
        %dma_wait3A_470 = arith.constant 0 : i32
        %dma_wait3A_471 = tpu.memref_slice %arg19[%dma_wait3A_469, %dma_wait3A_470] : memref<10008x16xf32, #tpu.memory_space<vmem_shared>> -> memref<10008x16xf32, #tpu.memory_space<vmem_shared>>
        tpu.wait_indirect_dma semaphore(%arg38 : memref<!tpu.dma_semaphore, #tpu.memory_space<semaphore_mem>>) src(%arg17 : memref<128x16xf32, #tpu.memory_space<vmem>>) dst(%dma_wait3A_471 : memref<10008x16xf32, #tpu.memory_space<vmem_shared>>)
      } else {
      }
      %add3A_273 = arith.constant 5 : i32
      %add3A_274 = arith.addi %add3A_251, %add3A_273 : i32
      %lt3A_275 = arith.cmpi slt, %add3A_274, %select_n3A_9 : i32
      %convert_element_type3A_276 = arith.extui %lt3A_275 : i1 to i32
      %cond3A_277 = arith.constant 0 : i32
      %cond3A_278 = arith.cmpi ne, %convert_element_type3A_276, %cond3A_277 : i32
      scf.if %cond3A_278 {
        %add3A_465 = arith.constant 5 : i32
        %add3A_466 = arith.addi %add3A_251, %add3A_465 : i32
        %dma_start3A_467 = arith.constant 0 : i32
        %dma_start3A_468 = tpu.memref_slice %arg7[%add3A_466, %dma_start3A_467] : memref<120x128xi32, #tpu.memory_space<vmem>> -> memref<1x128xi32, #tpu.memory_space<vmem>>
        %dma_start3A_469 = tpu.memref_squeeze %dma_start3A_468 : memref<1x128xi32, #tpu.memory_space<vmem>> -> memref<128xi32, #tpu.memory_space<vmem>>
        %dma_start3A_470 = arith.constant 0 : i32
        %dma_start3A_471 = arith.constant 0 : i32
        %dma_start3A_472 = tpu.memref_slice %arg4[%dma_start3A_470, %dma_start3A_471] : memref<10008x16xf32, #tpu.memory_space<hbm>> -> memref<10008x16xf32, #tpu.memory_space<hbm>>
        tpu.enqueue_indirect_dma source(%dma_start3A_472 : memref<10008x16xf32, #tpu.memory_space<hbm>>) target(%arg17 : memref<128x16xf32, #tpu.memory_space<vmem>>) offsets(%dma_start3A_469 : memref<128xi32, #tpu.memory_space<vmem>>) semaphore(%arg28 : memref<!tpu.dma_semaphore, #tpu.memory_space<semaphore_mem>>)
      } else {
      }
      %mul3A_279 = arith.constant 10 : i32
      %mul3A_280 = arith.muli %while3A_156, %mul3A_279 : i32
      %add3A_281 = arith.constant 4 : i32
      %add3A_282 = arith.addi %mul3A_280, %add3A_281 : i32
      %dma_wait3A_283 = arith.constant 0 : i32
      %dma_wait3A_284 = tpu.memref_slice %arg7[%add3A_282, %dma_wait3A_283] : memref<120x128xi32, #tpu.memory_space<vmem>> -> memref<1x128xi32, #tpu.memory_space<vmem>>
      %dma_wait3A_285 = tpu.memref_squeeze %dma_wait3A_284 : memref<1x128xi32, #tpu.memory_space<vmem>> -> memref<128xi32, #tpu.memory_space<vmem>>
      %dma_wait3A_286 = arith.constant 0 : i32
      %dma_wait3A_287 = arith.constant 0 : i32
      %dma_wait3A_288 = tpu.memref_slice %arg4[%dma_wait3A_286, %dma_wait3A_287] : memref<10008x16xf32, #tpu.memory_space<hbm>> -> memref<10008x16xf32, #tpu.memory_space<hbm>>
      tpu.wait_indirect_dma semaphore(%arg24 : memref<!tpu.dma_semaphore, #tpu.memory_space<semaphore_mem>>) src(%dma_wait3A_288 : memref<10008x16xf32, #tpu.memory_space<hbm>>) dst(%arg13 : memref<128x16xf32, #tpu.memory_space<vmem>>)
      %dma_start3A_289 = arith.constant 0 : i32
      %dma_start3A_290 = tpu.memref_slice %arg8[%add3A_282, %dma_start3A_289] : memref<120x128xi32, #tpu.memory_space<vmem>> -> memref<1x128xi32, #tpu.memory_space<vmem>>
      %dma_start3A_291 = tpu.memref_squeeze %dma_start3A_290 : memref<1x128xi32, #tpu.memory_space<vmem>> -> memref<128xi32, #tpu.memory_space<vmem>>
      %dma_start3A_292 = arith.constant 0 : i32
      %dma_start3A_293 = arith.constant 0 : i32
      %dma_start3A_294 = tpu.memref_slice %arg19[%dma_start3A_292, %dma_start3A_293] : memref<10008x16xf32, #tpu.memory_space<vmem_shared>> -> memref<10008x16xf32, #tpu.memory_space<vmem_shared>>
      tpu.enqueue_indirect_dma source(%arg13 : memref<128x16xf32, #tpu.memory_space<vmem>>) target(%dma_start3A_294 : memref<10008x16xf32, #tpu.memory_space<vmem_shared>>) offsets(%dma_start3A_291 : memref<128xi32, #tpu.memory_space<vmem>>) semaphore(%arg34 : memref<!tpu.dma_semaphore, #tpu.memory_space<semaphore_mem>>) {add = true}
      %ge3A_295 = arith.constant 5 : i32
      %ge3A_296 = arith.cmpi sge, %add3A_282, %ge3A_295 : i32
      %add3A_297 = arith.constant 5 : i32
      %add3A_298 = arith.addi %add3A_282, %add3A_297 : i32
      %lt3A_299 = arith.cmpi slt, %add3A_298, %select_n3A_9 : i32
      %and3A_300 = arith.andi %ge3A_296, %lt3A_299 : i1
      %convert_element_type3A_301 = arith.extui %and3A_300 : i1 to i32
      %cond3A_302 = arith.constant 0 : i32
      %cond3A_303 = arith.cmpi ne, %convert_element_type3A_301, %cond3A_302 : i32
      scf.if %cond3A_303 {
        %dma_wait3A_465 = arith.constant 0 : i32
        %dma_wait3A_466 = arith.constant 0 : i32
        %dma_wait3A_467 = tpu.memref_slice %arg8[%dma_wait3A_465, %dma_wait3A_466] : memref<120x128xi32, #tpu.memory_space<vmem>> -> memref<1x128xi32, #tpu.memory_space<vmem>>
        %dma_wait3A_468 = tpu.memref_squeeze %dma_wait3A_467 : memref<1x128xi32, #tpu.memory_space<vmem>> -> memref<128xi32, #tpu.memory_space<vmem>>
        %dma_wait3A_469 = arith.constant 0 : i32
        %dma_wait3A_470 = arith.constant 0 : i32
        %dma_wait3A_471 = tpu.memref_slice %arg19[%dma_wait3A_469, %dma_wait3A_470] : memref<10008x16xf32, #tpu.memory_space<vmem_shared>> -> memref<10008x16xf32, #tpu.memory_space<vmem_shared>>
        tpu.wait_indirect_dma semaphore(%arg39 : memref<!tpu.dma_semaphore, #tpu.memory_space<semaphore_mem>>) src(%arg18 : memref<128x16xf32, #tpu.memory_space<vmem>>) dst(%dma_wait3A_471 : memref<10008x16xf32, #tpu.memory_space<vmem_shared>>)
      } else {
      }
      %add3A_304 = arith.constant 5 : i32
      %add3A_305 = arith.addi %add3A_282, %add3A_304 : i32
      %lt3A_306 = arith.cmpi slt, %add3A_305, %select_n3A_9 : i32
      %convert_element_type3A_307 = arith.extui %lt3A_306 : i1 to i32
      %cond3A_308 = arith.constant 0 : i32
      %cond3A_309 = arith.cmpi ne, %convert_element_type3A_307, %cond3A_308 : i32
      scf.if %cond3A_309 {
        %add3A_465 = arith.constant 5 : i32
        %add3A_466 = arith.addi %add3A_282, %add3A_465 : i32
        %dma_start3A_467 = arith.constant 0 : i32
        %dma_start3A_468 = tpu.memref_slice %arg7[%add3A_466, %dma_start3A_467] : memref<120x128xi32, #tpu.memory_space<vmem>> -> memref<1x128xi32, #tpu.memory_space<vmem>>
        %dma_start3A_469 = tpu.memref_squeeze %dma_start3A_468 : memref<1x128xi32, #tpu.memory_space<vmem>> -> memref<128xi32, #tpu.memory_space<vmem>>
        %dma_start3A_470 = arith.constant 0 : i32
        %dma_start3A_471 = arith.constant 0 : i32
        %dma_start3A_472 = tpu.memref_slice %arg4[%dma_start3A_470, %dma_start3A_471] : memref<10008x16xf32, #tpu.memory_space<hbm>> -> memref<10008x16xf32, #tpu.memory_space<hbm>>
        tpu.enqueue_indirect_dma source(%dma_start3A_472 : memref<10008x16xf32, #tpu.memory_space<hbm>>) target(%arg18 : memref<128x16xf32, #tpu.memory_space<vmem>>) offsets(%dma_start3A_469 : memref<128xi32, #tpu.memory_space<vmem>>) semaphore(%arg29 : memref<!tpu.dma_semaphore, #tpu.memory_space<semaphore_mem>>)
      } else {
      }
      %mul3A_310 = arith.constant 10 : i32
      %mul3A_311 = arith.muli %while3A_156, %mul3A_310 : i32
      %add3A_312 = arith.constant 5 : i32
      %add3A_313 = arith.addi %mul3A_311, %add3A_312 : i32
      %dma_wait3A_314 = arith.constant 0 : i32
      %dma_wait3A_315 = tpu.memref_slice %arg7[%add3A_313, %dma_wait3A_314] : memref<120x128xi32, #tpu.memory_space<vmem>> -> memref<1x128xi32, #tpu.memory_space<vmem>>
      %dma_wait3A_316 = tpu.memref_squeeze %dma_wait3A_315 : memref<1x128xi32, #tpu.memory_space<vmem>> -> memref<128xi32, #tpu.memory_space<vmem>>
      %dma_wait3A_317 = arith.constant 0 : i32
      %dma_wait3A_318 = arith.constant 0 : i32
      %dma_wait3A_319 = tpu.memref_slice %arg4[%dma_wait3A_317, %dma_wait3A_318] : memref<10008x16xf32, #tpu.memory_space<hbm>> -> memref<10008x16xf32, #tpu.memory_space<hbm>>
      tpu.wait_indirect_dma semaphore(%arg25 : memref<!tpu.dma_semaphore, #tpu.memory_space<semaphore_mem>>) src(%dma_wait3A_319 : memref<10008x16xf32, #tpu.memory_space<hbm>>) dst(%arg14 : memref<128x16xf32, #tpu.memory_space<vmem>>)
      %dma_start3A_320 = arith.constant 0 : i32
      %dma_start3A_321 = tpu.memref_slice %arg8[%add3A_313, %dma_start3A_320] : memref<120x128xi32, #tpu.memory_space<vmem>> -> memref<1x128xi32, #tpu.memory_space<vmem>>
      %dma_start3A_322 = tpu.memref_squeeze %dma_start3A_321 : memref<1x128xi32, #tpu.memory_space<vmem>> -> memref<128xi32, #tpu.memory_space<vmem>>
      %dma_start3A_323 = arith.constant 0 : i32
      %dma_start3A_324 = arith.constant 0 : i32
      %dma_start3A_325 = tpu.memref_slice %arg19[%dma_start3A_323, %dma_start3A_324] : memref<10008x16xf32, #tpu.memory_space<vmem_shared>> -> memref<10008x16xf32, #tpu.memory_space<vmem_shared>>
      tpu.enqueue_indirect_dma source(%arg14 : memref<128x16xf32, #tpu.memory_space<vmem>>) target(%dma_start3A_325 : memref<10008x16xf32, #tpu.memory_space<vmem_shared>>) offsets(%dma_start3A_322 : memref<128xi32, #tpu.memory_space<vmem>>) semaphore(%arg35 : memref<!tpu.dma_semaphore, #tpu.memory_space<semaphore_mem>>) {add = true}
      %ge3A_326 = arith.constant 5 : i32
      %ge3A_327 = arith.cmpi sge, %add3A_313, %ge3A_326 : i32
      %add3A_328 = arith.constant 5 : i32
      %add3A_329 = arith.addi %add3A_313, %add3A_328 : i32
      %lt3A_330 = arith.cmpi slt, %add3A_329, %select_n3A_9 : i32
      %and3A_331 = arith.andi %ge3A_327, %lt3A_330 : i1
      %convert_element_type3A_332 = arith.extui %and3A_331 : i1 to i32
      %cond3A_333 = arith.constant 0 : i32
      %cond3A_334 = arith.cmpi ne, %convert_element_type3A_332, %cond3A_333 : i32
      scf.if %cond3A_334 {
        %dma_wait3A_465 = arith.constant 0 : i32
        %dma_wait3A_466 = arith.constant 0 : i32
        %dma_wait3A_467 = tpu.memref_slice %arg8[%dma_wait3A_465, %dma_wait3A_466] : memref<120x128xi32, #tpu.memory_space<vmem>> -> memref<1x128xi32, #tpu.memory_space<vmem>>
        %dma_wait3A_468 = tpu.memref_squeeze %dma_wait3A_467 : memref<1x128xi32, #tpu.memory_space<vmem>> -> memref<128xi32, #tpu.memory_space<vmem>>
        %dma_wait3A_469 = arith.constant 0 : i32
        %dma_wait3A_470 = arith.constant 0 : i32
        %dma_wait3A_471 = tpu.memref_slice %arg19[%dma_wait3A_469, %dma_wait3A_470] : memref<10008x16xf32, #tpu.memory_space<vmem_shared>> -> memref<10008x16xf32, #tpu.memory_space<vmem_shared>>
        tpu.wait_indirect_dma semaphore(%arg30 : memref<!tpu.dma_semaphore, #tpu.memory_space<semaphore_mem>>) src(%arg9 : memref<128x16xf32, #tpu.memory_space<vmem>>) dst(%dma_wait3A_471 : memref<10008x16xf32, #tpu.memory_space<vmem_shared>>)
      } else {
      }
      %add3A_335 = arith.constant 5 : i32
      %add3A_336 = arith.addi %add3A_313, %add3A_335 : i32
      %lt3A_337 = arith.cmpi slt, %add3A_336, %select_n3A_9 : i32
      %convert_element_type3A_338 = arith.extui %lt3A_337 : i1 to i32
      %cond3A_339 = arith.constant 0 : i32
      %cond3A_340 = arith.cmpi ne, %convert_element_type3A_338, %cond3A_339 : i32
      scf.if %cond3A_340 {
        %add3A_465 = arith.constant 5 : i32
        %add3A_466 = arith.addi %add3A_313, %add3A_465 : i32
        %dma_start3A_467 = arith.constant 0 : i32
        %dma_start3A_468 = tpu.memref_slice %arg7[%add3A_466, %dma_start3A_467] : memref<120x128xi32, #tpu.memory_space<vmem>> -> memref<1x128xi32, #tpu.memory_space<vmem>>
        %dma_start3A_469 = tpu.memref_squeeze %dma_start3A_468 : memref<1x128xi32, #tpu.memory_space<vmem>> -> memref<128xi32, #tpu.memory_space<vmem>>
        %dma_start3A_470 = arith.constant 0 : i32
        %dma_start3A_471 = arith.constant 0 : i32
        %dma_start3A_472 = tpu.memref_slice %arg4[%dma_start3A_470, %dma_start3A_471] : memref<10008x16xf32, #tpu.memory_space<hbm>> -> memref<10008x16xf32, #tpu.memory_space<hbm>>
        tpu.enqueue_indirect_dma source(%dma_start3A_472 : memref<10008x16xf32, #tpu.memory_space<hbm>>) target(%arg9 : memref<128x16xf32, #tpu.memory_space<vmem>>) offsets(%dma_start3A_469 : memref<128xi32, #tpu.memory_space<vmem>>) semaphore(%arg20 : memref<!tpu.dma_semaphore, #tpu.memory_space<semaphore_mem>>)
      } else {
      }
      %mul3A_341 = arith.constant 10 : i32
      %mul3A_342 = arith.muli %while3A_156, %mul3A_341 : i32
      %add3A_343 = arith.constant 6 : i32
      %add3A_344 = arith.addi %mul3A_342, %add3A_343 : i32
      %dma_wait3A_345 = arith.constant 0 : i32
      %dma_wait3A_346 = tpu.memref_slice %arg7[%add3A_344, %dma_wait3A_345] : memref<120x128xi32, #tpu.memory_space<vmem>> -> memref<1x128xi32, #tpu.memory_space<vmem>>
      %dma_wait3A_347 = tpu.memref_squeeze %dma_wait3A_346 : memref<1x128xi32, #tpu.memory_space<vmem>> -> memref<128xi32, #tpu.memory_space<vmem>>
      %dma_wait3A_348 = arith.constant 0 : i32
      %dma_wait3A_349 = arith.constant 0 : i32
      %dma_wait3A_350 = tpu.memref_slice %arg4[%dma_wait3A_348, %dma_wait3A_349] : memref<10008x16xf32, #tpu.memory_space<hbm>> -> memref<10008x16xf32, #tpu.memory_space<hbm>>
      tpu.wait_indirect_dma semaphore(%arg26 : memref<!tpu.dma_semaphore, #tpu.memory_space<semaphore_mem>>) src(%dma_wait3A_350 : memref<10008x16xf32, #tpu.memory_space<hbm>>) dst(%arg15 : memref<128x16xf32, #tpu.memory_space<vmem>>)
      %dma_start3A_351 = arith.constant 0 : i32
      %dma_start3A_352 = tpu.memref_slice %arg8[%add3A_344, %dma_start3A_351] : memref<120x128xi32, #tpu.memory_space<vmem>> -> memref<1x128xi32, #tpu.memory_space<vmem>>
      %dma_start3A_353 = tpu.memref_squeeze %dma_start3A_352 : memref<1x128xi32, #tpu.memory_space<vmem>> -> memref<128xi32, #tpu.memory_space<vmem>>
      %dma_start3A_354 = arith.constant 0 : i32
      %dma_start3A_355 = arith.constant 0 : i32
      %dma_start3A_356 = tpu.memref_slice %arg19[%dma_start3A_354, %dma_start3A_355] : memref<10008x16xf32, #tpu.memory_space<vmem_shared>> -> memref<10008x16xf32, #tpu.memory_space<vmem_shared>>
      tpu.enqueue_indirect_dma source(%arg15 : memref<128x16xf32, #tpu.memory_space<vmem>>) target(%dma_start3A_356 : memref<10008x16xf32, #tpu.memory_space<vmem_shared>>) offsets(%dma_start3A_353 : memref<128xi32, #tpu.memory_space<vmem>>) semaphore(%arg36 : memref<!tpu.dma_semaphore, #tpu.memory_space<semaphore_mem>>) {add = true}
      %ge3A_357 = arith.constant 5 : i32
      %ge3A_358 = arith.cmpi sge, %add3A_344, %ge3A_357 : i32
      %add3A_359 = arith.constant 5 : i32
      %add3A_360 = arith.addi %add3A_344, %add3A_359 : i32
      %lt3A_361 = arith.cmpi slt, %add3A_360, %select_n3A_9 : i32
      %and3A_362 = arith.andi %ge3A_358, %lt3A_361 : i1
      %convert_element_type3A_363 = arith.extui %and3A_362 : i1 to i32
      %cond3A_364 = arith.constant 0 : i32
      %cond3A_365 = arith.cmpi ne, %convert_element_type3A_363, %cond3A_364 : i32
      scf.if %cond3A_365 {
        %dma_wait3A_465 = arith.constant 0 : i32
        %dma_wait3A_466 = arith.constant 0 : i32
        %dma_wait3A_467 = tpu.memref_slice %arg8[%dma_wait3A_465, %dma_wait3A_466] : memref<120x128xi32, #tpu.memory_space<vmem>> -> memref<1x128xi32, #tpu.memory_space<vmem>>
        %dma_wait3A_468 = tpu.memref_squeeze %dma_wait3A_467 : memref<1x128xi32, #tpu.memory_space<vmem>> -> memref<128xi32, #tpu.memory_space<vmem>>
        %dma_wait3A_469 = arith.constant 0 : i32
        %dma_wait3A_470 = arith.constant 0 : i32
        %dma_wait3A_471 = tpu.memref_slice %arg19[%dma_wait3A_469, %dma_wait3A_470] : memref<10008x16xf32, #tpu.memory_space<vmem_shared>> -> memref<10008x16xf32, #tpu.memory_space<vmem_shared>>
        tpu.wait_indirect_dma semaphore(%arg31 : memref<!tpu.dma_semaphore, #tpu.memory_space<semaphore_mem>>) src(%arg10 : memref<128x16xf32, #tpu.memory_space<vmem>>) dst(%dma_wait3A_471 : memref<10008x16xf32, #tpu.memory_space<vmem_shared>>)
      } else {
      }
      %add3A_366 = arith.constant 5 : i32
      %add3A_367 = arith.addi %add3A_344, %add3A_366 : i32
      %lt3A_368 = arith.cmpi slt, %add3A_367, %select_n3A_9 : i32
      %convert_element_type3A_369 = arith.extui %lt3A_368 : i1 to i32
      %cond3A_370 = arith.constant 0 : i32
      %cond3A_371 = arith.cmpi ne, %convert_element_type3A_369, %cond3A_370 : i32
      scf.if %cond3A_371 {
        %add3A_465 = arith.constant 5 : i32
        %add3A_466 = arith.addi %add3A_344, %add3A_465 : i32
        %dma_start3A_467 = arith.constant 0 : i32
        %dma_start3A_468 = tpu.memref_slice %arg7[%add3A_466, %dma_start3A_467] : memref<120x128xi32, #tpu.memory_space<vmem>> -> memref<1x128xi32, #tpu.memory_space<vmem>>
        %dma_start3A_469 = tpu.memref_squeeze %dma_start3A_468 : memref<1x128xi32, #tpu.memory_space<vmem>> -> memref<128xi32, #tpu.memory_space<vmem>>
        %dma_start3A_470 = arith.constant 0 : i32
        %dma_start3A_471 = arith.constant 0 : i32
        %dma_start3A_472 = tpu.memref_slice %arg4[%dma_start3A_470, %dma_start3A_471] : memref<10008x16xf32, #tpu.memory_space<hbm>> -> memref<10008x16xf32, #tpu.memory_space<hbm>>
        tpu.enqueue_indirect_dma source(%dma_start3A_472 : memref<10008x16xf32, #tpu.memory_space<hbm>>) target(%arg10 : memref<128x16xf32, #tpu.memory_space<vmem>>) offsets(%dma_start3A_469 : memref<128xi32, #tpu.memory_space<vmem>>) semaphore(%arg21 : memref<!tpu.dma_semaphore, #tpu.memory_space<semaphore_mem>>)
      } else {
      }
      %mul3A_372 = arith.constant 10 : i32
      %mul3A_373 = arith.muli %while3A_156, %mul3A_372 : i32
      %add3A_374 = arith.constant 7 : i32
      %add3A_375 = arith.addi %mul3A_373, %add3A_374 : i32
      %dma_wait3A_376 = arith.constant 0 : i32
      %dma_wait3A_377 = tpu.memref_slice %arg7[%add3A_375, %dma_wait3A_376] : memref<120x128xi32, #tpu.memory_space<vmem>> -> memref<1x128xi32, #tpu.memory_space<vmem>>
      %dma_wait3A_378 = tpu.memref_squeeze %dma_wait3A_377 : memref<1x128xi32, #tpu.memory_space<vmem>> -> memref<128xi32, #tpu.memory_space<vmem>>
      %dma_wait3A_379 = arith.constant 0 : i32
      %dma_wait3A_380 = arith.constant 0 : i32
      %dma_wait3A_381 = tpu.memref_slice %arg4[%dma_wait3A_379, %dma_wait3A_380] : memref<10008x16xf32, #tpu.memory_space<hbm>> -> memref<10008x16xf32, #tpu.memory_space<hbm>>
      tpu.wait_indirect_dma semaphore(%arg27 : memref<!tpu.dma_semaphore, #tpu.memory_space<semaphore_mem>>) src(%dma_wait3A_381 : memref<10008x16xf32, #tpu.memory_space<hbm>>) dst(%arg16 : memref<128x16xf32, #tpu.memory_space<vmem>>)
      %dma_start3A_382 = arith.constant 0 : i32
      %dma_start3A_383 = tpu.memref_slice %arg8[%add3A_375, %dma_start3A_382] : memref<120x128xi32, #tpu.memory_space<vmem>> -> memref<1x128xi32, #tpu.memory_space<vmem>>
      %dma_start3A_384 = tpu.memref_squeeze %dma_start3A_383 : memref<1x128xi32, #tpu.memory_space<vmem>> -> memref<128xi32, #tpu.memory_space<vmem>>
      %dma_start3A_385 = arith.constant 0 : i32
      %dma_start3A_386 = arith.constant 0 : i32
      %dma_start3A_387 = tpu.memref_slice %arg19[%dma_start3A_385, %dma_start3A_386] : memref<10008x16xf32, #tpu.memory_space<vmem_shared>> -> memref<10008x16xf32, #tpu.memory_space<vmem_shared>>
      tpu.enqueue_indirect_dma source(%arg16 : memref<128x16xf32, #tpu.memory_space<vmem>>) target(%dma_start3A_387 : memref<10008x16xf32, #tpu.memory_space<vmem_shared>>) offsets(%dma_start3A_384 : memref<128xi32, #tpu.memory_space<vmem>>) semaphore(%arg37 : memref<!tpu.dma_semaphore, #tpu.memory_space<semaphore_mem>>) {add = true}
      %ge3A_388 = arith.constant 5 : i32
      %ge3A_389 = arith.cmpi sge, %add3A_375, %ge3A_388 : i32
      %add3A_390 = arith.constant 5 : i32
      %add3A_391 = arith.addi %add3A_375, %add3A_390 : i32
      %lt3A_392 = arith.cmpi slt, %add3A_391, %select_n3A_9 : i32
      %and3A_393 = arith.andi %ge3A_389, %lt3A_392 : i1
      %convert_element_type3A_394 = arith.extui %and3A_393 : i1 to i32
      %cond3A_395 = arith.constant 0 : i32
      %cond3A_396 = arith.cmpi ne, %convert_element_type3A_394, %cond3A_395 : i32
      scf.if %cond3A_396 {
        %dma_wait3A_465 = arith.constant 0 : i32
        %dma_wait3A_466 = arith.constant 0 : i32
        %dma_wait3A_467 = tpu.memref_slice %arg8[%dma_wait3A_465, %dma_wait3A_466] : memref<120x128xi32, #tpu.memory_space<vmem>> -> memref<1x128xi32, #tpu.memory_space<vmem>>
        %dma_wait3A_468 = tpu.memref_squeeze %dma_wait3A_467 : memref<1x128xi32, #tpu.memory_space<vmem>> -> memref<128xi32, #tpu.memory_space<vmem>>
        %dma_wait3A_469 = arith.constant 0 : i32
        %dma_wait3A_470 = arith.constant 0 : i32
        %dma_wait3A_471 = tpu.memref_slice %arg19[%dma_wait3A_469, %dma_wait3A_470] : memref<10008x16xf32, #tpu.memory_space<vmem_shared>> -> memref<10008x16xf32, #tpu.memory_space<vmem_shared>>
        tpu.wait_indirect_dma semaphore(%arg32 : memref<!tpu.dma_semaphore, #tpu.memory_space<semaphore_mem>>) src(%arg11 : memref<128x16xf32, #tpu.memory_space<vmem>>) dst(%dma_wait3A_471 : memref<10008x16xf32, #tpu.memory_space<vmem_shared>>)
      } else {
      }
      %add3A_397 = arith.constant 5 : i32
      %add3A_398 = arith.addi %add3A_375, %add3A_397 : i32
      %lt3A_399 = arith.cmpi slt, %add3A_398, %select_n3A_9 : i32
      %convert_element_type3A_400 = arith.extui %lt3A_399 : i1 to i32
      %cond3A_401 = arith.constant 0 : i32
      %cond3A_402 = arith.cmpi ne, %convert_element_type3A_400, %cond3A_401 : i32
      scf.if %cond3A_402 {
        %add3A_465 = arith.constant 5 : i32
        %add3A_466 = arith.addi %add3A_375, %add3A_465 : i32
        %dma_start3A_467 = arith.constant 0 : i32
        %dma_start3A_468 = tpu.memref_slice %arg7[%add3A_466, %dma_start3A_467] : memref<120x128xi32, #tpu.memory_space<vmem>> -> memref<1x128xi32, #tpu.memory_space<vmem>>
        %dma_start3A_469 = tpu.memref_squeeze %dma_start3A_468 : memref<1x128xi32, #tpu.memory_space<vmem>> -> memref<128xi32, #tpu.memory_space<vmem>>
        %dma_start3A_470 = arith.constant 0 : i32
        %dma_start3A_471 = arith.constant 0 : i32
        %dma_start3A_472 = tpu.memref_slice %arg4[%dma_start3A_470, %dma_start3A_471] : memref<10008x16xf32, #tpu.memory_space<hbm>> -> memref<10008x16xf32, #tpu.memory_space<hbm>>
        tpu.enqueue_indirect_dma source(%dma_start3A_472 : memref<10008x16xf32, #tpu.memory_space<hbm>>) target(%arg11 : memref<128x16xf32, #tpu.memory_space<vmem>>) offsets(%dma_start3A_469 : memref<128xi32, #tpu.memory_space<vmem>>) semaphore(%arg22 : memref<!tpu.dma_semaphore, #tpu.memory_space<semaphore_mem>>)
      } else {
      }
      %mul3A_403 = arith.constant 10 : i32
      %mul3A_404 = arith.muli %while3A_156, %mul3A_403 : i32
      %add3A_405 = arith.constant 8 : i32
      %add3A_406 = arith.addi %mul3A_404, %add3A_405 : i32
      %dma_wait3A_407 = arith.constant 0 : i32
      %dma_wait3A_408 = tpu.memref_slice %arg7[%add3A_406, %dma_wait3A_407] : memref<120x128xi32, #tpu.memory_space<vmem>> -> memref<1x128xi32, #tpu.memory_space<vmem>>
      %dma_wait3A_409 = tpu.memref_squeeze %dma_wait3A_408 : memref<1x128xi32, #tpu.memory_space<vmem>> -> memref<128xi32, #tpu.memory_space<vmem>>
      %dma_wait3A_410 = arith.constant 0 : i32
      %dma_wait3A_411 = arith.constant 0 : i32
      %dma_wait3A_412 = tpu.memref_slice %arg4[%dma_wait3A_410, %dma_wait3A_411] : memref<10008x16xf32, #tpu.memory_space<hbm>> -> memref<10008x16xf32, #tpu.memory_space<hbm>>
      tpu.wait_indirect_dma semaphore(%arg28 : memref<!tpu.dma_semaphore, #tpu.memory_space<semaphore_mem>>) src(%dma_wait3A_412 : memref<10008x16xf32, #tpu.memory_space<hbm>>) dst(%arg17 : memref<128x16xf32, #tpu.memory_space<vmem>>)
      %dma_start3A_413 = arith.constant 0 : i32
      %dma_start3A_414 = tpu.memref_slice %arg8[%add3A_406, %dma_start3A_413] : memref<120x128xi32, #tpu.memory_space<vmem>> -> memref<1x128xi32, #tpu.memory_space<vmem>>
      %dma_start3A_415 = tpu.memref_squeeze %dma_start3A_414 : memref<1x128xi32, #tpu.memory_space<vmem>> -> memref<128xi32, #tpu.memory_space<vmem>>
      %dma_start3A_416 = arith.constant 0 : i32
      %dma_start3A_417 = arith.constant 0 : i32
      %dma_start3A_418 = tpu.memref_slice %arg19[%dma_start3A_416, %dma_start3A_417] : memref<10008x16xf32, #tpu.memory_space<vmem_shared>> -> memref<10008x16xf32, #tpu.memory_space<vmem_shared>>
      tpu.enqueue_indirect_dma source(%arg17 : memref<128x16xf32, #tpu.memory_space<vmem>>) target(%dma_start3A_418 : memref<10008x16xf32, #tpu.memory_space<vmem_shared>>) offsets(%dma_start3A_415 : memref<128xi32, #tpu.memory_space<vmem>>) semaphore(%arg38 : memref<!tpu.dma_semaphore, #tpu.memory_space<semaphore_mem>>) {add = true}
      %ge3A_419 = arith.constant 5 : i32
      %ge3A_420 = arith.cmpi sge, %add3A_406, %ge3A_419 : i32
      %add3A_421 = arith.constant 5 : i32
      %add3A_422 = arith.addi %add3A_406, %add3A_421 : i32
      %lt3A_423 = arith.cmpi slt, %add3A_422, %select_n3A_9 : i32
      %and3A_424 = arith.andi %ge3A_420, %lt3A_423 : i1
      %convert_element_type3A_425 = arith.extui %and3A_424 : i1 to i32
      %cond3A_426 = arith.constant 0 : i32
      %cond3A_427 = arith.cmpi ne, %convert_element_type3A_425, %cond3A_426 : i32
      scf.if %cond3A_427 {
        %dma_wait3A_465 = arith.constant 0 : i32
        %dma_wait3A_466 = arith.constant 0 : i32
        %dma_wait3A_467 = tpu.memref_slice %arg8[%dma_wait3A_465, %dma_wait3A_466] : memref<120x128xi32, #tpu.memory_space<vmem>> -> memref<1x128xi32, #tpu.memory_space<vmem>>
        %dma_wait3A_468 = tpu.memref_squeeze %dma_wait3A_467 : memref<1x128xi32, #tpu.memory_space<vmem>> -> memref<128xi32, #tpu.memory_space<vmem>>
        %dma_wait3A_469 = arith.constant 0 : i32
        %dma_wait3A_470 = arith.constant 0 : i32
        %dma_wait3A_471 = tpu.memref_slice %arg19[%dma_wait3A_469, %dma_wait3A_470] : memref<10008x16xf32, #tpu.memory_space<vmem_shared>> -> memref<10008x16xf32, #tpu.memory_space<vmem_shared>>
        tpu.wait_indirect_dma semaphore(%arg33 : memref<!tpu.dma_semaphore, #tpu.memory_space<semaphore_mem>>) src(%arg12 : memref<128x16xf32, #tpu.memory_space<vmem>>) dst(%dma_wait3A_471 : memref<10008x16xf32, #tpu.memory_space<vmem_shared>>)
      } else {
      }
      %add3A_428 = arith.constant 5 : i32
      %add3A_429 = arith.addi %add3A_406, %add3A_428 : i32
      %lt3A_430 = arith.cmpi slt, %add3A_429, %select_n3A_9 : i32
      %convert_element_type3A_431 = arith.extui %lt3A_430 : i1 to i32
      %cond3A_432 = arith.constant 0 : i32
      %cond3A_433 = arith.cmpi ne, %convert_element_type3A_431, %cond3A_432 : i32
      scf.if %cond3A_433 {
        %add3A_465 = arith.constant 5 : i32
        %add3A_466 = arith.addi %add3A_406, %add3A_465 : i32
        %dma_start3A_467 = arith.constant 0 : i32
        %dma_start3A_468 = tpu.memref_slice %arg7[%add3A_466, %dma_start3A_467] : memref<120x128xi32, #tpu.memory_space<vmem>> -> memref<1x128xi32, #tpu.memory_space<vmem>>
        %dma_start3A_469 = tpu.memref_squeeze %dma_start3A_468 : memref<1x128xi32, #tpu.memory_space<vmem>> -> memref<128xi32, #tpu.memory_space<vmem>>
        %dma_start3A_470 = arith.constant 0 : i32
        %dma_start3A_471 = arith.constant 0 : i32
        %dma_start3A_472 = tpu.memref_slice %arg4[%dma_start3A_470, %dma_start3A_471] : memref<10008x16xf32, #tpu.memory_space<hbm>> -> memref<10008x16xf32, #tpu.memory_space<hbm>>
        tpu.enqueue_indirect_dma source(%dma_start3A_472 : memref<10008x16xf32, #tpu.memory_space<hbm>>) target(%arg12 : memref<128x16xf32, #tpu.memory_space<vmem>>) offsets(%dma_start3A_469 : memref<128xi32, #tpu.memory_space<vmem>>) semaphore(%arg23 : memref<!tpu.dma_semaphore, #tpu.memory_space<semaphore_mem>>)
      } else {
      }
      %mul3A_434 = arith.constant 10 : i32
      %mul3A_435 = arith.muli %while3A_156, %mul3A_434 : i32
      %add3A_436 = arith.constant 9 : i32
      %add3A_437 = arith.addi %mul3A_435, %add3A_436 : i32
      %dma_wait3A_438 = arith.constant 0 : i32
      %dma_wait3A_439 = tpu.memref_slice %arg7[%add3A_437, %dma_wait3A_438] : memref<120x128xi32, #tpu.memory_space<vmem>> -> memref<1x128xi32, #tpu.memory_space<vmem>>
      %dma_wait3A_440 = tpu.memref_squeeze %dma_wait3A_439 : memref<1x128xi32, #tpu.memory_space<vmem>> -> memref<128xi32, #tpu.memory_space<vmem>>
      %dma_wait3A_441 = arith.constant 0 : i32
      %dma_wait3A_442 = arith.constant 0 : i32
      %dma_wait3A_443 = tpu.memref_slice %arg4[%dma_wait3A_441, %dma_wait3A_442] : memref<10008x16xf32, #tpu.memory_space<hbm>> -> memref<10008x16xf32, #tpu.memory_space<hbm>>
      tpu.wait_indirect_dma semaphore(%arg29 : memref<!tpu.dma_semaphore, #tpu.memory_space<semaphore_mem>>) src(%dma_wait3A_443 : memref<10008x16xf32, #tpu.memory_space<hbm>>) dst(%arg18 : memref<128x16xf32, #tpu.memory_space<vmem>>)
      %dma_start3A_444 = arith.constant 0 : i32
      %dma_start3A_445 = tpu.memref_slice %arg8[%add3A_437, %dma_start3A_444] : memref<120x128xi32, #tpu.memory_space<vmem>> -> memref<1x128xi32, #tpu.memory_space<vmem>>
      %dma_start3A_446 = tpu.memref_squeeze %dma_start3A_445 : memref<1x128xi32, #tpu.memory_space<vmem>> -> memref<128xi32, #tpu.memory_space<vmem>>
      %dma_start3A_447 = arith.constant 0 : i32
      %dma_start3A_448 = arith.constant 0 : i32
      %dma_start3A_449 = tpu.memref_slice %arg19[%dma_start3A_447, %dma_start3A_448] : memref<10008x16xf32, #tpu.memory_space<vmem_shared>> -> memref<10008x16xf32, #tpu.memory_space<vmem_shared>>
      tpu.enqueue_indirect_dma source(%arg18 : memref<128x16xf32, #tpu.memory_space<vmem>>) target(%dma_start3A_449 : memref<10008x16xf32, #tpu.memory_space<vmem_shared>>) offsets(%dma_start3A_446 : memref<128xi32, #tpu.memory_space<vmem>>) semaphore(%arg39 : memref<!tpu.dma_semaphore, #tpu.memory_space<semaphore_mem>>) {add = true}
      %ge3A_450 = arith.constant 5 : i32
      %ge3A_451 = arith.cmpi sge, %add3A_437, %ge3A_450 : i32
      %add3A_452 = arith.constant 5 : i32
      %add3A_453 = arith.addi %add3A_437, %add3A_452 : i32
      %lt3A_454 = arith.cmpi slt, %add3A_453, %select_n3A_9 : i32
      %and3A_455 = arith.andi %ge3A_451, %lt3A_454 : i1
      %convert_element_type3A_456 = arith.extui %and3A_455 : i1 to i32
      %cond3A_457 = arith.constant 0 : i32
      %cond3A_458 = arith.cmpi ne, %convert_element_type3A_456, %cond3A_457 : i32
      scf.if %cond3A_458 {
        %dma_wait3A_465 = arith.constant 0 : i32
        %dma_wait3A_466 = arith.constant 0 : i32
        %dma_wait3A_467 = tpu.memref_slice %arg8[%dma_wait3A_465, %dma_wait3A_466] : memref<120x128xi32, #tpu.memory_space<vmem>> -> memref<1x128xi32, #tpu.memory_space<vmem>>
        %dma_wait3A_468 = tpu.memref_squeeze %dma_wait3A_467 : memref<1x128xi32, #tpu.memory_space<vmem>> -> memref<128xi32, #tpu.memory_space<vmem>>
        %dma_wait3A_469 = arith.constant 0 : i32
        %dma_wait3A_470 = arith.constant 0 : i32
        %dma_wait3A_471 = tpu.memref_slice %arg19[%dma_wait3A_469, %dma_wait3A_470] : memref<10008x16xf32, #tpu.memory_space<vmem_shared>> -> memref<10008x16xf32, #tpu.memory_space<vmem_shared>>
        tpu.wait_indirect_dma semaphore(%arg34 : memref<!tpu.dma_semaphore, #tpu.memory_space<semaphore_mem>>) src(%arg13 : memref<128x16xf32, #tpu.memory_space<vmem>>) dst(%dma_wait3A_471 : memref<10008x16xf32, #tpu.memory_space<vmem_shared>>)
      } else {
      }
      %add3A_459 = arith.constant 5 : i32
      %add3A_460 = arith.addi %add3A_437, %add3A_459 : i32
      %lt3A_461 = arith.cmpi slt, %add3A_460, %select_n3A_9 : i32
      %convert_element_type3A_462 = arith.extui %lt3A_461 : i1 to i32
      %cond3A_463 = arith.constant 0 : i32
      %cond3A_464 = arith.cmpi ne, %convert_element_type3A_462, %cond3A_463 : i32
      scf.if %cond3A_464 {
        %add3A_465 = arith.constant 5 : i32
        %add3A_466 = arith.addi %add3A_437, %add3A_465 : i32
        %dma_start3A_467 = arith.constant 0 : i32
        %dma_start3A_468 = tpu.memref_slice %arg7[%add3A_466, %dma_start3A_467] : memref<120x128xi32, #tpu.memory_space<vmem>> -> memref<1x128xi32, #tpu.memory_space<vmem>>
        %dma_start3A_469 = tpu.memref_squeeze %dma_start3A_468 : memref<1x128xi32, #tpu.memory_space<vmem>> -> memref<128xi32, #tpu.memory_space<vmem>>
        %dma_start3A_470 = arith.constant 0 : i32
        %dma_start3A_471 = arith.constant 0 : i32
        %dma_start3A_472 = tpu.memref_slice %arg4[%dma_start3A_470, %dma_start3A_471] : memref<10008x16xf32, #tpu.memory_space<hbm>> -> memref<10008x16xf32, #tpu.memory_space<hbm>>
        tpu.enqueue_indirect_dma source(%dma_start3A_472 : memref<10008x16xf32, #tpu.memory_space<hbm>>) target(%arg13 : memref<128x16xf32, #tpu.memory_space<vmem>>) offsets(%dma_start3A_469 : memref<128xi32, #tpu.memory_space<vmem>>) semaphore(%arg24 : memref<!tpu.dma_semaphore, #tpu.memory_space<semaphore_mem>>)
      } else {
      }
    }
    %dma_wait3A = arith.constant 0 : i32
    %dma_wait3A_77 = arith.constant 0 : i32
    %dma_wait3A_78 = tpu.memref_slice %arg8[%dma_wait3A, %dma_wait3A_77] : memref<120x128xi32, #tpu.memory_space<vmem>> -> memref<1x128xi32, #tpu.memory_space<vmem>>
    %dma_wait3A_79 = tpu.memref_squeeze %dma_wait3A_78 : memref<1x128xi32, #tpu.memory_space<vmem>> -> memref<128xi32, #tpu.memory_space<vmem>>
    %dma_wait3A_80 = arith.constant 0 : i32
    %dma_wait3A_81 = arith.constant 0 : i32
    %dma_wait3A_82 = tpu.memref_slice %arg19[%dma_wait3A_80, %dma_wait3A_81] : memref<10008x16xf32, #tpu.memory_space<vmem_shared>> -> memref<10008x16xf32, #tpu.memory_space<vmem_shared>>
    tpu.wait_indirect_dma semaphore(%arg30 : memref<!tpu.dma_semaphore, #tpu.memory_space<semaphore_mem>>) src(%arg9 : memref<128x16xf32, #tpu.memory_space<vmem>>) dst(%dma_wait3A_82 : memref<10008x16xf32, #tpu.memory_space<vmem_shared>>)
    %dma_wait3A_83 = arith.constant 0 : i32
    %dma_wait3A_84 = arith.constant 0 : i32
    %dma_wait3A_85 = tpu.memref_slice %arg8[%dma_wait3A_83, %dma_wait3A_84] : memref<120x128xi32, #tpu.memory_space<vmem>> -> memref<1x128xi32, #tpu.memory_space<vmem>>
    %dma_wait3A_86 = tpu.memref_squeeze %dma_wait3A_85 : memref<1x128xi32, #tpu.memory_space<vmem>> -> memref<128xi32, #tpu.memory_space<vmem>>
    %dma_wait3A_87 = arith.constant 0 : i32
    %dma_wait3A_88 = arith.constant 0 : i32
    %dma_wait3A_89 = tpu.memref_slice %arg19[%dma_wait3A_87, %dma_wait3A_88] : memref<10008x16xf32, #tpu.memory_space<vmem_shared>> -> memref<10008x16xf32, #tpu.memory_space<vmem_shared>>
    tpu.wait_indirect_dma semaphore(%arg31 : memref<!tpu.dma_semaphore, #tpu.memory_space<semaphore_mem>>) src(%arg10 : memref<128x16xf32, #tpu.memory_space<vmem>>) dst(%dma_wait3A_89 : memref<10008x16xf32, #tpu.memory_space<vmem_shared>>)
    %dma_wait3A_90 = arith.constant 0 : i32
    %dma_wait3A_91 = arith.constant 0 : i32
    %dma_wait3A_92 = tpu.memref_slice %arg8[%dma_wait3A_90, %dma_wait3A_91] : memref<120x128xi32, #tpu.memory_space<vmem>> -> memref<1x128xi32, #tpu.memory_space<vmem>>
    %dma_wait3A_93 = tpu.memref_squeeze %dma_wait3A_92 : memref<1x128xi32, #tpu.memory_space<vmem>> -> memref<128xi32, #tpu.memory_space<vmem>>
    %dma_wait3A_94 = arith.constant 0 : i32
    %dma_wait3A_95 = arith.constant 0 : i32
    %dma_wait3A_96 = tpu.memref_slice %arg19[%dma_wait3A_94, %dma_wait3A_95] : memref<10008x16xf32, #tpu.memory_space<vmem_shared>> -> memref<10008x16xf32, #tpu.memory_space<vmem_shared>>
    tpu.wait_indirect_dma semaphore(%arg32 : memref<!tpu.dma_semaphore, #tpu.memory_space<semaphore_mem>>) src(%arg11 : memref<128x16xf32, #tpu.memory_space<vmem>>) dst(%dma_wait3A_96 : memref<10008x16xf32, #tpu.memory_space<vmem_shared>>)
    %dma_wait3A_97 = arith.constant 0 : i32
    %dma_wait3A_98 = arith.constant 0 : i32
    %dma_wait3A_99 = tpu.memref_slice %arg8[%dma_wait3A_97, %dma_wait3A_98] : memref<120x128xi32, #tpu.memory_space<vmem>> -> memref<1x128xi32, #tpu.memory_space<vmem>>
    %dma_wait3A_100 = tpu.memref_squeeze %dma_wait3A_99 : memref<1x128xi32, #tpu.memory_space<vmem>> -> memref<128xi32, #tpu.memory_space<vmem>>
    %dma_wait3A_101 = arith.constant 0 : i32
    %dma_wait3A_102 = arith.constant 0 : i32
    %dma_wait3A_103 = tpu.memref_slice %arg19[%dma_wait3A_101, %dma_wait3A_102] : memref<10008x16xf32, #tpu.memory_space<vmem_shared>> -> memref<10008x16xf32, #tpu.memory_space<vmem_shared>>
    tpu.wait_indirect_dma semaphore(%arg33 : memref<!tpu.dma_semaphore, #tpu.memory_space<semaphore_mem>>) src(%arg12 : memref<128x16xf32, #tpu.memory_space<vmem>>) dst(%dma_wait3A_103 : memref<10008x16xf32, #tpu.memory_space<vmem_shared>>)
    %dma_wait3A_104 = arith.constant 0 : i32
    %dma_wait3A_105 = arith.constant 0 : i32
    %dma_wait3A_106 = tpu.memref_slice %arg8[%dma_wait3A_104, %dma_wait3A_105] : memref<120x128xi32, #tpu.memory_space<vmem>> -> memref<1x128xi32, #tpu.memory_space<vmem>>
    %dma_wait3A_107 = tpu.memref_squeeze %dma_wait3A_106 : memref<1x128xi32, #tpu.memory_space<vmem>> -> memref<128xi32, #tpu.memory_space<vmem>>
    %dma_wait3A_108 = arith.constant 0 : i32
    %dma_wait3A_109 = arith.constant 0 : i32
    %dma_wait3A_110 = tpu.memref_slice %arg19[%dma_wait3A_108, %dma_wait3A_109] : memref<10008x16xf32, #tpu.memory_space<vmem_shared>> -> memref<10008x16xf32, #tpu.memory_space<vmem_shared>>
    tpu.wait_indirect_dma semaphore(%arg34 : memref<!tpu.dma_semaphore, #tpu.memory_space<semaphore_mem>>) src(%arg13 : memref<128x16xf32, #tpu.memory_space<vmem>>) dst(%dma_wait3A_110 : memref<10008x16xf32, #tpu.memory_space<vmem_shared>>)
    %dma_wait3A_111 = arith.constant 0 : i32
    %dma_wait3A_112 = arith.constant 0 : i32
    %dma_wait3A_113 = tpu.memref_slice %arg8[%dma_wait3A_111, %dma_wait3A_112] : memref<120x128xi32, #tpu.memory_space<vmem>> -> memref<1x128xi32, #tpu.memory_space<vmem>>
    %dma_wait3A_114 = tpu.memref_squeeze %dma_wait3A_113 : memref<1x128xi32, #tpu.memory_space<vmem>> -> memref<128xi32, #tpu.memory_space<vmem>>
    %dma_wait3A_115 = arith.constant 0 : i32
    %dma_wait3A_116 = arith.constant 0 : i32
    %dma_wait3A_117 = tpu.memref_slice %arg19[%dma_wait3A_115, %dma_wait3A_116] : memref<10008x16xf32, #tpu.memory_space<vmem_shared>> -> memref<10008x16xf32, #tpu.memory_space<vmem_shared>>
    tpu.wait_indirect_dma semaphore(%arg35 : memref<!tpu.dma_semaphore, #tpu.memory_space<semaphore_mem>>) src(%arg14 : memref<128x16xf32, #tpu.memory_space<vmem>>) dst(%dma_wait3A_117 : memref<10008x16xf32, #tpu.memory_space<vmem_shared>>)
    %dma_wait3A_118 = arith.constant 0 : i32
    %dma_wait3A_119 = arith.constant 0 : i32
    %dma_wait3A_120 = tpu.memref_slice %arg8[%dma_wait3A_118, %dma_wait3A_119] : memref<120x128xi32, #tpu.memory_space<vmem>> -> memref<1x128xi32, #tpu.memory_space<vmem>>
    %dma_wait3A_121 = tpu.memref_squeeze %dma_wait3A_120 : memref<1x128xi32, #tpu.memory_space<vmem>> -> memref<128xi32, #tpu.memory_space<vmem>>
    %dma_wait3A_122 = arith.constant 0 : i32
    %dma_wait3A_123 = arith.constant 0 : i32
    %dma_wait3A_124 = tpu.memref_slice %arg19[%dma_wait3A_122, %dma_wait3A_123] : memref<10008x16xf32, #tpu.memory_space<vmem_shared>> -> memref<10008x16xf32, #tpu.memory_space<vmem_shared>>
    tpu.wait_indirect_dma semaphore(%arg36 : memref<!tpu.dma_semaphore, #tpu.memory_space<semaphore_mem>>) src(%arg15 : memref<128x16xf32, #tpu.memory_space<vmem>>) dst(%dma_wait3A_124 : memref<10008x16xf32, #tpu.memory_space<vmem_shared>>)
    %dma_wait3A_125 = arith.constant 0 : i32
    %dma_wait3A_126 = arith.constant 0 : i32
    %dma_wait3A_127 = tpu.memref_slice %arg8[%dma_wait3A_125, %dma_wait3A_126] : memref<120x128xi32, #tpu.memory_space<vmem>> -> memref<1x128xi32, #tpu.memory_space<vmem>>
    %dma_wait3A_128 = tpu.memref_squeeze %dma_wait3A_127 : memref<1x128xi32, #tpu.memory_space<vmem>> -> memref<128xi32, #tpu.memory_space<vmem>>
    %dma_wait3A_129 = arith.constant 0 : i32
    %dma_wait3A_130 = arith.constant 0 : i32
    %dma_wait3A_131 = tpu.memref_slice %arg19[%dma_wait3A_129, %dma_wait3A_130] : memref<10008x16xf32, #tpu.memory_space<vmem_shared>> -> memref<10008x16xf32, #tpu.memory_space<vmem_shared>>
    tpu.wait_indirect_dma semaphore(%arg37 : memref<!tpu.dma_semaphore, #tpu.memory_space<semaphore_mem>>) src(%arg16 : memref<128x16xf32, #tpu.memory_space<vmem>>) dst(%dma_wait3A_131 : memref<10008x16xf32, #tpu.memory_space<vmem_shared>>)
    %dma_wait3A_132 = arith.constant 0 : i32
    %dma_wait3A_133 = arith.constant 0 : i32
    %dma_wait3A_134 = tpu.memref_slice %arg8[%dma_wait3A_132, %dma_wait3A_133] : memref<120x128xi32, #tpu.memory_space<vmem>> -> memref<1x128xi32, #tpu.memory_space<vmem>>
    %dma_wait3A_135 = tpu.memref_squeeze %dma_wait3A_134 : memref<1x128xi32, #tpu.memory_space<vmem>> -> memref<128xi32, #tpu.memory_space<vmem>>
    %dma_wait3A_136 = arith.constant 0 : i32
    %dma_wait3A_137 = arith.constant 0 : i32
    %dma_wait3A_138 = tpu.memref_slice %arg19[%dma_wait3A_136, %dma_wait3A_137] : memref<10008x16xf32, #tpu.memory_space<vmem_shared>> -> memref<10008x16xf32, #tpu.memory_space<vmem_shared>>
    tpu.wait_indirect_dma semaphore(%arg38 : memref<!tpu.dma_semaphore, #tpu.memory_space<semaphore_mem>>) src(%arg17 : memref<128x16xf32, #tpu.memory_space<vmem>>) dst(%dma_wait3A_138 : memref<10008x16xf32, #tpu.memory_space<vmem_shared>>)
    %dma_wait3A_139 = arith.constant 0 : i32
    %dma_wait3A_140 = arith.constant 0 : i32
    %dma_wait3A_141 = tpu.memref_slice %arg8[%dma_wait3A_139, %dma_wait3A_140] : memref<120x128xi32, #tpu.memory_space<vmem>> -> memref<1x128xi32, #tpu.memory_space<vmem>>
    %dma_wait3A_142 = tpu.memref_squeeze %dma_wait3A_141 : memref<1x128xi32, #tpu.memory_space<vmem>> -> memref<128xi32, #tpu.memory_space<vmem>>
    %dma_wait3A_143 = arith.constant 0 : i32
    %dma_wait3A_144 = arith.constant 0 : i32
    %dma_wait3A_145 = tpu.memref_slice %arg19[%dma_wait3A_143, %dma_wait3A_144] : memref<10008x16xf32, #tpu.memory_space<vmem_shared>> -> memref<10008x16xf32, #tpu.memory_space<vmem_shared>>
    tpu.wait_indirect_dma semaphore(%arg39 : memref<!tpu.dma_semaphore, #tpu.memory_space<semaphore_mem>>) src(%arg18 : memref<128x16xf32, #tpu.memory_space<vmem>>) dst(%dma_wait3A_145 : memref<10008x16xf32, #tpu.memory_space<vmem_shared>>)
    %barrier3A_146 = arith.constant 0 : index
    tpu.barrier barrier_id(%barrier3A_146)
    %mul3A_147 = arith.constant 624 : i32
    %mul3A_148 = arith.muli %arg1, %mul3A_147 : i32
    %mul3A_149 = arith.constant 624 : i32
    %mul3A_150 = arith.muli %arg1, %mul3A_149 : i32
    "tpu.region"() ({
      %run_scoped3A = tpu.sem_alloc : memref<!tpu.dma_semaphore, #tpu.memory_space<semaphore_mem>>
      %dma_start3A_156 = arith.constant 0 : i32
      %dma_start3A_157 = tpu.memref_slice %arg6[%arg0, %mul3A_150, %dma_start3A_156] : memref<2x10008x16xf32, #tpu.memory_space<hbm>> -> memref<1x624x16xf32, #tpu.memory_space<hbm>>
      %dma_start3A_158 = tpu.memref_squeeze %dma_start3A_157 : memref<1x624x16xf32, #tpu.memory_space<hbm>> -> memref<624x16xf32, #tpu.memory_space<hbm>>
      %dma_start3A_159 = arith.constant 0 : i32
      %dma_start3A_160 = tpu.memref_slice %arg19[%mul3A_148, %dma_start3A_159] : memref<10008x16xf32, #tpu.memory_space<vmem_shared>> -> memref<624x16xf32, #tpu.memory_space<vmem_shared>>
      tpu.enqueue_dma source(%dma_start3A_160 : memref<624x16xf32, #tpu.memory_space<vmem_shared>>) target(%dma_start3A_158 : memref<624x16xf32, #tpu.memory_space<hbm>>) target_semaphore(%run_scoped3A : memref<!tpu.dma_semaphore, #tpu.memory_space<semaphore_mem>>)
      %dma_wait3A_161 = arith.constant 0 : i32
      %dma_wait3A_162 = tpu.memref_slice %arg6[%arg0, %mul3A_150, %dma_wait3A_161] : memref<2x10008x16xf32, #tpu.memory_space<hbm>> -> memref<1x624x16xf32, #tpu.memory_space<hbm>>
      %dma_wait3A_163 = tpu.memref_squeeze %dma_wait3A_162 : memref<1x624x16xf32, #tpu.memory_space<hbm>> -> memref<624x16xf32, #tpu.memory_space<hbm>>
      %dma_wait3A_164 = arith.constant 0 : i32
      %dma_wait3A_165 = tpu.memref_slice %arg19[%mul3A_148, %dma_wait3A_164] : memref<10008x16xf32, #tpu.memory_space<vmem_shared>> -> memref<624x16xf32, #tpu.memory_space<vmem_shared>>
      tpu.wait_dma2 semaphore(%run_scoped3A : memref<!tpu.dma_semaphore, #tpu.memory_space<semaphore_mem>>) src(%dma_wait3A_165 : memref<624x16xf32, #tpu.memory_space<vmem_shared>>) dst(%dma_wait3A_163 : memref<624x16xf32, #tpu.memory_space<hbm>>)
      tpu.yield
    }) : () -> ()
    %eq3A_151 = arith.constant 15 : i32
    %eq3A_152 = arith.cmpi eq, %arg1, %eq3A_151 : i32
    %convert_element_type3A_153 = arith.extui %eq3A_152 : i1 to i32
    %cond3A_154 = arith.constant 0 : i32
    %cond3A_155 = arith.cmpi ne, %convert_element_type3A_153, %cond3A_154 : i32
    scf.if %cond3A_155 {
      "tpu.region"() ({
        %run_scoped3A = tpu.sem_alloc : memref<!tpu.dma_semaphore, #tpu.memory_space<semaphore_mem>>
        %dma_start3A_156 = arith.constant 9984 : i32
        %dma_start3A_157 = arith.constant 0 : i32
        %dma_start3A_158 = tpu.memref_slice %arg6[%arg0, %dma_start3A_156, %dma_start3A_157] : memref<2x10008x16xf32, #tpu.memory_space<hbm>> -> memref<1x24x16xf32, #tpu.memory_space<hbm>>
        %dma_start3A_159 = tpu.memref_squeeze %dma_start3A_158 : memref<1x24x16xf32, #tpu.memory_space<hbm>> -> memref<24x16xf32, #tpu.memory_space<hbm>>
        %dma_start3A_160 = arith.constant 9984 : i32
        %dma_start3A_161 = arith.constant 0 : i32
        %dma_start3A_162 = tpu.memref_slice %arg19[%dma_start3A_160, %dma_start3A_161] : memref<10008x16xf32, #tpu.memory_space<vmem_shared>> -> memref<24x16xf32, #tpu.memory_space<vmem_shared>>
        tpu.enqueue_dma source(%dma_start3A_162 : memref<24x16xf32, #tpu.memory_space<vmem_shared>>) target(%dma_start3A_159 : memref<24x16xf32, #tpu.memory_space<hbm>>) target_semaphore(%run_scoped3A : memref<!tpu.dma_semaphore, #tpu.memory_space<semaphore_mem>>)
        %dma_wait3A_163 = arith.constant 9984 : i32
        %dma_wait3A_164 = arith.constant 0 : i32
        %dma_wait3A_165 = tpu.memref_slice %arg6[%arg0, %dma_wait3A_163, %dma_wait3A_164] : memref<2x10008x16xf32, #tpu.memory_space<hbm>> -> memref<1x24x16xf32, #tpu.memory_space<hbm>>
        %dma_wait3A_166 = tpu.memref_squeeze %dma_wait3A_165 : memref<1x24x16xf32, #tpu.memory_space<hbm>> -> memref<24x16xf32, #tpu.memory_space<hbm>>
        %dma_wait3A_167 = arith.constant 9984 : i32
        %dma_wait3A_168 = arith.constant 0 : i32
        %dma_wait3A_169 = tpu.memref_slice %arg19[%dma_wait3A_167, %dma_wait3A_168] : memref<10008x16xf32, #tpu.memory_space<vmem_shared>> -> memref<24x16xf32, #tpu.memory_space<vmem_shared>>
        tpu.wait_dma2 semaphore(%run_scoped3A : memref<!tpu.dma_semaphore, #tpu.memory_space<semaphore_mem>>) src(%dma_wait3A_169 : memref<24x16xf32, #tpu.memory_space<vmem_shared>>) dst(%dma_wait3A_166 : memref<24x16xf32, #tpu.memory_space<hbm>>)
        tpu.yield
      }) : () -> ()
    } else {
    }
    return
  }
}

#map = affine_map<(d0, d1) -> (0, 0)>
#map1 = affine_map<(d0, d1) -> (0, 0, 0)>
module attributes {stable_mosaic.version = 14 : i64} {
  func.func @agg_kernel(%arg0: i32, %arg1: i32, %arg2: memref<2560x128xi32, #tpu.memory_space<hbm>>, %arg3: memref<2560x128xi32, #tpu.memory_space<hbm>>, %arg4: memref<10008x8xf32, #tpu.memory_space<hbm>>, %arg5: memref<10008x8xf32, #tpu.memory_space<hbm>>, %arg6: memref<2x10008x8xf32, #tpu.memory_space<hbm>>, %arg7: memref<120x128xi32, #tpu.memory_space<vmem>>, %arg8: memref<120x128xi32, #tpu.memory_space<vmem>>, %arg9: memref<128x8xf32, #tpu.memory_space<vmem>>, %arg10: memref<128x8xf32, #tpu.memory_space<vmem>>, %arg11: memref<128x8xf32, #tpu.memory_space<vmem>>, %arg12: memref<128x8xf32, #tpu.memory_space<vmem>>, %arg13: memref<128x8xf32, #tpu.memory_space<vmem>>, %arg14: memref<128x8xf32, #tpu.memory_space<vmem>>, %arg15: memref<128x8xf32, #tpu.memory_space<vmem>>, %arg16: memref<128x8xf32, #tpu.memory_space<vmem>>, %arg17: memref<128x8xf32, #tpu.memory_space<vmem>>, %arg18: memref<128x8xf32, #tpu.memory_space<vmem>>, %arg19: memref<10008x8xf32, #tpu.memory_space<vmem_shared>>, %arg20: memref<!tpu.dma_semaphore, #tpu.memory_space<semaphore_mem>>, %arg21: memref<!tpu.dma_semaphore, #tpu.memory_space<semaphore_mem>>, %arg22: memref<!tpu.dma_semaphore, #tpu.memory_space<semaphore_mem>>, %arg23: memref<!tpu.dma_semaphore, #tpu.memory_space<semaphore_mem>>, %arg24: memref<!tpu.dma_semaphore, #tpu.memory_space<semaphore_mem>>, %arg25: memref<!tpu.dma_semaphore, #tpu.memory_space<semaphore_mem>>, %arg26: memref<!tpu.dma_semaphore, #tpu.memory_space<semaphore_mem>>, %arg27: memref<!tpu.dma_semaphore, #tpu.memory_space<semaphore_mem>>, %arg28: memref<!tpu.dma_semaphore, #tpu.memory_space<semaphore_mem>>, %arg29: memref<!tpu.dma_semaphore, #tpu.memory_space<semaphore_mem>>, %arg30: memref<!tpu.dma_semaphore, #tpu.memory_space<semaphore_mem>>, %arg31: memref<!tpu.dma_semaphore, #tpu.memory_space<semaphore_mem>>, %arg32: memref<!tpu.dma_semaphore, #tpu.memory_space<semaphore_mem>>, %arg33: memref<!tpu.dma_semaphore, #tpu.memory_space<semaphore_mem>>, %arg34: memref<!tpu.dma_semaphore, #tpu.memory_space<semaphore_mem>>, %arg35: memref<!tpu.dma_semaphore, #tpu.memory_space<semaphore_mem>>, %arg36: memref<!tpu.dma_semaphore, #tpu.memory_space<semaphore_mem>>, %arg37: memref<!tpu.dma_semaphore, #tpu.memory_space<semaphore_mem>>, %arg38: memref<!tpu.dma_semaphore, #tpu.memory_space<semaphore_mem>>, %arg39: memref<!tpu.dma_semaphore, #tpu.memory_space<semaphore_mem>>) attributes {dimension_semantics = [#tpu.dimension_semantics<core_parallel>, #tpu.dimension_semantics<subcore_parallel>], iteration_bounds = array<i64: 2, 16>, scalar_prefetch = 0 : i64, scratch_operands = 33 : i64, tpu.core_type = #tpu.core_type<sc_vector_subcore>, window_params = [{transform_indices = #map}, {transform_indices = #map}, {transform_indices = #map}, {transform_indices = #map}, {transform_indices = #map1}]} {
    %eq3A = arith.constant 0 : i32
    %eq3A_0 = arith.cmpi eq, %arg0, %eq3A : i32
    %mul3A = arith.constant 120 : i32
    %mul3A_1 = arith.muli %arg1, %mul3A : i32
    %mul3A_2 = arith.constant 40 : i32
    %mul3A_3 = arith.muli %arg1, %mul3A_2 : i32
    %add3A = arith.constant 1920 : i32
    %add3A_4 = arith.addi %add3A, %mul3A_3 : i32
    %select_n3A = arith.select %eq3A_0, %mul3A_1, %add3A_4 : i32
    %eq3A_5 = arith.constant 0 : i32
    %eq3A_6 = arith.cmpi eq, %arg0, %eq3A_5 : i32
    %select_n3A_7 = arith.constant 40 : i32
    %select_n3A_8 = arith.constant 120 : i32
    %select_n3A_9 = arith.select %eq3A_6, %select_n3A_8, %select_n3A_7 : i32
    %mul3A_10 = arith.constant 624 : i32
    %mul3A_11 = arith.muli %arg1, %mul3A_10 : i32
    %mul3A_12 = arith.constant 624 : i32
    %mul3A_13 = arith.muli %arg1, %mul3A_12 : i32
    "tpu.region"() ({
      %run_scoped3A = tpu.sem_alloc : memref<!tpu.dma_semaphore, #tpu.memory_space<semaphore_mem>>
      %dma_start3A_156 = arith.constant 0 : i32
      %dma_start3A_157 = tpu.memref_slice %arg19[%mul3A_13, %dma_start3A_156] : memref<10008x8xf32, #tpu.memory_space<vmem_shared>> -> memref<624x8xf32, #tpu.memory_space<vmem_shared>>
      %dma_start3A_158 = arith.constant 0 : i32
      %dma_start3A_159 = tpu.memref_slice %arg5[%mul3A_11, %dma_start3A_158] : memref<10008x8xf32, #tpu.memory_space<hbm>> -> memref<624x8xf32, #tpu.memory_space<hbm>>
      tpu.enqueue_dma source(%dma_start3A_159 : memref<624x8xf32, #tpu.memory_space<hbm>>) target(%dma_start3A_157 : memref<624x8xf32, #tpu.memory_space<vmem_shared>>) target_semaphore(%run_scoped3A : memref<!tpu.dma_semaphore, #tpu.memory_space<semaphore_mem>>)
      %dma_wait3A_160 = arith.constant 0 : i32
      %dma_wait3A_161 = tpu.memref_slice %arg19[%mul3A_13, %dma_wait3A_160] : memref<10008x8xf32, #tpu.memory_space<vmem_shared>> -> memref<624x8xf32, #tpu.memory_space<vmem_shared>>
      %dma_wait3A_162 = arith.constant 0 : i32
      %dma_wait3A_163 = tpu.memref_slice %arg5[%mul3A_11, %dma_wait3A_162] : memref<10008x8xf32, #tpu.memory_space<hbm>> -> memref<624x8xf32, #tpu.memory_space<hbm>>
      tpu.wait_dma2 semaphore(%run_scoped3A : memref<!tpu.dma_semaphore, #tpu.memory_space<semaphore_mem>>) src(%dma_wait3A_163 : memref<624x8xf32, #tpu.memory_space<hbm>>) dst(%dma_wait3A_161 : memref<624x8xf32, #tpu.memory_space<vmem_shared>>)
      tpu.yield
    }) : () -> ()
    %eq3A_14 = arith.constant 15 : i32
    %eq3A_15 = arith.cmpi eq, %arg1, %eq3A_14 : i32
    %convert_element_type3A = arith.extui %eq3A_15 : i1 to i32
    %cond3A = arith.constant 0 : i32
    %cond3A_16 = arith.cmpi ne, %convert_element_type3A, %cond3A : i32
    scf.if %cond3A_16 {
      "tpu.region"() ({
        %run_scoped3A = tpu.sem_alloc : memref<!tpu.dma_semaphore, #tpu.memory_space<semaphore_mem>>
        %dma_start3A_156 = arith.constant 9984 : i32
        %dma_start3A_157 = arith.constant 0 : i32
        %dma_start3A_158 = tpu.memref_slice %arg19[%dma_start3A_156, %dma_start3A_157] : memref<10008x8xf32, #tpu.memory_space<vmem_shared>> -> memref<24x8xf32, #tpu.memory_space<vmem_shared>>
        %dma_start3A_159 = arith.constant 9984 : i32
        %dma_start3A_160 = arith.constant 0 : i32
        %dma_start3A_161 = tpu.memref_slice %arg5[%dma_start3A_159, %dma_start3A_160] : memref<10008x8xf32, #tpu.memory_space<hbm>> -> memref<24x8xf32, #tpu.memory_space<hbm>>
        tpu.enqueue_dma source(%dma_start3A_161 : memref<24x8xf32, #tpu.memory_space<hbm>>) target(%dma_start3A_158 : memref<24x8xf32, #tpu.memory_space<vmem_shared>>) target_semaphore(%run_scoped3A : memref<!tpu.dma_semaphore, #tpu.memory_space<semaphore_mem>>)
        %dma_wait3A_162 = arith.constant 9984 : i32
        %dma_wait3A_163 = arith.constant 0 : i32
        %dma_wait3A_164 = tpu.memref_slice %arg19[%dma_wait3A_162, %dma_wait3A_163] : memref<10008x8xf32, #tpu.memory_space<vmem_shared>> -> memref<24x8xf32, #tpu.memory_space<vmem_shared>>
        %dma_wait3A_165 = arith.constant 9984 : i32
        %dma_wait3A_166 = arith.constant 0 : i32
        %dma_wait3A_167 = tpu.memref_slice %arg5[%dma_wait3A_165, %dma_wait3A_166] : memref<10008x8xf32, #tpu.memory_space<hbm>> -> memref<24x8xf32, #tpu.memory_space<hbm>>
        tpu.wait_dma2 semaphore(%run_scoped3A : memref<!tpu.dma_semaphore, #tpu.memory_space<semaphore_mem>>) src(%dma_wait3A_167 : memref<24x8xf32, #tpu.memory_space<hbm>>) dst(%dma_wait3A_164 : memref<24x8xf32, #tpu.memory_space<vmem_shared>>)
        tpu.yield
      }) : () -> ()
    } else {
    }
    "tpu.region"() ({
      %run_scoped3A = tpu.sem_alloc : memref<!tpu.dma_semaphore, #tpu.memory_space<semaphore_mem>>
      %dma_start3A_156 = arith.constant 0 : i32
      %dma_start3A_157 = tpu.memref_slice %arg2[%select_n3A, %dma_start3A_156] : memref<2560x128xi32, #tpu.memory_space<hbm>> -> memref<120x128xi32, #tpu.memory_space<hbm>>
      %dma_start3A_158 = arith.constant 0 : i32
      %dma_start3A_159 = tpu.memref_slice %arg2[%select_n3A, %dma_start3A_158] : memref<2560x128xi32, #tpu.memory_space<hbm>> -> memref<120x128xi32, #tpu.memory_space<hbm>>
      tpu.enqueue_dma source(%dma_start3A_159 : memref<120x128xi32, #tpu.memory_space<hbm>>) target(%arg7 : memref<120x128xi32, #tpu.memory_space<vmem>>) target_semaphore(%run_scoped3A : memref<!tpu.dma_semaphore, #tpu.memory_space<semaphore_mem>>)
      %dma_wait3A_160 = arith.constant 0 : i32
      %dma_wait3A_161 = tpu.memref_slice %arg2[%select_n3A, %dma_wait3A_160] : memref<2560x128xi32, #tpu.memory_space<hbm>> -> memref<120x128xi32, #tpu.memory_space<hbm>>
      %dma_wait3A_162 = arith.constant 0 : i32
      %dma_wait3A_163 = tpu.memref_slice %arg2[%select_n3A, %dma_wait3A_162] : memref<2560x128xi32, #tpu.memory_space<hbm>> -> memref<120x128xi32, #tpu.memory_space<hbm>>
      tpu.wait_dma2 semaphore(%run_scoped3A : memref<!tpu.dma_semaphore, #tpu.memory_space<semaphore_mem>>) src(%dma_wait3A_163 : memref<120x128xi32, #tpu.memory_space<hbm>>) dst(%arg7 : memref<120x128xi32, #tpu.memory_space<vmem>>)
      tpu.yield
    }) : () -> ()
    "tpu.region"() ({
      %run_scoped3A = tpu.sem_alloc : memref<!tpu.dma_semaphore, #tpu.memory_space<semaphore_mem>>
      %dma_start3A_156 = arith.constant 0 : i32
      %dma_start3A_157 = tpu.memref_slice %arg3[%select_n3A, %dma_start3A_156] : memref<2560x128xi32, #tpu.memory_space<hbm>> -> memref<120x128xi32, #tpu.memory_space<hbm>>
      %dma_start3A_158 = arith.constant 0 : i32
      %dma_start3A_159 = tpu.memref_slice %arg3[%select_n3A, %dma_start3A_158] : memref<2560x128xi32, #tpu.memory_space<hbm>> -> memref<120x128xi32, #tpu.memory_space<hbm>>
      tpu.enqueue_dma source(%dma_start3A_159 : memref<120x128xi32, #tpu.memory_space<hbm>>) target(%arg8 : memref<120x128xi32, #tpu.memory_space<vmem>>) target_semaphore(%run_scoped3A : memref<!tpu.dma_semaphore, #tpu.memory_space<semaphore_mem>>)
      %dma_wait3A_160 = arith.constant 0 : i32
      %dma_wait3A_161 = tpu.memref_slice %arg3[%select_n3A, %dma_wait3A_160] : memref<2560x128xi32, #tpu.memory_space<hbm>> -> memref<120x128xi32, #tpu.memory_space<hbm>>
      %dma_wait3A_162 = arith.constant 0 : i32
      %dma_wait3A_163 = tpu.memref_slice %arg3[%select_n3A, %dma_wait3A_162] : memref<2560x128xi32, #tpu.memory_space<hbm>> -> memref<120x128xi32, #tpu.memory_space<hbm>>
      tpu.wait_dma2 semaphore(%run_scoped3A : memref<!tpu.dma_semaphore, #tpu.memory_space<semaphore_mem>>) src(%dma_wait3A_163 : memref<120x128xi32, #tpu.memory_space<hbm>>) dst(%arg8 : memref<120x128xi32, #tpu.memory_space<vmem>>)
      tpu.yield
    }) : () -> ()
    %barrier3A = arith.constant 0 : index
    tpu.barrier barrier_id(%barrier3A)
    %dma_start3A = arith.constant 0 : i32
    %dma_start3A_17 = arith.constant 0 : i32
    %dma_start3A_18 = tpu.memref_slice %arg7[%dma_start3A, %dma_start3A_17] : memref<120x128xi32, #tpu.memory_space<vmem>> -> memref<1x128xi32, #tpu.memory_space<vmem>>
    %dma_start3A_19 = tpu.memref_squeeze %dma_start3A_18 : memref<1x128xi32, #tpu.memory_space<vmem>> -> memref<128xi32, #tpu.memory_space<vmem>>
    %dma_start3A_20 = arith.constant 0 : i32
    %dma_start3A_21 = arith.constant 0 : i32
    %dma_start3A_22 = tpu.memref_slice %arg4[%dma_start3A_20, %dma_start3A_21] : memref<10008x8xf32, #tpu.memory_space<hbm>> -> memref<10008x8xf32, #tpu.memory_space<hbm>>
    tpu.enqueue_indirect_dma source(%dma_start3A_22 : memref<10008x8xf32, #tpu.memory_space<hbm>>) target(%arg9 : memref<128x8xf32, #tpu.memory_space<vmem>>) offsets(%dma_start3A_19 : memref<128xi32, #tpu.memory_space<vmem>>) semaphore(%arg20 : memref<!tpu.dma_semaphore, #tpu.memory_space<semaphore_mem>>)
    %dma_start3A_23 = arith.constant 1 : i32
    %dma_start3A_24 = arith.constant 0 : i32
    %dma_start3A_25 = tpu.memref_slice %arg7[%dma_start3A_23, %dma_start3A_24] : memref<120x128xi32, #tpu.memory_space<vmem>> -> memref<1x128xi32, #tpu.memory_space<vmem>>
    %dma_start3A_26 = tpu.memref_squeeze %dma_start3A_25 : memref<1x128xi32, #tpu.memory_space<vmem>> -> memref<128xi32, #tpu.memory_space<vmem>>
    %dma_start3A_27 = arith.constant 0 : i32
    %dma_start3A_28 = arith.constant 0 : i32
    %dma_start3A_29 = tpu.memref_slice %arg4[%dma_start3A_27, %dma_start3A_28] : memref<10008x8xf32, #tpu.memory_space<hbm>> -> memref<10008x8xf32, #tpu.memory_space<hbm>>
    tpu.enqueue_indirect_dma source(%dma_start3A_29 : memref<10008x8xf32, #tpu.memory_space<hbm>>) target(%arg10 : memref<128x8xf32, #tpu.memory_space<vmem>>) offsets(%dma_start3A_26 : memref<128xi32, #tpu.memory_space<vmem>>) semaphore(%arg21 : memref<!tpu.dma_semaphore, #tpu.memory_space<semaphore_mem>>)
    %dma_start3A_30 = arith.constant 2 : i32
    %dma_start3A_31 = arith.constant 0 : i32
    %dma_start3A_32 = tpu.memref_slice %arg7[%dma_start3A_30, %dma_start3A_31] : memref<120x128xi32, #tpu.memory_space<vmem>> -> memref<1x128xi32, #tpu.memory_space<vmem>>
    %dma_start3A_33 = tpu.memref_squeeze %dma_start3A_32 : memref<1x128xi32, #tpu.memory_space<vmem>> -> memref<128xi32, #tpu.memory_space<vmem>>
    %dma_start3A_34 = arith.constant 0 : i32
    %dma_start3A_35 = arith.constant 0 : i32
    %dma_start3A_36 = tpu.memref_slice %arg4[%dma_start3A_34, %dma_start3A_35] : memref<10008x8xf32, #tpu.memory_space<hbm>> -> memref<10008x8xf32, #tpu.memory_space<hbm>>
    tpu.enqueue_indirect_dma source(%dma_start3A_36 : memref<10008x8xf32, #tpu.memory_space<hbm>>) target(%arg11 : memref<128x8xf32, #tpu.memory_space<vmem>>) offsets(%dma_start3A_33 : memref<128xi32, #tpu.memory_space<vmem>>) semaphore(%arg22 : memref<!tpu.dma_semaphore, #tpu.memory_space<semaphore_mem>>)
    %dma_start3A_37 = arith.constant 3 : i32
    %dma_start3A_38 = arith.constant 0 : i32
    %dma_start3A_39 = tpu.memref_slice %arg7[%dma_start3A_37, %dma_start3A_38] : memref<120x128xi32, #tpu.memory_space<vmem>> -> memref<1x128xi32, #tpu.memory_space<vmem>>
    %dma_start3A_40 = tpu.memref_squeeze %dma_start3A_39 : memref<1x128xi32, #tpu.memory_space<vmem>> -> memref<128xi32, #tpu.memory_space<vmem>>
    %dma_start3A_41 = arith.constant 0 : i32
    %dma_start3A_42 = arith.constant 0 : i32
    %dma_start3A_43 = tpu.memref_slice %arg4[%dma_start3A_41, %dma_start3A_42] : memref<10008x8xf32, #tpu.memory_space<hbm>> -> memref<10008x8xf32, #tpu.memory_space<hbm>>
    tpu.enqueue_indirect_dma source(%dma_start3A_43 : memref<10008x8xf32, #tpu.memory_space<hbm>>) target(%arg12 : memref<128x8xf32, #tpu.memory_space<vmem>>) offsets(%dma_start3A_40 : memref<128xi32, #tpu.memory_space<vmem>>) semaphore(%arg23 : memref<!tpu.dma_semaphore, #tpu.memory_space<semaphore_mem>>)
    %dma_start3A_44 = arith.constant 4 : i32
    %dma_start3A_45 = arith.constant 0 : i32
    %dma_start3A_46 = tpu.memref_slice %arg7[%dma_start3A_44, %dma_start3A_45] : memref<120x128xi32, #tpu.memory_space<vmem>> -> memref<1x128xi32, #tpu.memory_space<vmem>>
    %dma_start3A_47 = tpu.memref_squeeze %dma_start3A_46 : memref<1x128xi32, #tpu.memory_space<vmem>> -> memref<128xi32, #tpu.memory_space<vmem>>
    %dma_start3A_48 = arith.constant 0 : i32
    %dma_start3A_49 = arith.constant 0 : i32
    %dma_start3A_50 = tpu.memref_slice %arg4[%dma_start3A_48, %dma_start3A_49] : memref<10008x8xf32, #tpu.memory_space<hbm>> -> memref<10008x8xf32, #tpu.memory_space<hbm>>
    tpu.enqueue_indirect_dma source(%dma_start3A_50 : memref<10008x8xf32, #tpu.memory_space<hbm>>) target(%arg13 : memref<128x8xf32, #tpu.memory_space<vmem>>) offsets(%dma_start3A_47 : memref<128xi32, #tpu.memory_space<vmem>>) semaphore(%arg24 : memref<!tpu.dma_semaphore, #tpu.memory_space<semaphore_mem>>)
    %jit3A = arith.constant 10 : i32
    %div3A = arith.divsi %select_n3A_9, %jit3A : i32
    %sign3A = arith.constant 0 : i32
    %sign3A_51 = arith.cmpi sgt, %select_n3A_9, %sign3A : i32
    %sign3A_52 = arith.extui %sign3A_51 : i1 to i32
    %sign3A_53 = arith.constant 0 : i32
    %sign3A_54 = arith.cmpi slt, %select_n3A_9, %sign3A_53 : i32
    %sign3A_55 = arith.extui %sign3A_54 : i1 to i32
    %sign3A_56 = arith.subi %sign3A_52, %sign3A_55 : i32
    %sign3A_57 = arith.constant 0 : i32
    %sign3A_58 = arith.cmpi sgt, %jit3A, %sign3A_57 : i32
    %sign3A_59 = arith.extui %sign3A_58 : i1 to i32
    %sign3A_60 = arith.constant 0 : i32
    %sign3A_61 = arith.cmpi slt, %jit3A, %sign3A_60 : i32
    %sign3A_62 = arith.extui %sign3A_61 : i1 to i32
    %sign3A_63 = arith.subi %sign3A_59, %sign3A_62 : i32
    %ne3A = arith.cmpi ne, %sign3A_56, %sign3A_63 : i32
    %rem3A = arith.remsi %select_n3A_9, %jit3A : i32
    %ne3A_64 = arith.constant 0 : i32
    %ne3A_65 = arith.cmpi ne, %rem3A, %ne3A_64 : i32
    %and3A = arith.andi %ne3A, %ne3A_65 : i1
    %sub3A = arith.constant 1 : i32
    %sub3A_66 = arith.subi %div3A, %sub3A : i32
    %select_n3A_67 = arith.select %and3A, %sub3A_66, %div3A : i32
    %while3A = arith.constant 0 : i32
    %while3A_68 = arith.constant 0 : i32
    %while3A_69 = arith.subi %select_n3A_67, %while3A_68 : i32
    %while3A_70 = arith.addi %while3A_68, %while3A_69 : i32
    %while3A_71 = arith.constant 1 : i32
    %while3A_72 = arith.divsi %while3A_69, %while3A_71 : i32
    %while3A_73 = arith.muli %while3A_72, %while3A_71 : i32
    %while3A_74 = arith.addi %while3A_68, %while3A_73 : i32
    %while3A_75 = arith.constant 1 : i32
    scf.for %while3A_156 = %while3A_68 to %while3A_74 step %while3A_75  : i32 {
      %mul3A_157 = arith.constant 10 : i32
      %mul3A_158 = arith.muli %while3A_156, %mul3A_157 : i32
      %add3A_159 = arith.constant 0 : i32
      %add3A_160 = arith.addi %mul3A_158, %add3A_159 : i32
      %dma_wait3A_161 = arith.constant 0 : i32
      %dma_wait3A_162 = tpu.memref_slice %arg7[%add3A_160, %dma_wait3A_161] : memref<120x128xi32, #tpu.memory_space<vmem>> -> memref<1x128xi32, #tpu.memory_space<vmem>>
      %dma_wait3A_163 = tpu.memref_squeeze %dma_wait3A_162 : memref<1x128xi32, #tpu.memory_space<vmem>> -> memref<128xi32, #tpu.memory_space<vmem>>
      %dma_wait3A_164 = arith.constant 0 : i32
      %dma_wait3A_165 = arith.constant 0 : i32
      %dma_wait3A_166 = tpu.memref_slice %arg4[%dma_wait3A_164, %dma_wait3A_165] : memref<10008x8xf32, #tpu.memory_space<hbm>> -> memref<10008x8xf32, #tpu.memory_space<hbm>>
      tpu.wait_indirect_dma semaphore(%arg20 : memref<!tpu.dma_semaphore, #tpu.memory_space<semaphore_mem>>) src(%dma_wait3A_166 : memref<10008x8xf32, #tpu.memory_space<hbm>>) dst(%arg9 : memref<128x8xf32, #tpu.memory_space<vmem>>)
      %dma_start3A_167 = arith.constant 0 : i32
      %dma_start3A_168 = tpu.memref_slice %arg8[%add3A_160, %dma_start3A_167] : memref<120x128xi32, #tpu.memory_space<vmem>> -> memref<1x128xi32, #tpu.memory_space<vmem>>
      %dma_start3A_169 = tpu.memref_squeeze %dma_start3A_168 : memref<1x128xi32, #tpu.memory_space<vmem>> -> memref<128xi32, #tpu.memory_space<vmem>>
      %dma_start3A_170 = arith.constant 0 : i32
      %dma_start3A_171 = arith.constant 0 : i32
      %dma_start3A_172 = tpu.memref_slice %arg19[%dma_start3A_170, %dma_start3A_171] : memref<10008x8xf32, #tpu.memory_space<vmem_shared>> -> memref<10008x8xf32, #tpu.memory_space<vmem_shared>>
      tpu.enqueue_indirect_dma source(%arg9 : memref<128x8xf32, #tpu.memory_space<vmem>>) target(%dma_start3A_172 : memref<10008x8xf32, #tpu.memory_space<vmem_shared>>) offsets(%dma_start3A_169 : memref<128xi32, #tpu.memory_space<vmem>>) semaphore(%arg30 : memref<!tpu.dma_semaphore, #tpu.memory_space<semaphore_mem>>) {add = true}
      %ge3A = arith.constant 5 : i32
      %ge3A_173 = arith.cmpi sge, %add3A_160, %ge3A : i32
      %add3A_174 = arith.constant 5 : i32
      %add3A_175 = arith.addi %add3A_160, %add3A_174 : i32
      %lt3A = arith.cmpi slt, %add3A_175, %select_n3A_9 : i32
      %and3A_176 = arith.andi %ge3A_173, %lt3A : i1
      %convert_element_type3A_177 = arith.extui %and3A_176 : i1 to i32
      %cond3A_178 = arith.constant 0 : i32
      %cond3A_179 = arith.cmpi ne, %convert_element_type3A_177, %cond3A_178 : i32
      scf.if %cond3A_179 {
        %dma_wait3A_465 = arith.constant 0 : i32
        %dma_wait3A_466 = arith.constant 0 : i32
        %dma_wait3A_467 = tpu.memref_slice %arg8[%dma_wait3A_465, %dma_wait3A_466] : memref<120x128xi32, #tpu.memory_space<vmem>> -> memref<1x128xi32, #tpu.memory_space<vmem>>
        %dma_wait3A_468 = tpu.memref_squeeze %dma_wait3A_467 : memref<1x128xi32, #tpu.memory_space<vmem>> -> memref<128xi32, #tpu.memory_space<vmem>>
        %dma_wait3A_469 = arith.constant 0 : i32
        %dma_wait3A_470 = arith.constant 0 : i32
        %dma_wait3A_471 = tpu.memref_slice %arg19[%dma_wait3A_469, %dma_wait3A_470] : memref<10008x8xf32, #tpu.memory_space<vmem_shared>> -> memref<10008x8xf32, #tpu.memory_space<vmem_shared>>
        tpu.wait_indirect_dma semaphore(%arg35 : memref<!tpu.dma_semaphore, #tpu.memory_space<semaphore_mem>>) src(%arg14 : memref<128x8xf32, #tpu.memory_space<vmem>>) dst(%dma_wait3A_471 : memref<10008x8xf32, #tpu.memory_space<vmem_shared>>)
      } else {
      }
      %add3A_180 = arith.constant 5 : i32
      %add3A_181 = arith.addi %add3A_160, %add3A_180 : i32
      %lt3A_182 = arith.cmpi slt, %add3A_181, %select_n3A_9 : i32
      %convert_element_type3A_183 = arith.extui %lt3A_182 : i1 to i32
      %cond3A_184 = arith.constant 0 : i32
      %cond3A_185 = arith.cmpi ne, %convert_element_type3A_183, %cond3A_184 : i32
      scf.if %cond3A_185 {
        %add3A_465 = arith.constant 5 : i32
        %add3A_466 = arith.addi %add3A_160, %add3A_465 : i32
        %dma_start3A_467 = arith.constant 0 : i32
        %dma_start3A_468 = tpu.memref_slice %arg7[%add3A_466, %dma_start3A_467] : memref<120x128xi32, #tpu.memory_space<vmem>> -> memref<1x128xi32, #tpu.memory_space<vmem>>
        %dma_start3A_469 = tpu.memref_squeeze %dma_start3A_468 : memref<1x128xi32, #tpu.memory_space<vmem>> -> memref<128xi32, #tpu.memory_space<vmem>>
        %dma_start3A_470 = arith.constant 0 : i32
        %dma_start3A_471 = arith.constant 0 : i32
        %dma_start3A_472 = tpu.memref_slice %arg4[%dma_start3A_470, %dma_start3A_471] : memref<10008x8xf32, #tpu.memory_space<hbm>> -> memref<10008x8xf32, #tpu.memory_space<hbm>>
        tpu.enqueue_indirect_dma source(%dma_start3A_472 : memref<10008x8xf32, #tpu.memory_space<hbm>>) target(%arg14 : memref<128x8xf32, #tpu.memory_space<vmem>>) offsets(%dma_start3A_469 : memref<128xi32, #tpu.memory_space<vmem>>) semaphore(%arg25 : memref<!tpu.dma_semaphore, #tpu.memory_space<semaphore_mem>>)
      } else {
      }
      %mul3A_186 = arith.constant 10 : i32
      %mul3A_187 = arith.muli %while3A_156, %mul3A_186 : i32
      %add3A_188 = arith.constant 1 : i32
      %add3A_189 = arith.addi %mul3A_187, %add3A_188 : i32
      %dma_wait3A_190 = arith.constant 0 : i32
      %dma_wait3A_191 = tpu.memref_slice %arg7[%add3A_189, %dma_wait3A_190] : memref<120x128xi32, #tpu.memory_space<vmem>> -> memref<1x128xi32, #tpu.memory_space<vmem>>
      %dma_wait3A_192 = tpu.memref_squeeze %dma_wait3A_191 : memref<1x128xi32, #tpu.memory_space<vmem>> -> memref<128xi32, #tpu.memory_space<vmem>>
      %dma_wait3A_193 = arith.constant 0 : i32
      %dma_wait3A_194 = arith.constant 0 : i32
      %dma_wait3A_195 = tpu.memref_slice %arg4[%dma_wait3A_193, %dma_wait3A_194] : memref<10008x8xf32, #tpu.memory_space<hbm>> -> memref<10008x8xf32, #tpu.memory_space<hbm>>
      tpu.wait_indirect_dma semaphore(%arg21 : memref<!tpu.dma_semaphore, #tpu.memory_space<semaphore_mem>>) src(%dma_wait3A_195 : memref<10008x8xf32, #tpu.memory_space<hbm>>) dst(%arg10 : memref<128x8xf32, #tpu.memory_space<vmem>>)
      %dma_start3A_196 = arith.constant 0 : i32
      %dma_start3A_197 = tpu.memref_slice %arg8[%add3A_189, %dma_start3A_196] : memref<120x128xi32, #tpu.memory_space<vmem>> -> memref<1x128xi32, #tpu.memory_space<vmem>>
      %dma_start3A_198 = tpu.memref_squeeze %dma_start3A_197 : memref<1x128xi32, #tpu.memory_space<vmem>> -> memref<128xi32, #tpu.memory_space<vmem>>
      %dma_start3A_199 = arith.constant 0 : i32
      %dma_start3A_200 = arith.constant 0 : i32
      %dma_start3A_201 = tpu.memref_slice %arg19[%dma_start3A_199, %dma_start3A_200] : memref<10008x8xf32, #tpu.memory_space<vmem_shared>> -> memref<10008x8xf32, #tpu.memory_space<vmem_shared>>
      tpu.enqueue_indirect_dma source(%arg10 : memref<128x8xf32, #tpu.memory_space<vmem>>) target(%dma_start3A_201 : memref<10008x8xf32, #tpu.memory_space<vmem_shared>>) offsets(%dma_start3A_198 : memref<128xi32, #tpu.memory_space<vmem>>) semaphore(%arg31 : memref<!tpu.dma_semaphore, #tpu.memory_space<semaphore_mem>>) {add = true}
      %ge3A_202 = arith.constant 5 : i32
      %ge3A_203 = arith.cmpi sge, %add3A_189, %ge3A_202 : i32
      %add3A_204 = arith.constant 5 : i32
      %add3A_205 = arith.addi %add3A_189, %add3A_204 : i32
      %lt3A_206 = arith.cmpi slt, %add3A_205, %select_n3A_9 : i32
      %and3A_207 = arith.andi %ge3A_203, %lt3A_206 : i1
      %convert_element_type3A_208 = arith.extui %and3A_207 : i1 to i32
      %cond3A_209 = arith.constant 0 : i32
      %cond3A_210 = arith.cmpi ne, %convert_element_type3A_208, %cond3A_209 : i32
      scf.if %cond3A_210 {
        %dma_wait3A_465 = arith.constant 0 : i32
        %dma_wait3A_466 = arith.constant 0 : i32
        %dma_wait3A_467 = tpu.memref_slice %arg8[%dma_wait3A_465, %dma_wait3A_466] : memref<120x128xi32, #tpu.memory_space<vmem>> -> memref<1x128xi32, #tpu.memory_space<vmem>>
        %dma_wait3A_468 = tpu.memref_squeeze %dma_wait3A_467 : memref<1x128xi32, #tpu.memory_space<vmem>> -> memref<128xi32, #tpu.memory_space<vmem>>
        %dma_wait3A_469 = arith.constant 0 : i32
        %dma_wait3A_470 = arith.constant 0 : i32
        %dma_wait3A_471 = tpu.memref_slice %arg19[%dma_wait3A_469, %dma_wait3A_470] : memref<10008x8xf32, #tpu.memory_space<vmem_shared>> -> memref<10008x8xf32, #tpu.memory_space<vmem_shared>>
        tpu.wait_indirect_dma semaphore(%arg36 : memref<!tpu.dma_semaphore, #tpu.memory_space<semaphore_mem>>) src(%arg15 : memref<128x8xf32, #tpu.memory_space<vmem>>) dst(%dma_wait3A_471 : memref<10008x8xf32, #tpu.memory_space<vmem_shared>>)
      } else {
      }
      %add3A_211 = arith.constant 5 : i32
      %add3A_212 = arith.addi %add3A_189, %add3A_211 : i32
      %lt3A_213 = arith.cmpi slt, %add3A_212, %select_n3A_9 : i32
      %convert_element_type3A_214 = arith.extui %lt3A_213 : i1 to i32
      %cond3A_215 = arith.constant 0 : i32
      %cond3A_216 = arith.cmpi ne, %convert_element_type3A_214, %cond3A_215 : i32
      scf.if %cond3A_216 {
        %add3A_465 = arith.constant 5 : i32
        %add3A_466 = arith.addi %add3A_189, %add3A_465 : i32
        %dma_start3A_467 = arith.constant 0 : i32
        %dma_start3A_468 = tpu.memref_slice %arg7[%add3A_466, %dma_start3A_467] : memref<120x128xi32, #tpu.memory_space<vmem>> -> memref<1x128xi32, #tpu.memory_space<vmem>>
        %dma_start3A_469 = tpu.memref_squeeze %dma_start3A_468 : memref<1x128xi32, #tpu.memory_space<vmem>> -> memref<128xi32, #tpu.memory_space<vmem>>
        %dma_start3A_470 = arith.constant 0 : i32
        %dma_start3A_471 = arith.constant 0 : i32
        %dma_start3A_472 = tpu.memref_slice %arg4[%dma_start3A_470, %dma_start3A_471] : memref<10008x8xf32, #tpu.memory_space<hbm>> -> memref<10008x8xf32, #tpu.memory_space<hbm>>
        tpu.enqueue_indirect_dma source(%dma_start3A_472 : memref<10008x8xf32, #tpu.memory_space<hbm>>) target(%arg15 : memref<128x8xf32, #tpu.memory_space<vmem>>) offsets(%dma_start3A_469 : memref<128xi32, #tpu.memory_space<vmem>>) semaphore(%arg26 : memref<!tpu.dma_semaphore, #tpu.memory_space<semaphore_mem>>)
      } else {
      }
      %mul3A_217 = arith.constant 10 : i32
      %mul3A_218 = arith.muli %while3A_156, %mul3A_217 : i32
      %add3A_219 = arith.constant 2 : i32
      %add3A_220 = arith.addi %mul3A_218, %add3A_219 : i32
      %dma_wait3A_221 = arith.constant 0 : i32
      %dma_wait3A_222 = tpu.memref_slice %arg7[%add3A_220, %dma_wait3A_221] : memref<120x128xi32, #tpu.memory_space<vmem>> -> memref<1x128xi32, #tpu.memory_space<vmem>>
      %dma_wait3A_223 = tpu.memref_squeeze %dma_wait3A_222 : memref<1x128xi32, #tpu.memory_space<vmem>> -> memref<128xi32, #tpu.memory_space<vmem>>
      %dma_wait3A_224 = arith.constant 0 : i32
      %dma_wait3A_225 = arith.constant 0 : i32
      %dma_wait3A_226 = tpu.memref_slice %arg4[%dma_wait3A_224, %dma_wait3A_225] : memref<10008x8xf32, #tpu.memory_space<hbm>> -> memref<10008x8xf32, #tpu.memory_space<hbm>>
      tpu.wait_indirect_dma semaphore(%arg22 : memref<!tpu.dma_semaphore, #tpu.memory_space<semaphore_mem>>) src(%dma_wait3A_226 : memref<10008x8xf32, #tpu.memory_space<hbm>>) dst(%arg11 : memref<128x8xf32, #tpu.memory_space<vmem>>)
      %dma_start3A_227 = arith.constant 0 : i32
      %dma_start3A_228 = tpu.memref_slice %arg8[%add3A_220, %dma_start3A_227] : memref<120x128xi32, #tpu.memory_space<vmem>> -> memref<1x128xi32, #tpu.memory_space<vmem>>
      %dma_start3A_229 = tpu.memref_squeeze %dma_start3A_228 : memref<1x128xi32, #tpu.memory_space<vmem>> -> memref<128xi32, #tpu.memory_space<vmem>>
      %dma_start3A_230 = arith.constant 0 : i32
      %dma_start3A_231 = arith.constant 0 : i32
      %dma_start3A_232 = tpu.memref_slice %arg19[%dma_start3A_230, %dma_start3A_231] : memref<10008x8xf32, #tpu.memory_space<vmem_shared>> -> memref<10008x8xf32, #tpu.memory_space<vmem_shared>>
      tpu.enqueue_indirect_dma source(%arg11 : memref<128x8xf32, #tpu.memory_space<vmem>>) target(%dma_start3A_232 : memref<10008x8xf32, #tpu.memory_space<vmem_shared>>) offsets(%dma_start3A_229 : memref<128xi32, #tpu.memory_space<vmem>>) semaphore(%arg32 : memref<!tpu.dma_semaphore, #tpu.memory_space<semaphore_mem>>) {add = true}
      %ge3A_233 = arith.constant 5 : i32
      %ge3A_234 = arith.cmpi sge, %add3A_220, %ge3A_233 : i32
      %add3A_235 = arith.constant 5 : i32
      %add3A_236 = arith.addi %add3A_220, %add3A_235 : i32
      %lt3A_237 = arith.cmpi slt, %add3A_236, %select_n3A_9 : i32
      %and3A_238 = arith.andi %ge3A_234, %lt3A_237 : i1
      %convert_element_type3A_239 = arith.extui %and3A_238 : i1 to i32
      %cond3A_240 = arith.constant 0 : i32
      %cond3A_241 = arith.cmpi ne, %convert_element_type3A_239, %cond3A_240 : i32
      scf.if %cond3A_241 {
        %dma_wait3A_465 = arith.constant 0 : i32
        %dma_wait3A_466 = arith.constant 0 : i32
        %dma_wait3A_467 = tpu.memref_slice %arg8[%dma_wait3A_465, %dma_wait3A_466] : memref<120x128xi32, #tpu.memory_space<vmem>> -> memref<1x128xi32, #tpu.memory_space<vmem>>
        %dma_wait3A_468 = tpu.memref_squeeze %dma_wait3A_467 : memref<1x128xi32, #tpu.memory_space<vmem>> -> memref<128xi32, #tpu.memory_space<vmem>>
        %dma_wait3A_469 = arith.constant 0 : i32
        %dma_wait3A_470 = arith.constant 0 : i32
        %dma_wait3A_471 = tpu.memref_slice %arg19[%dma_wait3A_469, %dma_wait3A_470] : memref<10008x8xf32, #tpu.memory_space<vmem_shared>> -> memref<10008x8xf32, #tpu.memory_space<vmem_shared>>
        tpu.wait_indirect_dma semaphore(%arg37 : memref<!tpu.dma_semaphore, #tpu.memory_space<semaphore_mem>>) src(%arg16 : memref<128x8xf32, #tpu.memory_space<vmem>>) dst(%dma_wait3A_471 : memref<10008x8xf32, #tpu.memory_space<vmem_shared>>)
      } else {
      }
      %add3A_242 = arith.constant 5 : i32
      %add3A_243 = arith.addi %add3A_220, %add3A_242 : i32
      %lt3A_244 = arith.cmpi slt, %add3A_243, %select_n3A_9 : i32
      %convert_element_type3A_245 = arith.extui %lt3A_244 : i1 to i32
      %cond3A_246 = arith.constant 0 : i32
      %cond3A_247 = arith.cmpi ne, %convert_element_type3A_245, %cond3A_246 : i32
      scf.if %cond3A_247 {
        %add3A_465 = arith.constant 5 : i32
        %add3A_466 = arith.addi %add3A_220, %add3A_465 : i32
        %dma_start3A_467 = arith.constant 0 : i32
        %dma_start3A_468 = tpu.memref_slice %arg7[%add3A_466, %dma_start3A_467] : memref<120x128xi32, #tpu.memory_space<vmem>> -> memref<1x128xi32, #tpu.memory_space<vmem>>
        %dma_start3A_469 = tpu.memref_squeeze %dma_start3A_468 : memref<1x128xi32, #tpu.memory_space<vmem>> -> memref<128xi32, #tpu.memory_space<vmem>>
        %dma_start3A_470 = arith.constant 0 : i32
        %dma_start3A_471 = arith.constant 0 : i32
        %dma_start3A_472 = tpu.memref_slice %arg4[%dma_start3A_470, %dma_start3A_471] : memref<10008x8xf32, #tpu.memory_space<hbm>> -> memref<10008x8xf32, #tpu.memory_space<hbm>>
        tpu.enqueue_indirect_dma source(%dma_start3A_472 : memref<10008x8xf32, #tpu.memory_space<hbm>>) target(%arg16 : memref<128x8xf32, #tpu.memory_space<vmem>>) offsets(%dma_start3A_469 : memref<128xi32, #tpu.memory_space<vmem>>) semaphore(%arg27 : memref<!tpu.dma_semaphore, #tpu.memory_space<semaphore_mem>>)
      } else {
      }
      %mul3A_248 = arith.constant 10 : i32
      %mul3A_249 = arith.muli %while3A_156, %mul3A_248 : i32
      %add3A_250 = arith.constant 3 : i32
      %add3A_251 = arith.addi %mul3A_249, %add3A_250 : i32
      %dma_wait3A_252 = arith.constant 0 : i32
      %dma_wait3A_253 = tpu.memref_slice %arg7[%add3A_251, %dma_wait3A_252] : memref<120x128xi32, #tpu.memory_space<vmem>> -> memref<1x128xi32, #tpu.memory_space<vmem>>
      %dma_wait3A_254 = tpu.memref_squeeze %dma_wait3A_253 : memref<1x128xi32, #tpu.memory_space<vmem>> -> memref<128xi32, #tpu.memory_space<vmem>>
      %dma_wait3A_255 = arith.constant 0 : i32
      %dma_wait3A_256 = arith.constant 0 : i32
      %dma_wait3A_257 = tpu.memref_slice %arg4[%dma_wait3A_255, %dma_wait3A_256] : memref<10008x8xf32, #tpu.memory_space<hbm>> -> memref<10008x8xf32, #tpu.memory_space<hbm>>
      tpu.wait_indirect_dma semaphore(%arg23 : memref<!tpu.dma_semaphore, #tpu.memory_space<semaphore_mem>>) src(%dma_wait3A_257 : memref<10008x8xf32, #tpu.memory_space<hbm>>) dst(%arg12 : memref<128x8xf32, #tpu.memory_space<vmem>>)
      %dma_start3A_258 = arith.constant 0 : i32
      %dma_start3A_259 = tpu.memref_slice %arg8[%add3A_251, %dma_start3A_258] : memref<120x128xi32, #tpu.memory_space<vmem>> -> memref<1x128xi32, #tpu.memory_space<vmem>>
      %dma_start3A_260 = tpu.memref_squeeze %dma_start3A_259 : memref<1x128xi32, #tpu.memory_space<vmem>> -> memref<128xi32, #tpu.memory_space<vmem>>
      %dma_start3A_261 = arith.constant 0 : i32
      %dma_start3A_262 = arith.constant 0 : i32
      %dma_start3A_263 = tpu.memref_slice %arg19[%dma_start3A_261, %dma_start3A_262] : memref<10008x8xf32, #tpu.memory_space<vmem_shared>> -> memref<10008x8xf32, #tpu.memory_space<vmem_shared>>
      tpu.enqueue_indirect_dma source(%arg12 : memref<128x8xf32, #tpu.memory_space<vmem>>) target(%dma_start3A_263 : memref<10008x8xf32, #tpu.memory_space<vmem_shared>>) offsets(%dma_start3A_260 : memref<128xi32, #tpu.memory_space<vmem>>) semaphore(%arg33 : memref<!tpu.dma_semaphore, #tpu.memory_space<semaphore_mem>>) {add = true}
      %ge3A_264 = arith.constant 5 : i32
      %ge3A_265 = arith.cmpi sge, %add3A_251, %ge3A_264 : i32
      %add3A_266 = arith.constant 5 : i32
      %add3A_267 = arith.addi %add3A_251, %add3A_266 : i32
      %lt3A_268 = arith.cmpi slt, %add3A_267, %select_n3A_9 : i32
      %and3A_269 = arith.andi %ge3A_265, %lt3A_268 : i1
      %convert_element_type3A_270 = arith.extui %and3A_269 : i1 to i32
      %cond3A_271 = arith.constant 0 : i32
      %cond3A_272 = arith.cmpi ne, %convert_element_type3A_270, %cond3A_271 : i32
      scf.if %cond3A_272 {
        %dma_wait3A_465 = arith.constant 0 : i32
        %dma_wait3A_466 = arith.constant 0 : i32
        %dma_wait3A_467 = tpu.memref_slice %arg8[%dma_wait3A_465, %dma_wait3A_466] : memref<120x128xi32, #tpu.memory_space<vmem>> -> memref<1x128xi32, #tpu.memory_space<vmem>>
        %dma_wait3A_468 = tpu.memref_squeeze %dma_wait3A_467 : memref<1x128xi32, #tpu.memory_space<vmem>> -> memref<128xi32, #tpu.memory_space<vmem>>
        %dma_wait3A_469 = arith.constant 0 : i32
        %dma_wait3A_470 = arith.constant 0 : i32
        %dma_wait3A_471 = tpu.memref_slice %arg19[%dma_wait3A_469, %dma_wait3A_470] : memref<10008x8xf32, #tpu.memory_space<vmem_shared>> -> memref<10008x8xf32, #tpu.memory_space<vmem_shared>>
        tpu.wait_indirect_dma semaphore(%arg38 : memref<!tpu.dma_semaphore, #tpu.memory_space<semaphore_mem>>) src(%arg17 : memref<128x8xf32, #tpu.memory_space<vmem>>) dst(%dma_wait3A_471 : memref<10008x8xf32, #tpu.memory_space<vmem_shared>>)
      } else {
      }
      %add3A_273 = arith.constant 5 : i32
      %add3A_274 = arith.addi %add3A_251, %add3A_273 : i32
      %lt3A_275 = arith.cmpi slt, %add3A_274, %select_n3A_9 : i32
      %convert_element_type3A_276 = arith.extui %lt3A_275 : i1 to i32
      %cond3A_277 = arith.constant 0 : i32
      %cond3A_278 = arith.cmpi ne, %convert_element_type3A_276, %cond3A_277 : i32
      scf.if %cond3A_278 {
        %add3A_465 = arith.constant 5 : i32
        %add3A_466 = arith.addi %add3A_251, %add3A_465 : i32
        %dma_start3A_467 = arith.constant 0 : i32
        %dma_start3A_468 = tpu.memref_slice %arg7[%add3A_466, %dma_start3A_467] : memref<120x128xi32, #tpu.memory_space<vmem>> -> memref<1x128xi32, #tpu.memory_space<vmem>>
        %dma_start3A_469 = tpu.memref_squeeze %dma_start3A_468 : memref<1x128xi32, #tpu.memory_space<vmem>> -> memref<128xi32, #tpu.memory_space<vmem>>
        %dma_start3A_470 = arith.constant 0 : i32
        %dma_start3A_471 = arith.constant 0 : i32
        %dma_start3A_472 = tpu.memref_slice %arg4[%dma_start3A_470, %dma_start3A_471] : memref<10008x8xf32, #tpu.memory_space<hbm>> -> memref<10008x8xf32, #tpu.memory_space<hbm>>
        tpu.enqueue_indirect_dma source(%dma_start3A_472 : memref<10008x8xf32, #tpu.memory_space<hbm>>) target(%arg17 : memref<128x8xf32, #tpu.memory_space<vmem>>) offsets(%dma_start3A_469 : memref<128xi32, #tpu.memory_space<vmem>>) semaphore(%arg28 : memref<!tpu.dma_semaphore, #tpu.memory_space<semaphore_mem>>)
      } else {
      }
      %mul3A_279 = arith.constant 10 : i32
      %mul3A_280 = arith.muli %while3A_156, %mul3A_279 : i32
      %add3A_281 = arith.constant 4 : i32
      %add3A_282 = arith.addi %mul3A_280, %add3A_281 : i32
      %dma_wait3A_283 = arith.constant 0 : i32
      %dma_wait3A_284 = tpu.memref_slice %arg7[%add3A_282, %dma_wait3A_283] : memref<120x128xi32, #tpu.memory_space<vmem>> -> memref<1x128xi32, #tpu.memory_space<vmem>>
      %dma_wait3A_285 = tpu.memref_squeeze %dma_wait3A_284 : memref<1x128xi32, #tpu.memory_space<vmem>> -> memref<128xi32, #tpu.memory_space<vmem>>
      %dma_wait3A_286 = arith.constant 0 : i32
      %dma_wait3A_287 = arith.constant 0 : i32
      %dma_wait3A_288 = tpu.memref_slice %arg4[%dma_wait3A_286, %dma_wait3A_287] : memref<10008x8xf32, #tpu.memory_space<hbm>> -> memref<10008x8xf32, #tpu.memory_space<hbm>>
      tpu.wait_indirect_dma semaphore(%arg24 : memref<!tpu.dma_semaphore, #tpu.memory_space<semaphore_mem>>) src(%dma_wait3A_288 : memref<10008x8xf32, #tpu.memory_space<hbm>>) dst(%arg13 : memref<128x8xf32, #tpu.memory_space<vmem>>)
      %dma_start3A_289 = arith.constant 0 : i32
      %dma_start3A_290 = tpu.memref_slice %arg8[%add3A_282, %dma_start3A_289] : memref<120x128xi32, #tpu.memory_space<vmem>> -> memref<1x128xi32, #tpu.memory_space<vmem>>
      %dma_start3A_291 = tpu.memref_squeeze %dma_start3A_290 : memref<1x128xi32, #tpu.memory_space<vmem>> -> memref<128xi32, #tpu.memory_space<vmem>>
      %dma_start3A_292 = arith.constant 0 : i32
      %dma_start3A_293 = arith.constant 0 : i32
      %dma_start3A_294 = tpu.memref_slice %arg19[%dma_start3A_292, %dma_start3A_293] : memref<10008x8xf32, #tpu.memory_space<vmem_shared>> -> memref<10008x8xf32, #tpu.memory_space<vmem_shared>>
      tpu.enqueue_indirect_dma source(%arg13 : memref<128x8xf32, #tpu.memory_space<vmem>>) target(%dma_start3A_294 : memref<10008x8xf32, #tpu.memory_space<vmem_shared>>) offsets(%dma_start3A_291 : memref<128xi32, #tpu.memory_space<vmem>>) semaphore(%arg34 : memref<!tpu.dma_semaphore, #tpu.memory_space<semaphore_mem>>) {add = true}
      %ge3A_295 = arith.constant 5 : i32
      %ge3A_296 = arith.cmpi sge, %add3A_282, %ge3A_295 : i32
      %add3A_297 = arith.constant 5 : i32
      %add3A_298 = arith.addi %add3A_282, %add3A_297 : i32
      %lt3A_299 = arith.cmpi slt, %add3A_298, %select_n3A_9 : i32
      %and3A_300 = arith.andi %ge3A_296, %lt3A_299 : i1
      %convert_element_type3A_301 = arith.extui %and3A_300 : i1 to i32
      %cond3A_302 = arith.constant 0 : i32
      %cond3A_303 = arith.cmpi ne, %convert_element_type3A_301, %cond3A_302 : i32
      scf.if %cond3A_303 {
        %dma_wait3A_465 = arith.constant 0 : i32
        %dma_wait3A_466 = arith.constant 0 : i32
        %dma_wait3A_467 = tpu.memref_slice %arg8[%dma_wait3A_465, %dma_wait3A_466] : memref<120x128xi32, #tpu.memory_space<vmem>> -> memref<1x128xi32, #tpu.memory_space<vmem>>
        %dma_wait3A_468 = tpu.memref_squeeze %dma_wait3A_467 : memref<1x128xi32, #tpu.memory_space<vmem>> -> memref<128xi32, #tpu.memory_space<vmem>>
        %dma_wait3A_469 = arith.constant 0 : i32
        %dma_wait3A_470 = arith.constant 0 : i32
        %dma_wait3A_471 = tpu.memref_slice %arg19[%dma_wait3A_469, %dma_wait3A_470] : memref<10008x8xf32, #tpu.memory_space<vmem_shared>> -> memref<10008x8xf32, #tpu.memory_space<vmem_shared>>
        tpu.wait_indirect_dma semaphore(%arg39 : memref<!tpu.dma_semaphore, #tpu.memory_space<semaphore_mem>>) src(%arg18 : memref<128x8xf32, #tpu.memory_space<vmem>>) dst(%dma_wait3A_471 : memref<10008x8xf32, #tpu.memory_space<vmem_shared>>)
      } else {
      }
      %add3A_304 = arith.constant 5 : i32
      %add3A_305 = arith.addi %add3A_282, %add3A_304 : i32
      %lt3A_306 = arith.cmpi slt, %add3A_305, %select_n3A_9 : i32
      %convert_element_type3A_307 = arith.extui %lt3A_306 : i1 to i32
      %cond3A_308 = arith.constant 0 : i32
      %cond3A_309 = arith.cmpi ne, %convert_element_type3A_307, %cond3A_308 : i32
      scf.if %cond3A_309 {
        %add3A_465 = arith.constant 5 : i32
        %add3A_466 = arith.addi %add3A_282, %add3A_465 : i32
        %dma_start3A_467 = arith.constant 0 : i32
        %dma_start3A_468 = tpu.memref_slice %arg7[%add3A_466, %dma_start3A_467] : memref<120x128xi32, #tpu.memory_space<vmem>> -> memref<1x128xi32, #tpu.memory_space<vmem>>
        %dma_start3A_469 = tpu.memref_squeeze %dma_start3A_468 : memref<1x128xi32, #tpu.memory_space<vmem>> -> memref<128xi32, #tpu.memory_space<vmem>>
        %dma_start3A_470 = arith.constant 0 : i32
        %dma_start3A_471 = arith.constant 0 : i32
        %dma_start3A_472 = tpu.memref_slice %arg4[%dma_start3A_470, %dma_start3A_471] : memref<10008x8xf32, #tpu.memory_space<hbm>> -> memref<10008x8xf32, #tpu.memory_space<hbm>>
        tpu.enqueue_indirect_dma source(%dma_start3A_472 : memref<10008x8xf32, #tpu.memory_space<hbm>>) target(%arg18 : memref<128x8xf32, #tpu.memory_space<vmem>>) offsets(%dma_start3A_469 : memref<128xi32, #tpu.memory_space<vmem>>) semaphore(%arg29 : memref<!tpu.dma_semaphore, #tpu.memory_space<semaphore_mem>>)
      } else {
      }
      %mul3A_310 = arith.constant 10 : i32
      %mul3A_311 = arith.muli %while3A_156, %mul3A_310 : i32
      %add3A_312 = arith.constant 5 : i32
      %add3A_313 = arith.addi %mul3A_311, %add3A_312 : i32
      %dma_wait3A_314 = arith.constant 0 : i32
      %dma_wait3A_315 = tpu.memref_slice %arg7[%add3A_313, %dma_wait3A_314] : memref<120x128xi32, #tpu.memory_space<vmem>> -> memref<1x128xi32, #tpu.memory_space<vmem>>
      %dma_wait3A_316 = tpu.memref_squeeze %dma_wait3A_315 : memref<1x128xi32, #tpu.memory_space<vmem>> -> memref<128xi32, #tpu.memory_space<vmem>>
      %dma_wait3A_317 = arith.constant 0 : i32
      %dma_wait3A_318 = arith.constant 0 : i32
      %dma_wait3A_319 = tpu.memref_slice %arg4[%dma_wait3A_317, %dma_wait3A_318] : memref<10008x8xf32, #tpu.memory_space<hbm>> -> memref<10008x8xf32, #tpu.memory_space<hbm>>
      tpu.wait_indirect_dma semaphore(%arg25 : memref<!tpu.dma_semaphore, #tpu.memory_space<semaphore_mem>>) src(%dma_wait3A_319 : memref<10008x8xf32, #tpu.memory_space<hbm>>) dst(%arg14 : memref<128x8xf32, #tpu.memory_space<vmem>>)
      %dma_start3A_320 = arith.constant 0 : i32
      %dma_start3A_321 = tpu.memref_slice %arg8[%add3A_313, %dma_start3A_320] : memref<120x128xi32, #tpu.memory_space<vmem>> -> memref<1x128xi32, #tpu.memory_space<vmem>>
      %dma_start3A_322 = tpu.memref_squeeze %dma_start3A_321 : memref<1x128xi32, #tpu.memory_space<vmem>> -> memref<128xi32, #tpu.memory_space<vmem>>
      %dma_start3A_323 = arith.constant 0 : i32
      %dma_start3A_324 = arith.constant 0 : i32
      %dma_start3A_325 = tpu.memref_slice %arg19[%dma_start3A_323, %dma_start3A_324] : memref<10008x8xf32, #tpu.memory_space<vmem_shared>> -> memref<10008x8xf32, #tpu.memory_space<vmem_shared>>
      tpu.enqueue_indirect_dma source(%arg14 : memref<128x8xf32, #tpu.memory_space<vmem>>) target(%dma_start3A_325 : memref<10008x8xf32, #tpu.memory_space<vmem_shared>>) offsets(%dma_start3A_322 : memref<128xi32, #tpu.memory_space<vmem>>) semaphore(%arg35 : memref<!tpu.dma_semaphore, #tpu.memory_space<semaphore_mem>>) {add = true}
      %ge3A_326 = arith.constant 5 : i32
      %ge3A_327 = arith.cmpi sge, %add3A_313, %ge3A_326 : i32
      %add3A_328 = arith.constant 5 : i32
      %add3A_329 = arith.addi %add3A_313, %add3A_328 : i32
      %lt3A_330 = arith.cmpi slt, %add3A_329, %select_n3A_9 : i32
      %and3A_331 = arith.andi %ge3A_327, %lt3A_330 : i1
      %convert_element_type3A_332 = arith.extui %and3A_331 : i1 to i32
      %cond3A_333 = arith.constant 0 : i32
      %cond3A_334 = arith.cmpi ne, %convert_element_type3A_332, %cond3A_333 : i32
      scf.if %cond3A_334 {
        %dma_wait3A_465 = arith.constant 0 : i32
        %dma_wait3A_466 = arith.constant 0 : i32
        %dma_wait3A_467 = tpu.memref_slice %arg8[%dma_wait3A_465, %dma_wait3A_466] : memref<120x128xi32, #tpu.memory_space<vmem>> -> memref<1x128xi32, #tpu.memory_space<vmem>>
        %dma_wait3A_468 = tpu.memref_squeeze %dma_wait3A_467 : memref<1x128xi32, #tpu.memory_space<vmem>> -> memref<128xi32, #tpu.memory_space<vmem>>
        %dma_wait3A_469 = arith.constant 0 : i32
        %dma_wait3A_470 = arith.constant 0 : i32
        %dma_wait3A_471 = tpu.memref_slice %arg19[%dma_wait3A_469, %dma_wait3A_470] : memref<10008x8xf32, #tpu.memory_space<vmem_shared>> -> memref<10008x8xf32, #tpu.memory_space<vmem_shared>>
        tpu.wait_indirect_dma semaphore(%arg30 : memref<!tpu.dma_semaphore, #tpu.memory_space<semaphore_mem>>) src(%arg9 : memref<128x8xf32, #tpu.memory_space<vmem>>) dst(%dma_wait3A_471 : memref<10008x8xf32, #tpu.memory_space<vmem_shared>>)
      } else {
      }
      %add3A_335 = arith.constant 5 : i32
      %add3A_336 = arith.addi %add3A_313, %add3A_335 : i32
      %lt3A_337 = arith.cmpi slt, %add3A_336, %select_n3A_9 : i32
      %convert_element_type3A_338 = arith.extui %lt3A_337 : i1 to i32
      %cond3A_339 = arith.constant 0 : i32
      %cond3A_340 = arith.cmpi ne, %convert_element_type3A_338, %cond3A_339 : i32
      scf.if %cond3A_340 {
        %add3A_465 = arith.constant 5 : i32
        %add3A_466 = arith.addi %add3A_313, %add3A_465 : i32
        %dma_start3A_467 = arith.constant 0 : i32
        %dma_start3A_468 = tpu.memref_slice %arg7[%add3A_466, %dma_start3A_467] : memref<120x128xi32, #tpu.memory_space<vmem>> -> memref<1x128xi32, #tpu.memory_space<vmem>>
        %dma_start3A_469 = tpu.memref_squeeze %dma_start3A_468 : memref<1x128xi32, #tpu.memory_space<vmem>> -> memref<128xi32, #tpu.memory_space<vmem>>
        %dma_start3A_470 = arith.constant 0 : i32
        %dma_start3A_471 = arith.constant 0 : i32
        %dma_start3A_472 = tpu.memref_slice %arg4[%dma_start3A_470, %dma_start3A_471] : memref<10008x8xf32, #tpu.memory_space<hbm>> -> memref<10008x8xf32, #tpu.memory_space<hbm>>
        tpu.enqueue_indirect_dma source(%dma_start3A_472 : memref<10008x8xf32, #tpu.memory_space<hbm>>) target(%arg9 : memref<128x8xf32, #tpu.memory_space<vmem>>) offsets(%dma_start3A_469 : memref<128xi32, #tpu.memory_space<vmem>>) semaphore(%arg20 : memref<!tpu.dma_semaphore, #tpu.memory_space<semaphore_mem>>)
      } else {
      }
      %mul3A_341 = arith.constant 10 : i32
      %mul3A_342 = arith.muli %while3A_156, %mul3A_341 : i32
      %add3A_343 = arith.constant 6 : i32
      %add3A_344 = arith.addi %mul3A_342, %add3A_343 : i32
      %dma_wait3A_345 = arith.constant 0 : i32
      %dma_wait3A_346 = tpu.memref_slice %arg7[%add3A_344, %dma_wait3A_345] : memref<120x128xi32, #tpu.memory_space<vmem>> -> memref<1x128xi32, #tpu.memory_space<vmem>>
      %dma_wait3A_347 = tpu.memref_squeeze %dma_wait3A_346 : memref<1x128xi32, #tpu.memory_space<vmem>> -> memref<128xi32, #tpu.memory_space<vmem>>
      %dma_wait3A_348 = arith.constant 0 : i32
      %dma_wait3A_349 = arith.constant 0 : i32
      %dma_wait3A_350 = tpu.memref_slice %arg4[%dma_wait3A_348, %dma_wait3A_349] : memref<10008x8xf32, #tpu.memory_space<hbm>> -> memref<10008x8xf32, #tpu.memory_space<hbm>>
      tpu.wait_indirect_dma semaphore(%arg26 : memref<!tpu.dma_semaphore, #tpu.memory_space<semaphore_mem>>) src(%dma_wait3A_350 : memref<10008x8xf32, #tpu.memory_space<hbm>>) dst(%arg15 : memref<128x8xf32, #tpu.memory_space<vmem>>)
      %dma_start3A_351 = arith.constant 0 : i32
      %dma_start3A_352 = tpu.memref_slice %arg8[%add3A_344, %dma_start3A_351] : memref<120x128xi32, #tpu.memory_space<vmem>> -> memref<1x128xi32, #tpu.memory_space<vmem>>
      %dma_start3A_353 = tpu.memref_squeeze %dma_start3A_352 : memref<1x128xi32, #tpu.memory_space<vmem>> -> memref<128xi32, #tpu.memory_space<vmem>>
      %dma_start3A_354 = arith.constant 0 : i32
      %dma_start3A_355 = arith.constant 0 : i32
      %dma_start3A_356 = tpu.memref_slice %arg19[%dma_start3A_354, %dma_start3A_355] : memref<10008x8xf32, #tpu.memory_space<vmem_shared>> -> memref<10008x8xf32, #tpu.memory_space<vmem_shared>>
      tpu.enqueue_indirect_dma source(%arg15 : memref<128x8xf32, #tpu.memory_space<vmem>>) target(%dma_start3A_356 : memref<10008x8xf32, #tpu.memory_space<vmem_shared>>) offsets(%dma_start3A_353 : memref<128xi32, #tpu.memory_space<vmem>>) semaphore(%arg36 : memref<!tpu.dma_semaphore, #tpu.memory_space<semaphore_mem>>) {add = true}
      %ge3A_357 = arith.constant 5 : i32
      %ge3A_358 = arith.cmpi sge, %add3A_344, %ge3A_357 : i32
      %add3A_359 = arith.constant 5 : i32
      %add3A_360 = arith.addi %add3A_344, %add3A_359 : i32
      %lt3A_361 = arith.cmpi slt, %add3A_360, %select_n3A_9 : i32
      %and3A_362 = arith.andi %ge3A_358, %lt3A_361 : i1
      %convert_element_type3A_363 = arith.extui %and3A_362 : i1 to i32
      %cond3A_364 = arith.constant 0 : i32
      %cond3A_365 = arith.cmpi ne, %convert_element_type3A_363, %cond3A_364 : i32
      scf.if %cond3A_365 {
        %dma_wait3A_465 = arith.constant 0 : i32
        %dma_wait3A_466 = arith.constant 0 : i32
        %dma_wait3A_467 = tpu.memref_slice %arg8[%dma_wait3A_465, %dma_wait3A_466] : memref<120x128xi32, #tpu.memory_space<vmem>> -> memref<1x128xi32, #tpu.memory_space<vmem>>
        %dma_wait3A_468 = tpu.memref_squeeze %dma_wait3A_467 : memref<1x128xi32, #tpu.memory_space<vmem>> -> memref<128xi32, #tpu.memory_space<vmem>>
        %dma_wait3A_469 = arith.constant 0 : i32
        %dma_wait3A_470 = arith.constant 0 : i32
        %dma_wait3A_471 = tpu.memref_slice %arg19[%dma_wait3A_469, %dma_wait3A_470] : memref<10008x8xf32, #tpu.memory_space<vmem_shared>> -> memref<10008x8xf32, #tpu.memory_space<vmem_shared>>
        tpu.wait_indirect_dma semaphore(%arg31 : memref<!tpu.dma_semaphore, #tpu.memory_space<semaphore_mem>>) src(%arg10 : memref<128x8xf32, #tpu.memory_space<vmem>>) dst(%dma_wait3A_471 : memref<10008x8xf32, #tpu.memory_space<vmem_shared>>)
      } else {
      }
      %add3A_366 = arith.constant 5 : i32
      %add3A_367 = arith.addi %add3A_344, %add3A_366 : i32
      %lt3A_368 = arith.cmpi slt, %add3A_367, %select_n3A_9 : i32
      %convert_element_type3A_369 = arith.extui %lt3A_368 : i1 to i32
      %cond3A_370 = arith.constant 0 : i32
      %cond3A_371 = arith.cmpi ne, %convert_element_type3A_369, %cond3A_370 : i32
      scf.if %cond3A_371 {
        %add3A_465 = arith.constant 5 : i32
        %add3A_466 = arith.addi %add3A_344, %add3A_465 : i32
        %dma_start3A_467 = arith.constant 0 : i32
        %dma_start3A_468 = tpu.memref_slice %arg7[%add3A_466, %dma_start3A_467] : memref<120x128xi32, #tpu.memory_space<vmem>> -> memref<1x128xi32, #tpu.memory_space<vmem>>
        %dma_start3A_469 = tpu.memref_squeeze %dma_start3A_468 : memref<1x128xi32, #tpu.memory_space<vmem>> -> memref<128xi32, #tpu.memory_space<vmem>>
        %dma_start3A_470 = arith.constant 0 : i32
        %dma_start3A_471 = arith.constant 0 : i32
        %dma_start3A_472 = tpu.memref_slice %arg4[%dma_start3A_470, %dma_start3A_471] : memref<10008x8xf32, #tpu.memory_space<hbm>> -> memref<10008x8xf32, #tpu.memory_space<hbm>>
        tpu.enqueue_indirect_dma source(%dma_start3A_472 : memref<10008x8xf32, #tpu.memory_space<hbm>>) target(%arg10 : memref<128x8xf32, #tpu.memory_space<vmem>>) offsets(%dma_start3A_469 : memref<128xi32, #tpu.memory_space<vmem>>) semaphore(%arg21 : memref<!tpu.dma_semaphore, #tpu.memory_space<semaphore_mem>>)
      } else {
      }
      %mul3A_372 = arith.constant 10 : i32
      %mul3A_373 = arith.muli %while3A_156, %mul3A_372 : i32
      %add3A_374 = arith.constant 7 : i32
      %add3A_375 = arith.addi %mul3A_373, %add3A_374 : i32
      %dma_wait3A_376 = arith.constant 0 : i32
      %dma_wait3A_377 = tpu.memref_slice %arg7[%add3A_375, %dma_wait3A_376] : memref<120x128xi32, #tpu.memory_space<vmem>> -> memref<1x128xi32, #tpu.memory_space<vmem>>
      %dma_wait3A_378 = tpu.memref_squeeze %dma_wait3A_377 : memref<1x128xi32, #tpu.memory_space<vmem>> -> memref<128xi32, #tpu.memory_space<vmem>>
      %dma_wait3A_379 = arith.constant 0 : i32
      %dma_wait3A_380 = arith.constant 0 : i32
      %dma_wait3A_381 = tpu.memref_slice %arg4[%dma_wait3A_379, %dma_wait3A_380] : memref<10008x8xf32, #tpu.memory_space<hbm>> -> memref<10008x8xf32, #tpu.memory_space<hbm>>
      tpu.wait_indirect_dma semaphore(%arg27 : memref<!tpu.dma_semaphore, #tpu.memory_space<semaphore_mem>>) src(%dma_wait3A_381 : memref<10008x8xf32, #tpu.memory_space<hbm>>) dst(%arg16 : memref<128x8xf32, #tpu.memory_space<vmem>>)
      %dma_start3A_382 = arith.constant 0 : i32
      %dma_start3A_383 = tpu.memref_slice %arg8[%add3A_375, %dma_start3A_382] : memref<120x128xi32, #tpu.memory_space<vmem>> -> memref<1x128xi32, #tpu.memory_space<vmem>>
      %dma_start3A_384 = tpu.memref_squeeze %dma_start3A_383 : memref<1x128xi32, #tpu.memory_space<vmem>> -> memref<128xi32, #tpu.memory_space<vmem>>
      %dma_start3A_385 = arith.constant 0 : i32
      %dma_start3A_386 = arith.constant 0 : i32
      %dma_start3A_387 = tpu.memref_slice %arg19[%dma_start3A_385, %dma_start3A_386] : memref<10008x8xf32, #tpu.memory_space<vmem_shared>> -> memref<10008x8xf32, #tpu.memory_space<vmem_shared>>
      tpu.enqueue_indirect_dma source(%arg16 : memref<128x8xf32, #tpu.memory_space<vmem>>) target(%dma_start3A_387 : memref<10008x8xf32, #tpu.memory_space<vmem_shared>>) offsets(%dma_start3A_384 : memref<128xi32, #tpu.memory_space<vmem>>) semaphore(%arg37 : memref<!tpu.dma_semaphore, #tpu.memory_space<semaphore_mem>>) {add = true}
      %ge3A_388 = arith.constant 5 : i32
      %ge3A_389 = arith.cmpi sge, %add3A_375, %ge3A_388 : i32
      %add3A_390 = arith.constant 5 : i32
      %add3A_391 = arith.addi %add3A_375, %add3A_390 : i32
      %lt3A_392 = arith.cmpi slt, %add3A_391, %select_n3A_9 : i32
      %and3A_393 = arith.andi %ge3A_389, %lt3A_392 : i1
      %convert_element_type3A_394 = arith.extui %and3A_393 : i1 to i32
      %cond3A_395 = arith.constant 0 : i32
      %cond3A_396 = arith.cmpi ne, %convert_element_type3A_394, %cond3A_395 : i32
      scf.if %cond3A_396 {
        %dma_wait3A_465 = arith.constant 0 : i32
        %dma_wait3A_466 = arith.constant 0 : i32
        %dma_wait3A_467 = tpu.memref_slice %arg8[%dma_wait3A_465, %dma_wait3A_466] : memref<120x128xi32, #tpu.memory_space<vmem>> -> memref<1x128xi32, #tpu.memory_space<vmem>>
        %dma_wait3A_468 = tpu.memref_squeeze %dma_wait3A_467 : memref<1x128xi32, #tpu.memory_space<vmem>> -> memref<128xi32, #tpu.memory_space<vmem>>
        %dma_wait3A_469 = arith.constant 0 : i32
        %dma_wait3A_470 = arith.constant 0 : i32
        %dma_wait3A_471 = tpu.memref_slice %arg19[%dma_wait3A_469, %dma_wait3A_470] : memref<10008x8xf32, #tpu.memory_space<vmem_shared>> -> memref<10008x8xf32, #tpu.memory_space<vmem_shared>>
        tpu.wait_indirect_dma semaphore(%arg32 : memref<!tpu.dma_semaphore, #tpu.memory_space<semaphore_mem>>) src(%arg11 : memref<128x8xf32, #tpu.memory_space<vmem>>) dst(%dma_wait3A_471 : memref<10008x8xf32, #tpu.memory_space<vmem_shared>>)
      } else {
      }
      %add3A_397 = arith.constant 5 : i32
      %add3A_398 = arith.addi %add3A_375, %add3A_397 : i32
      %lt3A_399 = arith.cmpi slt, %add3A_398, %select_n3A_9 : i32
      %convert_element_type3A_400 = arith.extui %lt3A_399 : i1 to i32
      %cond3A_401 = arith.constant 0 : i32
      %cond3A_402 = arith.cmpi ne, %convert_element_type3A_400, %cond3A_401 : i32
      scf.if %cond3A_402 {
        %add3A_465 = arith.constant 5 : i32
        %add3A_466 = arith.addi %add3A_375, %add3A_465 : i32
        %dma_start3A_467 = arith.constant 0 : i32
        %dma_start3A_468 = tpu.memref_slice %arg7[%add3A_466, %dma_start3A_467] : memref<120x128xi32, #tpu.memory_space<vmem>> -> memref<1x128xi32, #tpu.memory_space<vmem>>
        %dma_start3A_469 = tpu.memref_squeeze %dma_start3A_468 : memref<1x128xi32, #tpu.memory_space<vmem>> -> memref<128xi32, #tpu.memory_space<vmem>>
        %dma_start3A_470 = arith.constant 0 : i32
        %dma_start3A_471 = arith.constant 0 : i32
        %dma_start3A_472 = tpu.memref_slice %arg4[%dma_start3A_470, %dma_start3A_471] : memref<10008x8xf32, #tpu.memory_space<hbm>> -> memref<10008x8xf32, #tpu.memory_space<hbm>>
        tpu.enqueue_indirect_dma source(%dma_start3A_472 : memref<10008x8xf32, #tpu.memory_space<hbm>>) target(%arg11 : memref<128x8xf32, #tpu.memory_space<vmem>>) offsets(%dma_start3A_469 : memref<128xi32, #tpu.memory_space<vmem>>) semaphore(%arg22 : memref<!tpu.dma_semaphore, #tpu.memory_space<semaphore_mem>>)
      } else {
      }
      %mul3A_403 = arith.constant 10 : i32
      %mul3A_404 = arith.muli %while3A_156, %mul3A_403 : i32
      %add3A_405 = arith.constant 8 : i32
      %add3A_406 = arith.addi %mul3A_404, %add3A_405 : i32
      %dma_wait3A_407 = arith.constant 0 : i32
      %dma_wait3A_408 = tpu.memref_slice %arg7[%add3A_406, %dma_wait3A_407] : memref<120x128xi32, #tpu.memory_space<vmem>> -> memref<1x128xi32, #tpu.memory_space<vmem>>
      %dma_wait3A_409 = tpu.memref_squeeze %dma_wait3A_408 : memref<1x128xi32, #tpu.memory_space<vmem>> -> memref<128xi32, #tpu.memory_space<vmem>>
      %dma_wait3A_410 = arith.constant 0 : i32
      %dma_wait3A_411 = arith.constant 0 : i32
      %dma_wait3A_412 = tpu.memref_slice %arg4[%dma_wait3A_410, %dma_wait3A_411] : memref<10008x8xf32, #tpu.memory_space<hbm>> -> memref<10008x8xf32, #tpu.memory_space<hbm>>
      tpu.wait_indirect_dma semaphore(%arg28 : memref<!tpu.dma_semaphore, #tpu.memory_space<semaphore_mem>>) src(%dma_wait3A_412 : memref<10008x8xf32, #tpu.memory_space<hbm>>) dst(%arg17 : memref<128x8xf32, #tpu.memory_space<vmem>>)
      %dma_start3A_413 = arith.constant 0 : i32
      %dma_start3A_414 = tpu.memref_slice %arg8[%add3A_406, %dma_start3A_413] : memref<120x128xi32, #tpu.memory_space<vmem>> -> memref<1x128xi32, #tpu.memory_space<vmem>>
      %dma_start3A_415 = tpu.memref_squeeze %dma_start3A_414 : memref<1x128xi32, #tpu.memory_space<vmem>> -> memref<128xi32, #tpu.memory_space<vmem>>
      %dma_start3A_416 = arith.constant 0 : i32
      %dma_start3A_417 = arith.constant 0 : i32
      %dma_start3A_418 = tpu.memref_slice %arg19[%dma_start3A_416, %dma_start3A_417] : memref<10008x8xf32, #tpu.memory_space<vmem_shared>> -> memref<10008x8xf32, #tpu.memory_space<vmem_shared>>
      tpu.enqueue_indirect_dma source(%arg17 : memref<128x8xf32, #tpu.memory_space<vmem>>) target(%dma_start3A_418 : memref<10008x8xf32, #tpu.memory_space<vmem_shared>>) offsets(%dma_start3A_415 : memref<128xi32, #tpu.memory_space<vmem>>) semaphore(%arg38 : memref<!tpu.dma_semaphore, #tpu.memory_space<semaphore_mem>>) {add = true}
      %ge3A_419 = arith.constant 5 : i32
      %ge3A_420 = arith.cmpi sge, %add3A_406, %ge3A_419 : i32
      %add3A_421 = arith.constant 5 : i32
      %add3A_422 = arith.addi %add3A_406, %add3A_421 : i32
      %lt3A_423 = arith.cmpi slt, %add3A_422, %select_n3A_9 : i32
      %and3A_424 = arith.andi %ge3A_420, %lt3A_423 : i1
      %convert_element_type3A_425 = arith.extui %and3A_424 : i1 to i32
      %cond3A_426 = arith.constant 0 : i32
      %cond3A_427 = arith.cmpi ne, %convert_element_type3A_425, %cond3A_426 : i32
      scf.if %cond3A_427 {
        %dma_wait3A_465 = arith.constant 0 : i32
        %dma_wait3A_466 = arith.constant 0 : i32
        %dma_wait3A_467 = tpu.memref_slice %arg8[%dma_wait3A_465, %dma_wait3A_466] : memref<120x128xi32, #tpu.memory_space<vmem>> -> memref<1x128xi32, #tpu.memory_space<vmem>>
        %dma_wait3A_468 = tpu.memref_squeeze %dma_wait3A_467 : memref<1x128xi32, #tpu.memory_space<vmem>> -> memref<128xi32, #tpu.memory_space<vmem>>
        %dma_wait3A_469 = arith.constant 0 : i32
        %dma_wait3A_470 = arith.constant 0 : i32
        %dma_wait3A_471 = tpu.memref_slice %arg19[%dma_wait3A_469, %dma_wait3A_470] : memref<10008x8xf32, #tpu.memory_space<vmem_shared>> -> memref<10008x8xf32, #tpu.memory_space<vmem_shared>>
        tpu.wait_indirect_dma semaphore(%arg33 : memref<!tpu.dma_semaphore, #tpu.memory_space<semaphore_mem>>) src(%arg12 : memref<128x8xf32, #tpu.memory_space<vmem>>) dst(%dma_wait3A_471 : memref<10008x8xf32, #tpu.memory_space<vmem_shared>>)
      } else {
      }
      %add3A_428 = arith.constant 5 : i32
      %add3A_429 = arith.addi %add3A_406, %add3A_428 : i32
      %lt3A_430 = arith.cmpi slt, %add3A_429, %select_n3A_9 : i32
      %convert_element_type3A_431 = arith.extui %lt3A_430 : i1 to i32
      %cond3A_432 = arith.constant 0 : i32
      %cond3A_433 = arith.cmpi ne, %convert_element_type3A_431, %cond3A_432 : i32
      scf.if %cond3A_433 {
        %add3A_465 = arith.constant 5 : i32
        %add3A_466 = arith.addi %add3A_406, %add3A_465 : i32
        %dma_start3A_467 = arith.constant 0 : i32
        %dma_start3A_468 = tpu.memref_slice %arg7[%add3A_466, %dma_start3A_467] : memref<120x128xi32, #tpu.memory_space<vmem>> -> memref<1x128xi32, #tpu.memory_space<vmem>>
        %dma_start3A_469 = tpu.memref_squeeze %dma_start3A_468 : memref<1x128xi32, #tpu.memory_space<vmem>> -> memref<128xi32, #tpu.memory_space<vmem>>
        %dma_start3A_470 = arith.constant 0 : i32
        %dma_start3A_471 = arith.constant 0 : i32
        %dma_start3A_472 = tpu.memref_slice %arg4[%dma_start3A_470, %dma_start3A_471] : memref<10008x8xf32, #tpu.memory_space<hbm>> -> memref<10008x8xf32, #tpu.memory_space<hbm>>
        tpu.enqueue_indirect_dma source(%dma_start3A_472 : memref<10008x8xf32, #tpu.memory_space<hbm>>) target(%arg12 : memref<128x8xf32, #tpu.memory_space<vmem>>) offsets(%dma_start3A_469 : memref<128xi32, #tpu.memory_space<vmem>>) semaphore(%arg23 : memref<!tpu.dma_semaphore, #tpu.memory_space<semaphore_mem>>)
      } else {
      }
      %mul3A_434 = arith.constant 10 : i32
      %mul3A_435 = arith.muli %while3A_156, %mul3A_434 : i32
      %add3A_436 = arith.constant 9 : i32
      %add3A_437 = arith.addi %mul3A_435, %add3A_436 : i32
      %dma_wait3A_438 = arith.constant 0 : i32
      %dma_wait3A_439 = tpu.memref_slice %arg7[%add3A_437, %dma_wait3A_438] : memref<120x128xi32, #tpu.memory_space<vmem>> -> memref<1x128xi32, #tpu.memory_space<vmem>>
      %dma_wait3A_440 = tpu.memref_squeeze %dma_wait3A_439 : memref<1x128xi32, #tpu.memory_space<vmem>> -> memref<128xi32, #tpu.memory_space<vmem>>
      %dma_wait3A_441 = arith.constant 0 : i32
      %dma_wait3A_442 = arith.constant 0 : i32
      %dma_wait3A_443 = tpu.memref_slice %arg4[%dma_wait3A_441, %dma_wait3A_442] : memref<10008x8xf32, #tpu.memory_space<hbm>> -> memref<10008x8xf32, #tpu.memory_space<hbm>>
      tpu.wait_indirect_dma semaphore(%arg29 : memref<!tpu.dma_semaphore, #tpu.memory_space<semaphore_mem>>) src(%dma_wait3A_443 : memref<10008x8xf32, #tpu.memory_space<hbm>>) dst(%arg18 : memref<128x8xf32, #tpu.memory_space<vmem>>)
      %dma_start3A_444 = arith.constant 0 : i32
      %dma_start3A_445 = tpu.memref_slice %arg8[%add3A_437, %dma_start3A_444] : memref<120x128xi32, #tpu.memory_space<vmem>> -> memref<1x128xi32, #tpu.memory_space<vmem>>
      %dma_start3A_446 = tpu.memref_squeeze %dma_start3A_445 : memref<1x128xi32, #tpu.memory_space<vmem>> -> memref<128xi32, #tpu.memory_space<vmem>>
      %dma_start3A_447 = arith.constant 0 : i32
      %dma_start3A_448 = arith.constant 0 : i32
      %dma_start3A_449 = tpu.memref_slice %arg19[%dma_start3A_447, %dma_start3A_448] : memref<10008x8xf32, #tpu.memory_space<vmem_shared>> -> memref<10008x8xf32, #tpu.memory_space<vmem_shared>>
      tpu.enqueue_indirect_dma source(%arg18 : memref<128x8xf32, #tpu.memory_space<vmem>>) target(%dma_start3A_449 : memref<10008x8xf32, #tpu.memory_space<vmem_shared>>) offsets(%dma_start3A_446 : memref<128xi32, #tpu.memory_space<vmem>>) semaphore(%arg39 : memref<!tpu.dma_semaphore, #tpu.memory_space<semaphore_mem>>) {add = true}
      %ge3A_450 = arith.constant 5 : i32
      %ge3A_451 = arith.cmpi sge, %add3A_437, %ge3A_450 : i32
      %add3A_452 = arith.constant 5 : i32
      %add3A_453 = arith.addi %add3A_437, %add3A_452 : i32
      %lt3A_454 = arith.cmpi slt, %add3A_453, %select_n3A_9 : i32
      %and3A_455 = arith.andi %ge3A_451, %lt3A_454 : i1
      %convert_element_type3A_456 = arith.extui %and3A_455 : i1 to i32
      %cond3A_457 = arith.constant 0 : i32
      %cond3A_458 = arith.cmpi ne, %convert_element_type3A_456, %cond3A_457 : i32
      scf.if %cond3A_458 {
        %dma_wait3A_465 = arith.constant 0 : i32
        %dma_wait3A_466 = arith.constant 0 : i32
        %dma_wait3A_467 = tpu.memref_slice %arg8[%dma_wait3A_465, %dma_wait3A_466] : memref<120x128xi32, #tpu.memory_space<vmem>> -> memref<1x128xi32, #tpu.memory_space<vmem>>
        %dma_wait3A_468 = tpu.memref_squeeze %dma_wait3A_467 : memref<1x128xi32, #tpu.memory_space<vmem>> -> memref<128xi32, #tpu.memory_space<vmem>>
        %dma_wait3A_469 = arith.constant 0 : i32
        %dma_wait3A_470 = arith.constant 0 : i32
        %dma_wait3A_471 = tpu.memref_slice %arg19[%dma_wait3A_469, %dma_wait3A_470] : memref<10008x8xf32, #tpu.memory_space<vmem_shared>> -> memref<10008x8xf32, #tpu.memory_space<vmem_shared>>
        tpu.wait_indirect_dma semaphore(%arg34 : memref<!tpu.dma_semaphore, #tpu.memory_space<semaphore_mem>>) src(%arg13 : memref<128x8xf32, #tpu.memory_space<vmem>>) dst(%dma_wait3A_471 : memref<10008x8xf32, #tpu.memory_space<vmem_shared>>)
      } else {
      }
      %add3A_459 = arith.constant 5 : i32
      %add3A_460 = arith.addi %add3A_437, %add3A_459 : i32
      %lt3A_461 = arith.cmpi slt, %add3A_460, %select_n3A_9 : i32
      %convert_element_type3A_462 = arith.extui %lt3A_461 : i1 to i32
      %cond3A_463 = arith.constant 0 : i32
      %cond3A_464 = arith.cmpi ne, %convert_element_type3A_462, %cond3A_463 : i32
      scf.if %cond3A_464 {
        %add3A_465 = arith.constant 5 : i32
        %add3A_466 = arith.addi %add3A_437, %add3A_465 : i32
        %dma_start3A_467 = arith.constant 0 : i32
        %dma_start3A_468 = tpu.memref_slice %arg7[%add3A_466, %dma_start3A_467] : memref<120x128xi32, #tpu.memory_space<vmem>> -> memref<1x128xi32, #tpu.memory_space<vmem>>
        %dma_start3A_469 = tpu.memref_squeeze %dma_start3A_468 : memref<1x128xi32, #tpu.memory_space<vmem>> -> memref<128xi32, #tpu.memory_space<vmem>>
        %dma_start3A_470 = arith.constant 0 : i32
        %dma_start3A_471 = arith.constant 0 : i32
        %dma_start3A_472 = tpu.memref_slice %arg4[%dma_start3A_470, %dma_start3A_471] : memref<10008x8xf32, #tpu.memory_space<hbm>> -> memref<10008x8xf32, #tpu.memory_space<hbm>>
        tpu.enqueue_indirect_dma source(%dma_start3A_472 : memref<10008x8xf32, #tpu.memory_space<hbm>>) target(%arg13 : memref<128x8xf32, #tpu.memory_space<vmem>>) offsets(%dma_start3A_469 : memref<128xi32, #tpu.memory_space<vmem>>) semaphore(%arg24 : memref<!tpu.dma_semaphore, #tpu.memory_space<semaphore_mem>>)
      } else {
      }
    }
    %while3A_76 = arith.constant 1 : i32
    scf.for %while3A_156 = %while3A_74 to %while3A_70 step %while3A_76  : i32 {
      %mul3A_157 = arith.constant 10 : i32
      %mul3A_158 = arith.muli %while3A_156, %mul3A_157 : i32
      %add3A_159 = arith.constant 0 : i32
      %add3A_160 = arith.addi %mul3A_158, %add3A_159 : i32
      %dma_wait3A_161 = arith.constant 0 : i32
      %dma_wait3A_162 = tpu.memref_slice %arg7[%add3A_160, %dma_wait3A_161] : memref<120x128xi32, #tpu.memory_space<vmem>> -> memref<1x128xi32, #tpu.memory_space<vmem>>
      %dma_wait3A_163 = tpu.memref_squeeze %dma_wait3A_162 : memref<1x128xi32, #tpu.memory_space<vmem>> -> memref<128xi32, #tpu.memory_space<vmem>>
      %dma_wait3A_164 = arith.constant 0 : i32
      %dma_wait3A_165 = arith.constant 0 : i32
      %dma_wait3A_166 = tpu.memref_slice %arg4[%dma_wait3A_164, %dma_wait3A_165] : memref<10008x8xf32, #tpu.memory_space<hbm>> -> memref<10008x8xf32, #tpu.memory_space<hbm>>
      tpu.wait_indirect_dma semaphore(%arg20 : memref<!tpu.dma_semaphore, #tpu.memory_space<semaphore_mem>>) src(%dma_wait3A_166 : memref<10008x8xf32, #tpu.memory_space<hbm>>) dst(%arg9 : memref<128x8xf32, #tpu.memory_space<vmem>>)
      %dma_start3A_167 = arith.constant 0 : i32
      %dma_start3A_168 = tpu.memref_slice %arg8[%add3A_160, %dma_start3A_167] : memref<120x128xi32, #tpu.memory_space<vmem>> -> memref<1x128xi32, #tpu.memory_space<vmem>>
      %dma_start3A_169 = tpu.memref_squeeze %dma_start3A_168 : memref<1x128xi32, #tpu.memory_space<vmem>> -> memref<128xi32, #tpu.memory_space<vmem>>
      %dma_start3A_170 = arith.constant 0 : i32
      %dma_start3A_171 = arith.constant 0 : i32
      %dma_start3A_172 = tpu.memref_slice %arg19[%dma_start3A_170, %dma_start3A_171] : memref<10008x8xf32, #tpu.memory_space<vmem_shared>> -> memref<10008x8xf32, #tpu.memory_space<vmem_shared>>
      tpu.enqueue_indirect_dma source(%arg9 : memref<128x8xf32, #tpu.memory_space<vmem>>) target(%dma_start3A_172 : memref<10008x8xf32, #tpu.memory_space<vmem_shared>>) offsets(%dma_start3A_169 : memref<128xi32, #tpu.memory_space<vmem>>) semaphore(%arg30 : memref<!tpu.dma_semaphore, #tpu.memory_space<semaphore_mem>>) {add = true}
      %ge3A = arith.constant 5 : i32
      %ge3A_173 = arith.cmpi sge, %add3A_160, %ge3A : i32
      %add3A_174 = arith.constant 5 : i32
      %add3A_175 = arith.addi %add3A_160, %add3A_174 : i32
      %lt3A = arith.cmpi slt, %add3A_175, %select_n3A_9 : i32
      %and3A_176 = arith.andi %ge3A_173, %lt3A : i1
      %convert_element_type3A_177 = arith.extui %and3A_176 : i1 to i32
      %cond3A_178 = arith.constant 0 : i32
      %cond3A_179 = arith.cmpi ne, %convert_element_type3A_177, %cond3A_178 : i32
      scf.if %cond3A_179 {
        %dma_wait3A_465 = arith.constant 0 : i32
        %dma_wait3A_466 = arith.constant 0 : i32
        %dma_wait3A_467 = tpu.memref_slice %arg8[%dma_wait3A_465, %dma_wait3A_466] : memref<120x128xi32, #tpu.memory_space<vmem>> -> memref<1x128xi32, #tpu.memory_space<vmem>>
        %dma_wait3A_468 = tpu.memref_squeeze %dma_wait3A_467 : memref<1x128xi32, #tpu.memory_space<vmem>> -> memref<128xi32, #tpu.memory_space<vmem>>
        %dma_wait3A_469 = arith.constant 0 : i32
        %dma_wait3A_470 = arith.constant 0 : i32
        %dma_wait3A_471 = tpu.memref_slice %arg19[%dma_wait3A_469, %dma_wait3A_470] : memref<10008x8xf32, #tpu.memory_space<vmem_shared>> -> memref<10008x8xf32, #tpu.memory_space<vmem_shared>>
        tpu.wait_indirect_dma semaphore(%arg35 : memref<!tpu.dma_semaphore, #tpu.memory_space<semaphore_mem>>) src(%arg14 : memref<128x8xf32, #tpu.memory_space<vmem>>) dst(%dma_wait3A_471 : memref<10008x8xf32, #tpu.memory_space<vmem_shared>>)
      } else {
      }
      %add3A_180 = arith.constant 5 : i32
      %add3A_181 = arith.addi %add3A_160, %add3A_180 : i32
      %lt3A_182 = arith.cmpi slt, %add3A_181, %select_n3A_9 : i32
      %convert_element_type3A_183 = arith.extui %lt3A_182 : i1 to i32
      %cond3A_184 = arith.constant 0 : i32
      %cond3A_185 = arith.cmpi ne, %convert_element_type3A_183, %cond3A_184 : i32
      scf.if %cond3A_185 {
        %add3A_465 = arith.constant 5 : i32
        %add3A_466 = arith.addi %add3A_160, %add3A_465 : i32
        %dma_start3A_467 = arith.constant 0 : i32
        %dma_start3A_468 = tpu.memref_slice %arg7[%add3A_466, %dma_start3A_467] : memref<120x128xi32, #tpu.memory_space<vmem>> -> memref<1x128xi32, #tpu.memory_space<vmem>>
        %dma_start3A_469 = tpu.memref_squeeze %dma_start3A_468 : memref<1x128xi32, #tpu.memory_space<vmem>> -> memref<128xi32, #tpu.memory_space<vmem>>
        %dma_start3A_470 = arith.constant 0 : i32
        %dma_start3A_471 = arith.constant 0 : i32
        %dma_start3A_472 = tpu.memref_slice %arg4[%dma_start3A_470, %dma_start3A_471] : memref<10008x8xf32, #tpu.memory_space<hbm>> -> memref<10008x8xf32, #tpu.memory_space<hbm>>
        tpu.enqueue_indirect_dma source(%dma_start3A_472 : memref<10008x8xf32, #tpu.memory_space<hbm>>) target(%arg14 : memref<128x8xf32, #tpu.memory_space<vmem>>) offsets(%dma_start3A_469 : memref<128xi32, #tpu.memory_space<vmem>>) semaphore(%arg25 : memref<!tpu.dma_semaphore, #tpu.memory_space<semaphore_mem>>)
      } else {
      }
      %mul3A_186 = arith.constant 10 : i32
      %mul3A_187 = arith.muli %while3A_156, %mul3A_186 : i32
      %add3A_188 = arith.constant 1 : i32
      %add3A_189 = arith.addi %mul3A_187, %add3A_188 : i32
      %dma_wait3A_190 = arith.constant 0 : i32
      %dma_wait3A_191 = tpu.memref_slice %arg7[%add3A_189, %dma_wait3A_190] : memref<120x128xi32, #tpu.memory_space<vmem>> -> memref<1x128xi32, #tpu.memory_space<vmem>>
      %dma_wait3A_192 = tpu.memref_squeeze %dma_wait3A_191 : memref<1x128xi32, #tpu.memory_space<vmem>> -> memref<128xi32, #tpu.memory_space<vmem>>
      %dma_wait3A_193 = arith.constant 0 : i32
      %dma_wait3A_194 = arith.constant 0 : i32
      %dma_wait3A_195 = tpu.memref_slice %arg4[%dma_wait3A_193, %dma_wait3A_194] : memref<10008x8xf32, #tpu.memory_space<hbm>> -> memref<10008x8xf32, #tpu.memory_space<hbm>>
      tpu.wait_indirect_dma semaphore(%arg21 : memref<!tpu.dma_semaphore, #tpu.memory_space<semaphore_mem>>) src(%dma_wait3A_195 : memref<10008x8xf32, #tpu.memory_space<hbm>>) dst(%arg10 : memref<128x8xf32, #tpu.memory_space<vmem>>)
      %dma_start3A_196 = arith.constant 0 : i32
      %dma_start3A_197 = tpu.memref_slice %arg8[%add3A_189, %dma_start3A_196] : memref<120x128xi32, #tpu.memory_space<vmem>> -> memref<1x128xi32, #tpu.memory_space<vmem>>
      %dma_start3A_198 = tpu.memref_squeeze %dma_start3A_197 : memref<1x128xi32, #tpu.memory_space<vmem>> -> memref<128xi32, #tpu.memory_space<vmem>>
      %dma_start3A_199 = arith.constant 0 : i32
      %dma_start3A_200 = arith.constant 0 : i32
      %dma_start3A_201 = tpu.memref_slice %arg19[%dma_start3A_199, %dma_start3A_200] : memref<10008x8xf32, #tpu.memory_space<vmem_shared>> -> memref<10008x8xf32, #tpu.memory_space<vmem_shared>>
      tpu.enqueue_indirect_dma source(%arg10 : memref<128x8xf32, #tpu.memory_space<vmem>>) target(%dma_start3A_201 : memref<10008x8xf32, #tpu.memory_space<vmem_shared>>) offsets(%dma_start3A_198 : memref<128xi32, #tpu.memory_space<vmem>>) semaphore(%arg31 : memref<!tpu.dma_semaphore, #tpu.memory_space<semaphore_mem>>) {add = true}
      %ge3A_202 = arith.constant 5 : i32
      %ge3A_203 = arith.cmpi sge, %add3A_189, %ge3A_202 : i32
      %add3A_204 = arith.constant 5 : i32
      %add3A_205 = arith.addi %add3A_189, %add3A_204 : i32
      %lt3A_206 = arith.cmpi slt, %add3A_205, %select_n3A_9 : i32
      %and3A_207 = arith.andi %ge3A_203, %lt3A_206 : i1
      %convert_element_type3A_208 = arith.extui %and3A_207 : i1 to i32
      %cond3A_209 = arith.constant 0 : i32
      %cond3A_210 = arith.cmpi ne, %convert_element_type3A_208, %cond3A_209 : i32
      scf.if %cond3A_210 {
        %dma_wait3A_465 = arith.constant 0 : i32
        %dma_wait3A_466 = arith.constant 0 : i32
        %dma_wait3A_467 = tpu.memref_slice %arg8[%dma_wait3A_465, %dma_wait3A_466] : memref<120x128xi32, #tpu.memory_space<vmem>> -> memref<1x128xi32, #tpu.memory_space<vmem>>
        %dma_wait3A_468 = tpu.memref_squeeze %dma_wait3A_467 : memref<1x128xi32, #tpu.memory_space<vmem>> -> memref<128xi32, #tpu.memory_space<vmem>>
        %dma_wait3A_469 = arith.constant 0 : i32
        %dma_wait3A_470 = arith.constant 0 : i32
        %dma_wait3A_471 = tpu.memref_slice %arg19[%dma_wait3A_469, %dma_wait3A_470] : memref<10008x8xf32, #tpu.memory_space<vmem_shared>> -> memref<10008x8xf32, #tpu.memory_space<vmem_shared>>
        tpu.wait_indirect_dma semaphore(%arg36 : memref<!tpu.dma_semaphore, #tpu.memory_space<semaphore_mem>>) src(%arg15 : memref<128x8xf32, #tpu.memory_space<vmem>>) dst(%dma_wait3A_471 : memref<10008x8xf32, #tpu.memory_space<vmem_shared>>)
      } else {
      }
      %add3A_211 = arith.constant 5 : i32
      %add3A_212 = arith.addi %add3A_189, %add3A_211 : i32
      %lt3A_213 = arith.cmpi slt, %add3A_212, %select_n3A_9 : i32
      %convert_element_type3A_214 = arith.extui %lt3A_213 : i1 to i32
      %cond3A_215 = arith.constant 0 : i32
      %cond3A_216 = arith.cmpi ne, %convert_element_type3A_214, %cond3A_215 : i32
      scf.if %cond3A_216 {
        %add3A_465 = arith.constant 5 : i32
        %add3A_466 = arith.addi %add3A_189, %add3A_465 : i32
        %dma_start3A_467 = arith.constant 0 : i32
        %dma_start3A_468 = tpu.memref_slice %arg7[%add3A_466, %dma_start3A_467] : memref<120x128xi32, #tpu.memory_space<vmem>> -> memref<1x128xi32, #tpu.memory_space<vmem>>
        %dma_start3A_469 = tpu.memref_squeeze %dma_start3A_468 : memref<1x128xi32, #tpu.memory_space<vmem>> -> memref<128xi32, #tpu.memory_space<vmem>>
        %dma_start3A_470 = arith.constant 0 : i32
        %dma_start3A_471 = arith.constant 0 : i32
        %dma_start3A_472 = tpu.memref_slice %arg4[%dma_start3A_470, %dma_start3A_471] : memref<10008x8xf32, #tpu.memory_space<hbm>> -> memref<10008x8xf32, #tpu.memory_space<hbm>>
        tpu.enqueue_indirect_dma source(%dma_start3A_472 : memref<10008x8xf32, #tpu.memory_space<hbm>>) target(%arg15 : memref<128x8xf32, #tpu.memory_space<vmem>>) offsets(%dma_start3A_469 : memref<128xi32, #tpu.memory_space<vmem>>) semaphore(%arg26 : memref<!tpu.dma_semaphore, #tpu.memory_space<semaphore_mem>>)
      } else {
      }
      %mul3A_217 = arith.constant 10 : i32
      %mul3A_218 = arith.muli %while3A_156, %mul3A_217 : i32
      %add3A_219 = arith.constant 2 : i32
      %add3A_220 = arith.addi %mul3A_218, %add3A_219 : i32
      %dma_wait3A_221 = arith.constant 0 : i32
      %dma_wait3A_222 = tpu.memref_slice %arg7[%add3A_220, %dma_wait3A_221] : memref<120x128xi32, #tpu.memory_space<vmem>> -> memref<1x128xi32, #tpu.memory_space<vmem>>
      %dma_wait3A_223 = tpu.memref_squeeze %dma_wait3A_222 : memref<1x128xi32, #tpu.memory_space<vmem>> -> memref<128xi32, #tpu.memory_space<vmem>>
      %dma_wait3A_224 = arith.constant 0 : i32
      %dma_wait3A_225 = arith.constant 0 : i32
      %dma_wait3A_226 = tpu.memref_slice %arg4[%dma_wait3A_224, %dma_wait3A_225] : memref<10008x8xf32, #tpu.memory_space<hbm>> -> memref<10008x8xf32, #tpu.memory_space<hbm>>
      tpu.wait_indirect_dma semaphore(%arg22 : memref<!tpu.dma_semaphore, #tpu.memory_space<semaphore_mem>>) src(%dma_wait3A_226 : memref<10008x8xf32, #tpu.memory_space<hbm>>) dst(%arg11 : memref<128x8xf32, #tpu.memory_space<vmem>>)
      %dma_start3A_227 = arith.constant 0 : i32
      %dma_start3A_228 = tpu.memref_slice %arg8[%add3A_220, %dma_start3A_227] : memref<120x128xi32, #tpu.memory_space<vmem>> -> memref<1x128xi32, #tpu.memory_space<vmem>>
      %dma_start3A_229 = tpu.memref_squeeze %dma_start3A_228 : memref<1x128xi32, #tpu.memory_space<vmem>> -> memref<128xi32, #tpu.memory_space<vmem>>
      %dma_start3A_230 = arith.constant 0 : i32
      %dma_start3A_231 = arith.constant 0 : i32
      %dma_start3A_232 = tpu.memref_slice %arg19[%dma_start3A_230, %dma_start3A_231] : memref<10008x8xf32, #tpu.memory_space<vmem_shared>> -> memref<10008x8xf32, #tpu.memory_space<vmem_shared>>
      tpu.enqueue_indirect_dma source(%arg11 : memref<128x8xf32, #tpu.memory_space<vmem>>) target(%dma_start3A_232 : memref<10008x8xf32, #tpu.memory_space<vmem_shared>>) offsets(%dma_start3A_229 : memref<128xi32, #tpu.memory_space<vmem>>) semaphore(%arg32 : memref<!tpu.dma_semaphore, #tpu.memory_space<semaphore_mem>>) {add = true}
      %ge3A_233 = arith.constant 5 : i32
      %ge3A_234 = arith.cmpi sge, %add3A_220, %ge3A_233 : i32
      %add3A_235 = arith.constant 5 : i32
      %add3A_236 = arith.addi %add3A_220, %add3A_235 : i32
      %lt3A_237 = arith.cmpi slt, %add3A_236, %select_n3A_9 : i32
      %and3A_238 = arith.andi %ge3A_234, %lt3A_237 : i1
      %convert_element_type3A_239 = arith.extui %and3A_238 : i1 to i32
      %cond3A_240 = arith.constant 0 : i32
      %cond3A_241 = arith.cmpi ne, %convert_element_type3A_239, %cond3A_240 : i32
      scf.if %cond3A_241 {
        %dma_wait3A_465 = arith.constant 0 : i32
        %dma_wait3A_466 = arith.constant 0 : i32
        %dma_wait3A_467 = tpu.memref_slice %arg8[%dma_wait3A_465, %dma_wait3A_466] : memref<120x128xi32, #tpu.memory_space<vmem>> -> memref<1x128xi32, #tpu.memory_space<vmem>>
        %dma_wait3A_468 = tpu.memref_squeeze %dma_wait3A_467 : memref<1x128xi32, #tpu.memory_space<vmem>> -> memref<128xi32, #tpu.memory_space<vmem>>
        %dma_wait3A_469 = arith.constant 0 : i32
        %dma_wait3A_470 = arith.constant 0 : i32
        %dma_wait3A_471 = tpu.memref_slice %arg19[%dma_wait3A_469, %dma_wait3A_470] : memref<10008x8xf32, #tpu.memory_space<vmem_shared>> -> memref<10008x8xf32, #tpu.memory_space<vmem_shared>>
        tpu.wait_indirect_dma semaphore(%arg37 : memref<!tpu.dma_semaphore, #tpu.memory_space<semaphore_mem>>) src(%arg16 : memref<128x8xf32, #tpu.memory_space<vmem>>) dst(%dma_wait3A_471 : memref<10008x8xf32, #tpu.memory_space<vmem_shared>>)
      } else {
      }
      %add3A_242 = arith.constant 5 : i32
      %add3A_243 = arith.addi %add3A_220, %add3A_242 : i32
      %lt3A_244 = arith.cmpi slt, %add3A_243, %select_n3A_9 : i32
      %convert_element_type3A_245 = arith.extui %lt3A_244 : i1 to i32
      %cond3A_246 = arith.constant 0 : i32
      %cond3A_247 = arith.cmpi ne, %convert_element_type3A_245, %cond3A_246 : i32
      scf.if %cond3A_247 {
        %add3A_465 = arith.constant 5 : i32
        %add3A_466 = arith.addi %add3A_220, %add3A_465 : i32
        %dma_start3A_467 = arith.constant 0 : i32
        %dma_start3A_468 = tpu.memref_slice %arg7[%add3A_466, %dma_start3A_467] : memref<120x128xi32, #tpu.memory_space<vmem>> -> memref<1x128xi32, #tpu.memory_space<vmem>>
        %dma_start3A_469 = tpu.memref_squeeze %dma_start3A_468 : memref<1x128xi32, #tpu.memory_space<vmem>> -> memref<128xi32, #tpu.memory_space<vmem>>
        %dma_start3A_470 = arith.constant 0 : i32
        %dma_start3A_471 = arith.constant 0 : i32
        %dma_start3A_472 = tpu.memref_slice %arg4[%dma_start3A_470, %dma_start3A_471] : memref<10008x8xf32, #tpu.memory_space<hbm>> -> memref<10008x8xf32, #tpu.memory_space<hbm>>
        tpu.enqueue_indirect_dma source(%dma_start3A_472 : memref<10008x8xf32, #tpu.memory_space<hbm>>) target(%arg16 : memref<128x8xf32, #tpu.memory_space<vmem>>) offsets(%dma_start3A_469 : memref<128xi32, #tpu.memory_space<vmem>>) semaphore(%arg27 : memref<!tpu.dma_semaphore, #tpu.memory_space<semaphore_mem>>)
      } else {
      }
      %mul3A_248 = arith.constant 10 : i32
      %mul3A_249 = arith.muli %while3A_156, %mul3A_248 : i32
      %add3A_250 = arith.constant 3 : i32
      %add3A_251 = arith.addi %mul3A_249, %add3A_250 : i32
      %dma_wait3A_252 = arith.constant 0 : i32
      %dma_wait3A_253 = tpu.memref_slice %arg7[%add3A_251, %dma_wait3A_252] : memref<120x128xi32, #tpu.memory_space<vmem>> -> memref<1x128xi32, #tpu.memory_space<vmem>>
      %dma_wait3A_254 = tpu.memref_squeeze %dma_wait3A_253 : memref<1x128xi32, #tpu.memory_space<vmem>> -> memref<128xi32, #tpu.memory_space<vmem>>
      %dma_wait3A_255 = arith.constant 0 : i32
      %dma_wait3A_256 = arith.constant 0 : i32
      %dma_wait3A_257 = tpu.memref_slice %arg4[%dma_wait3A_255, %dma_wait3A_256] : memref<10008x8xf32, #tpu.memory_space<hbm>> -> memref<10008x8xf32, #tpu.memory_space<hbm>>
      tpu.wait_indirect_dma semaphore(%arg23 : memref<!tpu.dma_semaphore, #tpu.memory_space<semaphore_mem>>) src(%dma_wait3A_257 : memref<10008x8xf32, #tpu.memory_space<hbm>>) dst(%arg12 : memref<128x8xf32, #tpu.memory_space<vmem>>)
      %dma_start3A_258 = arith.constant 0 : i32
      %dma_start3A_259 = tpu.memref_slice %arg8[%add3A_251, %dma_start3A_258] : memref<120x128xi32, #tpu.memory_space<vmem>> -> memref<1x128xi32, #tpu.memory_space<vmem>>
      %dma_start3A_260 = tpu.memref_squeeze %dma_start3A_259 : memref<1x128xi32, #tpu.memory_space<vmem>> -> memref<128xi32, #tpu.memory_space<vmem>>
      %dma_start3A_261 = arith.constant 0 : i32
      %dma_start3A_262 = arith.constant 0 : i32
      %dma_start3A_263 = tpu.memref_slice %arg19[%dma_start3A_261, %dma_start3A_262] : memref<10008x8xf32, #tpu.memory_space<vmem_shared>> -> memref<10008x8xf32, #tpu.memory_space<vmem_shared>>
      tpu.enqueue_indirect_dma source(%arg12 : memref<128x8xf32, #tpu.memory_space<vmem>>) target(%dma_start3A_263 : memref<10008x8xf32, #tpu.memory_space<vmem_shared>>) offsets(%dma_start3A_260 : memref<128xi32, #tpu.memory_space<vmem>>) semaphore(%arg33 : memref<!tpu.dma_semaphore, #tpu.memory_space<semaphore_mem>>) {add = true}
      %ge3A_264 = arith.constant 5 : i32
      %ge3A_265 = arith.cmpi sge, %add3A_251, %ge3A_264 : i32
      %add3A_266 = arith.constant 5 : i32
      %add3A_267 = arith.addi %add3A_251, %add3A_266 : i32
      %lt3A_268 = arith.cmpi slt, %add3A_267, %select_n3A_9 : i32
      %and3A_269 = arith.andi %ge3A_265, %lt3A_268 : i1
      %convert_element_type3A_270 = arith.extui %and3A_269 : i1 to i32
      %cond3A_271 = arith.constant 0 : i32
      %cond3A_272 = arith.cmpi ne, %convert_element_type3A_270, %cond3A_271 : i32
      scf.if %cond3A_272 {
        %dma_wait3A_465 = arith.constant 0 : i32
        %dma_wait3A_466 = arith.constant 0 : i32
        %dma_wait3A_467 = tpu.memref_slice %arg8[%dma_wait3A_465, %dma_wait3A_466] : memref<120x128xi32, #tpu.memory_space<vmem>> -> memref<1x128xi32, #tpu.memory_space<vmem>>
        %dma_wait3A_468 = tpu.memref_squeeze %dma_wait3A_467 : memref<1x128xi32, #tpu.memory_space<vmem>> -> memref<128xi32, #tpu.memory_space<vmem>>
        %dma_wait3A_469 = arith.constant 0 : i32
        %dma_wait3A_470 = arith.constant 0 : i32
        %dma_wait3A_471 = tpu.memref_slice %arg19[%dma_wait3A_469, %dma_wait3A_470] : memref<10008x8xf32, #tpu.memory_space<vmem_shared>> -> memref<10008x8xf32, #tpu.memory_space<vmem_shared>>
        tpu.wait_indirect_dma semaphore(%arg38 : memref<!tpu.dma_semaphore, #tpu.memory_space<semaphore_mem>>) src(%arg17 : memref<128x8xf32, #tpu.memory_space<vmem>>) dst(%dma_wait3A_471 : memref<10008x8xf32, #tpu.memory_space<vmem_shared>>)
      } else {
      }
      %add3A_273 = arith.constant 5 : i32
      %add3A_274 = arith.addi %add3A_251, %add3A_273 : i32
      %lt3A_275 = arith.cmpi slt, %add3A_274, %select_n3A_9 : i32
      %convert_element_type3A_276 = arith.extui %lt3A_275 : i1 to i32
      %cond3A_277 = arith.constant 0 : i32
      %cond3A_278 = arith.cmpi ne, %convert_element_type3A_276, %cond3A_277 : i32
      scf.if %cond3A_278 {
        %add3A_465 = arith.constant 5 : i32
        %add3A_466 = arith.addi %add3A_251, %add3A_465 : i32
        %dma_start3A_467 = arith.constant 0 : i32
        %dma_start3A_468 = tpu.memref_slice %arg7[%add3A_466, %dma_start3A_467] : memref<120x128xi32, #tpu.memory_space<vmem>> -> memref<1x128xi32, #tpu.memory_space<vmem>>
        %dma_start3A_469 = tpu.memref_squeeze %dma_start3A_468 : memref<1x128xi32, #tpu.memory_space<vmem>> -> memref<128xi32, #tpu.memory_space<vmem>>
        %dma_start3A_470 = arith.constant 0 : i32
        %dma_start3A_471 = arith.constant 0 : i32
        %dma_start3A_472 = tpu.memref_slice %arg4[%dma_start3A_470, %dma_start3A_471] : memref<10008x8xf32, #tpu.memory_space<hbm>> -> memref<10008x8xf32, #tpu.memory_space<hbm>>
        tpu.enqueue_indirect_dma source(%dma_start3A_472 : memref<10008x8xf32, #tpu.memory_space<hbm>>) target(%arg17 : memref<128x8xf32, #tpu.memory_space<vmem>>) offsets(%dma_start3A_469 : memref<128xi32, #tpu.memory_space<vmem>>) semaphore(%arg28 : memref<!tpu.dma_semaphore, #tpu.memory_space<semaphore_mem>>)
      } else {
      }
      %mul3A_279 = arith.constant 10 : i32
      %mul3A_280 = arith.muli %while3A_156, %mul3A_279 : i32
      %add3A_281 = arith.constant 4 : i32
      %add3A_282 = arith.addi %mul3A_280, %add3A_281 : i32
      %dma_wait3A_283 = arith.constant 0 : i32
      %dma_wait3A_284 = tpu.memref_slice %arg7[%add3A_282, %dma_wait3A_283] : memref<120x128xi32, #tpu.memory_space<vmem>> -> memref<1x128xi32, #tpu.memory_space<vmem>>
      %dma_wait3A_285 = tpu.memref_squeeze %dma_wait3A_284 : memref<1x128xi32, #tpu.memory_space<vmem>> -> memref<128xi32, #tpu.memory_space<vmem>>
      %dma_wait3A_286 = arith.constant 0 : i32
      %dma_wait3A_287 = arith.constant 0 : i32
      %dma_wait3A_288 = tpu.memref_slice %arg4[%dma_wait3A_286, %dma_wait3A_287] : memref<10008x8xf32, #tpu.memory_space<hbm>> -> memref<10008x8xf32, #tpu.memory_space<hbm>>
      tpu.wait_indirect_dma semaphore(%arg24 : memref<!tpu.dma_semaphore, #tpu.memory_space<semaphore_mem>>) src(%dma_wait3A_288 : memref<10008x8xf32, #tpu.memory_space<hbm>>) dst(%arg13 : memref<128x8xf32, #tpu.memory_space<vmem>>)
      %dma_start3A_289 = arith.constant 0 : i32
      %dma_start3A_290 = tpu.memref_slice %arg8[%add3A_282, %dma_start3A_289] : memref<120x128xi32, #tpu.memory_space<vmem>> -> memref<1x128xi32, #tpu.memory_space<vmem>>
      %dma_start3A_291 = tpu.memref_squeeze %dma_start3A_290 : memref<1x128xi32, #tpu.memory_space<vmem>> -> memref<128xi32, #tpu.memory_space<vmem>>
      %dma_start3A_292 = arith.constant 0 : i32
      %dma_start3A_293 = arith.constant 0 : i32
      %dma_start3A_294 = tpu.memref_slice %arg19[%dma_start3A_292, %dma_start3A_293] : memref<10008x8xf32, #tpu.memory_space<vmem_shared>> -> memref<10008x8xf32, #tpu.memory_space<vmem_shared>>
      tpu.enqueue_indirect_dma source(%arg13 : memref<128x8xf32, #tpu.memory_space<vmem>>) target(%dma_start3A_294 : memref<10008x8xf32, #tpu.memory_space<vmem_shared>>) offsets(%dma_start3A_291 : memref<128xi32, #tpu.memory_space<vmem>>) semaphore(%arg34 : memref<!tpu.dma_semaphore, #tpu.memory_space<semaphore_mem>>) {add = true}
      %ge3A_295 = arith.constant 5 : i32
      %ge3A_296 = arith.cmpi sge, %add3A_282, %ge3A_295 : i32
      %add3A_297 = arith.constant 5 : i32
      %add3A_298 = arith.addi %add3A_282, %add3A_297 : i32
      %lt3A_299 = arith.cmpi slt, %add3A_298, %select_n3A_9 : i32
      %and3A_300 = arith.andi %ge3A_296, %lt3A_299 : i1
      %convert_element_type3A_301 = arith.extui %and3A_300 : i1 to i32
      %cond3A_302 = arith.constant 0 : i32
      %cond3A_303 = arith.cmpi ne, %convert_element_type3A_301, %cond3A_302 : i32
      scf.if %cond3A_303 {
        %dma_wait3A_465 = arith.constant 0 : i32
        %dma_wait3A_466 = arith.constant 0 : i32
        %dma_wait3A_467 = tpu.memref_slice %arg8[%dma_wait3A_465, %dma_wait3A_466] : memref<120x128xi32, #tpu.memory_space<vmem>> -> memref<1x128xi32, #tpu.memory_space<vmem>>
        %dma_wait3A_468 = tpu.memref_squeeze %dma_wait3A_467 : memref<1x128xi32, #tpu.memory_space<vmem>> -> memref<128xi32, #tpu.memory_space<vmem>>
        %dma_wait3A_469 = arith.constant 0 : i32
        %dma_wait3A_470 = arith.constant 0 : i32
        %dma_wait3A_471 = tpu.memref_slice %arg19[%dma_wait3A_469, %dma_wait3A_470] : memref<10008x8xf32, #tpu.memory_space<vmem_shared>> -> memref<10008x8xf32, #tpu.memory_space<vmem_shared>>
        tpu.wait_indirect_dma semaphore(%arg39 : memref<!tpu.dma_semaphore, #tpu.memory_space<semaphore_mem>>) src(%arg18 : memref<128x8xf32, #tpu.memory_space<vmem>>) dst(%dma_wait3A_471 : memref<10008x8xf32, #tpu.memory_space<vmem_shared>>)
      } else {
      }
      %add3A_304 = arith.constant 5 : i32
      %add3A_305 = arith.addi %add3A_282, %add3A_304 : i32
      %lt3A_306 = arith.cmpi slt, %add3A_305, %select_n3A_9 : i32
      %convert_element_type3A_307 = arith.extui %lt3A_306 : i1 to i32
      %cond3A_308 = arith.constant 0 : i32
      %cond3A_309 = arith.cmpi ne, %convert_element_type3A_307, %cond3A_308 : i32
      scf.if %cond3A_309 {
        %add3A_465 = arith.constant 5 : i32
        %add3A_466 = arith.addi %add3A_282, %add3A_465 : i32
        %dma_start3A_467 = arith.constant 0 : i32
        %dma_start3A_468 = tpu.memref_slice %arg7[%add3A_466, %dma_start3A_467] : memref<120x128xi32, #tpu.memory_space<vmem>> -> memref<1x128xi32, #tpu.memory_space<vmem>>
        %dma_start3A_469 = tpu.memref_squeeze %dma_start3A_468 : memref<1x128xi32, #tpu.memory_space<vmem>> -> memref<128xi32, #tpu.memory_space<vmem>>
        %dma_start3A_470 = arith.constant 0 : i32
        %dma_start3A_471 = arith.constant 0 : i32
        %dma_start3A_472 = tpu.memref_slice %arg4[%dma_start3A_470, %dma_start3A_471] : memref<10008x8xf32, #tpu.memory_space<hbm>> -> memref<10008x8xf32, #tpu.memory_space<hbm>>
        tpu.enqueue_indirect_dma source(%dma_start3A_472 : memref<10008x8xf32, #tpu.memory_space<hbm>>) target(%arg18 : memref<128x8xf32, #tpu.memory_space<vmem>>) offsets(%dma_start3A_469 : memref<128xi32, #tpu.memory_space<vmem>>) semaphore(%arg29 : memref<!tpu.dma_semaphore, #tpu.memory_space<semaphore_mem>>)
      } else {
      }
      %mul3A_310 = arith.constant 10 : i32
      %mul3A_311 = arith.muli %while3A_156, %mul3A_310 : i32
      %add3A_312 = arith.constant 5 : i32
      %add3A_313 = arith.addi %mul3A_311, %add3A_312 : i32
      %dma_wait3A_314 = arith.constant 0 : i32
      %dma_wait3A_315 = tpu.memref_slice %arg7[%add3A_313, %dma_wait3A_314] : memref<120x128xi32, #tpu.memory_space<vmem>> -> memref<1x128xi32, #tpu.memory_space<vmem>>
      %dma_wait3A_316 = tpu.memref_squeeze %dma_wait3A_315 : memref<1x128xi32, #tpu.memory_space<vmem>> -> memref<128xi32, #tpu.memory_space<vmem>>
      %dma_wait3A_317 = arith.constant 0 : i32
      %dma_wait3A_318 = arith.constant 0 : i32
      %dma_wait3A_319 = tpu.memref_slice %arg4[%dma_wait3A_317, %dma_wait3A_318] : memref<10008x8xf32, #tpu.memory_space<hbm>> -> memref<10008x8xf32, #tpu.memory_space<hbm>>
      tpu.wait_indirect_dma semaphore(%arg25 : memref<!tpu.dma_semaphore, #tpu.memory_space<semaphore_mem>>) src(%dma_wait3A_319 : memref<10008x8xf32, #tpu.memory_space<hbm>>) dst(%arg14 : memref<128x8xf32, #tpu.memory_space<vmem>>)
      %dma_start3A_320 = arith.constant 0 : i32
      %dma_start3A_321 = tpu.memref_slice %arg8[%add3A_313, %dma_start3A_320] : memref<120x128xi32, #tpu.memory_space<vmem>> -> memref<1x128xi32, #tpu.memory_space<vmem>>
      %dma_start3A_322 = tpu.memref_squeeze %dma_start3A_321 : memref<1x128xi32, #tpu.memory_space<vmem>> -> memref<128xi32, #tpu.memory_space<vmem>>
      %dma_start3A_323 = arith.constant 0 : i32
      %dma_start3A_324 = arith.constant 0 : i32
      %dma_start3A_325 = tpu.memref_slice %arg19[%dma_start3A_323, %dma_start3A_324] : memref<10008x8xf32, #tpu.memory_space<vmem_shared>> -> memref<10008x8xf32, #tpu.memory_space<vmem_shared>>
      tpu.enqueue_indirect_dma source(%arg14 : memref<128x8xf32, #tpu.memory_space<vmem>>) target(%dma_start3A_325 : memref<10008x8xf32, #tpu.memory_space<vmem_shared>>) offsets(%dma_start3A_322 : memref<128xi32, #tpu.memory_space<vmem>>) semaphore(%arg35 : memref<!tpu.dma_semaphore, #tpu.memory_space<semaphore_mem>>) {add = true}
      %ge3A_326 = arith.constant 5 : i32
      %ge3A_327 = arith.cmpi sge, %add3A_313, %ge3A_326 : i32
      %add3A_328 = arith.constant 5 : i32
      %add3A_329 = arith.addi %add3A_313, %add3A_328 : i32
      %lt3A_330 = arith.cmpi slt, %add3A_329, %select_n3A_9 : i32
      %and3A_331 = arith.andi %ge3A_327, %lt3A_330 : i1
      %convert_element_type3A_332 = arith.extui %and3A_331 : i1 to i32
      %cond3A_333 = arith.constant 0 : i32
      %cond3A_334 = arith.cmpi ne, %convert_element_type3A_332, %cond3A_333 : i32
      scf.if %cond3A_334 {
        %dma_wait3A_465 = arith.constant 0 : i32
        %dma_wait3A_466 = arith.constant 0 : i32
        %dma_wait3A_467 = tpu.memref_slice %arg8[%dma_wait3A_465, %dma_wait3A_466] : memref<120x128xi32, #tpu.memory_space<vmem>> -> memref<1x128xi32, #tpu.memory_space<vmem>>
        %dma_wait3A_468 = tpu.memref_squeeze %dma_wait3A_467 : memref<1x128xi32, #tpu.memory_space<vmem>> -> memref<128xi32, #tpu.memory_space<vmem>>
        %dma_wait3A_469 = arith.constant 0 : i32
        %dma_wait3A_470 = arith.constant 0 : i32
        %dma_wait3A_471 = tpu.memref_slice %arg19[%dma_wait3A_469, %dma_wait3A_470] : memref<10008x8xf32, #tpu.memory_space<vmem_shared>> -> memref<10008x8xf32, #tpu.memory_space<vmem_shared>>
        tpu.wait_indirect_dma semaphore(%arg30 : memref<!tpu.dma_semaphore, #tpu.memory_space<semaphore_mem>>) src(%arg9 : memref<128x8xf32, #tpu.memory_space<vmem>>) dst(%dma_wait3A_471 : memref<10008x8xf32, #tpu.memory_space<vmem_shared>>)
      } else {
      }
      %add3A_335 = arith.constant 5 : i32
      %add3A_336 = arith.addi %add3A_313, %add3A_335 : i32
      %lt3A_337 = arith.cmpi slt, %add3A_336, %select_n3A_9 : i32
      %convert_element_type3A_338 = arith.extui %lt3A_337 : i1 to i32
      %cond3A_339 = arith.constant 0 : i32
      %cond3A_340 = arith.cmpi ne, %convert_element_type3A_338, %cond3A_339 : i32
      scf.if %cond3A_340 {
        %add3A_465 = arith.constant 5 : i32
        %add3A_466 = arith.addi %add3A_313, %add3A_465 : i32
        %dma_start3A_467 = arith.constant 0 : i32
        %dma_start3A_468 = tpu.memref_slice %arg7[%add3A_466, %dma_start3A_467] : memref<120x128xi32, #tpu.memory_space<vmem>> -> memref<1x128xi32, #tpu.memory_space<vmem>>
        %dma_start3A_469 = tpu.memref_squeeze %dma_start3A_468 : memref<1x128xi32, #tpu.memory_space<vmem>> -> memref<128xi32, #tpu.memory_space<vmem>>
        %dma_start3A_470 = arith.constant 0 : i32
        %dma_start3A_471 = arith.constant 0 : i32
        %dma_start3A_472 = tpu.memref_slice %arg4[%dma_start3A_470, %dma_start3A_471] : memref<10008x8xf32, #tpu.memory_space<hbm>> -> memref<10008x8xf32, #tpu.memory_space<hbm>>
        tpu.enqueue_indirect_dma source(%dma_start3A_472 : memref<10008x8xf32, #tpu.memory_space<hbm>>) target(%arg9 : memref<128x8xf32, #tpu.memory_space<vmem>>) offsets(%dma_start3A_469 : memref<128xi32, #tpu.memory_space<vmem>>) semaphore(%arg20 : memref<!tpu.dma_semaphore, #tpu.memory_space<semaphore_mem>>)
      } else {
      }
      %mul3A_341 = arith.constant 10 : i32
      %mul3A_342 = arith.muli %while3A_156, %mul3A_341 : i32
      %add3A_343 = arith.constant 6 : i32
      %add3A_344 = arith.addi %mul3A_342, %add3A_343 : i32
      %dma_wait3A_345 = arith.constant 0 : i32
      %dma_wait3A_346 = tpu.memref_slice %arg7[%add3A_344, %dma_wait3A_345] : memref<120x128xi32, #tpu.memory_space<vmem>> -> memref<1x128xi32, #tpu.memory_space<vmem>>
      %dma_wait3A_347 = tpu.memref_squeeze %dma_wait3A_346 : memref<1x128xi32, #tpu.memory_space<vmem>> -> memref<128xi32, #tpu.memory_space<vmem>>
      %dma_wait3A_348 = arith.constant 0 : i32
      %dma_wait3A_349 = arith.constant 0 : i32
      %dma_wait3A_350 = tpu.memref_slice %arg4[%dma_wait3A_348, %dma_wait3A_349] : memref<10008x8xf32, #tpu.memory_space<hbm>> -> memref<10008x8xf32, #tpu.memory_space<hbm>>
      tpu.wait_indirect_dma semaphore(%arg26 : memref<!tpu.dma_semaphore, #tpu.memory_space<semaphore_mem>>) src(%dma_wait3A_350 : memref<10008x8xf32, #tpu.memory_space<hbm>>) dst(%arg15 : memref<128x8xf32, #tpu.memory_space<vmem>>)
      %dma_start3A_351 = arith.constant 0 : i32
      %dma_start3A_352 = tpu.memref_slice %arg8[%add3A_344, %dma_start3A_351] : memref<120x128xi32, #tpu.memory_space<vmem>> -> memref<1x128xi32, #tpu.memory_space<vmem>>
      %dma_start3A_353 = tpu.memref_squeeze %dma_start3A_352 : memref<1x128xi32, #tpu.memory_space<vmem>> -> memref<128xi32, #tpu.memory_space<vmem>>
      %dma_start3A_354 = arith.constant 0 : i32
      %dma_start3A_355 = arith.constant 0 : i32
      %dma_start3A_356 = tpu.memref_slice %arg19[%dma_start3A_354, %dma_start3A_355] : memref<10008x8xf32, #tpu.memory_space<vmem_shared>> -> memref<10008x8xf32, #tpu.memory_space<vmem_shared>>
      tpu.enqueue_indirect_dma source(%arg15 : memref<128x8xf32, #tpu.memory_space<vmem>>) target(%dma_start3A_356 : memref<10008x8xf32, #tpu.memory_space<vmem_shared>>) offsets(%dma_start3A_353 : memref<128xi32, #tpu.memory_space<vmem>>) semaphore(%arg36 : memref<!tpu.dma_semaphore, #tpu.memory_space<semaphore_mem>>) {add = true}
      %ge3A_357 = arith.constant 5 : i32
      %ge3A_358 = arith.cmpi sge, %add3A_344, %ge3A_357 : i32
      %add3A_359 = arith.constant 5 : i32
      %add3A_360 = arith.addi %add3A_344, %add3A_359 : i32
      %lt3A_361 = arith.cmpi slt, %add3A_360, %select_n3A_9 : i32
      %and3A_362 = arith.andi %ge3A_358, %lt3A_361 : i1
      %convert_element_type3A_363 = arith.extui %and3A_362 : i1 to i32
      %cond3A_364 = arith.constant 0 : i32
      %cond3A_365 = arith.cmpi ne, %convert_element_type3A_363, %cond3A_364 : i32
      scf.if %cond3A_365 {
        %dma_wait3A_465 = arith.constant 0 : i32
        %dma_wait3A_466 = arith.constant 0 : i32
        %dma_wait3A_467 = tpu.memref_slice %arg8[%dma_wait3A_465, %dma_wait3A_466] : memref<120x128xi32, #tpu.memory_space<vmem>> -> memref<1x128xi32, #tpu.memory_space<vmem>>
        %dma_wait3A_468 = tpu.memref_squeeze %dma_wait3A_467 : memref<1x128xi32, #tpu.memory_space<vmem>> -> memref<128xi32, #tpu.memory_space<vmem>>
        %dma_wait3A_469 = arith.constant 0 : i32
        %dma_wait3A_470 = arith.constant 0 : i32
        %dma_wait3A_471 = tpu.memref_slice %arg19[%dma_wait3A_469, %dma_wait3A_470] : memref<10008x8xf32, #tpu.memory_space<vmem_shared>> -> memref<10008x8xf32, #tpu.memory_space<vmem_shared>>
        tpu.wait_indirect_dma semaphore(%arg31 : memref<!tpu.dma_semaphore, #tpu.memory_space<semaphore_mem>>) src(%arg10 : memref<128x8xf32, #tpu.memory_space<vmem>>) dst(%dma_wait3A_471 : memref<10008x8xf32, #tpu.memory_space<vmem_shared>>)
      } else {
      }
      %add3A_366 = arith.constant 5 : i32
      %add3A_367 = arith.addi %add3A_344, %add3A_366 : i32
      %lt3A_368 = arith.cmpi slt, %add3A_367, %select_n3A_9 : i32
      %convert_element_type3A_369 = arith.extui %lt3A_368 : i1 to i32
      %cond3A_370 = arith.constant 0 : i32
      %cond3A_371 = arith.cmpi ne, %convert_element_type3A_369, %cond3A_370 : i32
      scf.if %cond3A_371 {
        %add3A_465 = arith.constant 5 : i32
        %add3A_466 = arith.addi %add3A_344, %add3A_465 : i32
        %dma_start3A_467 = arith.constant 0 : i32
        %dma_start3A_468 = tpu.memref_slice %arg7[%add3A_466, %dma_start3A_467] : memref<120x128xi32, #tpu.memory_space<vmem>> -> memref<1x128xi32, #tpu.memory_space<vmem>>
        %dma_start3A_469 = tpu.memref_squeeze %dma_start3A_468 : memref<1x128xi32, #tpu.memory_space<vmem>> -> memref<128xi32, #tpu.memory_space<vmem>>
        %dma_start3A_470 = arith.constant 0 : i32
        %dma_start3A_471 = arith.constant 0 : i32
        %dma_start3A_472 = tpu.memref_slice %arg4[%dma_start3A_470, %dma_start3A_471] : memref<10008x8xf32, #tpu.memory_space<hbm>> -> memref<10008x8xf32, #tpu.memory_space<hbm>>
        tpu.enqueue_indirect_dma source(%dma_start3A_472 : memref<10008x8xf32, #tpu.memory_space<hbm>>) target(%arg10 : memref<128x8xf32, #tpu.memory_space<vmem>>) offsets(%dma_start3A_469 : memref<128xi32, #tpu.memory_space<vmem>>) semaphore(%arg21 : memref<!tpu.dma_semaphore, #tpu.memory_space<semaphore_mem>>)
      } else {
      }
      %mul3A_372 = arith.constant 10 : i32
      %mul3A_373 = arith.muli %while3A_156, %mul3A_372 : i32
      %add3A_374 = arith.constant 7 : i32
      %add3A_375 = arith.addi %mul3A_373, %add3A_374 : i32
      %dma_wait3A_376 = arith.constant 0 : i32
      %dma_wait3A_377 = tpu.memref_slice %arg7[%add3A_375, %dma_wait3A_376] : memref<120x128xi32, #tpu.memory_space<vmem>> -> memref<1x128xi32, #tpu.memory_space<vmem>>
      %dma_wait3A_378 = tpu.memref_squeeze %dma_wait3A_377 : memref<1x128xi32, #tpu.memory_space<vmem>> -> memref<128xi32, #tpu.memory_space<vmem>>
      %dma_wait3A_379 = arith.constant 0 : i32
      %dma_wait3A_380 = arith.constant 0 : i32
      %dma_wait3A_381 = tpu.memref_slice %arg4[%dma_wait3A_379, %dma_wait3A_380] : memref<10008x8xf32, #tpu.memory_space<hbm>> -> memref<10008x8xf32, #tpu.memory_space<hbm>>
      tpu.wait_indirect_dma semaphore(%arg27 : memref<!tpu.dma_semaphore, #tpu.memory_space<semaphore_mem>>) src(%dma_wait3A_381 : memref<10008x8xf32, #tpu.memory_space<hbm>>) dst(%arg16 : memref<128x8xf32, #tpu.memory_space<vmem>>)
      %dma_start3A_382 = arith.constant 0 : i32
      %dma_start3A_383 = tpu.memref_slice %arg8[%add3A_375, %dma_start3A_382] : memref<120x128xi32, #tpu.memory_space<vmem>> -> memref<1x128xi32, #tpu.memory_space<vmem>>
      %dma_start3A_384 = tpu.memref_squeeze %dma_start3A_383 : memref<1x128xi32, #tpu.memory_space<vmem>> -> memref<128xi32, #tpu.memory_space<vmem>>
      %dma_start3A_385 = arith.constant 0 : i32
      %dma_start3A_386 = arith.constant 0 : i32
      %dma_start3A_387 = tpu.memref_slice %arg19[%dma_start3A_385, %dma_start3A_386] : memref<10008x8xf32, #tpu.memory_space<vmem_shared>> -> memref<10008x8xf32, #tpu.memory_space<vmem_shared>>
      tpu.enqueue_indirect_dma source(%arg16 : memref<128x8xf32, #tpu.memory_space<vmem>>) target(%dma_start3A_387 : memref<10008x8xf32, #tpu.memory_space<vmem_shared>>) offsets(%dma_start3A_384 : memref<128xi32, #tpu.memory_space<vmem>>) semaphore(%arg37 : memref<!tpu.dma_semaphore, #tpu.memory_space<semaphore_mem>>) {add = true}
      %ge3A_388 = arith.constant 5 : i32
      %ge3A_389 = arith.cmpi sge, %add3A_375, %ge3A_388 : i32
      %add3A_390 = arith.constant 5 : i32
      %add3A_391 = arith.addi %add3A_375, %add3A_390 : i32
      %lt3A_392 = arith.cmpi slt, %add3A_391, %select_n3A_9 : i32
      %and3A_393 = arith.andi %ge3A_389, %lt3A_392 : i1
      %convert_element_type3A_394 = arith.extui %and3A_393 : i1 to i32
      %cond3A_395 = arith.constant 0 : i32
      %cond3A_396 = arith.cmpi ne, %convert_element_type3A_394, %cond3A_395 : i32
      scf.if %cond3A_396 {
        %dma_wait3A_465 = arith.constant 0 : i32
        %dma_wait3A_466 = arith.constant 0 : i32
        %dma_wait3A_467 = tpu.memref_slice %arg8[%dma_wait3A_465, %dma_wait3A_466] : memref<120x128xi32, #tpu.memory_space<vmem>> -> memref<1x128xi32, #tpu.memory_space<vmem>>
        %dma_wait3A_468 = tpu.memref_squeeze %dma_wait3A_467 : memref<1x128xi32, #tpu.memory_space<vmem>> -> memref<128xi32, #tpu.memory_space<vmem>>
        %dma_wait3A_469 = arith.constant 0 : i32
        %dma_wait3A_470 = arith.constant 0 : i32
        %dma_wait3A_471 = tpu.memref_slice %arg19[%dma_wait3A_469, %dma_wait3A_470] : memref<10008x8xf32, #tpu.memory_space<vmem_shared>> -> memref<10008x8xf32, #tpu.memory_space<vmem_shared>>
        tpu.wait_indirect_dma semaphore(%arg32 : memref<!tpu.dma_semaphore, #tpu.memory_space<semaphore_mem>>) src(%arg11 : memref<128x8xf32, #tpu.memory_space<vmem>>) dst(%dma_wait3A_471 : memref<10008x8xf32, #tpu.memory_space<vmem_shared>>)
      } else {
      }
      %add3A_397 = arith.constant 5 : i32
      %add3A_398 = arith.addi %add3A_375, %add3A_397 : i32
      %lt3A_399 = arith.cmpi slt, %add3A_398, %select_n3A_9 : i32
      %convert_element_type3A_400 = arith.extui %lt3A_399 : i1 to i32
      %cond3A_401 = arith.constant 0 : i32
      %cond3A_402 = arith.cmpi ne, %convert_element_type3A_400, %cond3A_401 : i32
      scf.if %cond3A_402 {
        %add3A_465 = arith.constant 5 : i32
        %add3A_466 = arith.addi %add3A_375, %add3A_465 : i32
        %dma_start3A_467 = arith.constant 0 : i32
        %dma_start3A_468 = tpu.memref_slice %arg7[%add3A_466, %dma_start3A_467] : memref<120x128xi32, #tpu.memory_space<vmem>> -> memref<1x128xi32, #tpu.memory_space<vmem>>
        %dma_start3A_469 = tpu.memref_squeeze %dma_start3A_468 : memref<1x128xi32, #tpu.memory_space<vmem>> -> memref<128xi32, #tpu.memory_space<vmem>>
        %dma_start3A_470 = arith.constant 0 : i32
        %dma_start3A_471 = arith.constant 0 : i32
        %dma_start3A_472 = tpu.memref_slice %arg4[%dma_start3A_470, %dma_start3A_471] : memref<10008x8xf32, #tpu.memory_space<hbm>> -> memref<10008x8xf32, #tpu.memory_space<hbm>>
        tpu.enqueue_indirect_dma source(%dma_start3A_472 : memref<10008x8xf32, #tpu.memory_space<hbm>>) target(%arg11 : memref<128x8xf32, #tpu.memory_space<vmem>>) offsets(%dma_start3A_469 : memref<128xi32, #tpu.memory_space<vmem>>) semaphore(%arg22 : memref<!tpu.dma_semaphore, #tpu.memory_space<semaphore_mem>>)
      } else {
      }
      %mul3A_403 = arith.constant 10 : i32
      %mul3A_404 = arith.muli %while3A_156, %mul3A_403 : i32
      %add3A_405 = arith.constant 8 : i32
      %add3A_406 = arith.addi %mul3A_404, %add3A_405 : i32
      %dma_wait3A_407 = arith.constant 0 : i32
      %dma_wait3A_408 = tpu.memref_slice %arg7[%add3A_406, %dma_wait3A_407] : memref<120x128xi32, #tpu.memory_space<vmem>> -> memref<1x128xi32, #tpu.memory_space<vmem>>
      %dma_wait3A_409 = tpu.memref_squeeze %dma_wait3A_408 : memref<1x128xi32, #tpu.memory_space<vmem>> -> memref<128xi32, #tpu.memory_space<vmem>>
      %dma_wait3A_410 = arith.constant 0 : i32
      %dma_wait3A_411 = arith.constant 0 : i32
      %dma_wait3A_412 = tpu.memref_slice %arg4[%dma_wait3A_410, %dma_wait3A_411] : memref<10008x8xf32, #tpu.memory_space<hbm>> -> memref<10008x8xf32, #tpu.memory_space<hbm>>
      tpu.wait_indirect_dma semaphore(%arg28 : memref<!tpu.dma_semaphore, #tpu.memory_space<semaphore_mem>>) src(%dma_wait3A_412 : memref<10008x8xf32, #tpu.memory_space<hbm>>) dst(%arg17 : memref<128x8xf32, #tpu.memory_space<vmem>>)
      %dma_start3A_413 = arith.constant 0 : i32
      %dma_start3A_414 = tpu.memref_slice %arg8[%add3A_406, %dma_start3A_413] : memref<120x128xi32, #tpu.memory_space<vmem>> -> memref<1x128xi32, #tpu.memory_space<vmem>>
      %dma_start3A_415 = tpu.memref_squeeze %dma_start3A_414 : memref<1x128xi32, #tpu.memory_space<vmem>> -> memref<128xi32, #tpu.memory_space<vmem>>
      %dma_start3A_416 = arith.constant 0 : i32
      %dma_start3A_417 = arith.constant 0 : i32
      %dma_start3A_418 = tpu.memref_slice %arg19[%dma_start3A_416, %dma_start3A_417] : memref<10008x8xf32, #tpu.memory_space<vmem_shared>> -> memref<10008x8xf32, #tpu.memory_space<vmem_shared>>
      tpu.enqueue_indirect_dma source(%arg17 : memref<128x8xf32, #tpu.memory_space<vmem>>) target(%dma_start3A_418 : memref<10008x8xf32, #tpu.memory_space<vmem_shared>>) offsets(%dma_start3A_415 : memref<128xi32, #tpu.memory_space<vmem>>) semaphore(%arg38 : memref<!tpu.dma_semaphore, #tpu.memory_space<semaphore_mem>>) {add = true}
      %ge3A_419 = arith.constant 5 : i32
      %ge3A_420 = arith.cmpi sge, %add3A_406, %ge3A_419 : i32
      %add3A_421 = arith.constant 5 : i32
      %add3A_422 = arith.addi %add3A_406, %add3A_421 : i32
      %lt3A_423 = arith.cmpi slt, %add3A_422, %select_n3A_9 : i32
      %and3A_424 = arith.andi %ge3A_420, %lt3A_423 : i1
      %convert_element_type3A_425 = arith.extui %and3A_424 : i1 to i32
      %cond3A_426 = arith.constant 0 : i32
      %cond3A_427 = arith.cmpi ne, %convert_element_type3A_425, %cond3A_426 : i32
      scf.if %cond3A_427 {
        %dma_wait3A_465 = arith.constant 0 : i32
        %dma_wait3A_466 = arith.constant 0 : i32
        %dma_wait3A_467 = tpu.memref_slice %arg8[%dma_wait3A_465, %dma_wait3A_466] : memref<120x128xi32, #tpu.memory_space<vmem>> -> memref<1x128xi32, #tpu.memory_space<vmem>>
        %dma_wait3A_468 = tpu.memref_squeeze %dma_wait3A_467 : memref<1x128xi32, #tpu.memory_space<vmem>> -> memref<128xi32, #tpu.memory_space<vmem>>
        %dma_wait3A_469 = arith.constant 0 : i32
        %dma_wait3A_470 = arith.constant 0 : i32
        %dma_wait3A_471 = tpu.memref_slice %arg19[%dma_wait3A_469, %dma_wait3A_470] : memref<10008x8xf32, #tpu.memory_space<vmem_shared>> -> memref<10008x8xf32, #tpu.memory_space<vmem_shared>>
        tpu.wait_indirect_dma semaphore(%arg33 : memref<!tpu.dma_semaphore, #tpu.memory_space<semaphore_mem>>) src(%arg12 : memref<128x8xf32, #tpu.memory_space<vmem>>) dst(%dma_wait3A_471 : memref<10008x8xf32, #tpu.memory_space<vmem_shared>>)
      } else {
      }
      %add3A_428 = arith.constant 5 : i32
      %add3A_429 = arith.addi %add3A_406, %add3A_428 : i32
      %lt3A_430 = arith.cmpi slt, %add3A_429, %select_n3A_9 : i32
      %convert_element_type3A_431 = arith.extui %lt3A_430 : i1 to i32
      %cond3A_432 = arith.constant 0 : i32
      %cond3A_433 = arith.cmpi ne, %convert_element_type3A_431, %cond3A_432 : i32
      scf.if %cond3A_433 {
        %add3A_465 = arith.constant 5 : i32
        %add3A_466 = arith.addi %add3A_406, %add3A_465 : i32
        %dma_start3A_467 = arith.constant 0 : i32
        %dma_start3A_468 = tpu.memref_slice %arg7[%add3A_466, %dma_start3A_467] : memref<120x128xi32, #tpu.memory_space<vmem>> -> memref<1x128xi32, #tpu.memory_space<vmem>>
        %dma_start3A_469 = tpu.memref_squeeze %dma_start3A_468 : memref<1x128xi32, #tpu.memory_space<vmem>> -> memref<128xi32, #tpu.memory_space<vmem>>
        %dma_start3A_470 = arith.constant 0 : i32
        %dma_start3A_471 = arith.constant 0 : i32
        %dma_start3A_472 = tpu.memref_slice %arg4[%dma_start3A_470, %dma_start3A_471] : memref<10008x8xf32, #tpu.memory_space<hbm>> -> memref<10008x8xf32, #tpu.memory_space<hbm>>
        tpu.enqueue_indirect_dma source(%dma_start3A_472 : memref<10008x8xf32, #tpu.memory_space<hbm>>) target(%arg12 : memref<128x8xf32, #tpu.memory_space<vmem>>) offsets(%dma_start3A_469 : memref<128xi32, #tpu.memory_space<vmem>>) semaphore(%arg23 : memref<!tpu.dma_semaphore, #tpu.memory_space<semaphore_mem>>)
      } else {
      }
      %mul3A_434 = arith.constant 10 : i32
      %mul3A_435 = arith.muli %while3A_156, %mul3A_434 : i32
      %add3A_436 = arith.constant 9 : i32
      %add3A_437 = arith.addi %mul3A_435, %add3A_436 : i32
      %dma_wait3A_438 = arith.constant 0 : i32
      %dma_wait3A_439 = tpu.memref_slice %arg7[%add3A_437, %dma_wait3A_438] : memref<120x128xi32, #tpu.memory_space<vmem>> -> memref<1x128xi32, #tpu.memory_space<vmem>>
      %dma_wait3A_440 = tpu.memref_squeeze %dma_wait3A_439 : memref<1x128xi32, #tpu.memory_space<vmem>> -> memref<128xi32, #tpu.memory_space<vmem>>
      %dma_wait3A_441 = arith.constant 0 : i32
      %dma_wait3A_442 = arith.constant 0 : i32
      %dma_wait3A_443 = tpu.memref_slice %arg4[%dma_wait3A_441, %dma_wait3A_442] : memref<10008x8xf32, #tpu.memory_space<hbm>> -> memref<10008x8xf32, #tpu.memory_space<hbm>>
      tpu.wait_indirect_dma semaphore(%arg29 : memref<!tpu.dma_semaphore, #tpu.memory_space<semaphore_mem>>) src(%dma_wait3A_443 : memref<10008x8xf32, #tpu.memory_space<hbm>>) dst(%arg18 : memref<128x8xf32, #tpu.memory_space<vmem>>)
      %dma_start3A_444 = arith.constant 0 : i32
      %dma_start3A_445 = tpu.memref_slice %arg8[%add3A_437, %dma_start3A_444] : memref<120x128xi32, #tpu.memory_space<vmem>> -> memref<1x128xi32, #tpu.memory_space<vmem>>
      %dma_start3A_446 = tpu.memref_squeeze %dma_start3A_445 : memref<1x128xi32, #tpu.memory_space<vmem>> -> memref<128xi32, #tpu.memory_space<vmem>>
      %dma_start3A_447 = arith.constant 0 : i32
      %dma_start3A_448 = arith.constant 0 : i32
      %dma_start3A_449 = tpu.memref_slice %arg19[%dma_start3A_447, %dma_start3A_448] : memref<10008x8xf32, #tpu.memory_space<vmem_shared>> -> memref<10008x8xf32, #tpu.memory_space<vmem_shared>>
      tpu.enqueue_indirect_dma source(%arg18 : memref<128x8xf32, #tpu.memory_space<vmem>>) target(%dma_start3A_449 : memref<10008x8xf32, #tpu.memory_space<vmem_shared>>) offsets(%dma_start3A_446 : memref<128xi32, #tpu.memory_space<vmem>>) semaphore(%arg39 : memref<!tpu.dma_semaphore, #tpu.memory_space<semaphore_mem>>) {add = true}
      %ge3A_450 = arith.constant 5 : i32
      %ge3A_451 = arith.cmpi sge, %add3A_437, %ge3A_450 : i32
      %add3A_452 = arith.constant 5 : i32
      %add3A_453 = arith.addi %add3A_437, %add3A_452 : i32
      %lt3A_454 = arith.cmpi slt, %add3A_453, %select_n3A_9 : i32
      %and3A_455 = arith.andi %ge3A_451, %lt3A_454 : i1
      %convert_element_type3A_456 = arith.extui %and3A_455 : i1 to i32
      %cond3A_457 = arith.constant 0 : i32
      %cond3A_458 = arith.cmpi ne, %convert_element_type3A_456, %cond3A_457 : i32
      scf.if %cond3A_458 {
        %dma_wait3A_465 = arith.constant 0 : i32
        %dma_wait3A_466 = arith.constant 0 : i32
        %dma_wait3A_467 = tpu.memref_slice %arg8[%dma_wait3A_465, %dma_wait3A_466] : memref<120x128xi32, #tpu.memory_space<vmem>> -> memref<1x128xi32, #tpu.memory_space<vmem>>
        %dma_wait3A_468 = tpu.memref_squeeze %dma_wait3A_467 : memref<1x128xi32, #tpu.memory_space<vmem>> -> memref<128xi32, #tpu.memory_space<vmem>>
        %dma_wait3A_469 = arith.constant 0 : i32
        %dma_wait3A_470 = arith.constant 0 : i32
        %dma_wait3A_471 = tpu.memref_slice %arg19[%dma_wait3A_469, %dma_wait3A_470] : memref<10008x8xf32, #tpu.memory_space<vmem_shared>> -> memref<10008x8xf32, #tpu.memory_space<vmem_shared>>
        tpu.wait_indirect_dma semaphore(%arg34 : memref<!tpu.dma_semaphore, #tpu.memory_space<semaphore_mem>>) src(%arg13 : memref<128x8xf32, #tpu.memory_space<vmem>>) dst(%dma_wait3A_471 : memref<10008x8xf32, #tpu.memory_space<vmem_shared>>)
      } else {
      }
      %add3A_459 = arith.constant 5 : i32
      %add3A_460 = arith.addi %add3A_437, %add3A_459 : i32
      %lt3A_461 = arith.cmpi slt, %add3A_460, %select_n3A_9 : i32
      %convert_element_type3A_462 = arith.extui %lt3A_461 : i1 to i32
      %cond3A_463 = arith.constant 0 : i32
      %cond3A_464 = arith.cmpi ne, %convert_element_type3A_462, %cond3A_463 : i32
      scf.if %cond3A_464 {
        %add3A_465 = arith.constant 5 : i32
        %add3A_466 = arith.addi %add3A_437, %add3A_465 : i32
        %dma_start3A_467 = arith.constant 0 : i32
        %dma_start3A_468 = tpu.memref_slice %arg7[%add3A_466, %dma_start3A_467] : memref<120x128xi32, #tpu.memory_space<vmem>> -> memref<1x128xi32, #tpu.memory_space<vmem>>
        %dma_start3A_469 = tpu.memref_squeeze %dma_start3A_468 : memref<1x128xi32, #tpu.memory_space<vmem>> -> memref<128xi32, #tpu.memory_space<vmem>>
        %dma_start3A_470 = arith.constant 0 : i32
        %dma_start3A_471 = arith.constant 0 : i32
        %dma_start3A_472 = tpu.memref_slice %arg4[%dma_start3A_470, %dma_start3A_471] : memref<10008x8xf32, #tpu.memory_space<hbm>> -> memref<10008x8xf32, #tpu.memory_space<hbm>>
        tpu.enqueue_indirect_dma source(%dma_start3A_472 : memref<10008x8xf32, #tpu.memory_space<hbm>>) target(%arg13 : memref<128x8xf32, #tpu.memory_space<vmem>>) offsets(%dma_start3A_469 : memref<128xi32, #tpu.memory_space<vmem>>) semaphore(%arg24 : memref<!tpu.dma_semaphore, #tpu.memory_space<semaphore_mem>>)
      } else {
      }
    }
    %dma_wait3A = arith.constant 0 : i32
    %dma_wait3A_77 = arith.constant 0 : i32
    %dma_wait3A_78 = tpu.memref_slice %arg8[%dma_wait3A, %dma_wait3A_77] : memref<120x128xi32, #tpu.memory_space<vmem>> -> memref<1x128xi32, #tpu.memory_space<vmem>>
    %dma_wait3A_79 = tpu.memref_squeeze %dma_wait3A_78 : memref<1x128xi32, #tpu.memory_space<vmem>> -> memref<128xi32, #tpu.memory_space<vmem>>
    %dma_wait3A_80 = arith.constant 0 : i32
    %dma_wait3A_81 = arith.constant 0 : i32
    %dma_wait3A_82 = tpu.memref_slice %arg19[%dma_wait3A_80, %dma_wait3A_81] : memref<10008x8xf32, #tpu.memory_space<vmem_shared>> -> memref<10008x8xf32, #tpu.memory_space<vmem_shared>>
    tpu.wait_indirect_dma semaphore(%arg30 : memref<!tpu.dma_semaphore, #tpu.memory_space<semaphore_mem>>) src(%arg9 : memref<128x8xf32, #tpu.memory_space<vmem>>) dst(%dma_wait3A_82 : memref<10008x8xf32, #tpu.memory_space<vmem_shared>>)
    %dma_wait3A_83 = arith.constant 0 : i32
    %dma_wait3A_84 = arith.constant 0 : i32
    %dma_wait3A_85 = tpu.memref_slice %arg8[%dma_wait3A_83, %dma_wait3A_84] : memref<120x128xi32, #tpu.memory_space<vmem>> -> memref<1x128xi32, #tpu.memory_space<vmem>>
    %dma_wait3A_86 = tpu.memref_squeeze %dma_wait3A_85 : memref<1x128xi32, #tpu.memory_space<vmem>> -> memref<128xi32, #tpu.memory_space<vmem>>
    %dma_wait3A_87 = arith.constant 0 : i32
    %dma_wait3A_88 = arith.constant 0 : i32
    %dma_wait3A_89 = tpu.memref_slice %arg19[%dma_wait3A_87, %dma_wait3A_88] : memref<10008x8xf32, #tpu.memory_space<vmem_shared>> -> memref<10008x8xf32, #tpu.memory_space<vmem_shared>>
    tpu.wait_indirect_dma semaphore(%arg31 : memref<!tpu.dma_semaphore, #tpu.memory_space<semaphore_mem>>) src(%arg10 : memref<128x8xf32, #tpu.memory_space<vmem>>) dst(%dma_wait3A_89 : memref<10008x8xf32, #tpu.memory_space<vmem_shared>>)
    %dma_wait3A_90 = arith.constant 0 : i32
    %dma_wait3A_91 = arith.constant 0 : i32
    %dma_wait3A_92 = tpu.memref_slice %arg8[%dma_wait3A_90, %dma_wait3A_91] : memref<120x128xi32, #tpu.memory_space<vmem>> -> memref<1x128xi32, #tpu.memory_space<vmem>>
    %dma_wait3A_93 = tpu.memref_squeeze %dma_wait3A_92 : memref<1x128xi32, #tpu.memory_space<vmem>> -> memref<128xi32, #tpu.memory_space<vmem>>
    %dma_wait3A_94 = arith.constant 0 : i32
    %dma_wait3A_95 = arith.constant 0 : i32
    %dma_wait3A_96 = tpu.memref_slice %arg19[%dma_wait3A_94, %dma_wait3A_95] : memref<10008x8xf32, #tpu.memory_space<vmem_shared>> -> memref<10008x8xf32, #tpu.memory_space<vmem_shared>>
    tpu.wait_indirect_dma semaphore(%arg32 : memref<!tpu.dma_semaphore, #tpu.memory_space<semaphore_mem>>) src(%arg11 : memref<128x8xf32, #tpu.memory_space<vmem>>) dst(%dma_wait3A_96 : memref<10008x8xf32, #tpu.memory_space<vmem_shared>>)
    %dma_wait3A_97 = arith.constant 0 : i32
    %dma_wait3A_98 = arith.constant 0 : i32
    %dma_wait3A_99 = tpu.memref_slice %arg8[%dma_wait3A_97, %dma_wait3A_98] : memref<120x128xi32, #tpu.memory_space<vmem>> -> memref<1x128xi32, #tpu.memory_space<vmem>>
    %dma_wait3A_100 = tpu.memref_squeeze %dma_wait3A_99 : memref<1x128xi32, #tpu.memory_space<vmem>> -> memref<128xi32, #tpu.memory_space<vmem>>
    %dma_wait3A_101 = arith.constant 0 : i32
    %dma_wait3A_102 = arith.constant 0 : i32
    %dma_wait3A_103 = tpu.memref_slice %arg19[%dma_wait3A_101, %dma_wait3A_102] : memref<10008x8xf32, #tpu.memory_space<vmem_shared>> -> memref<10008x8xf32, #tpu.memory_space<vmem_shared>>
    tpu.wait_indirect_dma semaphore(%arg33 : memref<!tpu.dma_semaphore, #tpu.memory_space<semaphore_mem>>) src(%arg12 : memref<128x8xf32, #tpu.memory_space<vmem>>) dst(%dma_wait3A_103 : memref<10008x8xf32, #tpu.memory_space<vmem_shared>>)
    %dma_wait3A_104 = arith.constant 0 : i32
    %dma_wait3A_105 = arith.constant 0 : i32
    %dma_wait3A_106 = tpu.memref_slice %arg8[%dma_wait3A_104, %dma_wait3A_105] : memref<120x128xi32, #tpu.memory_space<vmem>> -> memref<1x128xi32, #tpu.memory_space<vmem>>
    %dma_wait3A_107 = tpu.memref_squeeze %dma_wait3A_106 : memref<1x128xi32, #tpu.memory_space<vmem>> -> memref<128xi32, #tpu.memory_space<vmem>>
    %dma_wait3A_108 = arith.constant 0 : i32
    %dma_wait3A_109 = arith.constant 0 : i32
    %dma_wait3A_110 = tpu.memref_slice %arg19[%dma_wait3A_108, %dma_wait3A_109] : memref<10008x8xf32, #tpu.memory_space<vmem_shared>> -> memref<10008x8xf32, #tpu.memory_space<vmem_shared>>
    tpu.wait_indirect_dma semaphore(%arg34 : memref<!tpu.dma_semaphore, #tpu.memory_space<semaphore_mem>>) src(%arg13 : memref<128x8xf32, #tpu.memory_space<vmem>>) dst(%dma_wait3A_110 : memref<10008x8xf32, #tpu.memory_space<vmem_shared>>)
    %dma_wait3A_111 = arith.constant 0 : i32
    %dma_wait3A_112 = arith.constant 0 : i32
    %dma_wait3A_113 = tpu.memref_slice %arg8[%dma_wait3A_111, %dma_wait3A_112] : memref<120x128xi32, #tpu.memory_space<vmem>> -> memref<1x128xi32, #tpu.memory_space<vmem>>
    %dma_wait3A_114 = tpu.memref_squeeze %dma_wait3A_113 : memref<1x128xi32, #tpu.memory_space<vmem>> -> memref<128xi32, #tpu.memory_space<vmem>>
    %dma_wait3A_115 = arith.constant 0 : i32
    %dma_wait3A_116 = arith.constant 0 : i32
    %dma_wait3A_117 = tpu.memref_slice %arg19[%dma_wait3A_115, %dma_wait3A_116] : memref<10008x8xf32, #tpu.memory_space<vmem_shared>> -> memref<10008x8xf32, #tpu.memory_space<vmem_shared>>
    tpu.wait_indirect_dma semaphore(%arg35 : memref<!tpu.dma_semaphore, #tpu.memory_space<semaphore_mem>>) src(%arg14 : memref<128x8xf32, #tpu.memory_space<vmem>>) dst(%dma_wait3A_117 : memref<10008x8xf32, #tpu.memory_space<vmem_shared>>)
    %dma_wait3A_118 = arith.constant 0 : i32
    %dma_wait3A_119 = arith.constant 0 : i32
    %dma_wait3A_120 = tpu.memref_slice %arg8[%dma_wait3A_118, %dma_wait3A_119] : memref<120x128xi32, #tpu.memory_space<vmem>> -> memref<1x128xi32, #tpu.memory_space<vmem>>
    %dma_wait3A_121 = tpu.memref_squeeze %dma_wait3A_120 : memref<1x128xi32, #tpu.memory_space<vmem>> -> memref<128xi32, #tpu.memory_space<vmem>>
    %dma_wait3A_122 = arith.constant 0 : i32
    %dma_wait3A_123 = arith.constant 0 : i32
    %dma_wait3A_124 = tpu.memref_slice %arg19[%dma_wait3A_122, %dma_wait3A_123] : memref<10008x8xf32, #tpu.memory_space<vmem_shared>> -> memref<10008x8xf32, #tpu.memory_space<vmem_shared>>
    tpu.wait_indirect_dma semaphore(%arg36 : memref<!tpu.dma_semaphore, #tpu.memory_space<semaphore_mem>>) src(%arg15 : memref<128x8xf32, #tpu.memory_space<vmem>>) dst(%dma_wait3A_124 : memref<10008x8xf32, #tpu.memory_space<vmem_shared>>)
    %dma_wait3A_125 = arith.constant 0 : i32
    %dma_wait3A_126 = arith.constant 0 : i32
    %dma_wait3A_127 = tpu.memref_slice %arg8[%dma_wait3A_125, %dma_wait3A_126] : memref<120x128xi32, #tpu.memory_space<vmem>> -> memref<1x128xi32, #tpu.memory_space<vmem>>
    %dma_wait3A_128 = tpu.memref_squeeze %dma_wait3A_127 : memref<1x128xi32, #tpu.memory_space<vmem>> -> memref<128xi32, #tpu.memory_space<vmem>>
    %dma_wait3A_129 = arith.constant 0 : i32
    %dma_wait3A_130 = arith.constant 0 : i32
    %dma_wait3A_131 = tpu.memref_slice %arg19[%dma_wait3A_129, %dma_wait3A_130] : memref<10008x8xf32, #tpu.memory_space<vmem_shared>> -> memref<10008x8xf32, #tpu.memory_space<vmem_shared>>
    tpu.wait_indirect_dma semaphore(%arg37 : memref<!tpu.dma_semaphore, #tpu.memory_space<semaphore_mem>>) src(%arg16 : memref<128x8xf32, #tpu.memory_space<vmem>>) dst(%dma_wait3A_131 : memref<10008x8xf32, #tpu.memory_space<vmem_shared>>)
    %dma_wait3A_132 = arith.constant 0 : i32
    %dma_wait3A_133 = arith.constant 0 : i32
    %dma_wait3A_134 = tpu.memref_slice %arg8[%dma_wait3A_132, %dma_wait3A_133] : memref<120x128xi32, #tpu.memory_space<vmem>> -> memref<1x128xi32, #tpu.memory_space<vmem>>
    %dma_wait3A_135 = tpu.memref_squeeze %dma_wait3A_134 : memref<1x128xi32, #tpu.memory_space<vmem>> -> memref<128xi32, #tpu.memory_space<vmem>>
    %dma_wait3A_136 = arith.constant 0 : i32
    %dma_wait3A_137 = arith.constant 0 : i32
    %dma_wait3A_138 = tpu.memref_slice %arg19[%dma_wait3A_136, %dma_wait3A_137] : memref<10008x8xf32, #tpu.memory_space<vmem_shared>> -> memref<10008x8xf32, #tpu.memory_space<vmem_shared>>
    tpu.wait_indirect_dma semaphore(%arg38 : memref<!tpu.dma_semaphore, #tpu.memory_space<semaphore_mem>>) src(%arg17 : memref<128x8xf32, #tpu.memory_space<vmem>>) dst(%dma_wait3A_138 : memref<10008x8xf32, #tpu.memory_space<vmem_shared>>)
    %dma_wait3A_139 = arith.constant 0 : i32
    %dma_wait3A_140 = arith.constant 0 : i32
    %dma_wait3A_141 = tpu.memref_slice %arg8[%dma_wait3A_139, %dma_wait3A_140] : memref<120x128xi32, #tpu.memory_space<vmem>> -> memref<1x128xi32, #tpu.memory_space<vmem>>
    %dma_wait3A_142 = tpu.memref_squeeze %dma_wait3A_141 : memref<1x128xi32, #tpu.memory_space<vmem>> -> memref<128xi32, #tpu.memory_space<vmem>>
    %dma_wait3A_143 = arith.constant 0 : i32
    %dma_wait3A_144 = arith.constant 0 : i32
    %dma_wait3A_145 = tpu.memref_slice %arg19[%dma_wait3A_143, %dma_wait3A_144] : memref<10008x8xf32, #tpu.memory_space<vmem_shared>> -> memref<10008x8xf32, #tpu.memory_space<vmem_shared>>
    tpu.wait_indirect_dma semaphore(%arg39 : memref<!tpu.dma_semaphore, #tpu.memory_space<semaphore_mem>>) src(%arg18 : memref<128x8xf32, #tpu.memory_space<vmem>>) dst(%dma_wait3A_145 : memref<10008x8xf32, #tpu.memory_space<vmem_shared>>)
    %barrier3A_146 = arith.constant 0 : index
    tpu.barrier barrier_id(%barrier3A_146)
    %mul3A_147 = arith.constant 624 : i32
    %mul3A_148 = arith.muli %arg1, %mul3A_147 : i32
    %mul3A_149 = arith.constant 624 : i32
    %mul3A_150 = arith.muli %arg1, %mul3A_149 : i32
    "tpu.region"() ({
      %run_scoped3A = tpu.sem_alloc : memref<!tpu.dma_semaphore, #tpu.memory_space<semaphore_mem>>
      %dma_start3A_156 = arith.constant 0 : i32
      %dma_start3A_157 = tpu.memref_slice %arg6[%arg0, %mul3A_150, %dma_start3A_156] : memref<2x10008x8xf32, #tpu.memory_space<hbm>> -> memref<1x624x8xf32, #tpu.memory_space<hbm>>
      %dma_start3A_158 = tpu.memref_squeeze %dma_start3A_157 : memref<1x624x8xf32, #tpu.memory_space<hbm>> -> memref<624x8xf32, #tpu.memory_space<hbm>>
      %dma_start3A_159 = arith.constant 0 : i32
      %dma_start3A_160 = tpu.memref_slice %arg19[%mul3A_148, %dma_start3A_159] : memref<10008x8xf32, #tpu.memory_space<vmem_shared>> -> memref<624x8xf32, #tpu.memory_space<vmem_shared>>
      tpu.enqueue_dma source(%dma_start3A_160 : memref<624x8xf32, #tpu.memory_space<vmem_shared>>) target(%dma_start3A_158 : memref<624x8xf32, #tpu.memory_space<hbm>>) target_semaphore(%run_scoped3A : memref<!tpu.dma_semaphore, #tpu.memory_space<semaphore_mem>>)
      %dma_wait3A_161 = arith.constant 0 : i32
      %dma_wait3A_162 = tpu.memref_slice %arg6[%arg0, %mul3A_150, %dma_wait3A_161] : memref<2x10008x8xf32, #tpu.memory_space<hbm>> -> memref<1x624x8xf32, #tpu.memory_space<hbm>>
      %dma_wait3A_163 = tpu.memref_squeeze %dma_wait3A_162 : memref<1x624x8xf32, #tpu.memory_space<hbm>> -> memref<624x8xf32, #tpu.memory_space<hbm>>
      %dma_wait3A_164 = arith.constant 0 : i32
      %dma_wait3A_165 = tpu.memref_slice %arg19[%mul3A_148, %dma_wait3A_164] : memref<10008x8xf32, #tpu.memory_space<vmem_shared>> -> memref<624x8xf32, #tpu.memory_space<vmem_shared>>
      tpu.wait_dma2 semaphore(%run_scoped3A : memref<!tpu.dma_semaphore, #tpu.memory_space<semaphore_mem>>) src(%dma_wait3A_165 : memref<624x8xf32, #tpu.memory_space<vmem_shared>>) dst(%dma_wait3A_163 : memref<624x8xf32, #tpu.memory_space<hbm>>)
      tpu.yield
    }) : () -> ()
    %eq3A_151 = arith.constant 15 : i32
    %eq3A_152 = arith.cmpi eq, %arg1, %eq3A_151 : i32
    %convert_element_type3A_153 = arith.extui %eq3A_152 : i1 to i32
    %cond3A_154 = arith.constant 0 : i32
    %cond3A_155 = arith.cmpi ne, %convert_element_type3A_153, %cond3A_154 : i32
    scf.if %cond3A_155 {
      "tpu.region"() ({
        %run_scoped3A = tpu.sem_alloc : memref<!tpu.dma_semaphore, #tpu.memory_space<semaphore_mem>>
        %dma_start3A_156 = arith.constant 9984 : i32
        %dma_start3A_157 = arith.constant 0 : i32
        %dma_start3A_158 = tpu.memref_slice %arg6[%arg0, %dma_start3A_156, %dma_start3A_157] : memref<2x10008x8xf32, #tpu.memory_space<hbm>> -> memref<1x24x8xf32, #tpu.memory_space<hbm>>
        %dma_start3A_159 = tpu.memref_squeeze %dma_start3A_158 : memref<1x24x8xf32, #tpu.memory_space<hbm>> -> memref<24x8xf32, #tpu.memory_space<hbm>>
        %dma_start3A_160 = arith.constant 9984 : i32
        %dma_start3A_161 = arith.constant 0 : i32
        %dma_start3A_162 = tpu.memref_slice %arg19[%dma_start3A_160, %dma_start3A_161] : memref<10008x8xf32, #tpu.memory_space<vmem_shared>> -> memref<24x8xf32, #tpu.memory_space<vmem_shared>>
        tpu.enqueue_dma source(%dma_start3A_162 : memref<24x8xf32, #tpu.memory_space<vmem_shared>>) target(%dma_start3A_159 : memref<24x8xf32, #tpu.memory_space<hbm>>) target_semaphore(%run_scoped3A : memref<!tpu.dma_semaphore, #tpu.memory_space<semaphore_mem>>)
        %dma_wait3A_163 = arith.constant 9984 : i32
        %dma_wait3A_164 = arith.constant 0 : i32
        %dma_wait3A_165 = tpu.memref_slice %arg6[%arg0, %dma_wait3A_163, %dma_wait3A_164] : memref<2x10008x8xf32, #tpu.memory_space<hbm>> -> memref<1x24x8xf32, #tpu.memory_space<hbm>>
        %dma_wait3A_166 = tpu.memref_squeeze %dma_wait3A_165 : memref<1x24x8xf32, #tpu.memory_space<hbm>> -> memref<24x8xf32, #tpu.memory_space<hbm>>
        %dma_wait3A_167 = arith.constant 9984 : i32
        %dma_wait3A_168 = arith.constant 0 : i32
        %dma_wait3A_169 = tpu.memref_slice %arg19[%dma_wait3A_167, %dma_wait3A_168] : memref<10008x8xf32, #tpu.memory_space<vmem_shared>> -> memref<24x8xf32, #tpu.memory_space<vmem_shared>>
        tpu.wait_dma2 semaphore(%run_scoped3A : memref<!tpu.dma_semaphore, #tpu.memory_space<semaphore_mem>>) src(%dma_wait3A_169 : memref<24x8xf32, #tpu.memory_space<vmem_shared>>) dst(%dma_wait3A_166 : memref<24x8xf32, #tpu.memory_space<hbm>>)
        tpu.yield
      }) : () -> ()
    } else {
    }
    return
  }
}

module attributes {stable_mosaic.version = 14 : i64} {
  func.func @_tc1_body(%arg0: memref<2x10008x8xf32, #tpu.memory_space<vmem>>, %arg1: memref<10000x128xf32, #tpu.memory_space<vmem>>, %arg2: memref<128x16xf32, #tpu.memory_space<vmem>>, %arg3: memref<10008x16xf32, #tpu.memory_space<vmem>>) attributes {dimension_semantics = [], scalar_prefetch = 0 : i64, scratch_operands = 0 : i64, tpu.core_type = #tpu.core_type<tc>} {
    %get3A = arith.constant 0 : index
    %get3A_0 = arith.constant 0 : index
    %get3A_1 = arith.constant 0 : index
    %get3A_2 = vector.load %arg0[%get3A, %get3A_0, %get3A_1] : memref<2x10008x8xf32, #tpu.memory_space<vmem>>, vector<1x10008x1xf32>
    %get3A_3 = vector.shape_cast %get3A_2 : vector<1x10008x1xf32> to vector<10008x1xf32>
    %get3A_4 = arith.constant 1 : index
    %get3A_5 = arith.constant 0 : index
    %get3A_6 = arith.constant 0 : index
    %get3A_7 = vector.load %arg0[%get3A_4, %get3A_5, %get3A_6] : memref<2x10008x8xf32, #tpu.memory_space<vmem>>, vector<1x10008x1xf32>
    %get3A_8 = vector.shape_cast %get3A_7 : vector<1x10008x1xf32> to vector<10008x1xf32>
    %add3A = arith.addf %get3A_3, %get3A_8 : vector<10008x1xf32>
    %add3A_9 = arith.constant 1.000000e+00 : f32
    %add3A_10 = vector.broadcast %add3A_9 : f32 to vector<10008x1xf32>
    %add3A_11 = arith.addf %add3A, %add3A_10 : vector<10008x1xf32>
    %rsqrt3A = math.rsqrt %add3A_11 : vector<10008x1xf32>
    %get3A_12 = arith.constant 0 : index
    %get3A_13 = arith.constant 0 : index
    %get3A_14 = vector.load %arg1[%get3A_12, %get3A_13] : memref<10000x128xf32, #tpu.memory_space<vmem>>, vector<10000x128xf32>
    %get3A_15 = arith.constant 0 : index
    %get3A_16 = arith.constant 0 : index
    %get3A_17 = vector.load %arg2[%get3A_15, %get3A_16] : memref<128x16xf32, #tpu.memory_space<vmem>>, vector<128x16xf32>
    %dot_general3A = arith.constant dense<0.000000e+00> : vector<10000x16xf32>
    %dot_general3A_18 = tpu.matmul %get3A_14, %get3A_17, %dot_general3A {dimension_numbers = #tpu.dot_dimension_numbers<[1], [0], [0], [1], [0, 0, 1, 1], [], []>, transpose_lhs_hint = false} : vector<10000x128xf32>, vector<128x16xf32>, vector<10000x16xf32> -> vector<10000x16xf32>
    %slice3A = vector.extract_strided_slice %rsqrt3A {offsets = [0, 0], sizes = [10000, 1], strides = [1, 1]} : vector<10008x1xf32> to vector<10000x1xf32>
    %mul3A = vector.broadcast %slice3A : vector<10000x1xf32> to vector<10000x16xf32>
    %mul3A_19 = arith.mulf %dot_general3A_18, %mul3A : vector<10000x16xf32>
    %swap3A = arith.constant 0 : index
    %swap3A_20 = arith.constant 0 : index
    %swap3A_21 = vector.load %arg3[%swap3A, %swap3A_20] : memref<10008x16xf32, #tpu.memory_space<vmem>>, vector<10000x16xf32>
    tpu.vector_store %arg3[%swap3A, %swap3A_20], %mul3A_19 {strides = array<i32>} : memref<10008x16xf32, #tpu.memory_space<vmem>>, vector<10000x16xf32>,
    return
  }
}

module attributes {stable_mosaic.version = 14 : i64} {
  func.func @_tc2_body(%arg0: memref<2x10008x8xf32, #tpu.memory_space<vmem>>, %arg1: memref<2x10008x16xf32, #tpu.memory_space<vmem>>, %arg2: memref<10008x16xf32, #tpu.memory_space<vmem>>, %arg3: memref<1x16xf32, #tpu.memory_space<vmem>>, %arg4: memref<16x8xf32, #tpu.memory_space<vmem>>, %arg5: memref<10008x8xf32, #tpu.memory_space<vmem>>) attributes {dimension_semantics = [], scalar_prefetch = 0 : i64, scratch_operands = 0 : i64, tpu.core_type = #tpu.core_type<tc>} {
    %get3A = arith.constant 0 : index
    %get3A_0 = arith.constant 0 : index
    %get3A_1 = arith.constant 0 : index
    %get3A_2 = vector.load %arg0[%get3A, %get3A_0, %get3A_1] : memref<2x10008x8xf32, #tpu.memory_space<vmem>>, vector<1x10008x1xf32>
    %get3A_3 = vector.shape_cast %get3A_2 : vector<1x10008x1xf32> to vector<10008x1xf32>
    %get3A_4 = arith.constant 1 : index
    %get3A_5 = arith.constant 0 : index
    %get3A_6 = arith.constant 0 : index
    %get3A_7 = vector.load %arg0[%get3A_4, %get3A_5, %get3A_6] : memref<2x10008x8xf32, #tpu.memory_space<vmem>>, vector<1x10008x1xf32>
    %get3A_8 = vector.shape_cast %get3A_7 : vector<1x10008x1xf32> to vector<10008x1xf32>
    %add3A = arith.addf %get3A_3, %get3A_8 : vector<10008x1xf32>
    %add3A_9 = arith.constant 1.000000e+00 : f32
    %add3A_10 = vector.broadcast %add3A_9 : f32 to vector<10008x1xf32>
    %add3A_11 = arith.addf %add3A, %add3A_10 : vector<10008x1xf32>
    %rsqrt3A = math.rsqrt %add3A_11 : vector<10008x1xf32>
    %get3A_12 = arith.constant 0 : index
    %get3A_13 = arith.constant 0 : index
    %get3A_14 = arith.constant 0 : index
    %get3A_15 = vector.load %arg1[%get3A_12, %get3A_13, %get3A_14] : memref<2x10008x16xf32, #tpu.memory_space<vmem>>, vector<1x10008x16xf32>
    %get3A_16 = vector.shape_cast %get3A_15 : vector<1x10008x16xf32> to vector<10008x16xf32>
    %get3A_17 = arith.constant 1 : index
    %get3A_18 = arith.constant 0 : index
    %get3A_19 = arith.constant 0 : index
    %get3A_20 = vector.load %arg1[%get3A_17, %get3A_18, %get3A_19] : memref<2x10008x16xf32, #tpu.memory_space<vmem>>, vector<1x10008x16xf32>
    %get3A_21 = vector.shape_cast %get3A_20 : vector<1x10008x16xf32> to vector<10008x16xf32>
    %add3A_22 = arith.addf %get3A_16, %get3A_21 : vector<10008x16xf32>
    %get3A_23 = arith.constant 0 : index
    %get3A_24 = arith.constant 0 : index
    %get3A_25 = vector.load %arg2[%get3A_23, %get3A_24] : memref<10008x16xf32, #tpu.memory_space<vmem>>, vector<10008x16xf32>
    %add3A_26 = arith.addf %add3A_22, %get3A_25 : vector<10008x16xf32>
    %mul3A = vector.broadcast %rsqrt3A : vector<10008x1xf32> to vector<10008x16xf32>
    %mul3A_27 = arith.mulf %add3A_26, %mul3A : vector<10008x16xf32>
    %get3A_28 = arith.constant 0 : index
    %get3A_29 = arith.constant 0 : index
    %get3A_30 = vector.load %arg3[%get3A_28, %get3A_29] : memref<1x16xf32, #tpu.memory_space<vmem>>, vector<1x16xf32>
    %add3A_31 = vector.broadcast %get3A_30 : vector<1x16xf32> to vector<10008x16xf32>
    %add3A_32 = arith.addf %mul3A_27, %add3A_31 : vector<10008x16xf32>
    %max3A = arith.constant 0.000000e+00 : f32
    %max3A_33 = vector.broadcast %max3A : f32 to vector<10008x16xf32>
    %max3A_34 = arith.maximumf %add3A_32, %max3A_33 : vector<10008x16xf32>
    %get3A_35 = arith.constant 0 : index
    %get3A_36 = arith.constant 0 : index
    %get3A_37 = vector.load %arg4[%get3A_35, %get3A_36] : memref<16x8xf32, #tpu.memory_space<vmem>>, vector<16x8xf32>
    %dot_general3A = arith.constant dense<0.000000e+00> : vector<10008x8xf32>
    %dot_general3A_38 = tpu.matmul %max3A_34, %get3A_37, %dot_general3A {dimension_numbers = #tpu.dot_dimension_numbers<[1], [0], [0], [1], [0, 0, 1, 1], [], []>, transpose_lhs_hint = false} : vector<10008x16xf32>, vector<16x8xf32>, vector<10008x8xf32> -> vector<10008x8xf32>
    %mul3A_39 = vector.broadcast %rsqrt3A : vector<10008x1xf32> to vector<10008x8xf32>
    %mul3A_40 = arith.mulf %dot_general3A_38, %mul3A_39 : vector<10008x8xf32>
    %swap3A = arith.constant 0 : index
    %swap3A_41 = arith.constant 0 : index
    %swap3A_42 = vector.load %arg5[%swap3A, %swap3A_41] : memref<10008x8xf32, #tpu.memory_space<vmem>>, vector<10008x8xf32>
    tpu.vector_store %arg5[%swap3A, %swap3A_41], %mul3A_40 {strides = array<i32>} : memref<10008x8xf32, #tpu.memory_space<vmem>>, vector<10008x8xf32>,
    return
  }
}

module attributes {stable_mosaic.version = 14 : i64} {
  func.func @_tc3_body(%arg0: memref<2x10008x8xf32, #tpu.memory_space<vmem>>, %arg1: memref<2x10008x8xf32, #tpu.memory_space<vmem>>, %arg2: memref<10008x8xf32, #tpu.memory_space<vmem>>, %arg3: memref<1x8xf32, #tpu.memory_space<vmem>>, %arg4: memref<10000x7xf32, #tpu.memory_space<vmem>>) attributes {dimension_semantics = [], scalar_prefetch = 0 : i64, scratch_operands = 0 : i64, tpu.core_type = #tpu.core_type<tc>} {
    %get3A = arith.constant 0 : index
    %get3A_0 = arith.constant 0 : index
    %get3A_1 = arith.constant 0 : index
    %get3A_2 = vector.load %arg0[%get3A, %get3A_0, %get3A_1] : memref<2x10008x8xf32, #tpu.memory_space<vmem>>, vector<1x10008x1xf32>
    %get3A_3 = vector.shape_cast %get3A_2 : vector<1x10008x1xf32> to vector<10008x1xf32>
    %get3A_4 = arith.constant 1 : index
    %get3A_5 = arith.constant 0 : index
    %get3A_6 = arith.constant 0 : index
    %get3A_7 = vector.load %arg0[%get3A_4, %get3A_5, %get3A_6] : memref<2x10008x8xf32, #tpu.memory_space<vmem>>, vector<1x10008x1xf32>
    %get3A_8 = vector.shape_cast %get3A_7 : vector<1x10008x1xf32> to vector<10008x1xf32>
    %add3A = arith.addf %get3A_3, %get3A_8 : vector<10008x1xf32>
    %add3A_9 = arith.constant 1.000000e+00 : f32
    %add3A_10 = vector.broadcast %add3A_9 : f32 to vector<10008x1xf32>
    %add3A_11 = arith.addf %add3A, %add3A_10 : vector<10008x1xf32>
    %rsqrt3A = math.rsqrt %add3A_11 : vector<10008x1xf32>
    %slice3A = vector.extract_strided_slice %rsqrt3A {offsets = [0, 0], sizes = [10000, 1], strides = [1, 1]} : vector<10008x1xf32> to vector<10000x1xf32>
    %get3A_12 = arith.constant 0 : index
    %get3A_13 = arith.constant 0 : index
    %get3A_14 = arith.constant 0 : index
    %get3A_15 = vector.load %arg1[%get3A_12, %get3A_13, %get3A_14] : memref<2x10008x8xf32, #tpu.memory_space<vmem>>, vector<1x10000x8xf32>
    %get3A_16 = vector.shape_cast %get3A_15 : vector<1x10000x8xf32> to vector<10000x8xf32>
    %get3A_17 = arith.constant 1 : index
    %get3A_18 = arith.constant 0 : index
    %get3A_19 = arith.constant 0 : index
    %get3A_20 = vector.load %arg1[%get3A_17, %get3A_18, %get3A_19] : memref<2x10008x8xf32, #tpu.memory_space<vmem>>, vector<1x10000x8xf32>
    %get3A_21 = vector.shape_cast %get3A_20 : vector<1x10000x8xf32> to vector<10000x8xf32>
    %add3A_22 = arith.addf %get3A_16, %get3A_21 : vector<10000x8xf32>
    %get3A_23 = arith.constant 0 : index
    %get3A_24 = arith.constant 0 : index
    %get3A_25 = vector.load %arg2[%get3A_23, %get3A_24] : memref<10008x8xf32, #tpu.memory_space<vmem>>, vector<10000x8xf32>
    %add3A_26 = arith.addf %add3A_22, %get3A_25 : vector<10000x8xf32>
    %mul3A = vector.broadcast %slice3A : vector<10000x1xf32> to vector<10000x8xf32>
    %mul3A_27 = arith.mulf %add3A_26, %mul3A : vector<10000x8xf32>
    %get3A_28 = arith.constant 0 : index
    %get3A_29 = arith.constant 0 : index
    %get3A_30 = vector.load %arg3[%get3A_28, %get3A_29] : memref<1x8xf32, #tpu.memory_space<vmem>>, vector<1x8xf32>
    %add3A_31 = vector.broadcast %get3A_30 : vector<1x8xf32> to vector<10000x8xf32>
    %add3A_32 = arith.addf %mul3A_27, %add3A_31 : vector<10000x8xf32>
    %reduce_max3A = arith.constant dense<0xFF800000> : vector<10000xf32>
    %reduce_max3A_33 = vector.multi_reduction <maximumf>, %add3A_32, %reduce_max3A [1] : vector<10000x8xf32> to vector<10000xf32>
    %broadcast_in_dim3A = vector.shape_cast %reduce_max3A_33 : vector<10000xf32> to vector<10000x1xf32>
    %sub3A = vector.broadcast %broadcast_in_dim3A : vector<10000x1xf32> to vector<10000x8xf32>
    %sub3A_34 = arith.subf %add3A_32, %sub3A : vector<10000x8xf32>
    %exp3A = math.exp %sub3A_34 : vector<10000x8xf32>
    %reduce_sum3A = arith.constant dense<0.000000e+00> : vector<10000xf32>
    %reduce_sum3A_35 = vector.multi_reduction <add>, %exp3A, %reduce_sum3A [1] : vector<10000x8xf32> to vector<10000xf32>
    %broadcast_in_dim3A_36 = vector.shape_cast %reduce_sum3A_35 : vector<10000xf32> to vector<10000x1xf32>
    %log3A = math.log %broadcast_in_dim3A_36 : vector<10000x1xf32>
    %sub3A_37 = vector.broadcast %log3A : vector<10000x1xf32> to vector<10000x8xf32>
    %sub3A_38 = arith.subf %sub3A_34, %sub3A_37 : vector<10000x8xf32>
    %slice3A_39 = vector.extract_strided_slice %sub3A_38 {offsets = [0, 0], sizes = [10000, 7], strides = [1, 1]} : vector<10000x8xf32> to vector<10000x7xf32>
    %swap3A = arith.constant 0 : index
    %swap3A_40 = arith.constant 0 : index
    %swap3A_41 = vector.load %arg4[%swap3A, %swap3A_40] : memref<10000x7xf32, #tpu.memory_space<vmem>>, vector<10000x7xf32>
    tpu.vector_store %arg4[%swap3A, %swap3A_40], %slice3A_39 {strides = array<i32>} : memref<10000x7xf32, #tpu.memory_space<vmem>>, vector<10000x7xf32>,
    return
  }
}

</mosaic_0001>

<sc_bundles>
// kernel: kernel.11.cloned.1.call-start
scs
__scs_entry_jumppad:
0x0: {  	(pc) =	sbr.rel $0x88, $3  }
0x1: {  	(tag) =	ssettag $0x0;
	lr =	simm.s32 $0x1  }
0x2: {  	[smem:$0x3F9B] =	sst lr;
	_ =	strace $0xD0000000  }
0x3: {  	_ = 	snop  }
0x4: {  	_ = 	snop  }
0x5: {  	_ = 	snop  }
0x6: {  	_ = 	snop  }
0x7: {  	_ = 	snop  }
__scs_overlays_trampoline_lowered:
0x8: {  	[smem:$0x3FAA] =	sst s0  }
0x9: {  	[smem:$0x3FAB] =	sst s1  }
0xa: {  	[smem:$0x3FAC] =	sst s2  }
0xb: {  	[smem:$0x3FAD] =	sst s3  }
0xc: {  	[smem:$0x3FAE] =	sst s4  }
0xd: {  	[smem:$0x3FAF] =	sst s5  }
0xe: {  	[smem:$0x3FB0] =	sst s6  }
0xf: {  	[smem:$0x3FB1] =	sst s7  }
0x10: {  	[smem:$0x3FB2] =	sst s8  }
0x11: {  	[smem:$0x3FB3] =	sst s9;
	s0 =	simm.s32 @!p0 $0x0  }
0x12: {  	s1 =	sld [smem:$0x3F99];
	s0 =	simm.s32 @p0 $0x1  }
0x13: {  	[smem:$0x3FB4] =	sst s0;
	s0 =	simm.s32 @!p1 $0x0  }
0x14: {  	s2 =	sld [smem:$0x3F98];
	s0 =	simm.s32 @p1 $0x1  }
0x15: {  	[smem:$0x3FB5] =	sst s0;
	s0 =	simm.s32 @!p2 $0x0  }
0x16: {  	s3 =	sld [smem:$0x3FDB];
	s0 =	simm.s32 @p2 $0x1  }
0x17: {  	s4 =	simm.s32 $0x1BF5;
	[smem:$0x3FB7] =	sst s0  }
0x18: {  	s0 =	sld [smem:$0x3F9A];
	_ =	swait.ge [sflag:s4], $0x0  }
0x19: {  	s7 =	sld [smem:$0x3F9B]  }
0x1a: {  	s8 =	sadd.s32 $0xFFFFE003, lr  }
0x1b: {  	s9 =	sadd.s32 $0xFFFFFEF7, lr;
	s5 =	simm.s32 $0xFFFFFFFF;
	p2 =	slt.u32 s8, $0xFFFFF086  }
0x1c: {  	p1 =	slt.u32 s9, $0xF7A;
	s5 =	simm.s32 @!p2 $0x0  }
0x1d: {  	s5 =	simm.s32 @p1 $0x1;
	p0 =	seq.s32 s7, s2  }
0x1e: {  	s7 =	smul.u32 @!p0 $0xF7A, s2;
	p2 =	seq.s32 @!p0 s5, $0x0  }
0x1f: {  	s9 =	smul.u32 $0xF7A, s1;
	s8 =	simm.s32 @!p0 $0x1BF5;
	p2 =	por !p2, p0  }
0x20: {  	[sflag:s8] =	ssyncset.s32 @!p0 $0xFFFFF086;
	s6 =	sadd.s32 @!p0 s3, s7;
	s7 =	simm.s32 @!p0 $0x108  }
0x21: {  	s3 =	sadd.s32 s3, s9;
	s6 =	sadd.s32 @!p0 $0x88, s6;
	s7 =	simm.s32 @p2 $0x1082  }
0x22: {  	[simem:s7], [sflag:s8] =	dma.local @!p0 [hbm:s6], $0xF7A  }
0x23: {  	s9 =	sor.u32 $0xD0000000, s2;
	s6 =	simm.s32 $0x108;
	_ =	swait.ge @!p0 [sflag:s8], $0x0  }
0x24: {  	s3 =	sadd.s32 $0x88, s3;
	s6 =	simm.s32 @!p1 $0x1082;
	[sflag:s4] =	ssyncset.s32 $0xFFFFF086  }
0x25: {  	[simem:s6], [sflag:s4] =	dma.local [hbm:s3], $0xF7A  }
0x26: {  	[smem:$0x3F9B] =	sst s1;
	(tag) =	ssettag s2;
	_ =	strace s9  }
0x27: {  	s1 =	sld [smem:$0x3FAB]  }
0x28: {  	s2 =	sld [smem:$0x3FAC]  }
0x29: {  	s4 =	sld [smem:$0x3FAE]  }
0x2a: {  	p0 =	seq.s32 s5, $0x0;
	s5 =	sld [smem:$0x3FAF]  }
0x2b: {  	s6 =	sld [smem:$0x3FB0]  }
0x2c: {  	s7 =	sld [smem:$0x3FB1]  }
0x2d: {  	s3 =	simm.s32 $0x108;
	s8 =	sld [smem:$0x3FB2]  }
0x2e: {  	s3 =	simm.s32 @!p0 $0x1082;
	s9 =	sld [smem:$0x3FB3]  }
0x2f: {  	lr =	sadd.s32 s0, s3;
	s0 =	sld [smem:$0x3FAA]  }
0x30: {  	s3 =	sld [smem:$0x3FAD]  }
0x31: {  	[smem:$0x3FB6] =	sst s10  }
0x32: {  	s10 =	sld [smem:$0x3FB4];
	_ =	sdelay $0x3  }
0x33: {  	p0 =	seq.s32 s10, $0x1;
	s10 =	sld [smem:$0x3FB6];
	_ =	sdelay $0x3  }
0x34: {  	[smem:$0x3FB6] =	sst s10  }
0x35: {  	s10 =	sld [smem:$0x3FB5];
	_ =	sdelay $0x3  }
0x36: {  	p1 =	seq.s32 s10, $0x1;
	s10 =	sld [smem:$0x3FB6];
	_ =	sdelay $0x3  }
0x37: {  	[smem:$0x3FB6] =	sst s10  }
0x38: {  	s10 =	sld [smem:$0x3FB7]  }
0x39: {  	_ = 	snop;
	(pc) =	sbr.ind lr, $3  }
0x3a: {  	_ = 	snop  }
0x3b: {  	_ = 	snop  }
0x3c: {  	p2 =	seq.s32 s10, $0x1;
	s10 =	sld [smem:$0x3FB6]  }
0x3d: {  	_ =	shalt  }
0x3e: {  	_ =	shalt  }
0x3f: {  	_ =	shalt  }
0x40: {  	_ =	shalt  }
0x41: {  	_ =	shalt  }
0x42: {  	_ =	shalt  }
0x43: {  	_ =	shalt  }
0x44: {  	_ =	shalt  }
0x45: {  	_ =	shalt  }
0x46: {  	_ =	shalt  }
0x47: {  	_ =	shalt  }
0x48: {  	_ =	shalt  }
0x49: {  	_ =	shalt  }
0x4a: {  	_ =	shalt  }
0x4b: {  	_ =	shalt  }
0x4c: {  	_ =	shalt  }
0x4d: {  	_ =	shalt  }
0x4e: {  	_ =	shalt  }
0x4f: {  	_ =	shalt  }
0x50: {  	_ =	shalt  }
0x51: {  	_ =	shalt  }
0x52: {  	_ =	shalt  }
0x53: {  	_ =	shalt  }
0x54: {  	_ =	shalt  }
0x55: {  	_ =	shalt  }
0x56: {  	_ =	shalt  }
0x57: {  	_ =	shalt  }
0x58: {  	_ =	shalt  }
0x59: {  	_ =	shalt  }
0x5a: {  	_ =	shalt  }
0x5b: {  	_ =	shalt  }
0x5c: {  	_ =	shalt  }
0x5d: {  	_ =	shalt  }
0x5e: {  	_ =	shalt  }
0x5f: {  	_ =	shalt  }
0x60: {  	_ =	shalt  }
0x61: {  	_ =	shalt  }
0x62: {  	_ =	shalt  }
0x63: {  	_ =	shalt  }
0x64: {  	_ =	shalt  }
0x65: {  	_ =	shalt  }
0x66: {  	_ =	shalt  }
0x67: {  	_ =	shalt  }
0x68: {  	_ =	shalt  }
0x69: {  	_ =	shalt  }
0x6a: {  	_ =	shalt  }
0x6b: {  	_ =	shalt  }
0x6c: {  	_ =	shalt  }
0x6d: {  	_ =	shalt  }
0x6e: {  	_ =	shalt  }
0x6f: {  	_ =	shalt  }
0x70: {  	_ =	shalt  }
0x71: {  	_ =	shalt  }
0x72: {  	_ =	shalt  }
0x73: {  	_ =	shalt  }
0x74: {  	_ =	shalt  }
0x75: {  	_ =	shalt  }
0x76: {  	_ =	shalt  }
0x77: {  	_ =	shalt  }
0x78: {  	_ =	shalt  }
0x79: {  	_ =	shalt  }
0x7a: {  	_ =	shalt  }
0x7b: {  	_ =	shalt  }
0x7c: {  	_ =	shalt  }
0x7d: {  	_ =	shalt  }
0x7e: {  	_ =	shalt  }
0x7f: {  	_ =	shalt  }
0x80: {  	_ =	shalt  }
0x81: {  	_ =	shalt  }
0x82: {  	_ =	shalt  }
0x83: {  	_ =	shalt  }
0x84: {  	_ =	shalt  }
0x85: {  	_ =	shalt  }
0x86: {  	_ =	shalt  }
0x87: {  	_ =	shalt  }
.Lfunc_end0:
.L_simem_size_0:
called_computation.1_lowered:
.L_overlay_start_0:
0x88: {  	s2 =	sld [smem:$0x3FD9]  }
0x89: {  	s3 =	sld [smem:$0x3FFE];
	_ =	sdelay $0x1  }
0x8a: {  	s1 =	srdreg.scid  }
0x8b: {  	s0 =	sand.u32 $0x1, s1  }
0x8c: {  	s16 =	sshll.u32 s0, $0xA;
	s2 =	sadd.s32 s3, s2  }
0x8d: {  	s2 =	sadd.s32 s2, s16  }
0x8e: {  	[smem:$0x3FC2] =	sst s2  }
0x8f: {  	_ = 	snop  }
0x90: {  	(tm) =	ssettm $0x1  }
0x91: {  	s17 =	sld [smem:$0x3FFB];
	_ =	sdelay $0x3  }
0x92: {  	_ =	strace s17  }
0x93: {  	s2 =	sld [smem:$0x3FFC];
	_ =	sdelay $0x3  }
0x94: {  	_ =	strace s2  }
0x95: {  	s2 =	sld [smem:$0x3FFD];
	_ =	sdelay $0x3  }
0x96: {  	_ =	strace s2  }
0x97: {  	_ =	strace $0x8FFFFFFF  }
0x98: {  	s18 =	sld [smem:$0x3FDB];
	_ =	sdelay $0x1  }
0x99: {  	s19 =	simm.s32 $_scs_section_size  }
0x9a: {  	s4 =	simm.s32 $_size__tile_overlayer_lowered;
	s5 =	simm.s32 $_tile_overlayer_lowered  }
0x9b: {  	s22 =	simm.s32 $0x1BFF;
	s21 =	sshll.u32 s5, $0x1;
	s2 =	sadd.s32 s19, s18  }
0x9c: {  	s6 =	simm.s32 $0x0;
	s20 =	sshll.u32 s4, $0x1;
	s4 =	sadd.s32 s21, s2  }
0x9d: {  	[timem:s6], [sflag:s22] =	dma.local [hbm:s4], s20  }
0x9e: {  	_ =	swait.ge [sflag:s22], s20  }
0x9f: {  	s3 =	ssub.s32 $0x0, s20;
	[sflag:s22] =	ssyncset.done $0x0  }
0xa0: {  	[sflag:s22] =	ssyncadd.s32 s3;
	_ =	sdelay $0x1  }
0xa1: {  	s23 =	simm.s32 $0x1B8B  }
0xa2: {  	_ =	swait.ge [sflag:s23], $0x1  }
0xa3: {  	[sflag:s23] =	ssyncset.done $0x0  }
0xa4: {  	s25 =	simm.s32 $0x1B8E;
	s24 =	sld [smem:$0x3FFE];
	[sflag:s23] =	ssyncadd.s32 $0xFFFFFFFF  }
0xa5: {  	s26 =	simm.s32 $execute0_lowered;
	[smem:$0x3FD2] =	sst s25  }
0xa6: {  	s4 =	sshll.u32 s26, $0x1;
	_ =	strace $0x80000049;
	[dreg:$0x1] =	wrdreg $0xFFFFFFFF  }
0xa7: {  	s28 =	simm.s32 $_size_execute0_lowered;
	s2 =	sadd.s32 s2, s4;
	[dreg:$0x0] =	wrdreg $0x0  }
0xa8: {  	s4 =	sshll.u32 s28, $0x1;
	[dreg:$0x2] =	wrdreg s2  }
0xa9: {  	[dreg:$0x3] =	wrdreg s4  }
0xaa: {  	[dreg:$0x4] =	wrdreg $0xC0  }
0xab: {  	_ =	task [dreg:s6], $0x5FFFF  }
0xac: {  	[dreg:$0x1] =	wrdreg $0xFFFFFFFF  }
0xad: {  	[dreg:$0x0] =	wrdreg $0x60  }
0xae: {  	[dreg:$0x2] =	wrdreg s24  }
0xaf: {  	[dreg:$0x3] =	wrdreg $0xC8000  }
0xb0: {  	[dreg:$0x4] =	wrdreg $0x9  }
0xb1: {  	_ =	task.clear_ibuf [dreg:s6], $0x5FFFF;
	_ =	strace $0x90000049  }
0xb2: {  	s29 =	simm.s32 $0x9;
	_ =	strace $0x8000004B  }
0xb3: {  	_ =	swait.ge [sflag:s29], $0x1  }
0xb4: {  	[sflag:s29] =	ssyncadd.s32 $0xFFFFFFFF  }
0xb5: {  	_ =	strace $0x9000004B  }
0xb6: {  	_ =	sfence  }
0xb7: {  	s30 =	sld [smem:$0x0];
	_ =	sdelay $0x2  }
0xb8: {  	s31 =	sshll.u32 s1, $0xD;
	s1 =	sshrl.u32 s1, $0x2  }
0xb9: {  	s3 =	sand.u32 $0x4000, s31;
	s1 =	sadd.s32 s1, s30  }
0xba: {  	s0 =	sor.u32 s3, s0;
	s1 =	sshll.u32 s1, $0x11  }
0xbb: {  	s0 =	sor.u32 s1, s0  }
0xbc: {  	s0 =	sadd.s32 $0x8F2B, s0  }
0xbd: {  	[sflag:s0] =	ssyncadd.remote.s32 $0x1  }
0xbe: {  	_ =	sfence.sel $0xFFFF  }
0xbf: {  	[dreg:$0x0] =	wrdreg $0xFFFFFFFF;
	(pc) =	sbr.abs _section_cstart, $3  }
0xc0: {  	[dreg:$0x1] =	wrdreg $0xFFFFFFFF  }
0xc1: {  	_ =	task.clear_ibuf [dreg:s6], $0x2FFFF;
	_ =	strace $0x9FFFFFFF  }
0xc2: {  	(tm) =	ssettm $0x7FFFFFFF  }
0xc3: {  	_ =	shalt  }
tec
execute0_lowered:
.L_overlay_start_1:
0x0: {  	(tag) =	ssettag $0x1  }
0x1: {  	s0 =	rddreg [dreg:$0x0]  }
0x2: {  	s2 =	rddreg [dreg:$0x1];
	s13 =	stileid.u32  }
0x3: {  	s1 =	srdreg.scid;
	s5 =	simm.s32 $0x0;
	s22 =	simm.s32 $0xA000  }
0x4: {  	s23 =	simm.s32 $0xA800;
	s24 =	simm.s32 $0xB000;
	s25 =	simm.s32 $0xB800  }
0x5: {  	s26 =	simm.s32 $0xC000;
	s28 =	simm.s32 $0x1;
	s29 =	simm.s32 $0x2  }
0x6: {  	s30 =	simm.s32 $0x3;
	s31 =	simm.s32 $0x4;
	s3 =	smul.u32 $0x28, s13  }
0x7: {  	s1 =	sand.u32 $0x1, s1;
	s4 =	smul.u32 $0x78, s13;
	[smem:$0x7FF] =	sst s5  }
0x8: {  	s6 =	smul.u32 $0x2700, s13;
	s5 =	simm.s32 $0x78;
	s9 =	sadd.s32 $0x1F600, s0  }
0x9: {  	s17 =	sshll.u32 s13, $0x6;
	_ =	strace $0x8000004A;
	[dreg:$0x4] =	wrdreg s22  }
0xa: {  	s12 =	sadd.s32 $0x27000, s2;
	p0 =	seq.s32 s1, $0x0;
	[dreg:$0x5] =	wrdreg s23  }
0xb: {  	s8 =	ssub.s32 $0x2, s1;
	s1 =	smul.u32 $0x27180, s1;
	[dreg:$0x6] =	wrdreg s24  }
0xc: {  	s22 =	simm.s32 $0x8800;
	s24 =	simm.s32 $0x9000;
	[dreg:$0x7] =	wrdreg s25  }
0xd: {  	[dreg:$0x8] =	wrdreg s26;
	s26 =	simm.s32 $0x9800;
	s23 =	simm.s32 $0x9  }
0xe: {  	s25 =	simm.s32 $0xA;
	s3 =	sadd.s32 $0x780, s3;
	s15 =	sshrl.u32 s6, $0x3  }
0xf: {  	s10 =	sshrl.u32 s8, $0x1;
	s5 =	simm.s32 @!p0 $0x28;
	s16 =	sadd.s32 s6, s2  }
0x10: {  	s3 =	smov.u32 @p0 s4;
	s4 =	sadd.s32 $0xB400, s0;
	s7 =	sadd.s32 s15, s0  }
0x11: {  	s8 =	ssub.s32 s8, s10;
	s11 =	smul.u32 $0x67, s5;
	s6 =	sadd.s32 s6, s1  }
0x12: {  	s1 =	sshrl.u32 s1, $0x3;
	p0 =	sne.s32 s13, $0xF;
	s14 =	sshrl.u32 s16, $0x3  }
0x13: {  	s15 =	simm.s32 $0x15;
	s3 =	sshll.u32 s3, $0x4;
	s7 =	sadd.s32 $0x1A600, s7  }
0x14: {  	s6 =	sshrl.u32 s6, $0x3;
	s1 =	sadd.s32 s9, s1;
	s21 =	smax.u32 s8, $0x1  }
0x15: {  	s16 =	sshrl.u32 @!p0 s12, $0x3;
	s8 =	simm.s32 $0x14;
	s3 =	sadd.s32 s3, s0  }
0x16: {  	[dreg:$0x9] =	wrdreg s7;
	s7 =	sor.u32 $0x1C15, s17;
	s0 =	sadd.s32 $0x1F400, s0  }
0x17: {  	s19 =	sshrl.u32 s11, $0xA;
	s20 =	sadd.s32 s9, s6;
	[dreg:$0xf] =	wrdreg s21  }
0x18: {  	s1 =	sadd.s32 $0x4E00, s1;
	s17 =	simm.s32 $0x7;
	[dreg:$0xa] =	wrdreg s0  }
0x19: {  	s21 =	simm.s32 $0x8;
	s9 =	simm.s32 $0x0;
	[dreg:$0xd] =	wrdreg s20  }
0x1a: {  	s18 =	sadd.s32 $0x10600, s3;
	s0 =	smul.u32 $0x1400, s19;
	[dreg:$0xe] =	wrdreg s1  }
0x1b: {  	s3 =	sadd.s32 $0x1400, s3;
	s19 =	simm.s32 $0x7800;
	[dreg:$0xb] =	wrdreg s18  }
0x1c: {  	s20 =	simm.s32 $0x8000;
	s1 =	simm.s32 $0x6;
	[dreg:$0xc] =	wrdreg s3  }
0x1d: {  	s18 =	simm.s32 $0x80;
	[dreg:$0x3] =	wrdreg s0;
	s0 =	simm.s32 $0x5  }
.LBB2_1:
0x1e: {  	s3 =	rddreg [dreg:$0x9]  }
0x1f: {  	[spmem:s14], [sflag:s7] =	dma.local [hbm:s3], $0x4E0  }
0x20: {  	_ =	swait.ge [sflag:s15], $0x4E0  }
0x21: {  	[sflag:s15] =	ssyncset.done $0x0  }
0x22: {  	s10 =	simm.s32 @!p0 $0x15;
	s3 =	rddreg [dreg:$0xa];
	[sflag:s15] =	ssyncadd.s32 $0xFFFFFB20  }
0x23: {  	[spmem:s16], [sflag:s7] =	dma.local @!p0 [hbm:s3], $0x30  }
0x24: {  	_ =	swait.ge @!p0 [sflag:s10], $0x30  }
0x25: {  	[sflag:s10] =	ssyncset.done @!p0 $0x0  }
0x26: {  	s11 =	simm.s32 $0x0;
	s6 =	rddreg [dreg:$0xb];
	[sflag:s10] =	ssyncadd.s32 @!p0 $0xFFFFFFD0  }
0x27: {  	[tilespmem:s11], [sflag:$0x15] =	stream.linear.gather [hbm4b:s6+s11], $0x3C00, $0x38;
	[tilespmem:$0xEF18] =	vst v63  }
0x28: {  	_ =	swait.ge [sflag:s15], $0x3C00  }
0x29: {  	[sflag:s15] =	ssyncset.done $0x0  }
0x2a: {  	s13 =	simm.s32 $0x3C00;
	s12 =	rddreg [dreg:$0xc];
	[sflag:s15] =	ssyncadd.s32 $0xFFFFC400  }
0x2b: {  	[tilespmem:s13], [sflag:$0x15] =	stream.linear.gather [hbm4b:s12+s11], $0x3C00, $0x38;
	[tilespmem:$0xEF18] =	vst v63  }
0x2c: {  	_ =	swait.ge [sflag:s15], $0x3C00  }
0x2d: {  	[sflag:s15] =	ssyncset.done $0x0  }
0x2e: {  	[sflag:s15] =	ssyncadd.s32 $0xFFFFC400  }
0x2f: {  	[bflag:$0x0] =	sbarrier.arrive $0xFFFF  }
0x30: {  	[tilespmem:s19], [sflag:$0x1] =	stream.indirect.gather [hbm4b:s4+s18], $0x10, s11, s18, $0xb8;
	[tilespmem:$0xEF18] =	vst v63  }
0x31: {  	_ = 	snop  }
0x32: {  	[tilespmem:s20], [sflag:$0x2] =	stream.indirect.gather [hbm4b:s4+s18], $0x10, s18, s18, $0xb8;
	[tilespmem:$0xEF18] =	vst v63  }
0x33: {  	s11 =	simm.s32 $0x100  }
0x34: {  	[tilespmem:s22], [sflag:$0x3] =	stream.indirect.gather [hbm4b:s4+s18], $0x10, s11, s18, $0xb8;
	[tilespmem:$0xEF18] =	vst v63  }
0x35: {  	s12 =	simm.s32 $0x180  }
0x36: {  	[tilespmem:s24], [sflag:$0x4] =	stream.indirect.gather [hbm4b:s4+s18], $0x10, s12, s18, $0xb8;
	[tilespmem:$0xEF18] =	vst v63  }
0x37: {  	s10 =	simm.s32 $0xE;
	s13 =	simm.s32 $0x200;
	s11 =	simm.s32 $0x0  }
0x38: {  	[tilespmem:s26], [sflag:$0x5] =	stream.indirect.gather [hbm4b:s4+s18], $0x10, s13, s18, $0xb8;
	[tilespmem:$0xEF18] =	vst v63  }
.LBB2_2:
0x39: {  	_ =	swait.ge [sflag:s28], $0x800  }
0x3a: {  	s12 =	sshra.s32 s11, $0x2;
	[sflag:s28] =	ssyncset.done $0x0  }
0x3b: {  	s13 =	sadd.s32 $0x3C00, s12;
	[sflag:s28] =	ssyncadd.s32 $0xFFFFF800  }
0x3c: {  	[spmem:s2] =	stream.indirect.scatter.add.f32 [tilespmem:s19], [sflag:$0xB], $0x10, s13, s18, $0xb8;
	[tilespmem:$0xEF18] =	vst v63  }
0x3d: {  	p1 =	seq.s32 s11, $0x0;
	s13 =	sadd.s32 $0xFFFFFFF7, s10  }
0x3e: {  	p2 =	sge.u32 @!p1 s13, s5  }
0x3f: {  	p2 =	por p2, p1  }
0x40: {  	s3 =	simm.s32 @!p2 $0x10  }
0x41: {  	_ =	swait.ge @!p2 [sflag:s3], $0x800  }
0x42: {  	p3 =	sge.u32 s13, s5;
	[sflag:s3] =	ssyncset.done @!p2 $0x0  }
0x43: {  	[sflag:s3] =	ssyncadd.s32 @!p2 $0xFFFFF800;
	s3 =	sshra.s32 @!p3 s11, $0x2  }
0x44: {  	s13 =	simm.s32 @!p3 $0x80;
	s6 =	simm.s32 @!p3 $0xA000;
	s3 =	sadd.s32 @!p3 $0x280, s3  }
0x45: {  	[tilespmem:s6], [sflag:$0x6] =	stream.indirect.gather @!p3 [hbm4b:s4+s13], $0x10, s3, s13, $0xb8;
	[tilespmem:$0xEF18] =	vst v63  }
0x46: {  	s3 =	sadd.s32 $0xFFFFFFF8, s10;
	_ =	swait.ge [sflag:s29], $0x800  }
0x47: {  	p2 =	sge.u32 @!p1 s3, s5;
	[sflag:s29] =	ssyncset.done $0x0  }
0x48: {  	s6 =	sadd.s32 $0x3C80, s12;
	p2 =	por p2, p1;
	[sflag:s29] =	ssyncadd.s32 $0xFFFFF800  }
0x49: {  	[spmem:s2] =	stream.indirect.scatter.add.f32 [tilespmem:s20], [sflag:$0xC], $0x10, s6, s18, $0xb8;
	[tilespmem:$0xEF18] =	vst v63  }
0x4a: {  	s6 =	simm.s32 @!p2 $0x11  }
0x4b: {  	p3 =	sge.u32 s3, s5;
	_ =	swait.ge @!p2 [sflag:s6], $0x800  }
0x4c: {  	s3 =	sshra.s32 @!p3 s11, $0x2;
	s13 =	simm.s32 @!p3 $0xA800;
	[sflag:s6] =	ssyncset.done @!p2 $0x0  }
0x4d: {  	s3 =	sadd.s32 @!p3 $0x300, s3;
	[sflag:s6] =	ssyncadd.s32 @!p2 $0xFFFFF800;
	s6 =	simm.s32 @!p3 $0x80  }
0x4e: {  	[tilespmem:s13], [sflag:$0x7] =	stream.indirect.gather @!p3 [hbm4b:s4+s6], $0x10, s3, s6, $0xb8;
	[tilespmem:$0xEF18] =	vst v63  }
0x4f: {  	s3 =	sadd.s32 $0xFFFFFFF9, s10  }
0x50: {  	_ =	swait.ge [sflag:s30], $0x800;
	p2 =	sge.u32 @!p1 s3, s5  }
0x51: {  	s13 =	sadd.s32 $0x3D00, s12;
	[sflag:s30] =	ssyncset.done $0x0;
	p2 =	por p2, p1  }
0x52: {  	p3 =	sge.u32 s3, s5;
	[sflag:s30] =	ssyncadd.s32 $0xFFFFF800;
	s6 =	simm.s32 @!p2 $0x12  }
0x53: {  	[spmem:s2] =	stream.indirect.scatter.add.f32 [tilespmem:s22], [sflag:$0xD], $0x10, s13, s18, $0xb8;
	[tilespmem:$0xEF18] =	vst v63  }
0x54: {  	s3 =	sshra.s32 @!p3 s11, $0x2;
	_ =	swait.ge @!p2 [sflag:s6], $0x800  }
0x55: {  	s3 =	sadd.s32 @!p3 $0x380, s3;
	[sflag:s6] =	ssyncset.done @!p2 $0x0  }
0x56: {  	s13 =	simm.s32 @!p3 $0xB000;
	[sflag:s6] =	ssyncadd.s32 @!p2 $0xFFFFF800;
	s6 =	simm.s32 @!p3 $0x80  }
0x57: {  	[tilespmem:s13], [sflag:$0x8] =	stream.indirect.gather @!p3 [hbm4b:s4+s6], $0x10, s3, s6, $0xb8;
	[tilespmem:$0xEF18] =	vst v63  }
0x58: {  	s3 =	sadd.s32 $0xFFFFFFFA, s10;
	_ =	swait.ge [sflag:s31], $0x800  }
0x59: {  	p2 =	sge.u32 @!p1 s3, s5;
	[sflag:s31] =	ssyncset.done $0x0  }
0x5a: {  	s6 =	sadd.s32 $0x3D80, s12;
	p2 =	por p2, p1;
	[sflag:s31] =	ssyncadd.s32 $0xFFFFF800  }
0x5b: {  	[spmem:s2] =	stream.indirect.scatter.add.f32 [tilespmem:s24], [sflag:$0xE], $0x10, s6, s18, $0xb8;
	[tilespmem:$0xEF18] =	vst v63  }
0x5c: {  	s6 =	simm.s32 @!p2 $0x13  }
0x5d: {  	p3 =	sge.u32 s3, s5;
	_ =	swait.ge @!p2 [sflag:s6], $0x800  }
0x5e: {  	s3 =	sshra.s32 @!p3 s11, $0x2;
	s13 =	simm.s32 @!p3 $0xB800;
	[sflag:s6] =	ssyncset.done @!p2 $0x0  }
0x5f: {  	s3 =	sadd.s32 @!p3 $0x400, s3;
	[sflag:s6] =	ssyncadd.s32 @!p2 $0xFFFFF800;
	s6 =	simm.s32 @!p3 $0x80  }
0x60: {  	[tilespmem:s13], [sflag:$0x9] =	stream.indirect.gather @!p3 [hbm4b:s4+s6], $0x10, s3, s6, $0xb8;
	[tilespmem:$0xEF18] =	vst v63  }
0x61: {  	s3 =	sadd.s32 $0xFFFFFFFB, s10  }
0x62: {  	_ =	swait.ge [sflag:s0], $0x800;
	p2 =	sge.u32 @!p1 s3, s5  }
0x63: {  	s13 =	sadd.s32 $0x3E00, s12;
	[sflag:s0] =	ssyncset.done $0x0;
	p1 =	por p2, p1  }
0x64: {  	p2 =	sge.u32 s3, s5;
	[sflag:s0] =	ssyncadd.s32 $0xFFFFF800;
	s6 =	simm.s32 @!p1 $0x14  }
0x65: {  	[spmem:s2] =	stream.indirect.scatter.add.f32 [tilespmem:s26], [sflag:$0xF], $0x10, s13, s18, $0xb8;
	[tilespmem:$0xEF18] =	vst v63  }
0x66: {  	s3 =	sshra.s32 @!p2 s11, $0x2;
	_ =	swait.ge @!p1 [sflag:s6], $0x800  }
0x67: {  	s3 =	sadd.s32 @!p2 $0x480, s3;
	[sflag:s6] =	ssyncset.done @!p1 $0x0  }
0x68: {  	s13 =	simm.s32 @!p2 $0xC000;
	[sflag:s6] =	ssyncadd.s32 @!p1 $0xFFFFF800;
	s6 =	simm.s32 @!p2 $0x80  }
0x69: {  	[tilespmem:s13], [sflag:$0xA] =	stream.indirect.gather @!p2 [hbm4b:s4+s6], $0x10, s3, s6, $0xb8;
	[tilespmem:$0xEF18] =	vst v63  }
0x6a: {  	_ =	swait.ge [sflag:s1], $0x800  }
0x6b: {  	[sflag:s1] =	ssyncset.done $0x0  }
0x6c: {  	s13 =	sadd.s32 $0x3E80, s12;
	s6 =	rddreg [dreg:$0x4];
	[sflag:s1] =	ssyncadd.s32 $0xFFFFF800  }
0x6d: {  	[spmem:s2] =	stream.indirect.scatter.add.f32 [tilespmem:s6], [sflag:$0x10], $0x10, s13, s18, $0xb8;
	[tilespmem:$0xEF18] =	vst v63  }
0x6e: {  	s13 =	sadd.s32 $0xFFFFFFFC, s10  }
0x6f: {  	p1 =	sge.u32 s13, s5  }
0x70: {  	s3 =	simm.s32 @!p1 $0xB  }
0x71: {  	_ =	swait.ge @!p1 [sflag:s3], $0x800  }
0x72: {  	[sflag:s3] =	ssyncset.done @!p1 $0x0  }
0x73: {  	[sflag:s3] =	ssyncadd.s32 @!p1 $0xFFFFF800;
	s3 =	sshra.s32 @!p1 s11, $0x2  }
0x74: {  	s6 =	simm.s32 @!p1 $0x80;
	s13 =	simm.s32 @!p1 $0x7800;
	s3 =	sadd.s32 @!p1 $0x500, s3  }
0x75: {  	[tilespmem:s13], [sflag:$0x1] =	stream.indirect.gather @!p1 [hbm4b:s4+s6], $0x10, s3, s6, $0xb8;
	[tilespmem:$0xEF18] =	vst v63  }
0x76: {  	_ =	swait.ge [sflag:s17], $0x800  }
0x77: {  	[sflag:s17] =	ssyncset.done $0x0  }
0x78: {  	s13 =	sadd.s32 $0x3F00, s12;
	s6 =	rddreg [dreg:$0x5];
	[sflag:s17] =	ssyncadd.s32 $0xFFFFF800  }
0x79: {  	[spmem:s2] =	stream.indirect.scatter.add.f32 [tilespmem:s6], [sflag:$0x11], $0x10, s13, s18, $0xb8;
	[tilespmem:$0xEF18] =	vst v63  }
0x7a: {  	s13 =	sadd.s32 $0xFFFFFFFD, s10  }
0x7b: {  	p1 =	sge.u32 s13, s5  }
0x7c: {  	s3 =	simm.s32 @!p1 $0xC  }
0x7d: {  	_ =	swait.ge @!p1 [sflag:s3], $0x800  }
0x7e: {  	[sflag:s3] =	ssyncset.done @!p1 $0x0  }
0x7f: {  	[sflag:s3] =	ssyncadd.s32 @!p1 $0xFFFFF800;
	s3 =	sshra.s32 @!p1 s11, $0x2  }
0x80: {  	s6 =	simm.s32 @!p1 $0x80;
	s13 =	simm.s32 @!p1 $0x8000;
	s3 =	sadd.s32 @!p1 $0x580, s3  }
0x81: {  	[tilespmem:s13], [sflag:$0x2] =	stream.indirect.gather @!p1 [hbm4b:s4+s6], $0x10, s3, s6, $0xb8;
	[tilespmem:$0xEF18] =	vst v63  }
0x82: {  	_ =	swait.ge [sflag:s21], $0x800  }
0x83: {  	[sflag:s21] =	ssyncset.done $0x0  }
0x84: {  	s13 =	sadd.s32 $0x3F80, s12;
	s6 =	rddreg [dreg:$0x6];
	[sflag:s21] =	ssyncadd.s32 $0xFFFFF800  }
0x85: {  	[spmem:s2] =	stream.indirect.scatter.add.f32 [tilespmem:s6], [sflag:$0x12], $0x10, s13, s18, $0xb8;
	[tilespmem:$0xEF18] =	vst v63  }
0x86: {  	s13 =	sadd.s32 $0xFFFFFFFE, s10  }
0x87: {  	p1 =	sge.u32 s13, s5  }
0x88: {  	s3 =	simm.s32 @!p1 $0xD  }
0x89: {  	_ =	swait.ge @!p1 [sflag:s3], $0x800  }
0x8a: {  	[sflag:s3] =	ssyncset.done @!p1 $0x0  }
0x8b: {  	[sflag:s3] =	ssyncadd.s32 @!p1 $0xFFFFF800;
	s3 =	sshra.s32 @!p1 s11, $0x2  }
0x8c: {  	s6 =	simm.s32 @!p1 $0x80;
	s13 =	simm.s32 @!p1 $0x8800;
	s3 =	sadd.s32 @!p1 $0x600, s3  }
0x8d: {  	[tilespmem:s13], [sflag:$0x3] =	stream.indirect.gather @!p1 [hbm4b:s4+s6], $0x10, s3, s6, $0xb8;
	[tilespmem:$0xEF18] =	vst v63  }
0x8e: {  	_ =	swait.ge [sflag:s23], $0x800  }
0x8f: {  	[sflag:s23] =	ssyncset.done $0x0  }
0x90: {  	s13 =	sadd.s32 $0x4000, s12;
	s6 =	rddreg [dreg:$0x7];
	[sflag:s23] =	ssyncadd.s32 $0xFFFFF800  }
0x91: {  	[spmem:s2] =	stream.indirect.scatter.add.f32 [tilespmem:s6], [sflag:$0x13], $0x10, s13, s18, $0xb8;
	[tilespmem:$0xEF18] =	vst v63  }
0x92: {  	s13 =	sadd.s32 $0xFFFFFFFF, s10  }
0x93: {  	p1 =	sge.u32 s13, s5  }
0x94: {  	s3 =	simm.s32 @!p1 $0xE  }
0x95: {  	_ =	swait.ge @!p1 [sflag:s3], $0x800  }
0x96: {  	[sflag:s3] =	ssyncset.done @!p1 $0x0  }
0x97: {  	[sflag:s3] =	ssyncadd.s32 @!p1 $0xFFFFF800;
	s3 =	sshra.s32 @!p1 s11, $0x2  }
0x98: {  	s6 =	simm.s32 @!p1 $0x80;
	s13 =	simm.s32 @!p1 $0x9000;
	s3 =	sadd.s32 @!p1 $0x680, s3  }
0x99: {  	[tilespmem:s13], [sflag:$0x4] =	stream.indirect.gather @!p1 [hbm4b:s4+s6], $0x10, s3, s6, $0xb8;
	[tilespmem:$0xEF18] =	vst v63  }
0x9a: {  	_ =	swait.ge [sflag:s25], $0x800  }
0x9b: {  	s13 =	sadd.s32 $0x4080, s12;
	p1 =	sge.u32 s10, s5;
	[sflag:s25] =	ssyncset.done $0x0  }
0x9c: {  	s3 =	simm.s32 @!p1 $0xF;
	s6 =	rddreg [dreg:$0x8];
	[sflag:s25] =	ssyncadd.s32 $0xFFFFF800  }
0x9d: {  	[spmem:s2] =	stream.indirect.scatter.add.f32 [tilespmem:s6], [sflag:$0x14], $0x10, s13, s18, $0xb8;
	[tilespmem:$0xEF18] =	vst v63  }
0x9e: {  	s12 =	simm.s32 @!p1 $0x9800;
	s6 =	sshra.s32 @!p1 s11, $0x2;
	_ =	swait.ge @!p1 [sflag:s3], $0x800  }
0x9f: {  	s11 =	sadd.s32 $0x1400, s11;
	[sflag:s3] =	ssyncset.done @!p1 $0x0;
	s13 =	rddreg [dreg:$0x3]  }
0xa0: {  	[sflag:s3] =	ssyncadd.s32 @!p1 $0xFFFFF800;
	s3 =	sadd.s32 @!p1 $0x700, s6;
	s6 =	simm.s32 @!p1 $0x80  }
0xa1: {  	[tilespmem:s12], [sflag:$0x5] =	stream.indirect.gather @!p1 [hbm4b:s4+s6], $0x10, s3, s6, $0xb8;
	[tilespmem:$0xEF18] =	vst v63  }
0xa2: {  	p1 =	sne.s32 s13, s11  }
.Ltmp0:
0xa3: {  	_ = 	snop;
	(pc) =	sbr.rel @p1 .LBB2_2-.Ltmp0, $2  }
0xa4: {  	_ =	sdelay $0x2  }
0xa5: {  	s10 =	sadd.s32 $0xA, s10  }
0xa6: {  	s3 =	simm.s32 $0xB  }
0xa7: {  	_ =	swait.ge [sflag:s3], $0x800  }
0xa8: {  	[sflag:s3] =	ssyncset.done $0x0  }
0xa9: {  	s10 =	simm.s32 $0xC;
	[sflag:s3] =	ssyncadd.s32 $0xFFFFF800  }
0xaa: {  	_ =	swait.ge [sflag:s10], $0x800  }
0xab: {  	[sflag:s10] =	ssyncset.done $0x0  }
0xac: {  	s11 =	simm.s32 $0xD;
	[sflag:s10] =	ssyncadd.s32 $0xFFFFF800  }
0xad: {  	_ =	swait.ge [sflag:s11], $0x800  }
0xae: {  	[sflag:s11] =	ssyncset.done $0x0  }
0xaf: {  	s12 =	simm.s32 $0xE;
	[sflag:s11] =	ssyncadd.s32 $0xFFFFF800  }
0xb0: {  	_ =	swait.ge [sflag:s12], $0x800  }
0xb1: {  	[sflag:s12] =	ssyncset.done $0x0  }
0xb2: {  	s13 =	simm.s32 $0xF;
	[sflag:s12] =	ssyncadd.s32 $0xFFFFF800  }
0xb3: {  	_ =	swait.ge [sflag:s13], $0x800  }
0xb4: {  	[sflag:s13] =	ssyncset.done $0x0  }
0xb5: {  	s6 =	simm.s32 $0x10;
	[sflag:s13] =	ssyncadd.s32 $0xFFFFF800  }
0xb6: {  	_ =	swait.ge [sflag:s6], $0x800  }
0xb7: {  	[sflag:s6] =	ssyncset.done $0x0  }
0xb8: {  	s10 =	simm.s32 $0x11;
	[sflag:s6] =	ssyncadd.s32 $0xFFFFF800  }
0xb9: {  	_ =	swait.ge [sflag:s10], $0x800  }
0xba: {  	[sflag:s10] =	ssyncset.done $0x0  }
0xbb: {  	s11 =	simm.s32 $0x12;
	[sflag:s10] =	ssyncadd.s32 $0xFFFFF800  }
0xbc: {  	_ =	swait.ge [sflag:s11], $0x800  }
0xbd: {  	[sflag:s11] =	ssyncset.done $0x0  }
0xbe: {  	s12 =	simm.s32 $0x13;
	[sflag:s11] =	ssyncadd.s32 $0xFFFFF800  }
0xbf: {  	_ =	swait.ge [sflag:s12], $0x800  }
0xc0: {  	[sflag:s12] =	ssyncset.done $0x0  }
0xc1: {  	[sflag:s12] =	ssyncadd.s32 $0xFFFFF800  }
0xc2: {  	_ =	swait.ge [sflag:s8], $0x800  }
0xc3: {  	[sflag:s8] =	ssyncset.done $0x0  }
0xc4: {  	[sflag:s8] =	ssyncadd.s32 $0xFFFFF800  }
0xc5: {  	[bflag:$0x0] =	sbarrier.arrive $0xFFFF  }
0xc6: {  	s13 =	rddreg [dreg:$0xd]  }
0xc7: {  	[hbm:s13], [sflag:s7] =	dma.local [spmem:s14], $0x4E0  }
0xc8: {  	_ =	swait.ge [sflag:s15], $0x4E0  }
0xc9: {  	[sflag:s15] =	ssyncset.done $0x0  }
0xca: {  	s3 =	rddreg [dreg:$0xe];
	[sflag:s15] =	ssyncadd.s32 $0xFFFFFB20  }
0xcb: {  	[hbm:s3], [sflag:s7] =	dma.local @!p0 [spmem:s16], $0x30  }
0xcc: {  	s3 =	simm.s32 @!p0 $0x15  }
0xcd: {  	_ =	swait.ge @!p0 [sflag:s3], $0x30  }
0xce: {  	s9 =	sadd.s32 $0x1, s9;
	s6 =	rddreg [dreg:$0xf]  }
0xcf: {  	p1 =	sne.s32 s9, s6  }
.Ltmp1:
0xd0: {  	_ = 	snop;
	(pc) =	sbr.rel @p1 .LBB2_1-.Ltmp1, $3  }
0xd1: {  	_ =	sdelay $0x1  }
0xd2: {  	[sflag:s3] =	ssyncset.done @!p0 $0x0  }
0xd3: {  	[sflag:s3] =	ssyncadd.s32 @!p0 $0xFFFFFFD0  }
0xd4: {  	_ =	sfence.sel $0x180000  }
0xd5: {  	[bflag:$0x0] =	sbarrier.arrive $0xFFFF  }
0xd6: {  	_ =	strace $0x9000004A  }
0xd7: {  	s0 =	stileid.u32;
	[bflag:$0x2] =	sbarrier.arrive $0xFFFF  }
0xd8: {  	p0 =	sne.s32 s0, $0x0;
	s0 =	rddreg [dreg:$0x2]  }
0xd9: {  	s0 =	sadd.s32 @!p0 $0x100000, s0  }
0xda: {  	[sflag:s0] =	ssyncadd.tile.s32 @!p0 $0x1;
	_ =	shalt  }
.Lfunc_end2:
_tile_overlayer_lowered:
.L_overlay_start_2:
0xdb: {  	(tag) =	ssettag $0x2  }
0xdc: {  	s0 =	rddreg [dreg:$0x0];
	s2 =	stileid.u32  }
0xdd: {  	s1 =	rddreg [dreg:$0x1];
	p0 =	sne.s32 s2, $0x0  }
0xde: {  	s3 =	rddreg [dreg:$0x2];
	[bflag:$0x3] =	sbarrier.arrive $0xFFFF;
	s2 =	simm.s32 @!p0 $0x1C15  }
0xdf: {  	[timem:s3], [sflag:s2] =	dma.local @!p0 [hbm:s0], s1  }
0xe0: {  	s0 =	simm.s32 @!p0 $0x15  }
0xe1: {  	_ =	swait.ge @!p0 [sflag:s0], s1  }
0xe2: {  	s1 =	ssub.s32 @!p0 $0x0, s1;
	[sflag:s0] =	ssyncset.done @!p0 $0x0  }
0xe3: {  	[sflag:s0] =	ssyncadd.s32 @!p0 s1  }
0xe4: {  	[bflag:$0x3] =	sbarrier.arrive $0xFFFF  }
0xe5: {  	_ =	shalt  }

// kernel: kernel.14.cloned.1.call-start
scs
__scs_entry_jumppad:
0x0: {  	(pc) =	sbr.rel $0x88, $3  }
0x1: {  	(tag) =	ssettag $0x0;
	lr =	simm.s32 $0x1  }
0x2: {  	[smem:$0x3F9B] =	sst lr;
	_ =	strace $0xD0000000  }
0x3: {  	_ = 	snop  }
0x4: {  	_ = 	snop  }
0x5: {  	_ = 	snop  }
0x6: {  	_ = 	snop  }
0x7: {  	_ = 	snop  }
__scs_overlays_trampoline_lowered:
0x8: {  	[smem:$0x3FAA] =	sst s0  }
0x9: {  	[smem:$0x3FAB] =	sst s1  }
0xa: {  	[smem:$0x3FAC] =	sst s2  }
0xb: {  	[smem:$0x3FAD] =	sst s3  }
0xc: {  	[smem:$0x3FAE] =	sst s4  }
0xd: {  	[smem:$0x3FAF] =	sst s5  }
0xe: {  	[smem:$0x3FB0] =	sst s6  }
0xf: {  	[smem:$0x3FB1] =	sst s7  }
0x10: {  	[smem:$0x3FB2] =	sst s8  }
0x11: {  	[smem:$0x3FB3] =	sst s9;
	s0 =	simm.s32 @!p0 $0x0  }
0x12: {  	s1 =	sld [smem:$0x3F99];
	s0 =	simm.s32 @p0 $0x1  }
0x13: {  	[smem:$0x3FB4] =	sst s0;
	s0 =	simm.s32 @!p1 $0x0  }
0x14: {  	s2 =	sld [smem:$0x3F98];
	s0 =	simm.s32 @p1 $0x1  }
0x15: {  	[smem:$0x3FB5] =	sst s0;
	s0 =	simm.s32 @!p2 $0x0  }
0x16: {  	s3 =	sld [smem:$0x3FDB];
	s0 =	simm.s32 @p2 $0x1  }
0x17: {  	s4 =	simm.s32 $0x1BF5;
	[smem:$0x3FB7] =	sst s0  }
0x18: {  	s0 =	sld [smem:$0x3F9A];
	_ =	swait.ge [sflag:s4], $0x0  }
0x19: {  	s7 =	sld [smem:$0x3F9B]  }
0x1a: {  	s8 =	sadd.s32 $0xFFFFE003, lr  }
0x1b: {  	s9 =	sadd.s32 $0xFFFFFEF7, lr;
	s5 =	simm.s32 $0xFFFFFFFF;
	p2 =	slt.u32 s8, $0xFFFFF086  }
0x1c: {  	p1 =	slt.u32 s9, $0xF7A;
	s5 =	simm.s32 @!p2 $0x0  }
0x1d: {  	s5 =	simm.s32 @p1 $0x1;
	p0 =	seq.s32 s7, s2  }
0x1e: {  	s7 =	smul.u32 @!p0 $0xF7A, s2;
	p2 =	seq.s32 @!p0 s5, $0x0  }
0x1f: {  	s9 =	smul.u32 $0xF7A, s1;
	s8 =	simm.s32 @!p0 $0x1BF5;
	p2 =	por !p2, p0  }
0x20: {  	[sflag:s8] =	ssyncset.s32 @!p0 $0xFFFFF086;
	s6 =	sadd.s32 @!p0 s3, s7;
	s7 =	simm.s32 @!p0 $0x108  }
0x21: {  	s3 =	sadd.s32 s3, s9;
	s6 =	sadd.s32 @!p0 $0x88, s6;
	s7 =	simm.s32 @p2 $0x1082  }
0x22: {  	[simem:s7], [sflag:s8] =	dma.local @!p0 [hbm:s6], $0xF7A  }
0x23: {  	s9 =	sor.u32 $0xD0000000, s2;
	s6 =	simm.s32 $0x108;
	_ =	swait.ge @!p0 [sflag:s8], $0x0  }
0x24: {  	s3 =	sadd.s32 $0x88, s3;
	s6 =	simm.s32 @!p1 $0x1082;
	[sflag:s4] =	ssyncset.s32 $0xFFFFF086  }
0x25: {  	[simem:s6], [sflag:s4] =	dma.local [hbm:s3], $0xF7A  }
0x26: {  	[smem:$0x3F9B] =	sst s1;
	(tag) =	ssettag s2;
	_ =	strace s9  }
0x27: {  	s1 =	sld [smem:$0x3FAB]  }
0x28: {  	s2 =	sld [smem:$0x3FAC]  }
0x29: {  	s4 =	sld [smem:$0x3FAE]  }
0x2a: {  	p0 =	seq.s32 s5, $0x0;
	s5 =	sld [smem:$0x3FAF]  }
0x2b: {  	s6 =	sld [smem:$0x3FB0]  }
0x2c: {  	s7 =	sld [smem:$0x3FB1]  }
0x2d: {  	s3 =	simm.s32 $0x108;
	s8 =	sld [smem:$0x3FB2]  }
0x2e: {  	s3 =	simm.s32 @!p0 $0x1082;
	s9 =	sld [smem:$0x3FB3]  }
0x2f: {  	lr =	sadd.s32 s0, s3;
	s0 =	sld [smem:$0x3FAA]  }
0x30: {  	s3 =	sld [smem:$0x3FAD]  }
0x31: {  	[smem:$0x3FB6] =	sst s10  }
0x32: {  	s10 =	sld [smem:$0x3FB4];
	_ =	sdelay $0x3  }
0x33: {  	p0 =	seq.s32 s10, $0x1;
	s10 =	sld [smem:$0x3FB6];
	_ =	sdelay $0x3  }
0x34: {  	[smem:$0x3FB6] =	sst s10  }
0x35: {  	s10 =	sld [smem:$0x3FB5];
	_ =	sdelay $0x3  }
0x36: {  	p1 =	seq.s32 s10, $0x1;
	s10 =	sld [smem:$0x3FB6];
	_ =	sdelay $0x3  }
0x37: {  	[smem:$0x3FB6] =	sst s10  }
0x38: {  	s10 =	sld [smem:$0x3FB7]  }
0x39: {  	_ = 	snop;
	(pc) =	sbr.ind lr, $3  }
0x3a: {  	_ = 	snop  }
0x3b: {  	_ = 	snop  }
0x3c: {  	p2 =	seq.s32 s10, $0x1;
	s10 =	sld [smem:$0x3FB6]  }
0x3d: {  	_ =	shalt  }
0x3e: {  	_ =	shalt  }
0x3f: {  	_ =	shalt  }
0x40: {  	_ =	shalt  }
0x41: {  	_ =	shalt  }
0x42: {  	_ =	shalt  }
0x43: {  	_ =	shalt  }
0x44: {  	_ =	shalt  }
0x45: {  	_ =	shalt  }
0x46: {  	_ =	shalt  }
0x47: {  	_ =	shalt  }
0x48: {  	_ =	shalt  }
0x49: {  	_ =	shalt  }
0x4a: {  	_ =	shalt  }
0x4b: {  	_ =	shalt  }
0x4c: {  	_ =	shalt  }
0x4d: {  	_ =	shalt  }
0x4e: {  	_ =	shalt  }
0x4f: {  	_ =	shalt  }
0x50: {  	_ =	shalt  }
0x51: {  	_ =	shalt  }
0x52: {  	_ =	shalt  }
0x53: {  	_ =	shalt  }
0x54: {  	_ =	shalt  }
0x55: {  	_ =	shalt  }
0x56: {  	_ =	shalt  }
0x57: {  	_ =	shalt  }
0x58: {  	_ =	shalt  }
0x59: {  	_ =	shalt  }
0x5a: {  	_ =	shalt  }
0x5b: {  	_ =	shalt  }
0x5c: {  	_ =	shalt  }
0x5d: {  	_ =	shalt  }
0x5e: {  	_ =	shalt  }
0x5f: {  	_ =	shalt  }
0x60: {  	_ =	shalt  }
0x61: {  	_ =	shalt  }
0x62: {  	_ =	shalt  }
0x63: {  	_ =	shalt  }
0x64: {  	_ =	shalt  }
0x65: {  	_ =	shalt  }
0x66: {  	_ =	shalt  }
0x67: {  	_ =	shalt  }
0x68: {  	_ =	shalt  }
0x69: {  	_ =	shalt  }
0x6a: {  	_ =	shalt  }
0x6b: {  	_ =	shalt  }
0x6c: {  	_ =	shalt  }
0x6d: {  	_ =	shalt  }
0x6e: {  	_ =	shalt  }
0x6f: {  	_ =	shalt  }
0x70: {  	_ =	shalt  }
0x71: {  	_ =	shalt  }
0x72: {  	_ =	shalt  }
0x73: {  	_ =	shalt  }
0x74: {  	_ =	shalt  }
0x75: {  	_ =	shalt  }
0x76: {  	_ =	shalt  }
0x77: {  	_ =	shalt  }
0x78: {  	_ =	shalt  }
0x79: {  	_ =	shalt  }
0x7a: {  	_ =	shalt  }
0x7b: {  	_ =	shalt  }
0x7c: {  	_ =	shalt  }
0x7d: {  	_ =	shalt  }
0x7e: {  	_ =	shalt  }
0x7f: {  	_ =	shalt  }
0x80: {  	_ =	shalt  }
0x81: {  	_ =	shalt  }
0x82: {  	_ =	shalt  }
0x83: {  	_ =	shalt  }
0x84: {  	_ =	shalt  }
0x85: {  	_ =	shalt  }
0x86: {  	_ =	shalt  }
0x87: {  	_ =	shalt  }
.Lfunc_end0:
.L_simem_size_0:
called_computation.2_lowered:
.L_overlay_start_0:
0x88: {  	s2 =	sld [smem:$0x3FD9]  }
0x89: {  	s3 =	sld [smem:$0x3FFE];
	_ =	sdelay $0x1  }
0x8a: {  	s1 =	srdreg.scid  }
0x8b: {  	s0 =	sand.u32 $0x1, s1  }
0x8c: {  	s17 =	sshll.u32 s0, $0xA;
	s2 =	sadd.s32 s3, s2  }
0x8d: {  	s2 =	sadd.s32 s2, s17  }
0x8e: {  	[smem:$0x3FC2] =	sst s2  }
0x8f: {  	_ = 	snop  }
0x90: {  	s2 =	sld [smem:$0x3FD0];
	(tm) =	ssettm $0x1  }
0x91: {  	s18 =	sld [smem:$0x3FFB];
	_ =	sdelay $0x3  }
0x92: {  	_ =	strace s18  }
0x93: {  	s3 =	sld [smem:$0x3FFC];
	_ =	sdelay $0x3  }
0x94: {  	_ =	strace s3  }
0x95: {  	s3 =	sld [smem:$0x3FFD];
	_ =	sdelay $0x3  }
0x96: {  	_ =	strace s3  }
0x97: {  	_ =	strace $0x8FFFFFFF  }
0x98: {  	s19 =	sld [smem:$0x3FDB];
	_ =	sdelay $0x1  }
0x99: {  	s4 =	simm.s32 $_scs_section_size  }
0x9a: {  	s5 =	simm.s32 $_size__tile_overlayer_lowered;
	s6 =	simm.s32 $_tile_overlayer_lowered  }
0x9b: {  	s22 =	simm.s32 $0x1BFF;
	s21 =	sshll.u32 s6, $0x1;
	s3 =	sadd.s32 s4, s19  }
0x9c: {  	s7 =	simm.s32 $0x0;
	s20 =	sshll.u32 s5, $0x1;
	s5 =	sadd.s32 s21, s3  }
0x9d: {  	[timem:s7], [sflag:s22] =	dma.local [hbm:s5], s20  }
0x9e: {  	_ =	swait.ge [sflag:s22], s20  }
0x9f: {  	s4 =	ssub.s32 $0x0, s20;
	[sflag:s22] =	ssyncset.done $0x0  }
0xa0: {  	[sflag:s22] =	ssyncadd.s32 s4;
	_ =	sdelay $0x1  }
0xa1: {  	s23 =	simm.s32 $0x1B8B  }
0xa2: {  	_ =	swait.ge [sflag:s23], $0x1  }
0xa3: {  	[sflag:s23] =	ssyncset.done $0x0  }
0xa4: {  	s25 =	simm.s32 $0x1B8E;
	s24 =	sld [smem:$0x3FFE];
	[sflag:s23] =	ssyncadd.s32 $0xFFFFFFFF  }
0xa5: {  	s26 =	simm.s32 $execute0_lowered;
	[smem:$0x3FD2] =	sst s25  }
0xa6: {  	s5 =	sshll.u32 s26, $0x1;
	_ =	strace $0x8000004C;
	[dreg:$0x1] =	wrdreg $0xFFFFFFFF  }
0xa7: {  	s28 =	simm.s32 $_size_execute0_lowered;
	s3 =	sadd.s32 s3, s5;
	[dreg:$0x0] =	wrdreg $0x0  }
0xa8: {  	s5 =	sshll.u32 s28, $0x1;
	[dreg:$0x2] =	wrdreg s3  }
0xa9: {  	[dreg:$0x3] =	wrdreg s5  }
0xaa: {  	[dreg:$0x4] =	wrdreg $0xC0  }
0xab: {  	_ =	task [dreg:s7], $0x5FFFF  }
0xac: {  	[dreg:$0x1] =	wrdreg $0xFFFFFFFF  }
0xad: {  	[dreg:$0x0] =	wrdreg $0x60  }
0xae: {  	[dreg:$0x2] =	wrdreg s24  }
0xaf: {  	[dreg:$0x3] =	wrdreg s2  }
0xb0: {  	[dreg:$0x4] =	wrdreg $0xA0000  }
0xb1: {  	[dreg:$0x5] =	wrdreg $0x9  }
0xb2: {  	_ =	task.clear_ibuf [dreg:s7], $0x6FFFF;
	_ =	strace $0x9000004C  }
0xb3: {  	s29 =	simm.s32 $0x9;
	_ =	strace $0x8000004E  }
0xb4: {  	_ =	swait.ge [sflag:s29], $0x1  }
0xb5: {  	[sflag:s29] =	ssyncadd.s32 $0xFFFFFFFF  }
0xb6: {  	_ =	strace $0x9000004E  }
0xb7: {  	_ =	sfence  }
0xb8: {  	s30 =	sld [smem:$0x0];
	_ =	sdelay $0x2  }
0xb9: {  	s31 =	sshll.u32 s1, $0xD;
	s1 =	sshrl.u32 s1, $0x2  }
0xba: {  	s3 =	sand.u32 $0x4000, s31;
	s1 =	sadd.s32 s1, s30  }
0xbb: {  	s0 =	sor.u32 s3, s0;
	s1 =	sshll.u32 s1, $0x11  }
0xbc: {  	s0 =	sor.u32 s1, s0  }
0xbd: {  	s0 =	sadd.s32 $0x8F2B, s0  }
0xbe: {  	[sflag:s0] =	ssyncadd.remote.s32 $0x1  }
0xbf: {  	_ =	sfence.sel $0xFFFF  }
0xc0: {  	[dreg:$0x0] =	wrdreg $0xFFFFFFFF;
	(pc) =	sbr.abs _section_cstart, $3  }
0xc1: {  	[dreg:$0x1] =	wrdreg $0xFFFFFFFF  }
0xc2: {  	_ =	task.clear_ibuf [dreg:s7], $0x2FFFF;
	_ =	strace $0x9FFFFFFF  }
0xc3: {  	(tm) =	ssettm $0x7FFFFFFF  }
tec
execute0_lowered:
.L_overlay_start_1:
0x0: {  	(tag) =	ssettag $0x1  }
0x1: {  	s0 =	rddreg [dreg:$0x0]  }
0x2: {  	s1 =	rddreg [dreg:$0x1]  }
0x3: {  	s2 =	rddreg [dreg:$0x2]  }
0x4: {  	s13 =	stileid.u32;
	s3 =	srdreg.scid;
	s6 =	simm.s32 $0x0  }
0x5: {  	s22 =	simm.s32 $0x8C00;
	s23 =	simm.s32 $0x9000;
	s24 =	simm.s32 $0x9400  }
0x6: {  	s25 =	simm.s32 $0x9800;
	s26 =	simm.s32 $0x9C00;
	s28 =	simm.s32 $0x1  }
0x7: {  	s29 =	simm.s32 $0x2;
	s30 =	simm.s32 $0x3;
	s31 =	simm.s32 $0x4  }
0x8: {  	s4 =	smul.u32 $0x28, s13;
	s3 =	sand.u32 $0x1, s3;
	[smem:$0x7FF] =	sst s6  }
0x9: {  	s5 =	smul.u32 $0x78, s13;
	_ =	strace $0x8000004D;
	[dreg:$0x5] =	wrdreg s22  }
0xa: {  	s9 =	smul.u32 $0x1380, s13;
	s17 =	sshll.u32 s13, $0x6;
	[dreg:$0x6] =	wrdreg s23  }
0xb: {  	s12 =	sadd.s32 $0x13800, s2;
	p0 =	seq.s32 s3, $0x0;
	[dreg:$0x7] =	wrdreg s24  }
0xc: {  	s7 =	ssub.s32 $0x2, s3;
	s3 =	smul.u32 $0x138C0, s3;
	[dreg:$0x8] =	wrdreg s25  }
0xd: {  	s22 =	simm.s32 $0x8000;
	s24 =	simm.s32 $0x8400;
	[dreg:$0x9] =	wrdreg s26  }
0xe: {  	s26 =	simm.s32 $0x8800;
	s23 =	simm.s32 $0x9;
	s25 =	simm.s32 $0xA  }
0xf: {  	s4 =	sadd.s32 $0x780, s4;
	s8 =	sshrl.u32 s7, $0x1;
	s10 =	sadd.s32 s9, s2  }
0x10: {  	s16 =	sshrl.u32 s9, $0x3;
	s4 =	smov.u32 @p0 s5;
	s5 =	simm.s32 $0x78  }
0x11: {  	s8 =	ssub.s32 s7, s8;
	s7 =	sadd.s32 s1, s16;
	s1 =	sadd.s32 $0x2700, s1  }
0x12: {  	s9 =	sadd.s32 s9, s3;
	s3 =	sshrl.u32 s3, $0x3;
	s14 =	sshrl.u32 s10, $0x3  }
0x13: {  	s4 =	sshll.u32 s4, $0x4;
	s5 =	simm.s32 @!p0 $0x28;
	[dreg:$0xa] =	wrdreg s7  }
0x14: {  	s7 =	sor.u32 $0x1C15, s17;
	[dreg:$0xb] =	wrdreg s1;
	s9 =	sshrl.u32 s9, $0x3  }
0x15: {  	s21 =	smax.u32 s8, $0x1;
	p0 =	sne.s32 s13, $0xF;
	s17 =	simm.s32 $0x7  }
0x16: {  	s8 =	simm.s32 $0x14;
	s15 =	sadd.s32 s4, s0;
	s4 =	sadd.s32 $0xB400, s0  }
0x17: {  	s0 =	sadd.s32 $0x1A600, s0;
	s11 =	smul.u32 $0x67, s5;
	[dreg:$0x10] =	wrdreg s21  }
0x18: {  	s16 =	sshrl.u32 @!p0 s12, $0x3;
	s21 =	simm.s32 $0x8;
	s18 =	sadd.s32 $0x10600, s15  }
0x19: {  	s6 =	sadd.s32 $0x1400, s15;
	s20 =	sadd.s32 s0, s9;
	[dreg:$0xc] =	wrdreg s18  }
0x1a: {  	s0 =	sadd.s32 s0, s3;
	s15 =	simm.s32 $0x15;
	[dreg:$0xd] =	wrdreg s6  }
0x1b: {  	s9 =	simm.s32 $0x0;
	s19 =	sshrl.u32 s11, $0xA;
	[dreg:$0xe] =	wrdreg s20  }
0x1c: {  	s0 =	sadd.s32 $0x2700, s0;
	s18 =	simm.s32 $0x80;
	s1 =	smul.u32 $0x1400, s19  }
0x1d: {  	s20 =	simm.s32 $0x7C00;
	[dreg:$0xf] =	wrdreg s0;
	s19 =	simm.s32 $0x7800  }
0x1e: {  	s0 =	simm.s32 $0x6;
	[dreg:$0x4] =	wrdreg s1;
	s1 =	simm.s32 $0x5  }
.LBB2_1:
0x1f: {  	s3 =	rddreg [dreg:$0xa]  }
0x20: {  	[spmem:s14], [sflag:s7] =	dma.local [hbm:s3], $0x270  }
0x21: {  	_ =	swait.ge [sflag:s15], $0x270  }
0x22: {  	[sflag:s15] =	ssyncset.done $0x0  }
0x23: {  	s10 =	simm.s32 @!p0 $0x15;
	s3 =	rddreg [dreg:$0xb];
	[sflag:s15] =	ssyncadd.s32 $0xFFFFFD90  }
0x24: {  	[spmem:s16], [sflag:s7] =	dma.local @!p0 [hbm:s3], $0x18  }
0x25: {  	_ =	swait.ge @!p0 [sflag:s10], $0x18  }
0x26: {  	[sflag:s10] =	ssyncset.done @!p0 $0x0  }
0x27: {  	s11 =	simm.s32 $0x0;
	s6 =	rddreg [dreg:$0xc];
	[sflag:s10] =	ssyncadd.s32 @!p0 $0xFFFFFFE8  }
0x28: {  	[tilespmem:s11], [sflag:$0x15] =	stream.linear.gather [hbm4b:s6+s11], $0x3C00, $0x38;
	[tilespmem:$0xB390] =	vst v63  }
0x29: {  	_ =	swait.ge [sflag:s15], $0x3C00  }
0x2a: {  	[sflag:s15] =	ssyncset.done $0x0  }
0x2b: {  	s13 =	simm.s32 $0x3C00;
	s12 =	rddreg [dreg:$0xd];
	[sflag:s15] =	ssyncadd.s32 $0xFFFFC400  }
0x2c: {  	[tilespmem:s13], [sflag:$0x15] =	stream.linear.gather [hbm4b:s12+s11], $0x3C00, $0x38;
	[tilespmem:$0xB390] =	vst v63  }
0x2d: {  	_ =	swait.ge [sflag:s15], $0x3C00  }
0x2e: {  	[sflag:s15] =	ssyncset.done $0x0  }
0x2f: {  	[sflag:s15] =	ssyncadd.s32 $0xFFFFC400  }
0x30: {  	[bflag:$0x0] =	sbarrier.arrive $0xFFFF  }
0x31: {  	[tilespmem:s19], [sflag:$0x1] =	stream.indirect.gather [hbm4b:s4+s18], $0x8, s11, s18, $0xb8;
	[tilespmem:$0xB390] =	vst v63  }
0x32: {  	_ = 	snop  }
0x33: {  	[tilespmem:s20], [sflag:$0x2] =	stream.indirect.gather [hbm4b:s4+s18], $0x8, s18, s18, $0xb8;
	[tilespmem:$0xB390] =	vst v63  }
0x34: {  	s11 =	simm.s32 $0x100  }
0x35: {  	[tilespmem:s22], [sflag:$0x3] =	stream.indirect.gather [hbm4b:s4+s18], $0x8, s11, s18, $0xb8;
	[tilespmem:$0xB390] =	vst v63  }
0x36: {  	s12 =	simm.s32 $0x180  }
0x37: {  	[tilespmem:s24], [sflag:$0x4] =	stream.indirect.gather [hbm4b:s4+s18], $0x8, s12, s18, $0xb8;
	[tilespmem:$0xB390] =	vst v63  }
0x38: {  	s10 =	simm.s32 $0xE;
	s13 =	simm.s32 $0x200;
	s11 =	simm.s32 $0x0  }
0x39: {  	[tilespmem:s26], [sflag:$0x5] =	stream.indirect.gather [hbm4b:s4+s18], $0x8, s13, s18, $0xb8;
	[tilespmem:$0xB390] =	vst v63  }
.LBB2_2:
0x3a: {  	_ =	swait.ge [sflag:s28], $0x400  }
0x3b: {  	s12 =	sshra.s32 s11, $0x2;
	[sflag:s28] =	ssyncset.done $0x0  }
0x3c: {  	s13 =	sadd.s32 $0x3C00, s12;
	[sflag:s28] =	ssyncadd.s32 $0xFFFFFC00  }
0x3d: {  	[spmem:s2] =	stream.indirect.scatter.add.f32 [tilespmem:s19], [sflag:$0xB], $0x8, s13, s18, $0xb8;
	[tilespmem:$0xB390] =	vst v63  }
0x3e: {  	p1 =	seq.s32 s11, $0x0;
	s13 =	sadd.s32 $0xFFFFFFF7, s10  }
0x3f: {  	p2 =	sge.u32 @!p1 s13, s5  }
0x40: {  	p2 =	por p2, p1  }
0x41: {  	s3 =	simm.s32 @!p2 $0x10  }
0x42: {  	_ =	swait.ge @!p2 [sflag:s3], $0x400  }
0x43: {  	p3 =	sge.u32 s13, s5;
	[sflag:s3] =	ssyncset.done @!p2 $0x0  }
0x44: {  	[sflag:s3] =	ssyncadd.s32 @!p2 $0xFFFFFC00;
	s3 =	sshra.s32 @!p3 s11, $0x2  }
0x45: {  	s13 =	simm.s32 @!p3 $0x80;
	s6 =	simm.s32 @!p3 $0x8C00;
	s3 =	sadd.s32 @!p3 $0x280, s3  }
0x46: {  	[tilespmem:s6], [sflag:$0x6] =	stream.indirect.gather @!p3 [hbm4b:s4+s13], $0x8, s3, s13, $0xb8;
	[tilespmem:$0xB390] =	vst v63  }
0x47: {  	s3 =	sadd.s32 $0xFFFFFFF8, s10;
	_ =	swait.ge [sflag:s29], $0x400  }
0x48: {  	p2 =	sge.u32 @!p1 s3, s5;
	[sflag:s29] =	ssyncset.done $0x0  }
0x49: {  	s6 =	sadd.s32 $0x3C80, s12;
	p2 =	por p2, p1;
	[sflag:s29] =	ssyncadd.s32 $0xFFFFFC00  }
0x4a: {  	[spmem:s2] =	stream.indirect.scatter.add.f32 [tilespmem:s20], [sflag:$0xC], $0x8, s6, s18, $0xb8;
	[tilespmem:$0xB390] =	vst v63  }
0x4b: {  	s6 =	simm.s32 @!p2 $0x11  }
0x4c: {  	p3 =	sge.u32 s3, s5;
	_ =	swait.ge @!p2 [sflag:s6], $0x400  }
0x4d: {  	s3 =	sshra.s32 @!p3 s11, $0x2;
	s13 =	simm.s32 @!p3 $0x9000;
	[sflag:s6] =	ssyncset.done @!p2 $0x0  }
0x4e: {  	s3 =	sadd.s32 @!p3 $0x300, s3;
	[sflag:s6] =	ssyncadd.s32 @!p2 $0xFFFFFC00;
	s6 =	simm.s32 @!p3 $0x80  }
0x4f: {  	[tilespmem:s13], [sflag:$0x7] =	stream.indirect.gather @!p3 [hbm4b:s4+s6], $0x8, s3, s6, $0xb8;
	[tilespmem:$0xB390] =	vst v63  }
0x50: {  	s3 =	sadd.s32 $0xFFFFFFF9, s10  }
0x51: {  	_ =	swait.ge [sflag:s30], $0x400;
	p2 =	sge.u32 @!p1 s3, s5  }
0x52: {  	s13 =	sadd.s32 $0x3D00, s12;
	[sflag:s30] =	ssyncset.done $0x0;
	p2 =	por p2, p1  }
0x53: {  	p3 =	sge.u32 s3, s5;
	[sflag:s30] =	ssyncadd.s32 $0xFFFFFC00;
	s6 =	simm.s32 @!p2 $0x12  }
0x54: {  	[spmem:s2] =	stream.indirect.scatter.add.f32 [tilespmem:s22], [sflag:$0xD], $0x8, s13, s18, $0xb8;
	[tilespmem:$0xB390] =	vst v63  }
0x55: {  	s3 =	sshra.s32 @!p3 s11, $0x2;
	_ =	swait.ge @!p2 [sflag:s6], $0x400  }
0x56: {  	s3 =	sadd.s32 @!p3 $0x380, s3;
	[sflag:s6] =	ssyncset.done @!p2 $0x0  }
0x57: {  	s13 =	simm.s32 @!p3 $0x9400;
	[sflag:s6] =	ssyncadd.s32 @!p2 $0xFFFFFC00;
	s6 =	simm.s32 @!p3 $0x80  }
0x58: {  	[tilespmem:s13], [sflag:$0x8] =	stream.indirect.gather @!p3 [hbm4b:s4+s6], $0x8, s3, s6, $0xb8;
	[tilespmem:$0xB390] =	vst v63  }
0x59: {  	s3 =	sadd.s32 $0xFFFFFFFA, s10;
	_ =	swait.ge [sflag:s31], $0x400  }
0x5a: {  	p2 =	sge.u32 @!p1 s3, s5;
	[sflag:s31] =	ssyncset.done $0x0  }
0x5b: {  	s6 =	sadd.s32 $0x3D80, s12;
	p2 =	por p2, p1;
	[sflag:s31] =	ssyncadd.s32 $0xFFFFFC00  }
0x5c: {  	[spmem:s2] =	stream.indirect.scatter.add.f32 [tilespmem:s24], [sflag:$0xE], $0x8, s6, s18, $0xb8;
	[tilespmem:$0xB390] =	vst v63  }
0x5d: {  	s6 =	simm.s32 @!p2 $0x13  }
0x5e: {  	p3 =	sge.u32 s3, s5;
	_ =	swait.ge @!p2 [sflag:s6], $0x400  }
0x5f: {  	s3 =	sshra.s32 @!p3 s11, $0x2;
	s13 =	simm.s32 @!p3 $0x9800;
	[sflag:s6] =	ssyncset.done @!p2 $0x0  }
0x60: {  	s3 =	sadd.s32 @!p3 $0x400, s3;
	[sflag:s6] =	ssyncadd.s32 @!p2 $0xFFFFFC00;
	s6 =	simm.s32 @!p3 $0x80  }
0x61: {  	[tilespmem:s13], [sflag:$0x9] =	stream.indirect.gather @!p3 [hbm4b:s4+s6], $0x8, s3, s6, $0xb8;
	[tilespmem:$0xB390] =	vst v63  }
0x62: {  	s3 =	sadd.s32 $0xFFFFFFFB, s10  }
0x63: {  	_ =	swait.ge [sflag:s1], $0x400;
	p2 =	sge.u32 @!p1 s3, s5  }
0x64: {  	s13 =	sadd.s32 $0x3E00, s12;
	[sflag:s1] =	ssyncset.done $0x0;
	p1 =	por p2, p1  }
0x65: {  	p2 =	sge.u32 s3, s5;
	[sflag:s1] =	ssyncadd.s32 $0xFFFFFC00;
	s6 =	simm.s32 @!p1 $0x14  }
0x66: {  	[spmem:s2] =	stream.indirect.scatter.add.f32 [tilespmem:s26], [sflag:$0xF], $0x8, s13, s18, $0xb8;
	[tilespmem:$0xB390] =	vst v63  }
0x67: {  	s3 =	sshra.s32 @!p2 s11, $0x2;
	_ =	swait.ge @!p1 [sflag:s6], $0x400  }
0x68: {  	s3 =	sadd.s32 @!p2 $0x480, s3;
	[sflag:s6] =	ssyncset.done @!p1 $0x0  }
0x69: {  	s13 =	simm.s32 @!p2 $0x9C00;
	[sflag:s6] =	ssyncadd.s32 @!p1 $0xFFFFFC00;
	s6 =	simm.s32 @!p2 $0x80  }
0x6a: {  	[tilespmem:s13], [sflag:$0xA] =	stream.indirect.gather @!p2 [hbm4b:s4+s6], $0x8, s3, s6, $0xb8;
	[tilespmem:$0xB390] =	vst v63  }
0x6b: {  	_ =	swait.ge [sflag:s0], $0x400  }
0x6c: {  	[sflag:s0] =	ssyncset.done $0x0  }
0x6d: {  	s13 =	sadd.s32 $0x3E80, s12;
	s6 =	rddreg [dreg:$0x5];
	[sflag:s0] =	ssyncadd.s32 $0xFFFFFC00  }
0x6e: {  	[spmem:s2] =	stream.indirect.scatter.add.f32 [tilespmem:s6], [sflag:$0x10], $0x8, s13, s18, $0xb8;
	[tilespmem:$0xB390] =	vst v63  }
0x6f: {  	s13 =	sadd.s32 $0xFFFFFFFC, s10  }
0x70: {  	p1 =	sge.u32 s13, s5  }
0x71: {  	s3 =	simm.s32 @!p1 $0xB  }
0x72: {  	_ =	swait.ge @!p1 [sflag:s3], $0x400  }
0x73: {  	[sflag:s3] =	ssyncset.done @!p1 $0x0  }
0x74: {  	[sflag:s3] =	ssyncadd.s32 @!p1 $0xFFFFFC00;
	s3 =	sshra.s32 @!p1 s11, $0x2  }
0x75: {  	s6 =	simm.s32 @!p1 $0x80;
	s13 =	simm.s32 @!p1 $0x7800;
	s3 =	sadd.s32 @!p1 $0x500, s3  }
0x76: {  	[tilespmem:s13], [sflag:$0x1] =	stream.indirect.gather @!p1 [hbm4b:s4+s6], $0x8, s3, s6, $0xb8;
	[tilespmem:$0xB390] =	vst v63  }
0x77: {  	_ =	swait.ge [sflag:s17], $0x400  }
0x78: {  	[sflag:s17] =	ssyncset.done $0x0  }
0x79: {  	s13 =	sadd.s32 $0x3F00, s12;
	s6 =	rddreg [dreg:$0x6];
	[sflag:s17] =	ssyncadd.s32 $0xFFFFFC00  }
0x7a: {  	[spmem:s2] =	stream.indirect.scatter.add.f32 [tilespmem:s6], [sflag:$0x11], $0x8, s13, s18, $0xb8;
	[tilespmem:$0xB390] =	vst v63  }
0x7b: {  	s13 =	sadd.s32 $0xFFFFFFFD, s10  }
0x7c: {  	p1 =	sge.u32 s13, s5  }
0x7d: {  	s3 =	simm.s32 @!p1 $0xC  }
0x7e: {  	_ =	swait.ge @!p1 [sflag:s3], $0x400  }
0x7f: {  	[sflag:s3] =	ssyncset.done @!p1 $0x0  }
0x80: {  	[sflag:s3] =	ssyncadd.s32 @!p1 $0xFFFFFC00;
	s3 =	sshra.s32 @!p1 s11, $0x2  }
0x81: {  	s6 =	simm.s32 @!p1 $0x80;
	s13 =	simm.s32 @!p1 $0x7C00;
	s3 =	sadd.s32 @!p1 $0x580, s3  }
0x82: {  	[tilespmem:s13], [sflag:$0x2] =	stream.indirect.gather @!p1 [hbm4b:s4+s6], $0x8, s3, s6, $0xb8;
	[tilespmem:$0xB390] =	vst v63  }
0x83: {  	_ =	swait.ge [sflag:s21], $0x400  }
0x84: {  	[sflag:s21] =	ssyncset.done $0x0  }
0x85: {  	s13 =	sadd.s32 $0x3F80, s12;
	s6 =	rddreg [dreg:$0x7];
	[sflag:s21] =	ssyncadd.s32 $0xFFFFFC00  }
0x86: {  	[spmem:s2] =	stream.indirect.scatter.add.f32 [tilespmem:s6], [sflag:$0x12], $0x8, s13, s18, $0xb8;
	[tilespmem:$0xB390] =	vst v63  }
0x87: {  	s13 =	sadd.s32 $0xFFFFFFFE, s10  }
0x88: {  	p1 =	sge.u32 s13, s5  }
0x89: {  	s3 =	simm.s32 @!p1 $0xD  }
0x8a: {  	_ =	swait.ge @!p1 [sflag:s3], $0x400  }
0x8b: {  	[sflag:s3] =	ssyncset.done @!p1 $0x0  }
0x8c: {  	[sflag:s3] =	ssyncadd.s32 @!p1 $0xFFFFFC00;
	s3 =	sshra.s32 @!p1 s11, $0x2  }
0x8d: {  	s6 =	simm.s32 @!p1 $0x80;
	s13 =	simm.s32 @!p1 $0x8000;
	s3 =	sadd.s32 @!p1 $0x600, s3  }
0x8e: {  	[tilespmem:s13], [sflag:$0x3] =	stream.indirect.gather @!p1 [hbm4b:s4+s6], $0x8, s3, s6, $0xb8;
	[tilespmem:$0xB390] =	vst v63  }
0x8f: {  	_ =	swait.ge [sflag:s23], $0x400  }
0x90: {  	[sflag:s23] =	ssyncset.done $0x0  }
0x91: {  	s13 =	sadd.s32 $0x4000, s12;
	s6 =	rddreg [dreg:$0x8];
	[sflag:s23] =	ssyncadd.s32 $0xFFFFFC00  }
0x92: {  	[spmem:s2] =	stream.indirect.scatter.add.f32 [tilespmem:s6], [sflag:$0x13], $0x8, s13, s18, $0xb8;
	[tilespmem:$0xB390] =	vst v63  }
0x93: {  	s13 =	sadd.s32 $0xFFFFFFFF, s10  }
0x94: {  	p1 =	sge.u32 s13, s5  }
0x95: {  	s3 =	simm.s32 @!p1 $0xE  }
0x96: {  	_ =	swait.ge @!p1 [sflag:s3], $0x400  }
0x97: {  	[sflag:s3] =	ssyncset.done @!p1 $0x0  }
0x98: {  	[sflag:s3] =	ssyncadd.s32 @!p1 $0xFFFFFC00;
	s3 =	sshra.s32 @!p1 s11, $0x2  }
0x99: {  	s6 =	simm.s32 @!p1 $0x80;
	s13 =	simm.s32 @!p1 $0x8400;
	s3 =	sadd.s32 @!p1 $0x680, s3  }
0x9a: {  	[tilespmem:s13], [sflag:$0x4] =	stream.indirect.gather @!p1 [hbm4b:s4+s6], $0x8, s3, s6, $0xb8;
	[tilespmem:$0xB390] =	vst v63  }
0x9b: {  	_ =	swait.ge [sflag:s25], $0x400  }
0x9c: {  	s13 =	sadd.s32 $0x4080, s12;
	p1 =	sge.u32 s10, s5;
	[sflag:s25] =	ssyncset.done $0x0  }
0x9d: {  	s3 =	simm.s32 @!p1 $0xF;
	s6 =	rddreg [dreg:$0x9];
	[sflag:s25] =	ssyncadd.s32 $0xFFFFFC00  }
0x9e: {  	[spmem:s2] =	stream.indirect.scatter.add.f32 [tilespmem:s6], [sflag:$0x14], $0x8, s13, s18, $0xb8;
	[tilespmem:$0xB390] =	vst v63  }
0x9f: {  	s12 =	simm.s32 @!p1 $0x8800;
	s6 =	sshra.s32 @!p1 s11, $0x2;
	_ =	swait.ge @!p1 [sflag:s3], $0x400  }
0xa0: {  	s11 =	sadd.s32 $0x1400, s11;
	[sflag:s3] =	ssyncset.done @!p1 $0x0;
	s13 =	rddreg [dreg:$0x4]  }
0xa1: {  	[sflag:s3] =	ssyncadd.s32 @!p1 $0xFFFFFC00;
	s3 =	sadd.s32 @!p1 $0x700, s6;
	s6 =	simm.s32 @!p1 $0x80  }
0xa2: {  	[tilespmem:s12], [sflag:$0x5] =	stream.indirect.gather @!p1 [hbm4b:s4+s6], $0x8, s3, s6, $0xb8;
	[tilespmem:$0xB390] =	vst v63  }
0xa3: {  	p1 =	sne.s32 s13, s11  }
.Ltmp0:
0xa4: {  	_ = 	snop;
	(pc) =	sbr.rel @p1 .LBB2_2-.Ltmp0, $2  }
0xa5: {  	_ =	sdelay $0x2  }
0xa6: {  	s10 =	sadd.s32 $0xA, s10  }
0xa7: {  	s3 =	simm.s32 $0xB  }
0xa8: {  	_ =	swait.ge [sflag:s3], $0x400  }
0xa9: {  	[sflag:s3] =	ssyncset.done $0x0  }
0xaa: {  	s10 =	simm.s32 $0xC;
	[sflag:s3] =	ssyncadd.s32 $0xFFFFFC00  }
0xab: {  	_ =	swait.ge [sflag:s10], $0x400  }
0xac: {  	[sflag:s10] =	ssyncset.done $0x0  }
0xad: {  	s11 =	simm.s32 $0xD;
	[sflag:s10] =	ssyncadd.s32 $0xFFFFFC00  }
0xae: {  	_ =	swait.ge [sflag:s11], $0x400  }
0xaf: {  	[sflag:s11] =	ssyncset.done $0x0  }
0xb0: {  	s12 =	simm.s32 $0xE;
	[sflag:s11] =	ssyncadd.s32 $0xFFFFFC00  }
0xb1: {  	_ =	swait.ge [sflag:s12], $0x400  }
0xb2: {  	[sflag:s12] =	ssyncset.done $0x0  }
0xb3: {  	s13 =	simm.s32 $0xF;
	[sflag:s12] =	ssyncadd.s32 $0xFFFFFC00  }
0xb4: {  	_ =	swait.ge [sflag:s13], $0x400  }
0xb5: {  	[sflag:s13] =	ssyncset.done $0x0  }
0xb6: {  	s6 =	simm.s32 $0x10;
	[sflag:s13] =	ssyncadd.s32 $0xFFFFFC00  }
0xb7: {  	_ =	swait.ge [sflag:s6], $0x400  }
0xb8: {  	[sflag:s6] =	ssyncset.done $0x0  }
0xb9: {  	s10 =	simm.s32 $0x11;
	[sflag:s6] =	ssyncadd.s32 $0xFFFFFC00  }
0xba: {  	_ =	swait.ge [sflag:s10], $0x400  }
0xbb: {  	[sflag:s10] =	ssyncset.done $0x0  }
0xbc: {  	s11 =	simm.s32 $0x12;
	[sflag:s10] =	ssyncadd.s32 $0xFFFFFC00  }
0xbd: {  	_ =	swait.ge [sflag:s11], $0x400  }
0xbe: {  	[sflag:s11] =	ssyncset.done $0x0  }
0xbf: {  	s12 =	simm.s32 $0x13;
	[sflag:s11] =	ssyncadd.s32 $0xFFFFFC00  }
0xc0: {  	_ =	swait.ge [sflag:s12], $0x400  }
0xc1: {  	[sflag:s12] =	ssyncset.done $0x0  }
0xc2: {  	[sflag:s12] =	ssyncadd.s32 $0xFFFFFC00  }
0xc3: {  	_ =	swait.ge [sflag:s8], $0x400  }
0xc4: {  	[sflag:s8] =	ssyncset.done $0x0  }
0xc5: {  	[sflag:s8] =	ssyncadd.s32 $0xFFFFFC00  }
0xc6: {  	[bflag:$0x0] =	sbarrier.arrive $0xFFFF  }
0xc7: {  	s13 =	rddreg [dreg:$0xe]  }
0xc8: {  	[hbm:s13], [sflag:s7] =	dma.local [spmem:s14], $0x270  }
0xc9: {  	_ =	swait.ge [sflag:s15], $0x270  }
0xca: {  	[sflag:s15] =	ssyncset.done $0x0  }
0xcb: {  	s3 =	rddreg [dreg:$0xf];
	[sflag:s15] =	ssyncadd.s32 $0xFFFFFD90  }
0xcc: {  	[hbm:s3], [sflag:s7] =	dma.local @!p0 [spmem:s16], $0x18  }
0xcd: {  	s3 =	simm.s32 @!p0 $0x15  }
0xce: {  	_ =	swait.ge @!p0 [sflag:s3], $0x18  }
0xcf: {  	s9 =	sadd.s32 $0x1, s9;
	s6 =	rddreg [dreg:$0x10]  }
0xd0: {  	p1 =	sne.s32 s9, s6  }
.Ltmp1:
0xd1: {  	_ = 	snop;
	(pc) =	sbr.rel @p1 .LBB2_1-.Ltmp1, $3  }
0xd2: {  	_ =	sdelay $0x1  }
0xd3: {  	[sflag:s3] =	ssyncset.done @!p0 $0x0  }
0xd4: {  	[sflag:s3] =	ssyncadd.s32 @!p0 $0xFFFFFFE8  }
0xd5: {  	_ =	sfence.sel $0x180000  }
0xd6: {  	[bflag:$0x0] =	sbarrier.arrive $0xFFFF  }
0xd7: {  	_ =	strace $0x9000004D  }
0xd8: {  	s0 =	stileid.u32;
	[bflag:$0x2] =	sbarrier.arrive $0xFFFF  }
0xd9: {  	p0 =	sne.s32 s0, $0x0;
	s0 =	rddreg [dreg:$0x3]  }
0xda: {  	s0 =	sadd.s32 @!p0 $0x100000, s0  }
0xdb: {  	[sflag:s0] =	ssyncadd.tile.s32 @!p0 $0x1;
	_ =	shalt  }
.Lfunc_end2:
_tile_overlayer_lowered:
.L_overlay_start_2:
0xdc: {  	(tag) =	ssettag $0x2  }
0xdd: {  	s0 =	rddreg [dreg:$0x0];
	s2 =	stileid.u32  }
0xde: {  	s1 =	rddreg [dreg:$0x1];
	p0 =	sne.s32 s2, $0x0  }
0xdf: {  	s3 =	rddreg [dreg:$0x2];
	[bflag:$0x3] =	sbarrier.arrive $0xFFFF;
	s2 =	simm.s32 @!p0 $0x1C15  }
0xe0: {  	[timem:s3], [sflag:s2] =	dma.local @!p0 [hbm:s0], s1  }
0xe1: {  	s0 =	simm.s32 @!p0 $0x15  }
0xe2: {  	_ =	swait.ge @!p0 [sflag:s0], s1  }
0xe3: {  	s1 =	ssub.s32 @!p0 $0x0, s1;
	[sflag:s0] =	ssyncset.done @!p0 $0x0  }
0xe4: {  	[sflag:s0] =	ssyncadd.s32 @!p0 s1  }
0xe5: {  	[bflag:$0x3] =	sbarrier.arrive $0xFFFF  }
0xe6: {  	_ =	shalt  }

// kernel: kernel.8.cloned.1.call-start
scs
__scs_entry_jumppad:
0x0: {  	(pc) =	sbr.rel $0x88, $3  }
0x1: {  	(tag) =	ssettag $0x0;
	lr =	simm.s32 $0x1  }
0x2: {  	[smem:$0x3F9B] =	sst lr;
	_ =	strace $0xD0000000  }
0x3: {  	_ = 	snop  }
0x4: {  	_ = 	snop  }
0x5: {  	_ = 	snop  }
0x6: {  	_ = 	snop  }
0x7: {  	_ = 	snop  }
__scs_overlays_trampoline_lowered:
0x8: {  	[smem:$0x3FAA] =	sst s0  }
0x9: {  	[smem:$0x3FAB] =	sst s1  }
0xa: {  	[smem:$0x3FAC] =	sst s2  }
0xb: {  	[smem:$0x3FAD] =	sst s3  }
0xc: {  	[smem:$0x3FAE] =	sst s4  }
0xd: {  	[smem:$0x3FAF] =	sst s5  }
0xe: {  	[smem:$0x3FB0] =	sst s6  }
0xf: {  	[smem:$0x3FB1] =	sst s7  }
0x10: {  	[smem:$0x3FB2] =	sst s8  }
0x11: {  	[smem:$0x3FB3] =	sst s9;
	s0 =	simm.s32 @!p0 $0x0  }
0x12: {  	s1 =	sld [smem:$0x3F99];
	s0 =	simm.s32 @p0 $0x1  }
0x13: {  	[smem:$0x3FB4] =	sst s0;
	s0 =	simm.s32 @!p1 $0x0  }
0x14: {  	s2 =	sld [smem:$0x3F98];
	s0 =	simm.s32 @p1 $0x1  }
0x15: {  	[smem:$0x3FB5] =	sst s0;
	s0 =	simm.s32 @!p2 $0x0  }
0x16: {  	s3 =	sld [smem:$0x3FDB];
	s0 =	simm.s32 @p2 $0x1  }
0x17: {  	s4 =	simm.s32 $0x1BF5;
	[smem:$0x3FB7] =	sst s0  }
0x18: {  	s0 =	sld [smem:$0x3F9A];
	_ =	swait.ge [sflag:s4], $0x0  }
0x19: {  	s7 =	sld [smem:$0x3F9B]  }
0x1a: {  	s8 =	sadd.s32 $0xFFFFE003, lr  }
0x1b: {  	s9 =	sadd.s32 $0xFFFFFEF7, lr;
	s5 =	simm.s32 $0xFFFFFFFF;
	p2 =	slt.u32 s8, $0xFFFFF086  }
0x1c: {  	p1 =	slt.u32 s9, $0xF7A;
	s5 =	simm.s32 @!p2 $0x0  }
0x1d: {  	s5 =	simm.s32 @p1 $0x1;
	p0 =	seq.s32 s7, s2  }
0x1e: {  	s7 =	smul.u32 @!p0 $0xF7A, s2;
	p2 =	seq.s32 @!p0 s5, $0x0  }
0x1f: {  	s9 =	smul.u32 $0xF7A, s1;
	s8 =	simm.s32 @!p0 $0x1BF5;
	p2 =	por !p2, p0  }
0x20: {  	[sflag:s8] =	ssyncset.s32 @!p0 $0xFFFFF086;
	s6 =	sadd.s32 @!p0 s3, s7;
	s7 =	simm.s32 @!p0 $0x108  }
0x21: {  	s3 =	sadd.s32 s3, s9;
	s6 =	sadd.s32 @!p0 $0x88, s6;
	s7 =	simm.s32 @p2 $0x1082  }
0x22: {  	[simem:s7], [sflag:s8] =	dma.local @!p0 [hbm:s6], $0xF7A  }
0x23: {  	s9 =	sor.u32 $0xD0000000, s2;
	s6 =	simm.s32 $0x108;
	_ =	swait.ge @!p0 [sflag:s8], $0x0  }
0x24: {  	s3 =	sadd.s32 $0x88, s3;
	s6 =	simm.s32 @!p1 $0x1082;
	[sflag:s4] =	ssyncset.s32 $0xFFFFF086  }
0x25: {  	[simem:s6], [sflag:s4] =	dma.local [hbm:s3], $0xF7A  }
0x26: {  	[smem:$0x3F9B] =	sst s1;
	(tag) =	ssettag s2;
	_ =	strace s9  }
0x27: {  	s1 =	sld [smem:$0x3FAB]  }
0x28: {  	s2 =	sld [smem:$0x3FAC]  }
0x29: {  	s4 =	sld [smem:$0x3FAE]  }
0x2a: {  	p0 =	seq.s32 s5, $0x0;
	s5 =	sld [smem:$0x3FAF]  }
0x2b: {  	s6 =	sld [smem:$0x3FB0]  }
0x2c: {  	s7 =	sld [smem:$0x3FB1]  }
0x2d: {  	s3 =	simm.s32 $0x108;
	s8 =	sld [smem:$0x3FB2]  }
0x2e: {  	s3 =	simm.s32 @!p0 $0x1082;
	s9 =	sld [smem:$0x3FB3]  }
0x2f: {  	lr =	sadd.s32 s0, s3;
	s0 =	sld [smem:$0x3FAA]  }
0x30: {  	s3 =	sld [smem:$0x3FAD]  }
0x31: {  	[smem:$0x3FB6] =	sst s10  }
0x32: {  	s10 =	sld [smem:$0x3FB4];
	_ =	sdelay $0x3  }
0x33: {  	p0 =	seq.s32 s10, $0x1;
	s10 =	sld [smem:$0x3FB6];
	_ =	sdelay $0x3  }
0x34: {  	[smem:$0x3FB6] =	sst s10  }
0x35: {  	s10 =	sld [smem:$0x3FB5];
	_ =	sdelay $0x3  }
0x36: {  	p1 =	seq.s32 s10, $0x1;
	s10 =	sld [smem:$0x3FB6];
	_ =	sdelay $0x3  }
0x37: {  	[smem:$0x3FB6] =	sst s10  }
0x38: {  	s10 =	sld [smem:$0x3FB7]  }
0x39: {  	_ = 	snop;
	(pc) =	sbr.ind lr, $3  }
0x3a: {  	_ = 	snop  }
0x3b: {  	_ = 	snop  }
0x3c: {  	p2 =	seq.s32 s10, $0x1;
	s10 =	sld [smem:$0x3FB6]  }
0x3d: {  	_ =	shalt  }
0x3e: {  	_ =	shalt  }
0x3f: {  	_ =	shalt  }
0x40: {  	_ =	shalt  }
0x41: {  	_ =	shalt  }
0x42: {  	_ =	shalt  }
0x43: {  	_ =	shalt  }
0x44: {  	_ =	shalt  }
0x45: {  	_ =	shalt  }
0x46: {  	_ =	shalt  }
0x47: {  	_ =	shalt  }
0x48: {  	_ =	shalt  }
0x49: {  	_ =	shalt  }
0x4a: {  	_ =	shalt  }
0x4b: {  	_ =	shalt  }
0x4c: {  	_ =	shalt  }
0x4d: {  	_ =	shalt  }
0x4e: {  	_ =	shalt  }
0x4f: {  	_ =	shalt  }
0x50: {  	_ =	shalt  }
0x51: {  	_ =	shalt  }
0x52: {  	_ =	shalt  }
0x53: {  	_ =	shalt  }
0x54: {  	_ =	shalt  }
0x55: {  	_ =	shalt  }
0x56: {  	_ =	shalt  }
0x57: {  	_ =	shalt  }
0x58: {  	_ =	shalt  }
0x59: {  	_ =	shalt  }
0x5a: {  	_ =	shalt  }
0x5b: {  	_ =	shalt  }
0x5c: {  	_ =	shalt  }
0x5d: {  	_ =	shalt  }
0x5e: {  	_ =	shalt  }
0x5f: {  	_ =	shalt  }
0x60: {  	_ =	shalt  }
0x61: {  	_ =	shalt  }
0x62: {  	_ =	shalt  }
0x63: {  	_ =	shalt  }
0x64: {  	_ =	shalt  }
0x65: {  	_ =	shalt  }
0x66: {  	_ =	shalt  }
0x67: {  	_ =	shalt  }
0x68: {  	_ =	shalt  }
0x69: {  	_ =	shalt  }
0x6a: {  	_ =	shalt  }
0x6b: {  	_ =	shalt  }
0x6c: {  	_ =	shalt  }
0x6d: {  	_ =	shalt  }
0x6e: {  	_ =	shalt  }
0x6f: {  	_ =	shalt  }
0x70: {  	_ =	shalt  }
0x71: {  	_ =	shalt  }
0x72: {  	_ =	shalt  }
0x73: {  	_ =	shalt  }
0x74: {  	_ =	shalt  }
0x75: {  	_ =	shalt  }
0x76: {  	_ =	shalt  }
0x77: {  	_ =	shalt  }
0x78: {  	_ =	shalt  }
0x79: {  	_ =	shalt  }
0x7a: {  	_ =	shalt  }
0x7b: {  	_ =	shalt  }
0x7c: {  	_ =	shalt  }
0x7d: {  	_ =	shalt  }
0x7e: {  	_ =	shalt  }
0x7f: {  	_ =	shalt  }
0x80: {  	_ =	shalt  }
0x81: {  	_ =	shalt  }
0x82: {  	_ =	shalt  }
0x83: {  	_ =	shalt  }
0x84: {  	_ =	shalt  }
0x85: {  	_ =	shalt  }
0x86: {  	_ =	shalt  }
0x87: {  	_ =	shalt  }
.Lfunc_end0:
.L_simem_size_0:
called_computation_lowered:
.L_overlay_start_0:
0x88: {  	s2 =	sld [smem:$0x3FD9]  }
0x89: {  	s3 =	sld [smem:$0x3FFE];
	_ =	sdelay $0x1  }
0x8a: {  	s1 =	srdreg.scid  }
0x8b: {  	s0 =	sand.u32 $0x1, s1  }
0x8c: {  	s17 =	sshll.u32 s0, $0xA;
	s2 =	sadd.s32 s3, s2  }
0x8d: {  	s2 =	sadd.s32 s2, s17  }
0x8e: {  	[smem:$0x3FC2] =	sst s2  }
0x8f: {  	_ = 	snop  }
0x90: {  	s2 =	sld [smem:$0x3FD0];
	(tm) =	ssettm $0x1  }
0x91: {  	s18 =	sld [smem:$0x3FFB];
	_ =	sdelay $0x3  }
0x92: {  	_ =	strace s18  }
0x93: {  	s3 =	sld [smem:$0x3FFC];
	_ =	sdelay $0x3  }
0x94: {  	_ =	strace s3  }
0x95: {  	s3 =	sld [smem:$0x3FFD];
	_ =	sdelay $0x3  }
0x96: {  	_ =	strace s3  }
0x97: {  	_ =	strace $0x8FFFFFFF  }
0x98: {  	s19 =	sld [smem:$0x3FDB];
	_ =	sdelay $0x1  }
0x99: {  	s4 =	simm.s32 $_scs_section_size  }
0x9a: {  	s5 =	simm.s32 $_size__tile_overlayer_lowered;
	s6 =	simm.s32 $_tile_overlayer_lowered  }
0x9b: {  	s22 =	simm.s32 $0x1BFF;
	s21 =	sshll.u32 s6, $0x1;
	s3 =	sadd.s32 s4, s19  }
0x9c: {  	s7 =	simm.s32 $0x0;
	s20 =	sshll.u32 s5, $0x1;
	s5 =	sadd.s32 s21, s3  }
0x9d: {  	[timem:s7], [sflag:s22] =	dma.local [hbm:s5], s20  }
0x9e: {  	_ =	swait.ge [sflag:s22], s20  }
0x9f: {  	s4 =	ssub.s32 $0x0, s20;
	[sflag:s22] =	ssyncset.done $0x0  }
0xa0: {  	[sflag:s22] =	ssyncadd.s32 s4;
	_ =	sdelay $0x1  }
0xa1: {  	s23 =	simm.s32 $0x1B8B  }
0xa2: {  	_ =	swait.ge [sflag:s23], $0x1  }
0xa3: {  	[sflag:s23] =	ssyncset.done $0x0  }
0xa4: {  	s25 =	simm.s32 $0x1B8E;
	s24 =	sld [smem:$0x3FFE];
	[sflag:s23] =	ssyncadd.s32 $0xFFFFFFFF  }
0xa5: {  	s26 =	simm.s32 $execute0_lowered;
	[smem:$0x3FD2] =	sst s25  }
0xa6: {  	s5 =	sshll.u32 s26, $0x1;
	_ =	strace $0x80000046;
	[dreg:$0x1] =	wrdreg $0xFFFFFFFF  }
0xa7: {  	s28 =	simm.s32 $_size_execute0_lowered;
	s3 =	sadd.s32 s3, s5;
	[dreg:$0x0] =	wrdreg $0x0  }
0xa8: {  	s5 =	sshll.u32 s28, $0x1;
	[dreg:$0x2] =	wrdreg s3  }
0xa9: {  	[dreg:$0x3] =	wrdreg s5  }
0xaa: {  	[dreg:$0x4] =	wrdreg $0xC0  }
0xab: {  	_ =	task [dreg:s7], $0x5FFFF  }
0xac: {  	[dreg:$0x1] =	wrdreg $0xFFFFFFFF  }
0xad: {  	[dreg:$0x0] =	wrdreg $0x60  }
0xae: {  	[dreg:$0x2] =	wrdreg s24  }
0xaf: {  	[dreg:$0x3] =	wrdreg s2  }
0xb0: {  	[dreg:$0x4] =	wrdreg $0x40000  }
0xb1: {  	[dreg:$0x5] =	wrdreg $0x9  }
0xb2: {  	_ =	task.clear_ibuf [dreg:s7], $0x6FFFF;
	_ =	strace $0x90000046  }
0xb3: {  	s29 =	simm.s32 $0x9;
	_ =	strace $0x80000048  }
0xb4: {  	_ =	swait.ge [sflag:s29], $0x1  }
0xb5: {  	[sflag:s29] =	ssyncadd.s32 $0xFFFFFFFF  }
0xb6: {  	_ =	strace $0x90000048  }
0xb7: {  	_ =	sfence  }
0xb8: {  	s30 =	sld [smem:$0x0];
	_ =	sdelay $0x2  }
0xb9: {  	s31 =	sshll.u32 s1, $0xD;
	s1 =	sshrl.u32 s1, $0x2  }
0xba: {  	s3 =	sand.u32 $0x4000, s31;
	s1 =	sadd.s32 s1, s30  }
0xbb: {  	s0 =	sor.u32 s3, s0;
	s1 =	sshll.u32 s1, $0x11  }
0xbc: {  	s0 =	sor.u32 s1, s0  }
0xbd: {  	s0 =	sadd.s32 $0x8F2B, s0  }
0xbe: {  	[sflag:s0] =	ssyncadd.remote.s32 $0x1  }
0xbf: {  	_ =	sfence.sel $0xFFFF  }
0xc0: {  	[dreg:$0x0] =	wrdreg $0xFFFFFFFF;
	(pc) =	sbr.abs _section_cstart, $3  }
0xc1: {  	[dreg:$0x1] =	wrdreg $0xFFFFFFFF  }
0xc2: {  	_ =	task.clear_ibuf [dreg:s7], $0x2FFFF;
	_ =	strace $0x9FFFFFFF  }
0xc3: {  	(tm) =	ssettm $0x7FFFFFFF  }
tec
execute0_lowered:
.L_overlay_start_1:
0x0: {  	(tag) =	ssettag $0x1  }
0x1: {  	s6 =	rddreg [dreg:$0x0]  }
0x2: {  	s8 =	rddreg [dreg:$0x1]  }
0x3: {  	s2 =	rddreg [dreg:$0x2];
	s0 =	stileid.u32  }
0x4: {  	s3 =	srdreg.scid;
	s1 =	rddreg [dreg:$0x3];
	s17 =	simm.s32 $0x80  }
0x5: {  	s18 =	simm.s32 $0x1;
	s19 =	simm.s32 $0x0;
	s4 =	smul.u32 $0x28, s0  }
0x6: {  	s7 =	sand.u32 $0x1, s3;
	s5 =	smul.u32 $0x78, s0;
	s3 =	simm.s32 $0x0  }
0x7: {  	s12 =	smul.u32 $0x1380, s0;
	s13 =	sadd.s32 $0xB600, s6;
	s29 =	sshll.u32 s0, $0x6  }
0x8: {  	s16 =	sadd.s32 $0x13800, s2;
	p0 =	seq.s32 s7, $0x0;
	[smem:$0x7FF] =	sst s3  }
0x9: {  	s10 =	ssub.s32 $0x2, s7;
	s30 =	smul.u32 $0x138C0, s7;
	s7 =	sor.u32 $0x1C02, s29  }
0xa: {  	s4 =	sadd.s32 $0x780, s4;
	_ =	strace $0x80000047;
	s11 =	sshrl.u32 s10, $0x1  }
0xb: {  	s28 =	sshrl.u32 s12, $0x3;
	s15 =	sadd.s32 s12, s2;
	s4 =	smov.u32 @p0 s5  }
0xc: {  	s5 =	simm.s32 $0x78;
	s14 =	ssub.s32 s10, s11;
	s31 =	sadd.s32 s12, s30  }
0xd: {  	s11 =	sshrl.u32 s30, $0x3;
	s4 =	sshll.u32 s4, $0x4;
	s5 =	simm.s32 @!p0 $0x28  }
0xe: {  	s10 =	sshrl.u32 s31, $0x3;
	s11 =	sadd.s32 s13, s11;
	s12 =	smax.u32 s14, $0x1  }
0xf: {  	p0 =	sne.s32 s0, $0xF;
	s14 =	simm.s32 $0x2;
	s9 =	sadd.s32 s4, s6  }
0x10: {  	s4 =	sadd.s32 $0xB400, s6;
	s6 =	sadd.s32 s8, s28;
	s8 =	sadd.s32 $0x2700, s8  }
0x11: {  	s10 =	sadd.s32 s13, s10;
	s11 =	sadd.s32 $0x2700, s11;
	s13 =	sshrl.u32 s15, $0x3  }
0x12: {  	s15 =	sshrl.u32 @!p0 s16, $0x3;
	s16 =	simm.s32 $0x3C00;
	s9 =	sadd.s32 $0x1400, s9  }
.LBB2_1:
0x13: {  	[spmem:s13], [sflag:s7] =	dma.local [hbm:s6], $0x270  }
0x14: {  	_ =	swait.ge [sflag:s14], $0x270  }
0x15: {  	[sflag:s14] =	ssyncset.done $0x0  }
0x16: {  	s20 =	simm.s32 @!p0 $0x2;
	[sflag:s14] =	ssyncadd.s32 $0xFFFFFD90  }
0x17: {  	[spmem:s15], [sflag:s7] =	dma.local @!p0 [hbm:s8], $0x18  }
0x18: {  	_ =	swait.ge @!p0 [sflag:s20], $0x18  }
0x19: {  	[sflag:s20] =	ssyncset.done @!p0 $0x0  }
0x1a: {  	[sflag:s20] =	ssyncadd.s32 @!p0 $0xFFFFFFE8  }
0x1b: {  	[tilespmem:s16], [sflag:$0x2] =	stream.linear.gather [hbm4b:s4+s3], $0x400, $0x38;
	[tilespmem:$0x5390] =	vst v63  }
0x1c: {  	_ =	swait.ge [sflag:s14], $0x400  }
0x1d: {  	[sflag:s14] =	ssyncset.done $0x0  }
0x1e: {  	[sflag:s14] =	ssyncadd.s32 $0xFFFFFC00  }
0x1f: {  	[tilespmem:s3], [sflag:$0x2] =	stream.linear.gather [hbm4b:s9+s3], $0x3C00, $0x38;
	[tilespmem:$0x5390] =	vst v63  }
0x20: {  	_ =	swait.ge [sflag:s14], $0x3C00  }
0x21: {  	p2 =	sne.s32 s5, $0x1;
	[sflag:s14] =	ssyncset.done $0x0  }
.Ltmp0:
0x22: {  	p1 =	por $0x1, $0x1;
	[sflag:s14] =	ssyncadd.s32 $0xFFFFC400;
	(pc) =	sbr.rel @!p2 .LBB2_3-.Ltmp0, $4  }
0x23: {  	s23 =	simm.s32 @!p1 $0x1;
	[bflag:$0x0] =	sbarrier.arrive $0xFFFF  }
0x24: {  	[spmem:s2] =	stream.indirect.scatter.add.f32 [tilespmem:s16], [sflag:$0x1], $0x8, s3, s17, $0xb8;
	[tilespmem:$0x5390] =	vst v63  }
0x25: {  	_ =	swait.ge @!p1 [sflag:s23], $0x400  }
0x26: {  	s21 =	simm.s32 $0x1;
	s22 =	simm.s32 $0x0;
	[sflag:s23] =	ssyncset.done @!p1 $0x0  }
.LBB2_2:
0x27: {  	[sflag:s23] =	ssyncadd.s32 @!p1 $0xFFFFFC00  }
0x28: {  	s22 =	sadd.s32 $0x80, s22;
	s23 =	smov.u32 s21;
	s21 =	sadd.s32 $0x1, s21  }
0x29: {  	p2 =	sne.s32 s5, s21  }
0x2a: {  	[spmem:s2] =	stream.indirect.scatter.add.f32 [tilespmem:s16], [sflag:$0x1], $0x8, s22, s17, $0xb8;
	[tilespmem:$0x5390] =	vst v63  }
.Ltmp1:
0x2b: {  	_ = 	snop;
	(pc) =	sbr.rel @p2 .LBB2_2-.Ltmp1, $4  }
0x2c: {  	p1 =	slt.u32 s23, $0x8  }
0x2d: {  	s23 =	simm.s32 @!p1 $0x1  }
0x2e: {  	_ =	swait.ge @!p1 [sflag:s23], $0x400  }
0x2f: {  	[sflag:s23] =	ssyncset.done @!p1 $0x0  }
.LBB2_3:
0x30: {  	[sflag:s23] =	ssyncadd.s32 @!p1 $0xFFFFFC00  }
0x31: {  	_ =	swait.ge [sflag:s18], $0x400  }
0x32: {  	[sflag:s18] =	ssyncset.done $0x0  }
0x33: {  	[sflag:s18] =	ssyncadd.s32 $0xFFFFFC00  }
0x34: {  	_ =	swait.ge [sflag:s18], $0x400  }
0x35: {  	[sflag:s18] =	ssyncset.done $0x0  }
0x36: {  	[sflag:s18] =	ssyncadd.s32 $0xFFFFFC00  }
0x37: {  	_ =	swait.ge [sflag:s18], $0x400  }
0x38: {  	[sflag:s18] =	ssyncset.done $0x0  }
0x39: {  	[sflag:s18] =	ssyncadd.s32 $0xFFFFFC00  }
0x3a: {  	_ =	swait.ge [sflag:s18], $0x400  }
0x3b: {  	[sflag:s18] =	ssyncset.done $0x0  }
0x3c: {  	[sflag:s18] =	ssyncadd.s32 $0xFFFFFC00  }
0x3d: {  	_ =	swait.ge [sflag:s18], $0x400  }
0x3e: {  	[sflag:s18] =	ssyncset.done $0x0  }
0x3f: {  	[sflag:s18] =	ssyncadd.s32 $0xFFFFFC00  }
0x40: {  	_ =	swait.ge [sflag:s18], $0x400  }
0x41: {  	[sflag:s18] =	ssyncset.done $0x0  }
0x42: {  	[sflag:s18] =	ssyncadd.s32 $0xFFFFFC00  }
0x43: {  	_ =	swait.ge [sflag:s18], $0x400  }
0x44: {  	[sflag:s18] =	ssyncset.done $0x0  }
0x45: {  	[sflag:s18] =	ssyncadd.s32 $0xFFFFFC00  }
0x46: {  	_ =	swait.ge [sflag:s18], $0x400  }
0x47: {  	[sflag:s18] =	ssyncset.done $0x0  }
0x48: {  	[sflag:s18] =	ssyncadd.s32 $0xFFFFFC00  }
0x49: {  	[bflag:$0x0] =	sbarrier.arrive $0xFFFF  }
0x4a: {  	[hbm:s10], [sflag:s7] =	dma.local [spmem:s13], $0x270  }
0x4b: {  	s19 =	sadd.s32 $0x1, s19;
	_ =	swait.ge [sflag:s14], $0x270  }
0x4c: {  	p1 =	sne.s32 s19, s12;
	[sflag:s14] =	ssyncset.done $0x0  }
.Ltmp2:
0x4d: {  	[sflag:s14] =	ssyncadd.s32 $0xFFFFFD90;
	(pc) =	sbr.rel @p1 .LBB2_1-.Ltmp2, $4  }
0x4e: {  	[hbm:s11], [sflag:s7] =	dma.local @!p0 [spmem:s15], $0x18  }
0x4f: {  	_ =	swait.ge @!p0 [sflag:s20], $0x18  }
0x50: {  	[sflag:s20] =	ssyncset.done @!p0 $0x0  }
0x51: {  	[sflag:s20] =	ssyncadd.s32 @!p0 $0xFFFFFFE8  }
0x52: {  	_ =	sfence.sel $0x180000  }
0x53: {  	[bflag:$0x0] =	sbarrier.arrive $0xFFFF  }
0x54: {  	p0 =	sne.s32 s0, $0x0;
	_ =	strace $0x90000047  }
0x55: {  	s0 =	sadd.s32 @!p0 $0x100000, s1;
	[bflag:$0x2] =	sbarrier.arrive $0xFFFF  }
0x56: {  	[sflag:s0] =	ssyncadd.tile.s32 @!p0 $0x1;
	_ =	shalt  }
.Lfunc_end2:
_tile_overlayer_lowered:
.L_overlay_start_2:
0x57: {  	(tag) =	ssettag $0x2  }
0x58: {  	s0 =	rddreg [dreg:$0x0];
	s2 =	stileid.u32  }
0x59: {  	s1 =	rddreg [dreg:$0x1];
	p0 =	sne.s32 s2, $0x0  }
0x5a: {  	s3 =	rddreg [dreg:$0x2];
	[bflag:$0x3] =	sbarrier.arrive $0xFFFF;
	s2 =	simm.s32 @!p0 $0x1C02  }
0x5b: {  	[timem:s3], [sflag:s2] =	dma.local @!p0 [hbm:s0], s1  }
0x5c: {  	s0 =	simm.s32 @!p0 $0x2  }
0x5d: {  	_ =	swait.ge @!p0 [sflag:s0], s1  }
0x5e: {  	s1 =	ssub.s32 @!p0 $0x0, s1;
	[sflag:s0] =	ssyncset.done @!p0 $0x0  }
0x5f: {  	[sflag:s0] =	ssyncadd.s32 @!p0 s1  }
0x60: {  	[bflag:$0x3] =	sbarrier.arrive $0xFFFF  }
0x61: {  	_ =	shalt  }

</sc_bundles>
